<compile_context>
chip_gen: v7x
topology: tpu7x:2x2x1
jax: 0.10.2.dev20260603
libtpu: 0.0.44.dev20260713+nightly
codegen_flags: <defaults>
</compile_context>

<pallas_src>
import functools

import jax
import jax.numpy as jnp
import numpy as np
from jax import lax
from jax.experimental import pallas as pl
from jax.experimental.pallas import tpu as pltpu
from jax.experimental.pallas import tpu_sc as plsc

L, B, D = 200, 256, 64
K = 1000
N_ROWS = L * B
DP = 128

_SC_INFO = plsc.get_sparse_core_info()
_NC = _SC_INFO.num_cores
_NS = _SC_INFO.num_subcores
_NW = _NC * _NS
_CHUNK = N_ROWS // _NW
_HALF = _CHUNK // 2
_PIECES = [(o, min(128, _HALF - o)) for o in range(0, _HALF, 128)]

_BL = 50
_NSTEPS = L // _BL
_BLV = 10
_NSTEPS_V = (L + _BLV - 1) // _BLV


def _sc_gather_fn():
  mesh = plsc.VectorSubcoreMesh(core_axis_name="c", subcore_axis_name="s")

  @functools.partial(
      pl.kernel,
      mesh=mesh,
      compiler_params=pltpu.CompilerParams(use_tc_tiling_on_sc=False),
      out_type=(
          jax.ShapeDtypeStruct((N_ROWS, D), jnp.float32),
          jax.ShapeDtypeStruct((N_ROWS, D), jnp.float32),
      ),
      scratch_types=[
          pltpu.VMEM((_CHUNK,), jnp.int32),
          pltpu.VMEM((_HALF, DP), jnp.float32),
          pltpu.VMEM_SHARED((1000, DP), jnp.float32),
          pltpu.SemaphoreType.DMA,
      ],
  )
  def sc_gather(node_idx_h, edge_idx_h, node_tab_h, edge_tab_h,
                node_out_h, edge_out_h, idx_v, rows_v, etab_s, sem):
    wid = lax.axis_index("s") * _NC + lax.axis_index("c")
    base = wid * _CHUNK

    @pl.when(lax.axis_index("s") == 0)
    def _():
      pltpu.sync_copy(edge_tab_h, etab_s)

    def gather_to(tab, src_idx_h, out_h):
      pltpu.sync_copy(src_idx_h.at[pl.ds(base, _CHUNK)], idx_v)
      for half in range(2):
        hoff = half * _HALF
        handles = []
        for off, sz in _PIECES:
          handles.append(
              pltpu.async_copy(
                  tab.at[idx_v.at[pl.ds(hoff + off, sz)]],
                  rows_v.at[pl.ds(off, sz)],
                  sem,
              ))
        for h in handles:
          h.wait()
        pltpu.sync_copy(rows_v.at[:, pl.ds(0, D)],
                        out_h.at[pl.ds(base + hoff, _HALF)])

    gather_to(node_tab_h, node_idx_h, node_out_h)
    plsc.subcore_barrier()
    gather_to(etab_s, edge_idx_h, edge_out_h)

  return sc_gather


_sc_gather = _sc_gather_fn()


def _tc_val_body(vm_ref, vt_ref, pe_ref, out_ref):
  y_t = jax.lax.dot_general(
      vt_ref[...], vm_ref[...], (((1,), (0,)), ((), ())),
      preferred_element_type=jnp.float32)
  for j in range(_BLV):
    out_ref[0, j] = y_t[:, j * B:(j + 1) * B] + pe_ref[j, :, :1]


_tc_val = pl.pallas_call(
    _tc_val_body,
    grid=(_NSTEPS_V,),
    in_specs=[
        pl.BlockSpec((K, _BLV * B), lambda l: (0, l)),
        pl.BlockSpec((D, K), lambda l: (0, 0)),
        pl.BlockSpec((_BLV, D, 8), lambda l: (l, 0, 0)),
    ],
    out_specs=pl.BlockSpec((1, _BLV, D, B), lambda l: (2, l, 0, 0)),
    out_shape=jax.ShapeDtypeStruct((3, L, D, B), jnp.float32),
)


_NPAIR = B // 2


def _tc_asm_body(buf_ref, nv_ref, ev_ref, pe_ref, seso_ref, out_ref):
  del buf_ref
  seso = seso_ref[...]
  for part, ref in ((0, nv_ref), (1, ev_ref)):
    for j in range(_BL):
      pj = ref[pl.ds(j * _NPAIR, _NPAIR), :]
      lhs = jnp.concatenate([pj[:, :D], pj[:, D:]], axis=0)
      xt = jax.lax.dot_general(
          lhs, seso, (((0,), (0,)), ((), ())),
          preferred_element_type=jnp.float32)
      out_ref[part, j] = xt + pe_ref[j, :, :1]


_tc_asm = pl.pallas_call(
    _tc_asm_body,
    grid=(_NSTEPS,),
    in_specs=[
        pl.BlockSpec(memory_space=pltpu.MemorySpace.HBM),
        pl.BlockSpec((_BL * _NPAIR, DP), lambda l: (l, 0)),
        pl.BlockSpec((_BL * _NPAIR, DP), lambda l: (l, 0)),
        pl.BlockSpec((_BL, D, 8), lambda l: (l, 0, 0)),
        pl.BlockSpec((B, B), lambda l: (0, 0)),
    ],
    out_specs=pl.BlockSpec((2, _BL, D, B), lambda l: (0, l, 0, 0)),
    out_shape=jax.ShapeDtypeStruct((3, L, D, B), jnp.float32),
    input_output_aliases={0: 0},
)


def _pad_body(in_ref, out_ref):
  xt = in_ref[...].T
  out_ref[...] = jnp.concatenate([xt, jnp.zeros_like(xt)], axis=1)


def _make_pad(n_rows, block_rows):
  return pl.pallas_call(
      _pad_body,
      grid=((n_rows + block_rows - 1) // block_rows,),
      in_specs=[pl.BlockSpec((D, block_rows), lambda i: (0, i))],
      out_specs=pl.BlockSpec((block_rows, DP), lambda i: (i, 0)),
      out_shape=jax.ShapeDtypeStruct((n_rows, DP), jnp.float32),
  )


_pad_node = _make_pad(100000, 16384)
_pad_edge = _make_pad(1000, 1000)


def _pos_encoding_np():
  pos = np.arange(L, dtype=np.float32)[:, None]
  div = np.exp(np.arange(0, D, 2, dtype=np.float32) * (-np.log(10000.0) / D))
  pe = np.zeros((L, D), dtype=np.float32)
  pe[:, 0::2] = np.sin(pos * div).astype(np.float32)
  pe[:, 1::2] = np.cos(pos * div).astype(np.float32)
  return pe


_PE_MINI = np.broadcast_to(_pos_encoding_np()[:, :, None], (L, D, 8)).copy()
_SESO = np.zeros((B, B), dtype=np.float32)
_SESO[np.arange(B // 2), 2 * np.arange(B // 2)] = 1.0
_SESO[B // 2 + np.arange(B // 2), 2 * np.arange(B // 2) + 1] = 1.0


def kernel(node_idx, edge_idx, node_val_mat, node_embed_table,
           edge_embed_table, val_tok_embed):
  pe_mini = jnp.asarray(_PE_MINI)
  seso = jnp.asarray(_SESO)
  node_tab_p = _pad_node(node_embed_table.T)
  edge_tab_p = _pad_edge(edge_embed_table.T)
  node_rows, edge_rows = _sc_gather(
      node_idx.reshape(-1), edge_idx.reshape(-1), node_tab_p, edge_tab_p)
  val_out = _tc_val(node_val_mat.T, val_tok_embed.T, pe_mini)
  out = _tc_asm(
      val_out, node_rows.reshape(N_ROWS // 2, DP),
      edge_rows.reshape(N_ROWS // 2, DP), pe_mini, seso)
  return out.reshape(3 * L, D, B).swapaxes(1, 2)

# --- scband reference (transcript-rebuilt; emitter-appended) ---
"""Pipeline reference for scband-prog-walk-tok-embed-with-val-11287174054008 (READ-ONLY COPY).

The authoritative reference and input builder live on the scoring server;
editing this copy changes nothing except your own understanding.
"""

import jax, jax.numpy as jnp
import numpy as np

L, B, D = 200, 256, 64
NUM_NODE_TYPES = 100000
NUM_EDGE_TYPES = 1000
NUM_NODE_VAL_TOKENS = 1000


def _pos_encoding(x):
    # x: [L, B, D]; standard sinusoidal positional encoding added over seq dim (dropout=0.0)
    seq_len, d = x.shape[0], x.shape[-1]
    pos = jnp.arange(seq_len, dtype=jnp.float32)[:, None]
    div = jnp.exp(jnp.arange(0, d, 2, dtype=jnp.float32) * (-np.log(10000.0) / d))
    pe = jnp.zeros((seq_len, d), dtype=x.dtype)
    pe = pe.at[:, 0::2].set(jnp.sin(pos * div))
    pe = pe.at[:, 1::2].set(jnp.cos(pos * div))
    return x + pe[:, None, :]


def setup_inputs(seed: int = 0) -> dict:
    key = jax.random.key(seed)
    k1, k2, k3, k4, k5, k6 = jax.random.split(key, 6)
    node_idx = jax.random.randint(k1, (L, B), 0, NUM_NODE_TYPES, dtype=jnp.int64 if jax.config.jax_enable_x64 else jnp.int32)
    edge_idx = jax.random.randint(k2, (L, B), 0, NUM_EDGE_TYPES, dtype=jnp.int64 if jax.config.jax_enable_x64 else jnp.int32)
    node_val_mat = jax.random.uniform(k3, (L * B, NUM_NODE_VAL_TOKENS), dtype=jnp.float32)
    node_embed_table = jax.random.normal(k4, (NUM_NODE_TYPES, D), dtype=jnp.float32) * 0.02
    edge_embed_table = jax.random.normal(k5, (NUM_EDGE_TYPES, D), dtype=jnp.float32) * 0.02
    val_tok_embed = jax.random.normal(k6, (NUM_NODE_VAL_TOKENS, D), dtype=jnp.float32) * 0.02
    return {
        "node_idx": node_idx,
        "edge_idx": edge_idx,
        "node_val_mat": node_val_mat,
        "node_embed_table": node_embed_table,
        "edge_embed_table": edge_embed_table,
        "val_tok_embed": val_tok_embed,
    }


def reference(node_idx, edge_idx, node_val_mat, node_embed_table, edge_embed_table, val_tok_embed):
    # nn.Embedding lookups -> gather
    node_embed = jnp.take(node_embed_table, node_idx, axis=0)  # [L, B, D]
    edge_embed = jnp.take(edge_embed_table, edge_idx, axis=0)  # [L, B, D]
    # gnn_spmm(node_val_mat, val_tok_embed).view(node_embed.shape)
    node_val_embed = (node_val_mat @ val_tok_embed).reshape(node_embed.shape)  # [L, B, D]
    node_embed = _pos_encoding(node_embed)
    edge_embed = _pos_encoding(edge_embed)
    val_embed = _pos_encoding(node_val_embed)
    return jnp.concatenate((node_embed, edge_embed, val_embed), axis=0)  # [3L, B, D]

if __name__ == "__main__":
    import jax
    _d = setup_inputs()
    print(jax.jit(kernel)(*tuple(_d.values())))

</pallas_src>

<mosaic_0001>
#map = affine_map<(d0, d1) -> (0)>
#map1 = affine_map<(d0, d1) -> (0, 0)>
module attributes {stable_mosaic.version = 14 : i64} {
  func.func @sc_gather(%arg0: i32, %arg1: i32, %arg2: memref<51200xi32, #tpu.memory_space<hbm>>, %arg3: memref<51200xi32, #tpu.memory_space<hbm>>, %arg4: memref<100000x128xf32, #tpu.memory_space<hbm>>, %arg5: memref<1000x128xf32, #tpu.memory_space<hbm>>, %arg6: memref<51200x64xf32, #tpu.memory_space<hbm>>, %arg7: memref<51200x64xf32, #tpu.memory_space<hbm>>, %arg8: memref<1600xi32, #tpu.memory_space<vmem>>, %arg9: memref<800x128xf32, #tpu.memory_space<vmem>>, %arg10: memref<1000x128xf32, #tpu.memory_space<vmem_shared>>, %arg11: memref<!tpu.dma_semaphore, #tpu.memory_space<semaphore_mem>>) attributes {dimension_semantics = [#tpu.dimension_semantics<core_parallel>, #tpu.dimension_semantics<subcore_parallel>], iteration_bounds = array<i64: 2, 16>, scalar_prefetch = 0 : i64, scratch_operands = 4 : i64, tpu.core_type = #tpu.core_type<sc_vector_subcore>, window_params = [{transform_indices = #map}, {transform_indices = #map}, {transform_indices = #map1}, {transform_indices = #map1}, {transform_indices = #map1}, {transform_indices = #map1}]} {
    %mul3A = arith.constant 2 : i32
    %mul3A_0 = arith.muli %arg1, %mul3A : i32
    %add3A = arith.addi %mul3A_0, %arg0 : i32
    %mul3A_1 = arith.constant 1600 : i32
    %mul3A_2 = arith.muli %add3A, %mul3A_1 : i32
    %eq3A = arith.constant 0 : i32
    %eq3A_3 = arith.cmpi eq, %arg1, %eq3A : i32
    %convert_element_type3A = arith.extui %eq3A_3 : i1 to i32
    %cond3A = arith.constant 0 : i32
    %cond3A_4 = arith.cmpi ne, %convert_element_type3A, %cond3A : i32
    scf.if %cond3A_4 {
      "tpu.region"() ({
        %run_scoped3A = tpu.sem_alloc : memref<!tpu.dma_semaphore, #tpu.memory_space<semaphore_mem>>
        tpu.enqueue_dma source(%arg5 : memref<1000x128xf32, #tpu.memory_space<hbm>>) target(%arg10 : memref<1000x128xf32, #tpu.memory_space<vmem_shared>>) target_semaphore(%run_scoped3A : memref<!tpu.dma_semaphore, #tpu.memory_space<semaphore_mem>>)
        tpu.wait_dma2 semaphore(%run_scoped3A : memref<!tpu.dma_semaphore, #tpu.memory_space<semaphore_mem>>) src(%arg5 : memref<1000x128xf32, #tpu.memory_space<hbm>>) dst(%arg10 : memref<1000x128xf32, #tpu.memory_space<vmem_shared>>)
        tpu.yield
      }) : () -> ()
    } else {
    }
    "tpu.region"() ({
      %run_scoped3A = tpu.sem_alloc : memref<!tpu.dma_semaphore, #tpu.memory_space<semaphore_mem>>
      %dma_start3A_459 = tpu.memref_slice %arg2[%mul3A_2] : memref<51200xi32, #tpu.memory_space<hbm>> -> memref<1600xi32, #tpu.memory_space<hbm>>
      %dma_start3A_460 = tpu.memref_slice %arg2[%mul3A_2] : memref<51200xi32, #tpu.memory_space<hbm>> -> memref<1600xi32, #tpu.memory_space<hbm>>
      tpu.enqueue_dma source(%dma_start3A_460 : memref<1600xi32, #tpu.memory_space<hbm>>) target(%arg8 : memref<1600xi32, #tpu.memory_space<vmem>>) target_semaphore(%run_scoped3A : memref<!tpu.dma_semaphore, #tpu.memory_space<semaphore_mem>>)
      %dma_wait3A_461 = tpu.memref_slice %arg2[%mul3A_2] : memref<51200xi32, #tpu.memory_space<hbm>> -> memref<1600xi32, #tpu.memory_space<hbm>>
      %dma_wait3A_462 = tpu.memref_slice %arg2[%mul3A_2] : memref<51200xi32, #tpu.memory_space<hbm>> -> memref<1600xi32, #tpu.memory_space<hbm>>
      tpu.wait_dma2 semaphore(%run_scoped3A : memref<!tpu.dma_semaphore, #tpu.memory_space<semaphore_mem>>) src(%dma_wait3A_462 : memref<1600xi32, #tpu.memory_space<hbm>>) dst(%arg8 : memref<1600xi32, #tpu.memory_space<vmem>>)
      tpu.yield
    }) : () -> ()
    %dma_start3A = arith.constant 0 : i32
    %dma_start3A_5 = arith.constant 0 : i32
    %dma_start3A_6 = tpu.memref_slice %arg9[%dma_start3A, %dma_start3A_5] : memref<800x128xf32, #tpu.memory_space<vmem>> -> memref<128x128xf32, #tpu.memory_space<vmem>>
    %dma_start3A_7 = arith.constant 0 : i32
    %dma_start3A_8 = tpu.memref_slice %arg8[%dma_start3A_7] : memref<1600xi32, #tpu.memory_space<vmem>> -> memref<128xi32, #tpu.memory_space<vmem>>
    %dma_start3A_9 = arith.constant 0 : i32
    %dma_start3A_10 = arith.constant 0 : i32
    %dma_start3A_11 = tpu.memref_slice %arg4[%dma_start3A_9, %dma_start3A_10] : memref<100000x128xf32, #tpu.memory_space<hbm>> -> memref<100000x128xf32, #tpu.memory_space<hbm>>
    tpu.enqueue_indirect_dma source(%dma_start3A_11 : memref<100000x128xf32, #tpu.memory_space<hbm>>) target(%dma_start3A_6 : memref<128x128xf32, #tpu.memory_space<vmem>>) offsets(%dma_start3A_8 : memref<128xi32, #tpu.memory_space<vmem>>) semaphore(%arg11 : memref<!tpu.dma_semaphore, #tpu.memory_space<semaphore_mem>>)
    %dma_start3A_12 = arith.constant 128 : i32
    %dma_start3A_13 = arith.constant 0 : i32
    %dma_start3A_14 = tpu.memref_slice %arg9[%dma_start3A_12, %dma_start3A_13] : memref<800x128xf32, #tpu.memory_space<vmem>> -> memref<128x128xf32, #tpu.memory_space<vmem>>
    %dma_start3A_15 = arith.constant 128 : i32
    %dma_start3A_16 = tpu.memref_slice %arg8[%dma_start3A_15] : memref<1600xi32, #tpu.memory_space<vmem>> -> memref<128xi32, #tpu.memory_space<vmem>>
    %dma_start3A_17 = arith.constant 0 : i32
    %dma_start3A_18 = arith.constant 0 : i32
    %dma_start3A_19 = tpu.memref_slice %arg4[%dma_start3A_17, %dma_start3A_18] : memref<100000x128xf32, #tpu.memory_space<hbm>> -> memref<100000x128xf32, #tpu.memory_space<hbm>>
    tpu.enqueue_indirect_dma source(%dma_start3A_19 : memref<100000x128xf32, #tpu.memory_space<hbm>>) target(%dma_start3A_14 : memref<128x128xf32, #tpu.memory_space<vmem>>) offsets(%dma_start3A_16 : memref<128xi32, #tpu.memory_space<vmem>>) semaphore(%arg11 : memref<!tpu.dma_semaphore, #tpu.memory_space<semaphore_mem>>)
    %dma_start3A_20 = arith.constant 256 : i32
    %dma_start3A_21 = arith.constant 0 : i32
    %dma_start3A_22 = tpu.memref_slice %arg9[%dma_start3A_20, %dma_start3A_21] : memref<800x128xf32, #tpu.memory_space<vmem>> -> memref<128x128xf32, #tpu.memory_space<vmem>>
    %dma_start3A_23 = arith.constant 256 : i32
    %dma_start3A_24 = tpu.memref_slice %arg8[%dma_start3A_23] : memref<1600xi32, #tpu.memory_space<vmem>> -> memref<128xi32, #tpu.memory_space<vmem>>
    %dma_start3A_25 = arith.constant 0 : i32
    %dma_start3A_26 = arith.constant 0 : i32
    %dma_start3A_27 = tpu.memref_slice %arg4[%dma_start3A_25, %dma_start3A_26] : memref<100000x128xf32, #tpu.memory_space<hbm>> -> memref<100000x128xf32, #tpu.memory_space<hbm>>
    tpu.enqueue_indirect_dma source(%dma_start3A_27 : memref<100000x128xf32, #tpu.memory_space<hbm>>) target(%dma_start3A_22 : memref<128x128xf32, #tpu.memory_space<vmem>>) offsets(%dma_start3A_24 : memref<128xi32, #tpu.memory_space<vmem>>) semaphore(%arg11 : memref<!tpu.dma_semaphore, #tpu.memory_space<semaphore_mem>>)
    %dma_start3A_28 = arith.constant 384 : i32
    %dma_start3A_29 = arith.constant 0 : i32
    %dma_start3A_30 = tpu.memref_slice %arg9[%dma_start3A_28, %dma_start3A_29] : memref<800x128xf32, #tpu.memory_space<vmem>> -> memref<128x128xf32, #tpu.memory_space<vmem>>
    %dma_start3A_31 = arith.constant 384 : i32
    %dma_start3A_32 = tpu.memref_slice %arg8[%dma_start3A_31] : memref<1600xi32, #tpu.memory_space<vmem>> -> memref<128xi32, #tpu.memory_space<vmem>>
    %dma_start3A_33 = arith.constant 0 : i32
    %dma_start3A_34 = arith.constant 0 : i32
    %dma_start3A_35 = tpu.memref_slice %arg4[%dma_start3A_33, %dma_start3A_34] : memref<100000x128xf32, #tpu.memory_space<hbm>> -> memref<100000x128xf32, #tpu.memory_space<hbm>>
    tpu.enqueue_indirect_dma source(%dma_start3A_35 : memref<100000x128xf32, #tpu.memory_space<hbm>>) target(%dma_start3A_30 : memref<128x128xf32, #tpu.memory_space<vmem>>) offsets(%dma_start3A_32 : memref<128xi32, #tpu.memory_space<vmem>>) semaphore(%arg11 : memref<!tpu.dma_semaphore, #tpu.memory_space<semaphore_mem>>)
    %dma_start3A_36 = arith.constant 512 : i32
    %dma_start3A_37 = arith.constant 0 : i32
    %dma_start3A_38 = tpu.memref_slice %arg9[%dma_start3A_36, %dma_start3A_37] : memref<800x128xf32, #tpu.memory_space<vmem>> -> memref<128x128xf32, #tpu.memory_space<vmem>>
    %dma_start3A_39 = arith.constant 512 : i32
    %dma_start3A_40 = tpu.memref_slice %arg8[%dma_start3A_39] : memref<1600xi32, #tpu.memory_space<vmem>> -> memref<128xi32, #tpu.memory_space<vmem>>
    %dma_start3A_41 = arith.constant 0 : i32
    %dma_start3A_42 = arith.constant 0 : i32
    %dma_start3A_43 = tpu.memref_slice %arg4[%dma_start3A_41, %dma_start3A_42] : memref<100000x128xf32, #tpu.memory_space<hbm>> -> memref<100000x128xf32, #tpu.memory_space<hbm>>
    tpu.enqueue_indirect_dma source(%dma_start3A_43 : memref<100000x128xf32, #tpu.memory_space<hbm>>) target(%dma_start3A_38 : memref<128x128xf32, #tpu.memory_space<vmem>>) offsets(%dma_start3A_40 : memref<128xi32, #tpu.memory_space<vmem>>) semaphore(%arg11 : memref<!tpu.dma_semaphore, #tpu.memory_space<semaphore_mem>>)
    %dma_start3A_44 = arith.constant 640 : i32
    %dma_start3A_45 = arith.constant 0 : i32
    %dma_start3A_46 = tpu.memref_slice %arg9[%dma_start3A_44, %dma_start3A_45] : memref<800x128xf32, #tpu.memory_space<vmem>> -> memref<128x128xf32, #tpu.memory_space<vmem>>
    %dma_start3A_47 = arith.constant 640 : i32
    %dma_start3A_48 = tpu.memref_slice %arg8[%dma_start3A_47] : memref<1600xi32, #tpu.memory_space<vmem>> -> memref<128xi32, #tpu.memory_space<vmem>>
    %dma_start3A_49 = arith.constant 0 : i32
    %dma_start3A_50 = arith.constant 0 : i32
    %dma_start3A_51 = tpu.memref_slice %arg4[%dma_start3A_49, %dma_start3A_50] : memref<100000x128xf32, #tpu.memory_space<hbm>> -> memref<100000x128xf32, #tpu.memory_space<hbm>>
    tpu.enqueue_indirect_dma source(%dma_start3A_51 : memref<100000x128xf32, #tpu.memory_space<hbm>>) target(%dma_start3A_46 : memref<128x128xf32, #tpu.memory_space<vmem>>) offsets(%dma_start3A_48 : memref<128xi32, #tpu.memory_space<vmem>>) semaphore(%arg11 : memref<!tpu.dma_semaphore, #tpu.memory_space<semaphore_mem>>)
    %dma_start3A_52 = arith.constant 768 : i32
    %dma_start3A_53 = arith.constant 0 : i32
    %dma_start3A_54 = tpu.memref_slice %arg9[%dma_start3A_52, %dma_start3A_53] : memref<800x128xf32, #tpu.memory_space<vmem>> -> memref<32x128xf32, #tpu.memory_space<vmem>>
    %dma_start3A_55 = arith.constant 768 : i32
    %dma_start3A_56 = tpu.memref_slice %arg8[%dma_start3A_55] : memref<1600xi32, #tpu.memory_space<vmem>> -> memref<32xi32, #tpu.memory_space<vmem>>
    %dma_start3A_57 = arith.constant 0 : i32
    %dma_start3A_58 = arith.constant 0 : i32
    %dma_start3A_59 = tpu.memref_slice %arg4[%dma_start3A_57, %dma_start3A_58] : memref<100000x128xf32, #tpu.memory_space<hbm>> -> memref<100000x128xf32, #tpu.memory_space<hbm>>
    tpu.enqueue_indirect_dma source(%dma_start3A_59 : memref<100000x128xf32, #tpu.memory_space<hbm>>) target(%dma_start3A_54 : memref<32x128xf32, #tpu.memory_space<vmem>>) offsets(%dma_start3A_56 : memref<32xi32, #tpu.memory_space<vmem>>) semaphore(%arg11 : memref<!tpu.dma_semaphore, #tpu.memory_space<semaphore_mem>>)
    %dma_wait3A = arith.constant 0 : i32
    %dma_wait3A_60 = arith.constant 0 : i32
    %dma_wait3A_61 = tpu.memref_slice %arg9[%dma_wait3A, %dma_wait3A_60] : memref<800x128xf32, #tpu.memory_space<vmem>> -> memref<128x128xf32, #tpu.memory_space<vmem>>
    %dma_wait3A_62 = arith.constant 0 : i32
    %dma_wait3A_63 = tpu.memref_slice %arg8[%dma_wait3A_62] : memref<1600xi32, #tpu.memory_space<vmem>> -> memref<128xi32, #tpu.memory_space<vmem>>
    %dma_wait3A_64 = arith.constant 0 : i32
    %dma_wait3A_65 = arith.constant 0 : i32
    %dma_wait3A_66 = tpu.memref_slice %arg4[%dma_wait3A_64, %dma_wait3A_65] : memref<100000x128xf32, #tpu.memory_space<hbm>> -> memref<100000x128xf32, #tpu.memory_space<hbm>>
    tpu.wait_indirect_dma semaphore(%arg11 : memref<!tpu.dma_semaphore, #tpu.memory_space<semaphore_mem>>) src(%dma_wait3A_66 : memref<100000x128xf32, #tpu.memory_space<hbm>>) dst(%dma_wait3A_61 : memref<128x128xf32, #tpu.memory_space<vmem>>)
    %dma_wait3A_67 = arith.constant 128 : i32
    %dma_wait3A_68 = arith.constant 0 : i32
    %dma_wait3A_69 = tpu.memref_slice %arg9[%dma_wait3A_67, %dma_wait3A_68] : memref<800x128xf32, #tpu.memory_space<vmem>> -> memref<128x128xf32, #tpu.memory_space<vmem>>
    %dma_wait3A_70 = arith.constant 128 : i32
    %dma_wait3A_71 = tpu.memref_slice %arg8[%dma_wait3A_70] : memref<1600xi32, #tpu.memory_space<vmem>> -> memref<128xi32, #tpu.memory_space<vmem>>
    %dma_wait3A_72 = arith.constant 0 : i32
    %dma_wait3A_73 = arith.constant 0 : i32
    %dma_wait3A_74 = tpu.memref_slice %arg4[%dma_wait3A_72, %dma_wait3A_73] : memref<100000x128xf32, #tpu.memory_space<hbm>> -> memref<100000x128xf32, #tpu.memory_space<hbm>>
    tpu.wait_indirect_dma semaphore(%arg11 : memref<!tpu.dma_semaphore, #tpu.memory_space<semaphore_mem>>) src(%dma_wait3A_74 : memref<100000x128xf32, #tpu.memory_space<hbm>>) dst(%dma_wait3A_69 : memref<128x128xf32, #tpu.memory_space<vmem>>)
    %dma_wait3A_75 = arith.constant 256 : i32
    %dma_wait3A_76 = arith.constant 0 : i32
    %dma_wait3A_77 = tpu.memref_slice %arg9[%dma_wait3A_75, %dma_wait3A_76] : memref<800x128xf32, #tpu.memory_space<vmem>> -> memref<128x128xf32, #tpu.memory_space<vmem>>
    %dma_wait3A_78 = arith.constant 256 : i32
    %dma_wait3A_79 = tpu.memref_slice %arg8[%dma_wait3A_78] : memref<1600xi32, #tpu.memory_space<vmem>> -> memref<128xi32, #tpu.memory_space<vmem>>
    %dma_wait3A_80 = arith.constant 0 : i32
    %dma_wait3A_81 = arith.constant 0 : i32
    %dma_wait3A_82 = tpu.memref_slice %arg4[%dma_wait3A_80, %dma_wait3A_81] : memref<100000x128xf32, #tpu.memory_space<hbm>> -> memref<100000x128xf32, #tpu.memory_space<hbm>>
    tpu.wait_indirect_dma semaphore(%arg11 : memref<!tpu.dma_semaphore, #tpu.memory_space<semaphore_mem>>) src(%dma_wait3A_82 : memref<100000x128xf32, #tpu.memory_space<hbm>>) dst(%dma_wait3A_77 : memref<128x128xf32, #tpu.memory_space<vmem>>)
    %dma_wait3A_83 = arith.constant 384 : i32
    %dma_wait3A_84 = arith.constant 0 : i32
    %dma_wait3A_85 = tpu.memref_slice %arg9[%dma_wait3A_83, %dma_wait3A_84] : memref<800x128xf32, #tpu.memory_space<vmem>> -> memref<128x128xf32, #tpu.memory_space<vmem>>
    %dma_wait3A_86 = arith.constant 384 : i32
    %dma_wait3A_87 = tpu.memref_slice %arg8[%dma_wait3A_86] : memref<1600xi32, #tpu.memory_space<vmem>> -> memref<128xi32, #tpu.memory_space<vmem>>
    %dma_wait3A_88 = arith.constant 0 : i32
    %dma_wait3A_89 = arith.constant 0 : i32
    %dma_wait3A_90 = tpu.memref_slice %arg4[%dma_wait3A_88, %dma_wait3A_89] : memref<100000x128xf32, #tpu.memory_space<hbm>> -> memref<100000x128xf32, #tpu.memory_space<hbm>>
    tpu.wait_indirect_dma semaphore(%arg11 : memref<!tpu.dma_semaphore, #tpu.memory_space<semaphore_mem>>) src(%dma_wait3A_90 : memref<100000x128xf32, #tpu.memory_space<hbm>>) dst(%dma_wait3A_85 : memref<128x128xf32, #tpu.memory_space<vmem>>)
    %dma_wait3A_91 = arith.constant 512 : i32
    %dma_wait3A_92 = arith.constant 0 : i32
    %dma_wait3A_93 = tpu.memref_slice %arg9[%dma_wait3A_91, %dma_wait3A_92] : memref<800x128xf32, #tpu.memory_space<vmem>> -> memref<128x128xf32, #tpu.memory_space<vmem>>
    %dma_wait3A_94 = arith.constant 512 : i32
    %dma_wait3A_95 = tpu.memref_slice %arg8[%dma_wait3A_94] : memref<1600xi32, #tpu.memory_space<vmem>> -> memref<128xi32, #tpu.memory_space<vmem>>
    %dma_wait3A_96 = arith.constant 0 : i32
    %dma_wait3A_97 = arith.constant 0 : i32
    %dma_wait3A_98 = tpu.memref_slice %arg4[%dma_wait3A_96, %dma_wait3A_97] : memref<100000x128xf32, #tpu.memory_space<hbm>> -> memref<100000x128xf32, #tpu.memory_space<hbm>>
    tpu.wait_indirect_dma semaphore(%arg11 : memref<!tpu.dma_semaphore, #tpu.memory_space<semaphore_mem>>) src(%dma_wait3A_98 : memref<100000x128xf32, #tpu.memory_space<hbm>>) dst(%dma_wait3A_93 : memref<128x128xf32, #tpu.memory_space<vmem>>)
    %dma_wait3A_99 = arith.constant 640 : i32
    %dma_wait3A_100 = arith.constant 0 : i32
    %dma_wait3A_101 = tpu.memref_slice %arg9[%dma_wait3A_99, %dma_wait3A_100] : memref<800x128xf32, #tpu.memory_space<vmem>> -> memref<128x128xf32, #tpu.memory_space<vmem>>
    %dma_wait3A_102 = arith.constant 640 : i32
    %dma_wait3A_103 = tpu.memref_slice %arg8[%dma_wait3A_102] : memref<1600xi32, #tpu.memory_space<vmem>> -> memref<128xi32, #tpu.memory_space<vmem>>
    %dma_wait3A_104 = arith.constant 0 : i32
    %dma_wait3A_105 = arith.constant 0 : i32
    %dma_wait3A_106 = tpu.memref_slice %arg4[%dma_wait3A_104, %dma_wait3A_105] : memref<100000x128xf32, #tpu.memory_space<hbm>> -> memref<100000x128xf32, #tpu.memory_space<hbm>>
    tpu.wait_indirect_dma semaphore(%arg11 : memref<!tpu.dma_semaphore, #tpu.memory_space<semaphore_mem>>) src(%dma_wait3A_106 : memref<100000x128xf32, #tpu.memory_space<hbm>>) dst(%dma_wait3A_101 : memref<128x128xf32, #tpu.memory_space<vmem>>)
    %dma_wait3A_107 = arith.constant 768 : i32
    %dma_wait3A_108 = arith.constant 0 : i32
    %dma_wait3A_109 = tpu.memref_slice %arg9[%dma_wait3A_107, %dma_wait3A_108] : memref<800x128xf32, #tpu.memory_space<vmem>> -> memref<32x128xf32, #tpu.memory_space<vmem>>
    %dma_wait3A_110 = arith.constant 768 : i32
    %dma_wait3A_111 = tpu.memref_slice %arg8[%dma_wait3A_110] : memref<1600xi32, #tpu.memory_space<vmem>> -> memref<32xi32, #tpu.memory_space<vmem>>
    %dma_wait3A_112 = arith.constant 0 : i32
    %dma_wait3A_113 = arith.constant 0 : i32
    %dma_wait3A_114 = tpu.memref_slice %arg4[%dma_wait3A_112, %dma_wait3A_113] : memref<100000x128xf32, #tpu.memory_space<hbm>> -> memref<100000x128xf32, #tpu.memory_space<hbm>>
    tpu.wait_indirect_dma semaphore(%arg11 : memref<!tpu.dma_semaphore, #tpu.memory_space<semaphore_mem>>) src(%dma_wait3A_114 : memref<100000x128xf32, #tpu.memory_space<hbm>>) dst(%dma_wait3A_109 : memref<32x128xf32, #tpu.memory_space<vmem>>)
    %add3A_115 = arith.constant 0 : i32
    %add3A_116 = arith.addi %mul3A_2, %add3A_115 : i32
    "tpu.region"() ({
      %run_scoped3A = tpu.sem_alloc : memref<!tpu.dma_semaphore, #tpu.memory_space<semaphore_mem>>
      %dma_start3A_459 = arith.constant 0 : i32
      %dma_start3A_460 = arith.constant 0 : i32
      %dma_start3A_461 = tpu.memref_slice %arg9[%dma_start3A_459, %dma_start3A_460] : memref<800x128xf32, #tpu.memory_space<vmem>> -> memref<800x64xf32, #tpu.memory_space<vmem>>
      %dma_start3A_462 = arith.constant 0 : i32
      %dma_start3A_463 = tpu.memref_slice %arg6[%add3A_116, %dma_start3A_462] : memref<51200x64xf32, #tpu.memory_space<hbm>> -> memref<800x64xf32, #tpu.memory_space<hbm>>
      %dma_start3A_464 = arith.constant 0 : i32
      %dma_start3A_465 = tpu.memref_slice %arg6[%add3A_116, %dma_start3A_464] : memref<51200x64xf32, #tpu.memory_space<hbm>> -> memref<800x64xf32, #tpu.memory_space<hbm>>
      %dma_start3A_466 = arith.constant 0 : i32
      %dma_start3A_467 = arith.constant 0 : i32
      %dma_start3A_468 = tpu.memref_slice %arg9[%dma_start3A_466, %dma_start3A_467] : memref<800x128xf32, #tpu.memory_space<vmem>> -> memref<800x64xf32, #tpu.memory_space<vmem>>
      tpu.enqueue_dma source(%dma_start3A_468 : memref<800x64xf32, #tpu.memory_space<vmem>>) target(%dma_start3A_465 : memref<800x64xf32, #tpu.memory_space<hbm>>) target_semaphore(%run_scoped3A : memref<!tpu.dma_semaphore, #tpu.memory_space<semaphore_mem>>)
      %dma_wait3A_469 = arith.constant 0 : i32
      %dma_wait3A_470 = arith.constant 0 : i32
      %dma_wait3A_471 = tpu.memref_slice %arg9[%dma_wait3A_469, %dma_wait3A_470] : memref<800x128xf32, #tpu.memory_space<vmem>> -> memref<800x64xf32, #tpu.memory_space<vmem>>
      %dma_wait3A_472 = arith.constant 0 : i32
      %dma_wait3A_473 = tpu.memref_slice %arg6[%add3A_116, %dma_wait3A_472] : memref<51200x64xf32, #tpu.memory_space<hbm>> -> memref<800x64xf32, #tpu.memory_space<hbm>>
      %dma_wait3A_474 = arith.constant 0 : i32
      %dma_wait3A_475 = tpu.memref_slice %arg6[%add3A_116, %dma_wait3A_474] : memref<51200x64xf32, #tpu.memory_space<hbm>> -> memref<800x64xf32, #tpu.memory_space<hbm>>
      %dma_wait3A_476 = arith.constant 0 : i32
      %dma_wait3A_477 = arith.constant 0 : i32
      %dma_wait3A_478 = tpu.memref_slice %arg9[%dma_wait3A_476, %dma_wait3A_477] : memref<800x128xf32, #tpu.memory_space<vmem>> -> memref<800x64xf32, #tpu.memory_space<vmem>>
      tpu.wait_dma2 semaphore(%run_scoped3A : memref<!tpu.dma_semaphore, #tpu.memory_space<semaphore_mem>>) src(%dma_wait3A_478 : memref<800x64xf32, #tpu.memory_space<vmem>>) dst(%dma_wait3A_475 : memref<800x64xf32, #tpu.memory_space<hbm>>)
      tpu.yield
    }) : () -> ()
    %dma_start3A_117 = arith.constant 0 : i32
    %dma_start3A_118 = arith.constant 0 : i32
    %dma_start3A_119 = tpu.memref_slice %arg9[%dma_start3A_117, %dma_start3A_118] : memref<800x128xf32, #tpu.memory_space<vmem>> -> memref<128x128xf32, #tpu.memory_space<vmem>>
    %dma_start3A_120 = arith.constant 800 : i32
    %dma_start3A_121 = tpu.memref_slice %arg8[%dma_start3A_120] : memref<1600xi32, #tpu.memory_space<vmem>> -> memref<128xi32, #tpu.memory_space<vmem>>
    %dma_start3A_122 = arith.constant 0 : i32
    %dma_start3A_123 = arith.constant 0 : i32
    %dma_start3A_124 = tpu.memref_slice %arg4[%dma_start3A_122, %dma_start3A_123] : memref<100000x128xf32, #tpu.memory_space<hbm>> -> memref<100000x128xf32, #tpu.memory_space<hbm>>
    tpu.enqueue_indirect_dma source(%dma_start3A_124 : memref<100000x128xf32, #tpu.memory_space<hbm>>) target(%dma_start3A_119 : memref<128x128xf32, #tpu.memory_space<vmem>>) offsets(%dma_start3A_121 : memref<128xi32, #tpu.memory_space<vmem>>) semaphore(%arg11 : memref<!tpu.dma_semaphore, #tpu.memory_space<semaphore_mem>>)
    %dma_start3A_125 = arith.constant 128 : i32
    %dma_start3A_126 = arith.constant 0 : i32
    %dma_start3A_127 = tpu.memref_slice %arg9[%dma_start3A_125, %dma_start3A_126] : memref<800x128xf32, #tpu.memory_space<vmem>> -> memref<128x128xf32, #tpu.memory_space<vmem>>
    %dma_start3A_128 = arith.constant 928 : i32
    %dma_start3A_129 = tpu.memref_slice %arg8[%dma_start3A_128] : memref<1600xi32, #tpu.memory_space<vmem>> -> memref<128xi32, #tpu.memory_space<vmem>>
    %dma_start3A_130 = arith.constant 0 : i32
    %dma_start3A_131 = arith.constant 0 : i32
    %dma_start3A_132 = tpu.memref_slice %arg4[%dma_start3A_130, %dma_start3A_131] : memref<100000x128xf32, #tpu.memory_space<hbm>> -> memref<100000x128xf32, #tpu.memory_space<hbm>>
    tpu.enqueue_indirect_dma source(%dma_start3A_132 : memref<100000x128xf32, #tpu.memory_space<hbm>>) target(%dma_start3A_127 : memref<128x128xf32, #tpu.memory_space<vmem>>) offsets(%dma_start3A_129 : memref<128xi32, #tpu.memory_space<vmem>>) semaphore(%arg11 : memref<!tpu.dma_semaphore, #tpu.memory_space<semaphore_mem>>)
    %dma_start3A_133 = arith.constant 256 : i32
    %dma_start3A_134 = arith.constant 0 : i32
    %dma_start3A_135 = tpu.memref_slice %arg9[%dma_start3A_133, %dma_start3A_134] : memref<800x128xf32, #tpu.memory_space<vmem>> -> memref<128x128xf32, #tpu.memory_space<vmem>>
    %dma_start3A_136 = arith.constant 1056 : i32
    %dma_start3A_137 = tpu.memref_slice %arg8[%dma_start3A_136] : memref<1600xi32, #tpu.memory_space<vmem>> -> memref<128xi32, #tpu.memory_space<vmem>>
    %dma_start3A_138 = arith.constant 0 : i32
    %dma_start3A_139 = arith.constant 0 : i32
    %dma_start3A_140 = tpu.memref_slice %arg4[%dma_start3A_138, %dma_start3A_139] : memref<100000x128xf32, #tpu.memory_space<hbm>> -> memref<100000x128xf32, #tpu.memory_space<hbm>>
    tpu.enqueue_indirect_dma source(%dma_start3A_140 : memref<100000x128xf32, #tpu.memory_space<hbm>>) target(%dma_start3A_135 : memref<128x128xf32, #tpu.memory_space<vmem>>) offsets(%dma_start3A_137 : memref<128xi32, #tpu.memory_space<vmem>>) semaphore(%arg11 : memref<!tpu.dma_semaphore, #tpu.memory_space<semaphore_mem>>)
    %dma_start3A_141 = arith.constant 384 : i32
    %dma_start3A_142 = arith.constant 0 : i32
    %dma_start3A_143 = tpu.memref_slice %arg9[%dma_start3A_141, %dma_start3A_142] : memref<800x128xf32, #tpu.memory_space<vmem>> -> memref<128x128xf32, #tpu.memory_space<vmem>>
    %dma_start3A_144 = arith.constant 1184 : i32
    %dma_start3A_145 = tpu.memref_slice %arg8[%dma_start3A_144] : memref<1600xi32, #tpu.memory_space<vmem>> -> memref<128xi32, #tpu.memory_space<vmem>>
    %dma_start3A_146 = arith.constant 0 : i32
    %dma_start3A_147 = arith.constant 0 : i32
    %dma_start3A_148 = tpu.memref_slice %arg4[%dma_start3A_146, %dma_start3A_147] : memref<100000x128xf32, #tpu.memory_space<hbm>> -> memref<100000x128xf32, #tpu.memory_space<hbm>>
    tpu.enqueue_indirect_dma source(%dma_start3A_148 : memref<100000x128xf32, #tpu.memory_space<hbm>>) target(%dma_start3A_143 : memref<128x128xf32, #tpu.memory_space<vmem>>) offsets(%dma_start3A_145 : memref<128xi32, #tpu.memory_space<vmem>>) semaphore(%arg11 : memref<!tpu.dma_semaphore, #tpu.memory_space<semaphore_mem>>)
    %dma_start3A_149 = arith.constant 512 : i32
    %dma_start3A_150 = arith.constant 0 : i32
    %dma_start3A_151 = tpu.memref_slice %arg9[%dma_start3A_149, %dma_start3A_150] : memref<800x128xf32, #tpu.memory_space<vmem>> -> memref<128x128xf32, #tpu.memory_space<vmem>>
    %dma_start3A_152 = arith.constant 1312 : i32
    %dma_start3A_153 = tpu.memref_slice %arg8[%dma_start3A_152] : memref<1600xi32, #tpu.memory_space<vmem>> -> memref<128xi32, #tpu.memory_space<vmem>>
    %dma_start3A_154 = arith.constant 0 : i32
    %dma_start3A_155 = arith.constant 0 : i32
    %dma_start3A_156 = tpu.memref_slice %arg4[%dma_start3A_154, %dma_start3A_155] : memref<100000x128xf32, #tpu.memory_space<hbm>> -> memref<100000x128xf32, #tpu.memory_space<hbm>>
    tpu.enqueue_indirect_dma source(%dma_start3A_156 : memref<100000x128xf32, #tpu.memory_space<hbm>>) target(%dma_start3A_151 : memref<128x128xf32, #tpu.memory_space<vmem>>) offsets(%dma_start3A_153 : memref<128xi32, #tpu.memory_space<vmem>>) semaphore(%arg11 : memref<!tpu.dma_semaphore, #tpu.memory_space<semaphore_mem>>)
    %dma_start3A_157 = arith.constant 640 : i32
    %dma_start3A_158 = arith.constant 0 : i32
    %dma_start3A_159 = tpu.memref_slice %arg9[%dma_start3A_157, %dma_start3A_158] : memref<800x128xf32, #tpu.memory_space<vmem>> -> memref<128x128xf32, #tpu.memory_space<vmem>>
    %dma_start3A_160 = arith.constant 1440 : i32
    %dma_start3A_161 = tpu.memref_slice %arg8[%dma_start3A_160] : memref<1600xi32, #tpu.memory_space<vmem>> -> memref<128xi32, #tpu.memory_space<vmem>>
    %dma_start3A_162 = arith.constant 0 : i32
    %dma_start3A_163 = arith.constant 0 : i32
    %dma_start3A_164 = tpu.memref_slice %arg4[%dma_start3A_162, %dma_start3A_163] : memref<100000x128xf32, #tpu.memory_space<hbm>> -> memref<100000x128xf32, #tpu.memory_space<hbm>>
    tpu.enqueue_indirect_dma source(%dma_start3A_164 : memref<100000x128xf32, #tpu.memory_space<hbm>>) target(%dma_start3A_159 : memref<128x128xf32, #tpu.memory_space<vmem>>) offsets(%dma_start3A_161 : memref<128xi32, #tpu.memory_space<vmem>>) semaphore(%arg11 : memref<!tpu.dma_semaphore, #tpu.memory_space<semaphore_mem>>)
    %dma_start3A_165 = arith.constant 768 : i32
    %dma_start3A_166 = arith.constant 0 : i32
    %dma_start3A_167 = tpu.memref_slice %arg9[%dma_start3A_165, %dma_start3A_166] : memref<800x128xf32, #tpu.memory_space<vmem>> -> memref<32x128xf32, #tpu.memory_space<vmem>>
    %dma_start3A_168 = arith.constant 1568 : i32
    %dma_start3A_169 = tpu.memref_slice %arg8[%dma_start3A_168] : memref<1600xi32, #tpu.memory_space<vmem>> -> memref<32xi32, #tpu.memory_space<vmem>>
    %dma_start3A_170 = arith.constant 0 : i32
    %dma_start3A_171 = arith.constant 0 : i32
    %dma_start3A_172 = tpu.memref_slice %arg4[%dma_start3A_170, %dma_start3A_171] : memref<100000x128xf32, #tpu.memory_space<hbm>> -> memref<100000x128xf32, #tpu.memory_space<hbm>>
    tpu.enqueue_indirect_dma source(%dma_start3A_172 : memref<100000x128xf32, #tpu.memory_space<hbm>>) target(%dma_start3A_167 : memref<32x128xf32, #tpu.memory_space<vmem>>) offsets(%dma_start3A_169 : memref<32xi32, #tpu.memory_space<vmem>>) semaphore(%arg11 : memref<!tpu.dma_semaphore, #tpu.memory_space<semaphore_mem>>)
    %dma_wait3A_173 = arith.constant 0 : i32
    %dma_wait3A_174 = arith.constant 0 : i32
    %dma_wait3A_175 = tpu.memref_slice %arg9[%dma_wait3A_173, %dma_wait3A_174] : memref<800x128xf32, #tpu.memory_space<vmem>> -> memref<128x128xf32, #tpu.memory_space<vmem>>
    %dma_wait3A_176 = arith.constant 800 : i32
    %dma_wait3A_177 = tpu.memref_slice %arg8[%dma_wait3A_176] : memref<1600xi32, #tpu.memory_space<vmem>> -> memref<128xi32, #tpu.memory_space<vmem>>
    %dma_wait3A_178 = arith.constant 0 : i32
    %dma_wait3A_179 = arith.constant 0 : i32
    %dma_wait3A_180 = tpu.memref_slice %arg4[%dma_wait3A_178, %dma_wait3A_179] : memref<100000x128xf32, #tpu.memory_space<hbm>> -> memref<100000x128xf32, #tpu.memory_space<hbm>>
    tpu.wait_indirect_dma semaphore(%arg11 : memref<!tpu.dma_semaphore, #tpu.memory_space<semaphore_mem>>) src(%dma_wait3A_180 : memref<100000x128xf32, #tpu.memory_space<hbm>>) dst(%dma_wait3A_175 : memref<128x128xf32, #tpu.memory_space<vmem>>)
    %dma_wait3A_181 = arith.constant 128 : i32
    %dma_wait3A_182 = arith.constant 0 : i32
    %dma_wait3A_183 = tpu.memref_slice %arg9[%dma_wait3A_181, %dma_wait3A_182] : memref<800x128xf32, #tpu.memory_space<vmem>> -> memref<128x128xf32, #tpu.memory_space<vmem>>
    %dma_wait3A_184 = arith.constant 928 : i32
    %dma_wait3A_185 = tpu.memref_slice %arg8[%dma_wait3A_184] : memref<1600xi32, #tpu.memory_space<vmem>> -> memref<128xi32, #tpu.memory_space<vmem>>
    %dma_wait3A_186 = arith.constant 0 : i32
    %dma_wait3A_187 = arith.constant 0 : i32
    %dma_wait3A_188 = tpu.memref_slice %arg4[%dma_wait3A_186, %dma_wait3A_187] : memref<100000x128xf32, #tpu.memory_space<hbm>> -> memref<100000x128xf32, #tpu.memory_space<hbm>>
    tpu.wait_indirect_dma semaphore(%arg11 : memref<!tpu.dma_semaphore, #tpu.memory_space<semaphore_mem>>) src(%dma_wait3A_188 : memref<100000x128xf32, #tpu.memory_space<hbm>>) dst(%dma_wait3A_183 : memref<128x128xf32, #tpu.memory_space<vmem>>)
    %dma_wait3A_189 = arith.constant 256 : i32
    %dma_wait3A_190 = arith.constant 0 : i32
    %dma_wait3A_191 = tpu.memref_slice %arg9[%dma_wait3A_189, %dma_wait3A_190] : memref<800x128xf32, #tpu.memory_space<vmem>> -> memref<128x128xf32, #tpu.memory_space<vmem>>
    %dma_wait3A_192 = arith.constant 1056 : i32
    %dma_wait3A_193 = tpu.memref_slice %arg8[%dma_wait3A_192] : memref<1600xi32, #tpu.memory_space<vmem>> -> memref<128xi32, #tpu.memory_space<vmem>>
    %dma_wait3A_194 = arith.constant 0 : i32
    %dma_wait3A_195 = arith.constant 0 : i32
    %dma_wait3A_196 = tpu.memref_slice %arg4[%dma_wait3A_194, %dma_wait3A_195] : memref<100000x128xf32, #tpu.memory_space<hbm>> -> memref<100000x128xf32, #tpu.memory_space<hbm>>
    tpu.wait_indirect_dma semaphore(%arg11 : memref<!tpu.dma_semaphore, #tpu.memory_space<semaphore_mem>>) src(%dma_wait3A_196 : memref<100000x128xf32, #tpu.memory_space<hbm>>) dst(%dma_wait3A_191 : memref<128x128xf32, #tpu.memory_space<vmem>>)
    %dma_wait3A_197 = arith.constant 384 : i32
    %dma_wait3A_198 = arith.constant 0 : i32
    %dma_wait3A_199 = tpu.memref_slice %arg9[%dma_wait3A_197, %dma_wait3A_198] : memref<800x128xf32, #tpu.memory_space<vmem>> -> memref<128x128xf32, #tpu.memory_space<vmem>>
    %dma_wait3A_200 = arith.constant 1184 : i32
    %dma_wait3A_201 = tpu.memref_slice %arg8[%dma_wait3A_200] : memref<1600xi32, #tpu.memory_space<vmem>> -> memref<128xi32, #tpu.memory_space<vmem>>
    %dma_wait3A_202 = arith.constant 0 : i32
    %dma_wait3A_203 = arith.constant 0 : i32
    %dma_wait3A_204 = tpu.memref_slice %arg4[%dma_wait3A_202, %dma_wait3A_203] : memref<100000x128xf32, #tpu.memory_space<hbm>> -> memref<100000x128xf32, #tpu.memory_space<hbm>>
    tpu.wait_indirect_dma semaphore(%arg11 : memref<!tpu.dma_semaphore, #tpu.memory_space<semaphore_mem>>) src(%dma_wait3A_204 : memref<100000x128xf32, #tpu.memory_space<hbm>>) dst(%dma_wait3A_199 : memref<128x128xf32, #tpu.memory_space<vmem>>)
    %dma_wait3A_205 = arith.constant 512 : i32
    %dma_wait3A_206 = arith.constant 0 : i32
    %dma_wait3A_207 = tpu.memref_slice %arg9[%dma_wait3A_205, %dma_wait3A_206] : memref<800x128xf32, #tpu.memory_space<vmem>> -> memref<128x128xf32, #tpu.memory_space<vmem>>
    %dma_wait3A_208 = arith.constant 1312 : i32
    %dma_wait3A_209 = tpu.memref_slice %arg8[%dma_wait3A_208] : memref<1600xi32, #tpu.memory_space<vmem>> -> memref<128xi32, #tpu.memory_space<vmem>>
    %dma_wait3A_210 = arith.constant 0 : i32
    %dma_wait3A_211 = arith.constant 0 : i32
    %dma_wait3A_212 = tpu.memref_slice %arg4[%dma_wait3A_210, %dma_wait3A_211] : memref<100000x128xf32, #tpu.memory_space<hbm>> -> memref<100000x128xf32, #tpu.memory_space<hbm>>
    tpu.wait_indirect_dma semaphore(%arg11 : memref<!tpu.dma_semaphore, #tpu.memory_space<semaphore_mem>>) src(%dma_wait3A_212 : memref<100000x128xf32, #tpu.memory_space<hbm>>) dst(%dma_wait3A_207 : memref<128x128xf32, #tpu.memory_space<vmem>>)
    %dma_wait3A_213 = arith.constant 640 : i32
    %dma_wait3A_214 = arith.constant 0 : i32
    %dma_wait3A_215 = tpu.memref_slice %arg9[%dma_wait3A_213, %dma_wait3A_214] : memref<800x128xf32, #tpu.memory_space<vmem>> -> memref<128x128xf32, #tpu.memory_space<vmem>>
    %dma_wait3A_216 = arith.constant 1440 : i32
    %dma_wait3A_217 = tpu.memref_slice %arg8[%dma_wait3A_216] : memref<1600xi32, #tpu.memory_space<vmem>> -> memref<128xi32, #tpu.memory_space<vmem>>
    %dma_wait3A_218 = arith.constant 0 : i32
    %dma_wait3A_219 = arith.constant 0 : i32
    %dma_wait3A_220 = tpu.memref_slice %arg4[%dma_wait3A_218, %dma_wait3A_219] : memref<100000x128xf32, #tpu.memory_space<hbm>> -> memref<100000x128xf32, #tpu.memory_space<hbm>>
    tpu.wait_indirect_dma semaphore(%arg11 : memref<!tpu.dma_semaphore, #tpu.memory_space<semaphore_mem>>) src(%dma_wait3A_220 : memref<100000x128xf32, #tpu.memory_space<hbm>>) dst(%dma_wait3A_215 : memref<128x128xf32, #tpu.memory_space<vmem>>)
    %dma_wait3A_221 = arith.constant 768 : i32
    %dma_wait3A_222 = arith.constant 0 : i32
    %dma_wait3A_223 = tpu.memref_slice %arg9[%dma_wait3A_221, %dma_wait3A_222] : memref<800x128xf32, #tpu.memory_space<vmem>> -> memref<32x128xf32, #tpu.memory_space<vmem>>
    %dma_wait3A_224 = arith.constant 1568 : i32
    %dma_wait3A_225 = tpu.memref_slice %arg8[%dma_wait3A_224] : memref<1600xi32, #tpu.memory_space<vmem>> -> memref<32xi32, #tpu.memory_space<vmem>>
    %dma_wait3A_226 = arith.constant 0 : i32
    %dma_wait3A_227 = arith.constant 0 : i32
    %dma_wait3A_228 = tpu.memref_slice %arg4[%dma_wait3A_226, %dma_wait3A_227] : memref<100000x128xf32, #tpu.memory_space<hbm>> -> memref<100000x128xf32, #tpu.memory_space<hbm>>
    tpu.wait_indirect_dma semaphore(%arg11 : memref<!tpu.dma_semaphore, #tpu.memory_space<semaphore_mem>>) src(%dma_wait3A_228 : memref<100000x128xf32, #tpu.memory_space<hbm>>) dst(%dma_wait3A_223 : memref<32x128xf32, #tpu.memory_space<vmem>>)
    %add3A_229 = arith.constant 800 : i32
    %add3A_230 = arith.addi %mul3A_2, %add3A_229 : i32
    "tpu.region"() ({
      %run_scoped3A = tpu.sem_alloc : memref<!tpu.dma_semaphore, #tpu.memory_space<semaphore_mem>>
      %dma_start3A_459 = arith.constant 0 : i32
      %dma_start3A_460 = arith.constant 0 : i32
      %dma_start3A_461 = tpu.memref_slice %arg9[%dma_start3A_459, %dma_start3A_460] : memref<800x128xf32, #tpu.memory_space<vmem>> -> memref<800x64xf32, #tpu.memory_space<vmem>>
      %dma_start3A_462 = arith.constant 0 : i32
      %dma_start3A_463 = tpu.memref_slice %arg6[%add3A_230, %dma_start3A_462] : memref<51200x64xf32, #tpu.memory_space<hbm>> -> memref<800x64xf32, #tpu.memory_space<hbm>>
      %dma_start3A_464 = arith.constant 0 : i32
      %dma_start3A_465 = tpu.memref_slice %arg6[%add3A_230, %dma_start3A_464] : memref<51200x64xf32, #tpu.memory_space<hbm>> -> memref<800x64xf32, #tpu.memory_space<hbm>>
      %dma_start3A_466 = arith.constant 0 : i32
      %dma_start3A_467 = arith.constant 0 : i32
      %dma_start3A_468 = tpu.memref_slice %arg9[%dma_start3A_466, %dma_start3A_467] : memref<800x128xf32, #tpu.memory_space<vmem>> -> memref<800x64xf32, #tpu.memory_space<vmem>>
      tpu.enqueue_dma source(%dma_start3A_468 : memref<800x64xf32, #tpu.memory_space<vmem>>) target(%dma_start3A_465 : memref<800x64xf32, #tpu.memory_space<hbm>>) target_semaphore(%run_scoped3A : memref<!tpu.dma_semaphore, #tpu.memory_space<semaphore_mem>>)
      %dma_wait3A_469 = arith.constant 0 : i32
      %dma_wait3A_470 = arith.constant 0 : i32
      %dma_wait3A_471 = tpu.memref_slice %arg9[%dma_wait3A_469, %dma_wait3A_470] : memref<800x128xf32, #tpu.memory_space<vmem>> -> memref<800x64xf32, #tpu.memory_space<vmem>>
      %dma_wait3A_472 = arith.constant 0 : i32
      %dma_wait3A_473 = tpu.memref_slice %arg6[%add3A_230, %dma_wait3A_472] : memref<51200x64xf32, #tpu.memory_space<hbm>> -> memref<800x64xf32, #tpu.memory_space<hbm>>
      %dma_wait3A_474 = arith.constant 0 : i32
      %dma_wait3A_475 = tpu.memref_slice %arg6[%add3A_230, %dma_wait3A_474] : memref<51200x64xf32, #tpu.memory_space<hbm>> -> memref<800x64xf32, #tpu.memory_space<hbm>>
      %dma_wait3A_476 = arith.constant 0 : i32
      %dma_wait3A_477 = arith.constant 0 : i32
      %dma_wait3A_478 = tpu.memref_slice %arg9[%dma_wait3A_476, %dma_wait3A_477] : memref<800x128xf32, #tpu.memory_space<vmem>> -> memref<800x64xf32, #tpu.memory_space<vmem>>
      tpu.wait_dma2 semaphore(%run_scoped3A : memref<!tpu.dma_semaphore, #tpu.memory_space<semaphore_mem>>) src(%dma_wait3A_478 : memref<800x64xf32, #tpu.memory_space<vmem>>) dst(%dma_wait3A_475 : memref<800x64xf32, #tpu.memory_space<hbm>>)
      tpu.yield
    }) : () -> ()
    %barrier3A = arith.constant 0 : index
    tpu.barrier barrier_id(%barrier3A)
    "tpu.region"() ({
      %run_scoped3A = tpu.sem_alloc : memref<!tpu.dma_semaphore, #tpu.memory_space<semaphore_mem>>
      %dma_start3A_459 = tpu.memref_slice %arg3[%mul3A_2] : memref<51200xi32, #tpu.memory_space<hbm>> -> memref<1600xi32, #tpu.memory_space<hbm>>
      %dma_start3A_460 = tpu.memref_slice %arg3[%mul3A_2] : memref<51200xi32, #tpu.memory_space<hbm>> -> memref<1600xi32, #tpu.memory_space<hbm>>
      tpu.enqueue_dma source(%dma_start3A_460 : memref<1600xi32, #tpu.memory_space<hbm>>) target(%arg8 : memref<1600xi32, #tpu.memory_space<vmem>>) target_semaphore(%run_scoped3A : memref<!tpu.dma_semaphore, #tpu.memory_space<semaphore_mem>>)
      %dma_wait3A_461 = tpu.memref_slice %arg3[%mul3A_2] : memref<51200xi32, #tpu.memory_space<hbm>> -> memref<1600xi32, #tpu.memory_space<hbm>>
      %dma_wait3A_462 = tpu.memref_slice %arg3[%mul3A_2] : memref<51200xi32, #tpu.memory_space<hbm>> -> memref<1600xi32, #tpu.memory_space<hbm>>
      tpu.wait_dma2 semaphore(%run_scoped3A : memref<!tpu.dma_semaphore, #tpu.memory_space<semaphore_mem>>) src(%dma_wait3A_462 : memref<1600xi32, #tpu.memory_space<hbm>>) dst(%arg8 : memref<1600xi32, #tpu.memory_space<vmem>>)
      tpu.yield
    }) : () -> ()
    %dma_start3A_231 = arith.constant 0 : i32
    %dma_start3A_232 = arith.constant 0 : i32
    %dma_start3A_233 = tpu.memref_slice %arg9[%dma_start3A_231, %dma_start3A_232] : memref<800x128xf32, #tpu.memory_space<vmem>> -> memref<128x128xf32, #tpu.memory_space<vmem>>
    %dma_start3A_234 = arith.constant 0 : i32
    %dma_start3A_235 = tpu.memref_slice %arg8[%dma_start3A_234] : memref<1600xi32, #tpu.memory_space<vmem>> -> memref<128xi32, #tpu.memory_space<vmem>>
    %dma_start3A_236 = arith.constant 0 : i32
    %dma_start3A_237 = arith.constant 0 : i32
    %dma_start3A_238 = tpu.memref_slice %arg10[%dma_start3A_236, %dma_start3A_237] : memref<1000x128xf32, #tpu.memory_space<vmem_shared>> -> memref<1000x128xf32, #tpu.memory_space<vmem_shared>>
    tpu.enqueue_indirect_dma source(%dma_start3A_238 : memref<1000x128xf32, #tpu.memory_space<vmem_shared>>) target(%dma_start3A_233 : memref<128x128xf32, #tpu.memory_space<vmem>>) offsets(%dma_start3A_235 : memref<128xi32, #tpu.memory_space<vmem>>) semaphore(%arg11 : memref<!tpu.dma_semaphore, #tpu.memory_space<semaphore_mem>>)
    %dma_start3A_239 = arith.constant 128 : i32
    %dma_start3A_240 = arith.constant 0 : i32
    %dma_start3A_241 = tpu.memref_slice %arg9[%dma_start3A_239, %dma_start3A_240] : memref<800x128xf32, #tpu.memory_space<vmem>> -> memref<128x128xf32, #tpu.memory_space<vmem>>
    %dma_start3A_242 = arith.constant 128 : i32
    %dma_start3A_243 = tpu.memref_slice %arg8[%dma_start3A_242] : memref<1600xi32, #tpu.memory_space<vmem>> -> memref<128xi32, #tpu.memory_space<vmem>>
    %dma_start3A_244 = arith.constant 0 : i32
    %dma_start3A_245 = arith.constant 0 : i32
    %dma_start3A_246 = tpu.memref_slice %arg10[%dma_start3A_244, %dma_start3A_245] : memref<1000x128xf32, #tpu.memory_space<vmem_shared>> -> memref<1000x128xf32, #tpu.memory_space<vmem_shared>>
    tpu.enqueue_indirect_dma source(%dma_start3A_246 : memref<1000x128xf32, #tpu.memory_space<vmem_shared>>) target(%dma_start3A_241 : memref<128x128xf32, #tpu.memory_space<vmem>>) offsets(%dma_start3A_243 : memref<128xi32, #tpu.memory_space<vmem>>) semaphore(%arg11 : memref<!tpu.dma_semaphore, #tpu.memory_space<semaphore_mem>>)
    %dma_start3A_247 = arith.constant 256 : i32
    %dma_start3A_248 = arith.constant 0 : i32
    %dma_start3A_249 = tpu.memref_slice %arg9[%dma_start3A_247, %dma_start3A_248] : memref<800x128xf32, #tpu.memory_space<vmem>> -> memref<128x128xf32, #tpu.memory_space<vmem>>
    %dma_start3A_250 = arith.constant 256 : i32
    %dma_start3A_251 = tpu.memref_slice %arg8[%dma_start3A_250] : memref<1600xi32, #tpu.memory_space<vmem>> -> memref<128xi32, #tpu.memory_space<vmem>>
    %dma_start3A_252 = arith.constant 0 : i32
    %dma_start3A_253 = arith.constant 0 : i32
    %dma_start3A_254 = tpu.memref_slice %arg10[%dma_start3A_252, %dma_start3A_253] : memref<1000x128xf32, #tpu.memory_space<vmem_shared>> -> memref<1000x128xf32, #tpu.memory_space<vmem_shared>>
    tpu.enqueue_indirect_dma source(%dma_start3A_254 : memref<1000x128xf32, #tpu.memory_space<vmem_shared>>) target(%dma_start3A_249 : memref<128x128xf32, #tpu.memory_space<vmem>>) offsets(%dma_start3A_251 : memref<128xi32, #tpu.memory_space<vmem>>) semaphore(%arg11 : memref<!tpu.dma_semaphore, #tpu.memory_space<semaphore_mem>>)
    %dma_start3A_255 = arith.constant 384 : i32
    %dma_start3A_256 = arith.constant 0 : i32
    %dma_start3A_257 = tpu.memref_slice %arg9[%dma_start3A_255, %dma_start3A_256] : memref<800x128xf32, #tpu.memory_space<vmem>> -> memref<128x128xf32, #tpu.memory_space<vmem>>
    %dma_start3A_258 = arith.constant 384 : i32
    %dma_start3A_259 = tpu.memref_slice %arg8[%dma_start3A_258] : memref<1600xi32, #tpu.memory_space<vmem>> -> memref<128xi32, #tpu.memory_space<vmem>>
    %dma_start3A_260 = arith.constant 0 : i32
    %dma_start3A_261 = arith.constant 0 : i32
    %dma_start3A_262 = tpu.memref_slice %arg10[%dma_start3A_260, %dma_start3A_261] : memref<1000x128xf32, #tpu.memory_space<vmem_shared>> -> memref<1000x128xf32, #tpu.memory_space<vmem_shared>>
    tpu.enqueue_indirect_dma source(%dma_start3A_262 : memref<1000x128xf32, #tpu.memory_space<vmem_shared>>) target(%dma_start3A_257 : memref<128x128xf32, #tpu.memory_space<vmem>>) offsets(%dma_start3A_259 : memref<128xi32, #tpu.memory_space<vmem>>) semaphore(%arg11 : memref<!tpu.dma_semaphore, #tpu.memory_space<semaphore_mem>>)
    %dma_start3A_263 = arith.constant 512 : i32
    %dma_start3A_264 = arith.constant 0 : i32
    %dma_start3A_265 = tpu.memref_slice %arg9[%dma_start3A_263, %dma_start3A_264] : memref<800x128xf32, #tpu.memory_space<vmem>> -> memref<128x128xf32, #tpu.memory_space<vmem>>
    %dma_start3A_266 = arith.constant 512 : i32
    %dma_start3A_267 = tpu.memref_slice %arg8[%dma_start3A_266] : memref<1600xi32, #tpu.memory_space<vmem>> -> memref<128xi32, #tpu.memory_space<vmem>>
    %dma_start3A_268 = arith.constant 0 : i32
    %dma_start3A_269 = arith.constant 0 : i32
    %dma_start3A_270 = tpu.memref_slice %arg10[%dma_start3A_268, %dma_start3A_269] : memref<1000x128xf32, #tpu.memory_space<vmem_shared>> -> memref<1000x128xf32, #tpu.memory_space<vmem_shared>>
    tpu.enqueue_indirect_dma source(%dma_start3A_270 : memref<1000x128xf32, #tpu.memory_space<vmem_shared>>) target(%dma_start3A_265 : memref<128x128xf32, #tpu.memory_space<vmem>>) offsets(%dma_start3A_267 : memref<128xi32, #tpu.memory_space<vmem>>) semaphore(%arg11 : memref<!tpu.dma_semaphore, #tpu.memory_space<semaphore_mem>>)
    %dma_start3A_271 = arith.constant 640 : i32
    %dma_start3A_272 = arith.constant 0 : i32
    %dma_start3A_273 = tpu.memref_slice %arg9[%dma_start3A_271, %dma_start3A_272] : memref<800x128xf32, #tpu.memory_space<vmem>> -> memref<128x128xf32, #tpu.memory_space<vmem>>
    %dma_start3A_274 = arith.constant 640 : i32
    %dma_start3A_275 = tpu.memref_slice %arg8[%dma_start3A_274] : memref<1600xi32, #tpu.memory_space<vmem>> -> memref<128xi32, #tpu.memory_space<vmem>>
    %dma_start3A_276 = arith.constant 0 : i32
    %dma_start3A_277 = arith.constant 0 : i32
    %dma_start3A_278 = tpu.memref_slice %arg10[%dma_start3A_276, %dma_start3A_277] : memref<1000x128xf32, #tpu.memory_space<vmem_shared>> -> memref<1000x128xf32, #tpu.memory_space<vmem_shared>>
    tpu.enqueue_indirect_dma source(%dma_start3A_278 : memref<1000x128xf32, #tpu.memory_space<vmem_shared>>) target(%dma_start3A_273 : memref<128x128xf32, #tpu.memory_space<vmem>>) offsets(%dma_start3A_275 : memref<128xi32, #tpu.memory_space<vmem>>) semaphore(%arg11 : memref<!tpu.dma_semaphore, #tpu.memory_space<semaphore_mem>>)
    %dma_start3A_279 = arith.constant 768 : i32
    %dma_start3A_280 = arith.constant 0 : i32
    %dma_start3A_281 = tpu.memref_slice %arg9[%dma_start3A_279, %dma_start3A_280] : memref<800x128xf32, #tpu.memory_space<vmem>> -> memref<32x128xf32, #tpu.memory_space<vmem>>
    %dma_start3A_282 = arith.constant 768 : i32
    %dma_start3A_283 = tpu.memref_slice %arg8[%dma_start3A_282] : memref<1600xi32, #tpu.memory_space<vmem>> -> memref<32xi32, #tpu.memory_space<vmem>>
    %dma_start3A_284 = arith.constant 0 : i32
    %dma_start3A_285 = arith.constant 0 : i32
    %dma_start3A_286 = tpu.memref_slice %arg10[%dma_start3A_284, %dma_start3A_285] : memref<1000x128xf32, #tpu.memory_space<vmem_shared>> -> memref<1000x128xf32, #tpu.memory_space<vmem_shared>>
    tpu.enqueue_indirect_dma source(%dma_start3A_286 : memref<1000x128xf32, #tpu.memory_space<vmem_shared>>) target(%dma_start3A_281 : memref<32x128xf32, #tpu.memory_space<vmem>>) offsets(%dma_start3A_283 : memref<32xi32, #tpu.memory_space<vmem>>) semaphore(%arg11 : memref<!tpu.dma_semaphore, #tpu.memory_space<semaphore_mem>>)
    %dma_wait3A_287 = arith.constant 0 : i32
    %dma_wait3A_288 = arith.constant 0 : i32
    %dma_wait3A_289 = tpu.memref_slice %arg9[%dma_wait3A_287, %dma_wait3A_288] : memref<800x128xf32, #tpu.memory_space<vmem>> -> memref<128x128xf32, #tpu.memory_space<vmem>>
    %dma_wait3A_290 = arith.constant 0 : i32
    %dma_wait3A_291 = tpu.memref_slice %arg8[%dma_wait3A_290] : memref<1600xi32, #tpu.memory_space<vmem>> -> memref<128xi32, #tpu.memory_space<vmem>>
    %dma_wait3A_292 = arith.constant 0 : i32
    %dma_wait3A_293 = arith.constant 0 : i32
    %dma_wait3A_294 = tpu.memref_slice %arg10[%dma_wait3A_292, %dma_wait3A_293] : memref<1000x128xf32, #tpu.memory_space<vmem_shared>> -> memref<1000x128xf32, #tpu.memory_space<vmem_shared>>
    tpu.wait_indirect_dma semaphore(%arg11 : memref<!tpu.dma_semaphore, #tpu.memory_space<semaphore_mem>>) src(%dma_wait3A_294 : memref<1000x128xf32, #tpu.memory_space<vmem_shared>>) dst(%dma_wait3A_289 : memref<128x128xf32, #tpu.memory_space<vmem>>)
    %dma_wait3A_295 = arith.constant 128 : i32
    %dma_wait3A_296 = arith.constant 0 : i32
    %dma_wait3A_297 = tpu.memref_slice %arg9[%dma_wait3A_295, %dma_wait3A_296] : memref<800x128xf32, #tpu.memory_space<vmem>> -> memref<128x128xf32, #tpu.memory_space<vmem>>
    %dma_wait3A_298 = arith.constant 128 : i32
    %dma_wait3A_299 = tpu.memref_slice %arg8[%dma_wait3A_298] : memref<1600xi32, #tpu.memory_space<vmem>> -> memref<128xi32, #tpu.memory_space<vmem>>
    %dma_wait3A_300 = arith.constant 0 : i32
    %dma_wait3A_301 = arith.constant 0 : i32
    %dma_wait3A_302 = tpu.memref_slice %arg10[%dma_wait3A_300, %dma_wait3A_301] : memref<1000x128xf32, #tpu.memory_space<vmem_shared>> -> memref<1000x128xf32, #tpu.memory_space<vmem_shared>>
    tpu.wait_indirect_dma semaphore(%arg11 : memref<!tpu.dma_semaphore, #tpu.memory_space<semaphore_mem>>) src(%dma_wait3A_302 : memref<1000x128xf32, #tpu.memory_space<vmem_shared>>) dst(%dma_wait3A_297 : memref<128x128xf32, #tpu.memory_space<vmem>>)
    %dma_wait3A_303 = arith.constant 256 : i32
    %dma_wait3A_304 = arith.constant 0 : i32
    %dma_wait3A_305 = tpu.memref_slice %arg9[%dma_wait3A_303, %dma_wait3A_304] : memref<800x128xf32, #tpu.memory_space<vmem>> -> memref<128x128xf32, #tpu.memory_space<vmem>>
    %dma_wait3A_306 = arith.constant 256 : i32
    %dma_wait3A_307 = tpu.memref_slice %arg8[%dma_wait3A_306] : memref<1600xi32, #tpu.memory_space<vmem>> -> memref<128xi32, #tpu.memory_space<vmem>>
    %dma_wait3A_308 = arith.constant 0 : i32
    %dma_wait3A_309 = arith.constant 0 : i32
    %dma_wait3A_310 = tpu.memref_slice %arg10[%dma_wait3A_308, %dma_wait3A_309] : memref<1000x128xf32, #tpu.memory_space<vmem_shared>> -> memref<1000x128xf32, #tpu.memory_space<vmem_shared>>
    tpu.wait_indirect_dma semaphore(%arg11 : memref<!tpu.dma_semaphore, #tpu.memory_space<semaphore_mem>>) src(%dma_wait3A_310 : memref<1000x128xf32, #tpu.memory_space<vmem_shared>>) dst(%dma_wait3A_305 : memref<128x128xf32, #tpu.memory_space<vmem>>)
    %dma_wait3A_311 = arith.constant 384 : i32
    %dma_wait3A_312 = arith.constant 0 : i32
    %dma_wait3A_313 = tpu.memref_slice %arg9[%dma_wait3A_311, %dma_wait3A_312] : memref<800x128xf32, #tpu.memory_space<vmem>> -> memref<128x128xf32, #tpu.memory_space<vmem>>
    %dma_wait3A_314 = arith.constant 384 : i32
    %dma_wait3A_315 = tpu.memref_slice %arg8[%dma_wait3A_314] : memref<1600xi32, #tpu.memory_space<vmem>> -> memref<128xi32, #tpu.memory_space<vmem>>
    %dma_wait3A_316 = arith.constant 0 : i32
    %dma_wait3A_317 = arith.constant 0 : i32
    %dma_wait3A_318 = tpu.memref_slice %arg10[%dma_wait3A_316, %dma_wait3A_317] : memref<1000x128xf32, #tpu.memory_space<vmem_shared>> -> memref<1000x128xf32, #tpu.memory_space<vmem_shared>>
    tpu.wait_indirect_dma semaphore(%arg11 : memref<!tpu.dma_semaphore, #tpu.memory_space<semaphore_mem>>) src(%dma_wait3A_318 : memref<1000x128xf32, #tpu.memory_space<vmem_shared>>) dst(%dma_wait3A_313 : memref<128x128xf32, #tpu.memory_space<vmem>>)
    %dma_wait3A_319 = arith.constant 512 : i32
    %dma_wait3A_320 = arith.constant 0 : i32
    %dma_wait3A_321 = tpu.memref_slice %arg9[%dma_wait3A_319, %dma_wait3A_320] : memref<800x128xf32, #tpu.memory_space<vmem>> -> memref<128x128xf32, #tpu.memory_space<vmem>>
    %dma_wait3A_322 = arith.constant 512 : i32
    %dma_wait3A_323 = tpu.memref_slice %arg8[%dma_wait3A_322] : memref<1600xi32, #tpu.memory_space<vmem>> -> memref<128xi32, #tpu.memory_space<vmem>>
    %dma_wait3A_324 = arith.constant 0 : i32
    %dma_wait3A_325 = arith.constant 0 : i32
    %dma_wait3A_326 = tpu.memref_slice %arg10[%dma_wait3A_324, %dma_wait3A_325] : memref<1000x128xf32, #tpu.memory_space<vmem_shared>> -> memref<1000x128xf32, #tpu.memory_space<vmem_shared>>
    tpu.wait_indirect_dma semaphore(%arg11 : memref<!tpu.dma_semaphore, #tpu.memory_space<semaphore_mem>>) src(%dma_wait3A_326 : memref<1000x128xf32, #tpu.memory_space<vmem_shared>>) dst(%dma_wait3A_321 : memref<128x128xf32, #tpu.memory_space<vmem>>)
    %dma_wait3A_327 = arith.constant 640 : i32
    %dma_wait3A_328 = arith.constant 0 : i32
    %dma_wait3A_329 = tpu.memref_slice %arg9[%dma_wait3A_327, %dma_wait3A_328] : memref<800x128xf32, #tpu.memory_space<vmem>> -> memref<128x128xf32, #tpu.memory_space<vmem>>
    %dma_wait3A_330 = arith.constant 640 : i32
    %dma_wait3A_331 = tpu.memref_slice %arg8[%dma_wait3A_330] : memref<1600xi32, #tpu.memory_space<vmem>> -> memref<128xi32, #tpu.memory_space<vmem>>
    %dma_wait3A_332 = arith.constant 0 : i32
    %dma_wait3A_333 = arith.constant 0 : i32
    %dma_wait3A_334 = tpu.memref_slice %arg10[%dma_wait3A_332, %dma_wait3A_333] : memref<1000x128xf32, #tpu.memory_space<vmem_shared>> -> memref<1000x128xf32, #tpu.memory_space<vmem_shared>>
    tpu.wait_indirect_dma semaphore(%arg11 : memref<!tpu.dma_semaphore, #tpu.memory_space<semaphore_mem>>) src(%dma_wait3A_334 : memref<1000x128xf32, #tpu.memory_space<vmem_shared>>) dst(%dma_wait3A_329 : memref<128x128xf32, #tpu.memory_space<vmem>>)
    %dma_wait3A_335 = arith.constant 768 : i32
    %dma_wait3A_336 = arith.constant 0 : i32
    %dma_wait3A_337 = tpu.memref_slice %arg9[%dma_wait3A_335, %dma_wait3A_336] : memref<800x128xf32, #tpu.memory_space<vmem>> -> memref<32x128xf32, #tpu.memory_space<vmem>>
    %dma_wait3A_338 = arith.constant 768 : i32
    %dma_wait3A_339 = tpu.memref_slice %arg8[%dma_wait3A_338] : memref<1600xi32, #tpu.memory_space<vmem>> -> memref<32xi32, #tpu.memory_space<vmem>>
    %dma_wait3A_340 = arith.constant 0 : i32
    %dma_wait3A_341 = arith.constant 0 : i32
    %dma_wait3A_342 = tpu.memref_slice %arg10[%dma_wait3A_340, %dma_wait3A_341] : memref<1000x128xf32, #tpu.memory_space<vmem_shared>> -> memref<1000x128xf32, #tpu.memory_space<vmem_shared>>
    tpu.wait_indirect_dma semaphore(%arg11 : memref<!tpu.dma_semaphore, #tpu.memory_space<semaphore_mem>>) src(%dma_wait3A_342 : memref<1000x128xf32, #tpu.memory_space<vmem_shared>>) dst(%dma_wait3A_337 : memref<32x128xf32, #tpu.memory_space<vmem>>)
    %add3A_343 = arith.constant 0 : i32
    %add3A_344 = arith.addi %mul3A_2, %add3A_343 : i32
    "tpu.region"() ({
      %run_scoped3A = tpu.sem_alloc : memref<!tpu.dma_semaphore, #tpu.memory_space<semaphore_mem>>
      %dma_start3A_459 = arith.constant 0 : i32
      %dma_start3A_460 = arith.constant 0 : i32
      %dma_start3A_461 = tpu.memref_slice %arg9[%dma_start3A_459, %dma_start3A_460] : memref<800x128xf32, #tpu.memory_space<vmem>> -> memref<800x64xf32, #tpu.memory_space<vmem>>
      %dma_start3A_462 = arith.constant 0 : i32
      %dma_start3A_463 = tpu.memref_slice %arg7[%add3A_344, %dma_start3A_462] : memref<51200x64xf32, #tpu.memory_space<hbm>> -> memref<800x64xf32, #tpu.memory_space<hbm>>
      %dma_start3A_464 = arith.constant 0 : i32
      %dma_start3A_465 = tpu.memref_slice %arg7[%add3A_344, %dma_start3A_464] : memref<51200x64xf32, #tpu.memory_space<hbm>> -> memref<800x64xf32, #tpu.memory_space<hbm>>
      %dma_start3A_466 = arith.constant 0 : i32
      %dma_start3A_467 = arith.constant 0 : i32
      %dma_start3A_468 = tpu.memref_slice %arg9[%dma_start3A_466, %dma_start3A_467] : memref<800x128xf32, #tpu.memory_space<vmem>> -> memref<800x64xf32, #tpu.memory_space<vmem>>
      tpu.enqueue_dma source(%dma_start3A_468 : memref<800x64xf32, #tpu.memory_space<vmem>>) target(%dma_start3A_465 : memref<800x64xf32, #tpu.memory_space<hbm>>) target_semaphore(%run_scoped3A : memref<!tpu.dma_semaphore, #tpu.memory_space<semaphore_mem>>)
      %dma_wait3A_469 = arith.constant 0 : i32
      %dma_wait3A_470 = arith.constant 0 : i32
      %dma_wait3A_471 = tpu.memref_slice %arg9[%dma_wait3A_469, %dma_wait3A_470] : memref<800x128xf32, #tpu.memory_space<vmem>> -> memref<800x64xf32, #tpu.memory_space<vmem>>
      %dma_wait3A_472 = arith.constant 0 : i32
      %dma_wait3A_473 = tpu.memref_slice %arg7[%add3A_344, %dma_wait3A_472] : memref<51200x64xf32, #tpu.memory_space<hbm>> -> memref<800x64xf32, #tpu.memory_space<hbm>>
      %dma_wait3A_474 = arith.constant 0 : i32
      %dma_wait3A_475 = tpu.memref_slice %arg7[%add3A_344, %dma_wait3A_474] : memref<51200x64xf32, #tpu.memory_space<hbm>> -> memref<800x64xf32, #tpu.memory_space<hbm>>
      %dma_wait3A_476 = arith.constant 0 : i32
      %dma_wait3A_477 = arith.constant 0 : i32
      %dma_wait3A_478 = tpu.memref_slice %arg9[%dma_wait3A_476, %dma_wait3A_477] : memref<800x128xf32, #tpu.memory_space<vmem>> -> memref<800x64xf32, #tpu.memory_space<vmem>>
      tpu.wait_dma2 semaphore(%run_scoped3A : memref<!tpu.dma_semaphore, #tpu.memory_space<semaphore_mem>>) src(%dma_wait3A_478 : memref<800x64xf32, #tpu.memory_space<vmem>>) dst(%dma_wait3A_475 : memref<800x64xf32, #tpu.memory_space<hbm>>)
      tpu.yield
    }) : () -> ()
    %dma_start3A_345 = arith.constant 0 : i32
    %dma_start3A_346 = arith.constant 0 : i32
    %dma_start3A_347 = tpu.memref_slice %arg9[%dma_start3A_345, %dma_start3A_346] : memref<800x128xf32, #tpu.memory_space<vmem>> -> memref<128x128xf32, #tpu.memory_space<vmem>>
    %dma_start3A_348 = arith.constant 800 : i32
    %dma_start3A_349 = tpu.memref_slice %arg8[%dma_start3A_348] : memref<1600xi32, #tpu.memory_space<vmem>> -> memref<128xi32, #tpu.memory_space<vmem>>
    %dma_start3A_350 = arith.constant 0 : i32
    %dma_start3A_351 = arith.constant 0 : i32
    %dma_start3A_352 = tpu.memref_slice %arg10[%dma_start3A_350, %dma_start3A_351] : memref<1000x128xf32, #tpu.memory_space<vmem_shared>> -> memref<1000x128xf32, #tpu.memory_space<vmem_shared>>
    tpu.enqueue_indirect_dma source(%dma_start3A_352 : memref<1000x128xf32, #tpu.memory_space<vmem_shared>>) target(%dma_start3A_347 : memref<128x128xf32, #tpu.memory_space<vmem>>) offsets(%dma_start3A_349 : memref<128xi32, #tpu.memory_space<vmem>>) semaphore(%arg11 : memref<!tpu.dma_semaphore, #tpu.memory_space<semaphore_mem>>)
    %dma_start3A_353 = arith.constant 128 : i32
    %dma_start3A_354 = arith.constant 0 : i32
    %dma_start3A_355 = tpu.memref_slice %arg9[%dma_start3A_353, %dma_start3A_354] : memref<800x128xf32, #tpu.memory_space<vmem>> -> memref<128x128xf32, #tpu.memory_space<vmem>>
    %dma_start3A_356 = arith.constant 928 : i32
    %dma_start3A_357 = tpu.memref_slice %arg8[%dma_start3A_356] : memref<1600xi32, #tpu.memory_space<vmem>> -> memref<128xi32, #tpu.memory_space<vmem>>
    %dma_start3A_358 = arith.constant 0 : i32
    %dma_start3A_359 = arith.constant 0 : i32
    %dma_start3A_360 = tpu.memref_slice %arg10[%dma_start3A_358, %dma_start3A_359] : memref<1000x128xf32, #tpu.memory_space<vmem_shared>> -> memref<1000x128xf32, #tpu.memory_space<vmem_shared>>
    tpu.enqueue_indirect_dma source(%dma_start3A_360 : memref<1000x128xf32, #tpu.memory_space<vmem_shared>>) target(%dma_start3A_355 : memref<128x128xf32, #tpu.memory_space<vmem>>) offsets(%dma_start3A_357 : memref<128xi32, #tpu.memory_space<vmem>>) semaphore(%arg11 : memref<!tpu.dma_semaphore, #tpu.memory_space<semaphore_mem>>)
    %dma_start3A_361 = arith.constant 256 : i32
    %dma_start3A_362 = arith.constant 0 : i32
    %dma_start3A_363 = tpu.memref_slice %arg9[%dma_start3A_361, %dma_start3A_362] : memref<800x128xf32, #tpu.memory_space<vmem>> -> memref<128x128xf32, #tpu.memory_space<vmem>>
    %dma_start3A_364 = arith.constant 1056 : i32
    %dma_start3A_365 = tpu.memref_slice %arg8[%dma_start3A_364] : memref<1600xi32, #tpu.memory_space<vmem>> -> memref<128xi32, #tpu.memory_space<vmem>>
    %dma_start3A_366 = arith.constant 0 : i32
    %dma_start3A_367 = arith.constant 0 : i32
    %dma_start3A_368 = tpu.memref_slice %arg10[%dma_start3A_366, %dma_start3A_367] : memref<1000x128xf32, #tpu.memory_space<vmem_shared>> -> memref<1000x128xf32, #tpu.memory_space<vmem_shared>>
    tpu.enqueue_indirect_dma source(%dma_start3A_368 : memref<1000x128xf32, #tpu.memory_space<vmem_shared>>) target(%dma_start3A_363 : memref<128x128xf32, #tpu.memory_space<vmem>>) offsets(%dma_start3A_365 : memref<128xi32, #tpu.memory_space<vmem>>) semaphore(%arg11 : memref<!tpu.dma_semaphore, #tpu.memory_space<semaphore_mem>>)
    %dma_start3A_369 = arith.constant 384 : i32
    %dma_start3A_370 = arith.constant 0 : i32
    %dma_start3A_371 = tpu.memref_slice %arg9[%dma_start3A_369, %dma_start3A_370] : memref<800x128xf32, #tpu.memory_space<vmem>> -> memref<128x128xf32, #tpu.memory_space<vmem>>
    %dma_start3A_372 = arith.constant 1184 : i32
    %dma_start3A_373 = tpu.memref_slice %arg8[%dma_start3A_372] : memref<1600xi32, #tpu.memory_space<vmem>> -> memref<128xi32, #tpu.memory_space<vmem>>
    %dma_start3A_374 = arith.constant 0 : i32
    %dma_start3A_375 = arith.constant 0 : i32
    %dma_start3A_376 = tpu.memref_slice %arg10[%dma_start3A_374, %dma_start3A_375] : memref<1000x128xf32, #tpu.memory_space<vmem_shared>> -> memref<1000x128xf32, #tpu.memory_space<vmem_shared>>
    tpu.enqueue_indirect_dma source(%dma_start3A_376 : memref<1000x128xf32, #tpu.memory_space<vmem_shared>>) target(%dma_start3A_371 : memref<128x128xf32, #tpu.memory_space<vmem>>) offsets(%dma_start3A_373 : memref<128xi32, #tpu.memory_space<vmem>>) semaphore(%arg11 : memref<!tpu.dma_semaphore, #tpu.memory_space<semaphore_mem>>)
    %dma_start3A_377 = arith.constant 512 : i32
    %dma_start3A_378 = arith.constant 0 : i32
    %dma_start3A_379 = tpu.memref_slice %arg9[%dma_start3A_377, %dma_start3A_378] : memref<800x128xf32, #tpu.memory_space<vmem>> -> memref<128x128xf32, #tpu.memory_space<vmem>>
    %dma_start3A_380 = arith.constant 1312 : i32
    %dma_start3A_381 = tpu.memref_slice %arg8[%dma_start3A_380] : memref<1600xi32, #tpu.memory_space<vmem>> -> memref<128xi32, #tpu.memory_space<vmem>>
    %dma_start3A_382 = arith.constant 0 : i32
    %dma_start3A_383 = arith.constant 0 : i32
    %dma_start3A_384 = tpu.memref_slice %arg10[%dma_start3A_382, %dma_start3A_383] : memref<1000x128xf32, #tpu.memory_space<vmem_shared>> -> memref<1000x128xf32, #tpu.memory_space<vmem_shared>>
    tpu.enqueue_indirect_dma source(%dma_start3A_384 : memref<1000x128xf32, #tpu.memory_space<vmem_shared>>) target(%dma_start3A_379 : memref<128x128xf32, #tpu.memory_space<vmem>>) offsets(%dma_start3A_381 : memref<128xi32, #tpu.memory_space<vmem>>) semaphore(%arg11 : memref<!tpu.dma_semaphore, #tpu.memory_space<semaphore_mem>>)
    %dma_start3A_385 = arith.constant 640 : i32
    %dma_start3A_386 = arith.constant 0 : i32
    %dma_start3A_387 = tpu.memref_slice %arg9[%dma_start3A_385, %dma_start3A_386] : memref<800x128xf32, #tpu.memory_space<vmem>> -> memref<128x128xf32, #tpu.memory_space<vmem>>
    %dma_start3A_388 = arith.constant 1440 : i32
    %dma_start3A_389 = tpu.memref_slice %arg8[%dma_start3A_388] : memref<1600xi32, #tpu.memory_space<vmem>> -> memref<128xi32, #tpu.memory_space<vmem>>
    %dma_start3A_390 = arith.constant 0 : i32
    %dma_start3A_391 = arith.constant 0 : i32
    %dma_start3A_392 = tpu.memref_slice %arg10[%dma_start3A_390, %dma_start3A_391] : memref<1000x128xf32, #tpu.memory_space<vmem_shared>> -> memref<1000x128xf32, #tpu.memory_space<vmem_shared>>
    tpu.enqueue_indirect_dma source(%dma_start3A_392 : memref<1000x128xf32, #tpu.memory_space<vmem_shared>>) target(%dma_start3A_387 : memref<128x128xf32, #tpu.memory_space<vmem>>) offsets(%dma_start3A_389 : memref<128xi32, #tpu.memory_space<vmem>>) semaphore(%arg11 : memref<!tpu.dma_semaphore, #tpu.memory_space<semaphore_mem>>)
    %dma_start3A_393 = arith.constant 768 : i32
    %dma_start3A_394 = arith.constant 0 : i32
    %dma_start3A_395 = tpu.memref_slice %arg9[%dma_start3A_393, %dma_start3A_394] : memref<800x128xf32, #tpu.memory_space<vmem>> -> memref<32x128xf32, #tpu.memory_space<vmem>>
    %dma_start3A_396 = arith.constant 1568 : i32
    %dma_start3A_397 = tpu.memref_slice %arg8[%dma_start3A_396] : memref<1600xi32, #tpu.memory_space<vmem>> -> memref<32xi32, #tpu.memory_space<vmem>>
    %dma_start3A_398 = arith.constant 0 : i32
    %dma_start3A_399 = arith.constant 0 : i32
    %dma_start3A_400 = tpu.memref_slice %arg10[%dma_start3A_398, %dma_start3A_399] : memref<1000x128xf32, #tpu.memory_space<vmem_shared>> -> memref<1000x128xf32, #tpu.memory_space<vmem_shared>>
    tpu.enqueue_indirect_dma source(%dma_start3A_400 : memref<1000x128xf32, #tpu.memory_space<vmem_shared>>) target(%dma_start3A_395 : memref<32x128xf32, #tpu.memory_space<vmem>>) offsets(%dma_start3A_397 : memref<32xi32, #tpu.memory_space<vmem>>) semaphore(%arg11 : memref<!tpu.dma_semaphore, #tpu.memory_space<semaphore_mem>>)
    %dma_wait3A_401 = arith.constant 0 : i32
    %dma_wait3A_402 = arith.constant 0 : i32
    %dma_wait3A_403 = tpu.memref_slice %arg9[%dma_wait3A_401, %dma_wait3A_402] : memref<800x128xf32, #tpu.memory_space<vmem>> -> memref<128x128xf32, #tpu.memory_space<vmem>>
    %dma_wait3A_404 = arith.constant 800 : i32
    %dma_wait3A_405 = tpu.memref_slice %arg8[%dma_wait3A_404] : memref<1600xi32, #tpu.memory_space<vmem>> -> memref<128xi32, #tpu.memory_space<vmem>>
    %dma_wait3A_406 = arith.constant 0 : i32
    %dma_wait3A_407 = arith.constant 0 : i32
    %dma_wait3A_408 = tpu.memref_slice %arg10[%dma_wait3A_406, %dma_wait3A_407] : memref<1000x128xf32, #tpu.memory_space<vmem_shared>> -> memref<1000x128xf32, #tpu.memory_space<vmem_shared>>
    tpu.wait_indirect_dma semaphore(%arg11 : memref<!tpu.dma_semaphore, #tpu.memory_space<semaphore_mem>>) src(%dma_wait3A_408 : memref<1000x128xf32, #tpu.memory_space<vmem_shared>>) dst(%dma_wait3A_403 : memref<128x128xf32, #tpu.memory_space<vmem>>)
    %dma_wait3A_409 = arith.constant 128 : i32
    %dma_wait3A_410 = arith.constant 0 : i32
    %dma_wait3A_411 = tpu.memref_slice %arg9[%dma_wait3A_409, %dma_wait3A_410] : memref<800x128xf32, #tpu.memory_space<vmem>> -> memref<128x128xf32, #tpu.memory_space<vmem>>
    %dma_wait3A_412 = arith.constant 928 : i32
    %dma_wait3A_413 = tpu.memref_slice %arg8[%dma_wait3A_412] : memref<1600xi32, #tpu.memory_space<vmem>> -> memref<128xi32, #tpu.memory_space<vmem>>
    %dma_wait3A_414 = arith.constant 0 : i32
    %dma_wait3A_415 = arith.constant 0 : i32
    %dma_wait3A_416 = tpu.memref_slice %arg10[%dma_wait3A_414, %dma_wait3A_415] : memref<1000x128xf32, #tpu.memory_space<vmem_shared>> -> memref<1000x128xf32, #tpu.memory_space<vmem_shared>>
    tpu.wait_indirect_dma semaphore(%arg11 : memref<!tpu.dma_semaphore, #tpu.memory_space<semaphore_mem>>) src(%dma_wait3A_416 : memref<1000x128xf32, #tpu.memory_space<vmem_shared>>) dst(%dma_wait3A_411 : memref<128x128xf32, #tpu.memory_space<vmem>>)
    %dma_wait3A_417 = arith.constant 256 : i32
    %dma_wait3A_418 = arith.constant 0 : i32
    %dma_wait3A_419 = tpu.memref_slice %arg9[%dma_wait3A_417, %dma_wait3A_418] : memref<800x128xf32, #tpu.memory_space<vmem>> -> memref<128x128xf32, #tpu.memory_space<vmem>>
    %dma_wait3A_420 = arith.constant 1056 : i32
    %dma_wait3A_421 = tpu.memref_slice %arg8[%dma_wait3A_420] : memref<1600xi32, #tpu.memory_space<vmem>> -> memref<128xi32, #tpu.memory_space<vmem>>
    %dma_wait3A_422 = arith.constant 0 : i32
    %dma_wait3A_423 = arith.constant 0 : i32
    %dma_wait3A_424 = tpu.memref_slice %arg10[%dma_wait3A_422, %dma_wait3A_423] : memref<1000x128xf32, #tpu.memory_space<vmem_shared>> -> memref<1000x128xf32, #tpu.memory_space<vmem_shared>>
    tpu.wait_indirect_dma semaphore(%arg11 : memref<!tpu.dma_semaphore, #tpu.memory_space<semaphore_mem>>) src(%dma_wait3A_424 : memref<1000x128xf32, #tpu.memory_space<vmem_shared>>) dst(%dma_wait3A_419 : memref<128x128xf32, #tpu.memory_space<vmem>>)
    %dma_wait3A_425 = arith.constant 384 : i32
    %dma_wait3A_426 = arith.constant 0 : i32
    %dma_wait3A_427 = tpu.memref_slice %arg9[%dma_wait3A_425, %dma_wait3A_426] : memref<800x128xf32, #tpu.memory_space<vmem>> -> memref<128x128xf32, #tpu.memory_space<vmem>>
    %dma_wait3A_428 = arith.constant 1184 : i32
    %dma_wait3A_429 = tpu.memref_slice %arg8[%dma_wait3A_428] : memref<1600xi32, #tpu.memory_space<vmem>> -> memref<128xi32, #tpu.memory_space<vmem>>
    %dma_wait3A_430 = arith.constant 0 : i32
    %dma_wait3A_431 = arith.constant 0 : i32
    %dma_wait3A_432 = tpu.memref_slice %arg10[%dma_wait3A_430, %dma_wait3A_431] : memref<1000x128xf32, #tpu.memory_space<vmem_shared>> -> memref<1000x128xf32, #tpu.memory_space<vmem_shared>>
    tpu.wait_indirect_dma semaphore(%arg11 : memref<!tpu.dma_semaphore, #tpu.memory_space<semaphore_mem>>) src(%dma_wait3A_432 : memref<1000x128xf32, #tpu.memory_space<vmem_shared>>) dst(%dma_wait3A_427 : memref<128x128xf32, #tpu.memory_space<vmem>>)
    %dma_wait3A_433 = arith.constant 512 : i32
    %dma_wait3A_434 = arith.constant 0 : i32
    %dma_wait3A_435 = tpu.memref_slice %arg9[%dma_wait3A_433, %dma_wait3A_434] : memref<800x128xf32, #tpu.memory_space<vmem>> -> memref<128x128xf32, #tpu.memory_space<vmem>>
    %dma_wait3A_436 = arith.constant 1312 : i32
    %dma_wait3A_437 = tpu.memref_slice %arg8[%dma_wait3A_436] : memref<1600xi32, #tpu.memory_space<vmem>> -> memref<128xi32, #tpu.memory_space<vmem>>
    %dma_wait3A_438 = arith.constant 0 : i32
    %dma_wait3A_439 = arith.constant 0 : i32
    %dma_wait3A_440 = tpu.memref_slice %arg10[%dma_wait3A_438, %dma_wait3A_439] : memref<1000x128xf32, #tpu.memory_space<vmem_shared>> -> memref<1000x128xf32, #tpu.memory_space<vmem_shared>>
    tpu.wait_indirect_dma semaphore(%arg11 : memref<!tpu.dma_semaphore, #tpu.memory_space<semaphore_mem>>) src(%dma_wait3A_440 : memref<1000x128xf32, #tpu.memory_space<vmem_shared>>) dst(%dma_wait3A_435 : memref<128x128xf32, #tpu.memory_space<vmem>>)
    %dma_wait3A_441 = arith.constant 640 : i32
    %dma_wait3A_442 = arith.constant 0 : i32
    %dma_wait3A_443 = tpu.memref_slice %arg9[%dma_wait3A_441, %dma_wait3A_442] : memref<800x128xf32, #tpu.memory_space<vmem>> -> memref<128x128xf32, #tpu.memory_space<vmem>>
    %dma_wait3A_444 = arith.constant 1440 : i32
    %dma_wait3A_445 = tpu.memref_slice %arg8[%dma_wait3A_444] : memref<1600xi32, #tpu.memory_space<vmem>> -> memref<128xi32, #tpu.memory_space<vmem>>
    %dma_wait3A_446 = arith.constant 0 : i32
    %dma_wait3A_447 = arith.constant 0 : i32
    %dma_wait3A_448 = tpu.memref_slice %arg10[%dma_wait3A_446, %dma_wait3A_447] : memref<1000x128xf32, #tpu.memory_space<vmem_shared>> -> memref<1000x128xf32, #tpu.memory_space<vmem_shared>>
    tpu.wait_indirect_dma semaphore(%arg11 : memref<!tpu.dma_semaphore, #tpu.memory_space<semaphore_mem>>) src(%dma_wait3A_448 : memref<1000x128xf32, #tpu.memory_space<vmem_shared>>) dst(%dma_wait3A_443 : memref<128x128xf32, #tpu.memory_space<vmem>>)
    %dma_wait3A_449 = arith.constant 768 : i32
    %dma_wait3A_450 = arith.constant 0 : i32
    %dma_wait3A_451 = tpu.memref_slice %arg9[%dma_wait3A_449, %dma_wait3A_450] : memref<800x128xf32, #tpu.memory_space<vmem>> -> memref<32x128xf32, #tpu.memory_space<vmem>>
    %dma_wait3A_452 = arith.constant 1568 : i32
    %dma_wait3A_453 = tpu.memref_slice %arg8[%dma_wait3A_452] : memref<1600xi32, #tpu.memory_space<vmem>> -> memref<32xi32, #tpu.memory_space<vmem>>
    %dma_wait3A_454 = arith.constant 0 : i32
    %dma_wait3A_455 = arith.constant 0 : i32
    %dma_wait3A_456 = tpu.memref_slice %arg10[%dma_wait3A_454, %dma_wait3A_455] : memref<1000x128xf32, #tpu.memory_space<vmem_shared>> -> memref<1000x128xf32, #tpu.memory_space<vmem_shared>>
    tpu.wait_indirect_dma semaphore(%arg11 : memref<!tpu.dma_semaphore, #tpu.memory_space<semaphore_mem>>) src(%dma_wait3A_456 : memref<1000x128xf32, #tpu.memory_space<vmem_shared>>) dst(%dma_wait3A_451 : memref<32x128xf32, #tpu.memory_space<vmem>>)
    %add3A_457 = arith.constant 800 : i32
    %add3A_458 = arith.addi %mul3A_2, %add3A_457 : i32
    "tpu.region"() ({
      %run_scoped3A = tpu.sem_alloc : memref<!tpu.dma_semaphore, #tpu.memory_space<semaphore_mem>>
      %dma_start3A_459 = arith.constant 0 : i32
      %dma_start3A_460 = arith.constant 0 : i32
      %dma_start3A_461 = tpu.memref_slice %arg9[%dma_start3A_459, %dma_start3A_460] : memref<800x128xf32, #tpu.memory_space<vmem>> -> memref<800x64xf32, #tpu.memory_space<vmem>>
      %dma_start3A_462 = arith.constant 0 : i32
      %dma_start3A_463 = tpu.memref_slice %arg7[%add3A_458, %dma_start3A_462] : memref<51200x64xf32, #tpu.memory_space<hbm>> -> memref<800x64xf32, #tpu.memory_space<hbm>>
      %dma_start3A_464 = arith.constant 0 : i32
      %dma_start3A_465 = tpu.memref_slice %arg7[%add3A_458, %dma_start3A_464] : memref<51200x64xf32, #tpu.memory_space<hbm>> -> memref<800x64xf32, #tpu.memory_space<hbm>>
      %dma_start3A_466 = arith.constant 0 : i32
      %dma_start3A_467 = arith.constant 0 : i32
      %dma_start3A_468 = tpu.memref_slice %arg9[%dma_start3A_466, %dma_start3A_467] : memref<800x128xf32, #tpu.memory_space<vmem>> -> memref<800x64xf32, #tpu.memory_space<vmem>>
      tpu.enqueue_dma source(%dma_start3A_468 : memref<800x64xf32, #tpu.memory_space<vmem>>) target(%dma_start3A_465 : memref<800x64xf32, #tpu.memory_space<hbm>>) target_semaphore(%run_scoped3A : memref<!tpu.dma_semaphore, #tpu.memory_space<semaphore_mem>>)
      %dma_wait3A_469 = arith.constant 0 : i32
      %dma_wait3A_470 = arith.constant 0 : i32
      %dma_wait3A_471 = tpu.memref_slice %arg9[%dma_wait3A_469, %dma_wait3A_470] : memref<800x128xf32, #tpu.memory_space<vmem>> -> memref<800x64xf32, #tpu.memory_space<vmem>>
      %dma_wait3A_472 = arith.constant 0 : i32
      %dma_wait3A_473 = tpu.memref_slice %arg7[%add3A_458, %dma_wait3A_472] : memref<51200x64xf32, #tpu.memory_space<hbm>> -> memref<800x64xf32, #tpu.memory_space<hbm>>
      %dma_wait3A_474 = arith.constant 0 : i32
      %dma_wait3A_475 = tpu.memref_slice %arg7[%add3A_458, %dma_wait3A_474] : memref<51200x64xf32, #tpu.memory_space<hbm>> -> memref<800x64xf32, #tpu.memory_space<hbm>>
      %dma_wait3A_476 = arith.constant 0 : i32
      %dma_wait3A_477 = arith.constant 0 : i32
      %dma_wait3A_478 = tpu.memref_slice %arg9[%dma_wait3A_476, %dma_wait3A_477] : memref<800x128xf32, #tpu.memory_space<vmem>> -> memref<800x64xf32, #tpu.memory_space<vmem>>
      tpu.wait_dma2 semaphore(%run_scoped3A : memref<!tpu.dma_semaphore, #tpu.memory_space<semaphore_mem>>) src(%dma_wait3A_478 : memref<800x64xf32, #tpu.memory_space<vmem>>) dst(%dma_wait3A_475 : memref<800x64xf32, #tpu.memory_space<hbm>>)
      tpu.yield
    }) : () -> ()
    return
  }
}

module attributes {stable_mosaic.version = 14 : i64} {
  func.func @_pad_body(%arg0: i32, %arg1: memref<64x1000xf32, #tpu.memory_space<vmem>>, %arg2: memref<1000x128xf32, #tpu.memory_space<vmem>>) attributes {dimension_semantics = [#tpu.dimension_semantics<arbitrary>], iteration_bounds = array<i64: 1>, scalar_prefetch = 0 : i64, scratch_operands = 0 : i64, tpu.core_type = #tpu.core_type<tc>, window_params = [{transform_indices = @transform_0, window_bounds = array<i64: 64, 1000>}, {transform_indices = @transform_1, window_bounds = array<i64: 1000, 128>}]} {
    %get3A = arith.constant 0 : index
    %get3A_0 = arith.constant 0 : index
    %get3A_1 = vector.load %arg1[%get3A, %get3A_0] : memref<64x1000xf32, #tpu.memory_space<vmem>>, vector<64x1000xf32>
    %transpose3A = tpu.transpose %get3A_1, [1, 0] : vector<64x1000xf32> -> vector<1000x64xf32>
    %broadcast_in_dim3A = arith.constant 0.000000e+00 : f32
    %broadcast_in_dim3A_2 = vector.broadcast %broadcast_in_dim3A : f32 to vector<1000x64xf32>
    %concatenate3A = tpu.concatenate %transpose3A, %broadcast_in_dim3A_2 in 1 : vector<1000x64xf32>, vector<1000x64xf32> -> vector<1000x128xf32>
    %swap3A = arith.constant 0 : index
    %swap3A_3 = arith.constant 0 : index
    %swap3A_4 = vector.load %arg2[%swap3A, %swap3A_3] : memref<1000x128xf32, #tpu.memory_space<vmem>>, vector<1000x128xf32>
    tpu.vector_store %arg2[%swap3A, %swap3A_3], %concatenate3A {strides = array<i32>} : memref<1000x128xf32, #tpu.memory_space<vmem>>, vector<1000x128xf32>,
    return
  }
  func.func @transform_0(%arg0: i32) -> (i32, i32) {
    %c0_i32 = arith.constant 0 : i32
    %c0_i32_0 = arith.constant 0 : i32
    return %c0_i32, %arg0 : i32, i32
  }
  func.func @transform_1(%arg0: i32) -> (i32, i32) {
    %c0_i32 = arith.constant 0 : i32
    %c0_i32_0 = arith.constant 0 : i32
    return %arg0, %c0_i32 : i32, i32
  }
}

module attributes {stable_mosaic.version = 14 : i64} {
  func.func @_tc_val_body(%arg0: i32, %arg1: memref<1000x2560xf32, #tpu.memory_space<vmem>>, %arg2: memref<64x1000xf32, #tpu.memory_space<vmem>>, %arg3: memref<10x64x8xf32, #tpu.memory_space<vmem>>, %arg4: memref<1x10x64x256xf32, #tpu.memory_space<vmem>>) attributes {dimension_semantics = [#tpu.dimension_semantics<arbitrary>], iteration_bounds = array<i64: 20>, scalar_prefetch = 0 : i64, scratch_operands = 0 : i64, tpu.core_type = #tpu.core_type<tc>, window_params = [{transform_indices = @transform_0, window_bounds = array<i64: 1000, 2560>}, {pipeline_mode = #tpu.pipeline_mode<synchronous>, transform_indices = @transform_1, window_bounds = array<i64: 64, 1000>}, {transform_indices = @transform_2, window_bounds = array<i64: 10, 64, 8>}, {transform_indices = @transform_3, window_bounds = array<i64: 1, 10, 64, 256>}]} {
    %get3A = arith.constant 0 : index
    %get3A_0 = arith.constant 0 : index
    %get3A_1 = vector.load %arg2[%get3A, %get3A_0] : memref<64x1000xf32, #tpu.memory_space<vmem>>, vector<64x1000xf32>
    %get3A_2 = arith.constant 0 : index
    %get3A_3 = arith.constant 0 : index
    %get3A_4 = vector.load %arg1[%get3A_2, %get3A_3] : memref<1000x2560xf32, #tpu.memory_space<vmem>>, vector<1000x2560xf32>
    %dot_general3A = arith.constant dense<0.000000e+00> : vector<64x2560xf32>
    %dot_general3A_5 = tpu.matmul %get3A_1, %get3A_4, %dot_general3A {dimension_numbers = #tpu.dot_dimension_numbers<[1], [0], [0], [1], [0, 0, 1, 1], [], []>, transpose_lhs_hint = false} : vector<64x1000xf32>, vector<1000x2560xf32>, vector<64x2560xf32> -> vector<64x2560xf32>
    %slice3A = vector.extract_strided_slice %dot_general3A_5 {offsets = [0, 0], sizes = [64, 256], strides = [1, 1]} : vector<64x2560xf32> to vector<64x256xf32>
    %get3A_6 = arith.constant 0 : index
    %get3A_7 = arith.constant 0 : index
    %get3A_8 = arith.constant 0 : index
    %get3A_9 = vector.load %arg3[%get3A_6, %get3A_7, %get3A_8] : memref<10x64x8xf32, #tpu.memory_space<vmem>>, vector<1x64x1xf32>
    %get3A_10 = vector.shape_cast %get3A_9 : vector<1x64x1xf32> to vector<64x1xf32>
    %add3A = vector.broadcast %get3A_10 : vector<64x1xf32> to vector<64x256xf32>
    %add3A_11 = arith.addf %slice3A, %add3A : vector<64x256xf32>
    %swap3A = arith.constant 0 : index
    %swap3A_12 = arith.constant 0 : index
    %swap3A_13 = arith.constant 0 : index
    %swap3A_14 = arith.constant 0 : index
    %swap3A_15 = vector.load %arg4[%swap3A, %swap3A_12, %swap3A_13, %swap3A_14] : memref<1x10x64x256xf32, #tpu.memory_space<vmem>>, vector<1x1x64x256xf32>
    %swap3A_16 = vector.shape_cast %swap3A_15 : vector<1x1x64x256xf32> to vector<64x256xf32>
    %swap3A_17 = vector.shape_cast %add3A_11 : vector<64x256xf32> to vector<1x1x64x256xf32>
    tpu.vector_store %arg4[%swap3A, %swap3A_12, %swap3A_13, %swap3A_14], %swap3A_17 {strides = array<i32>} : memref<1x10x64x256xf32, #tpu.memory_space<vmem>>, vector<1x1x64x256xf32>,
    %slice3A_18 = vector.extract_strided_slice %dot_general3A_5 {offsets = [0, 256], sizes = [64, 256], strides = [1, 1]} : vector<64x2560xf32> to vector<64x256xf32>
    %get3A_19 = arith.constant 1 : index
    %get3A_20 = arith.constant 0 : index
    %get3A_21 = arith.constant 0 : index
    %get3A_22 = vector.load %arg3[%get3A_19, %get3A_20, %get3A_21] : memref<10x64x8xf32, #tpu.memory_space<vmem>>, vector<1x64x1xf32>
    %get3A_23 = vector.shape_cast %get3A_22 : vector<1x64x1xf32> to vector<64x1xf32>
    %add3A_24 = vector.broadcast %get3A_23 : vector<64x1xf32> to vector<64x256xf32>
    %add3A_25 = arith.addf %slice3A_18, %add3A_24 : vector<64x256xf32>
    %swap3A_26 = arith.constant 0 : index
    %swap3A_27 = arith.constant 1 : index
    %swap3A_28 = arith.constant 0 : index
    %swap3A_29 = arith.constant 0 : index
    %swap3A_30 = vector.load %arg4[%swap3A_26, %swap3A_27, %swap3A_28, %swap3A_29] : memref<1x10x64x256xf32, #tpu.memory_space<vmem>>, vector<1x1x64x256xf32>
    %swap3A_31 = vector.shape_cast %swap3A_30 : vector<1x1x64x256xf32> to vector<64x256xf32>
    %swap3A_32 = vector.shape_cast %add3A_25 : vector<64x256xf32> to vector<1x1x64x256xf32>
    tpu.vector_store %arg4[%swap3A_26, %swap3A_27, %swap3A_28, %swap3A_29], %swap3A_32 {strides = array<i32>} : memref<1x10x64x256xf32, #tpu.memory_space<vmem>>, vector<1x1x64x256xf32>,
    %slice3A_33 = vector.extract_strided_slice %dot_general3A_5 {offsets = [0, 512], sizes = [64, 256], strides = [1, 1]} : vector<64x2560xf32> to vector<64x256xf32>
    %get3A_34 = arith.constant 2 : index
    %get3A_35 = arith.constant 0 : index
    %get3A_36 = arith.constant 0 : index
    %get3A_37 = vector.load %arg3[%get3A_34, %get3A_35, %get3A_36] : memref<10x64x8xf32, #tpu.memory_space<vmem>>, vector<1x64x1xf32>
    %get3A_38 = vector.shape_cast %get3A_37 : vector<1x64x1xf32> to vector<64x1xf32>
    %add3A_39 = vector.broadcast %get3A_38 : vector<64x1xf32> to vector<64x256xf32>
    %add3A_40 = arith.addf %slice3A_33, %add3A_39 : vector<64x256xf32>
    %swap3A_41 = arith.constant 0 : index
    %swap3A_42 = arith.constant 2 : index
    %swap3A_43 = arith.constant 0 : index
    %swap3A_44 = arith.constant 0 : index
    %swap3A_45 = vector.load %arg4[%swap3A_41, %swap3A_42, %swap3A_43, %swap3A_44] : memref<1x10x64x256xf32, #tpu.memory_space<vmem>>, vector<1x1x64x256xf32>
    %swap3A_46 = vector.shape_cast %swap3A_45 : vector<1x1x64x256xf32> to vector<64x256xf32>
    %swap3A_47 = vector.shape_cast %add3A_40 : vector<64x256xf32> to vector<1x1x64x256xf32>
    tpu.vector_store %arg4[%swap3A_41, %swap3A_42, %swap3A_43, %swap3A_44], %swap3A_47 {strides = array<i32>} : memref<1x10x64x256xf32, #tpu.memory_space<vmem>>, vector<1x1x64x256xf32>,
    %slice3A_48 = vector.extract_strided_slice %dot_general3A_5 {offsets = [0, 768], sizes = [64, 256], strides = [1, 1]} : vector<64x2560xf32> to vector<64x256xf32>
    %get3A_49 = arith.constant 3 : index
    %get3A_50 = arith.constant 0 : index
    %get3A_51 = arith.constant 0 : index
    %get3A_52 = vector.load %arg3[%get3A_49, %get3A_50, %get3A_51] : memref<10x64x8xf32, #tpu.memory_space<vmem>>, vector<1x64x1xf32>
    %get3A_53 = vector.shape_cast %get3A_52 : vector<1x64x1xf32> to vector<64x1xf32>
    %add3A_54 = vector.broadcast %get3A_53 : vector<64x1xf32> to vector<64x256xf32>
    %add3A_55 = arith.addf %slice3A_48, %add3A_54 : vector<64x256xf32>
    %swap3A_56 = arith.constant 0 : index
    %swap3A_57 = arith.constant 3 : index
    %swap3A_58 = arith.constant 0 : index
    %swap3A_59 = arith.constant 0 : index
    %swap3A_60 = vector.load %arg4[%swap3A_56, %swap3A_57, %swap3A_58, %swap3A_59] : memref<1x10x64x256xf32, #tpu.memory_space<vmem>>, vector<1x1x64x256xf32>
    %swap3A_61 = vector.shape_cast %swap3A_60 : vector<1x1x64x256xf32> to vector<64x256xf32>
    %swap3A_62 = vector.shape_cast %add3A_55 : vector<64x256xf32> to vector<1x1x64x256xf32>
    tpu.vector_store %arg4[%swap3A_56, %swap3A_57, %swap3A_58, %swap3A_59], %swap3A_62 {strides = array<i32>} : memref<1x10x64x256xf32, #tpu.memory_space<vmem>>, vector<1x1x64x256xf32>,
    %slice3A_63 = vector.extract_strided_slice %dot_general3A_5 {offsets = [0, 1024], sizes = [64, 256], strides = [1, 1]} : vector<64x2560xf32> to vector<64x256xf32>
    %get3A_64 = arith.constant 4 : index
    %get3A_65 = arith.constant 0 : index
    %get3A_66 = arith.constant 0 : index
    %get3A_67 = vector.load %arg3[%get3A_64, %get3A_65, %get3A_66] : memref<10x64x8xf32, #tpu.memory_space<vmem>>, vector<1x64x1xf32>
    %get3A_68 = vector.shape_cast %get3A_67 : vector<1x64x1xf32> to vector<64x1xf32>
    %add3A_69 = vector.broadcast %get3A_68 : vector<64x1xf32> to vector<64x256xf32>
    %add3A_70 = arith.addf %slice3A_63, %add3A_69 : vector<64x256xf32>
    %swap3A_71 = arith.constant 0 : index
    %swap3A_72 = arith.constant 4 : index
    %swap3A_73 = arith.constant 0 : index
    %swap3A_74 = arith.constant 0 : index
    %swap3A_75 = vector.load %arg4[%swap3A_71, %swap3A_72, %swap3A_73, %swap3A_74] : memref<1x10x64x256xf32, #tpu.memory_space<vmem>>, vector<1x1x64x256xf32>
    %swap3A_76 = vector.shape_cast %swap3A_75 : vector<1x1x64x256xf32> to vector<64x256xf32>
    %swap3A_77 = vector.shape_cast %add3A_70 : vector<64x256xf32> to vector<1x1x64x256xf32>
    tpu.vector_store %arg4[%swap3A_71, %swap3A_72, %swap3A_73, %swap3A_74], %swap3A_77 {strides = array<i32>} : memref<1x10x64x256xf32, #tpu.memory_space<vmem>>, vector<1x1x64x256xf32>,
    %slice3A_78 = vector.extract_strided_slice %dot_general3A_5 {offsets = [0, 1280], sizes = [64, 256], strides = [1, 1]} : vector<64x2560xf32> to vector<64x256xf32>
    %get3A_79 = arith.constant 5 : index
    %get3A_80 = arith.constant 0 : index
    %get3A_81 = arith.constant 0 : index
    %get3A_82 = vector.load %arg3[%get3A_79, %get3A_80, %get3A_81] : memref<10x64x8xf32, #tpu.memory_space<vmem>>, vector<1x64x1xf32>
    %get3A_83 = vector.shape_cast %get3A_82 : vector<1x64x1xf32> to vector<64x1xf32>
    %add3A_84 = vector.broadcast %get3A_83 : vector<64x1xf32> to vector<64x256xf32>
    %add3A_85 = arith.addf %slice3A_78, %add3A_84 : vector<64x256xf32>
    %swap3A_86 = arith.constant 0 : index
    %swap3A_87 = arith.constant 5 : index
    %swap3A_88 = arith.constant 0 : index
    %swap3A_89 = arith.constant 0 : index
    %swap3A_90 = vector.load %arg4[%swap3A_86, %swap3A_87, %swap3A_88, %swap3A_89] : memref<1x10x64x256xf32, #tpu.memory_space<vmem>>, vector<1x1x64x256xf32>
    %swap3A_91 = vector.shape_cast %swap3A_90 : vector<1x1x64x256xf32> to vector<64x256xf32>
    %swap3A_92 = vector.shape_cast %add3A_85 : vector<64x256xf32> to vector<1x1x64x256xf32>
    tpu.vector_store %arg4[%swap3A_86, %swap3A_87, %swap3A_88, %swap3A_89], %swap3A_92 {strides = array<i32>} : memref<1x10x64x256xf32, #tpu.memory_space<vmem>>, vector<1x1x64x256xf32>,
    %slice3A_93 = vector.extract_strided_slice %dot_general3A_5 {offsets = [0, 1536], sizes = [64, 256], strides = [1, 1]} : vector<64x2560xf32> to vector<64x256xf32>
    %get3A_94 = arith.constant 6 : index
    %get3A_95 = arith.constant 0 : index
    %get3A_96 = arith.constant 0 : index
    %get3A_97 = vector.load %arg3[%get3A_94, %get3A_95, %get3A_96] : memref<10x64x8xf32, #tpu.memory_space<vmem>>, vector<1x64x1xf32>
    %get3A_98 = vector.shape_cast %get3A_97 : vector<1x64x1xf32> to vector<64x1xf32>
    %add3A_99 = vector.broadcast %get3A_98 : vector<64x1xf32> to vector<64x256xf32>
    %add3A_100 = arith.addf %slice3A_93, %add3A_99 : vector<64x256xf32>
    %swap3A_101 = arith.constant 0 : index
    %swap3A_102 = arith.constant 6 : index
    %swap3A_103 = arith.constant 0 : index
    %swap3A_104 = arith.constant 0 : index
    %swap3A_105 = vector.load %arg4[%swap3A_101, %swap3A_102, %swap3A_103, %swap3A_104] : memref<1x10x64x256xf32, #tpu.memory_space<vmem>>, vector<1x1x64x256xf32>
    %swap3A_106 = vector.shape_cast %swap3A_105 : vector<1x1x64x256xf32> to vector<64x256xf32>
    %swap3A_107 = vector.shape_cast %add3A_100 : vector<64x256xf32> to vector<1x1x64x256xf32>
    tpu.vector_store %arg4[%swap3A_101, %swap3A_102, %swap3A_103, %swap3A_104], %swap3A_107 {strides = array<i32>} : memref<1x10x64x256xf32, #tpu.memory_space<vmem>>, vector<1x1x64x256xf32>,
    %slice3A_108 = vector.extract_strided_slice %dot_general3A_5 {offsets = [0, 1792], sizes = [64, 256], strides = [1, 1]} : vector<64x2560xf32> to vector<64x256xf32>
    %get3A_109 = arith.constant 7 : index
    %get3A_110 = arith.constant 0 : index
    %get3A_111 = arith.constant 0 : index
    %get3A_112 = vector.load %arg3[%get3A_109, %get3A_110, %get3A_111] : memref<10x64x8xf32, #tpu.memory_space<vmem>>, vector<1x64x1xf32>
    %get3A_113 = vector.shape_cast %get3A_112 : vector<1x64x1xf32> to vector<64x1xf32>
    %add3A_114 = vector.broadcast %get3A_113 : vector<64x1xf32> to vector<64x256xf32>
    %add3A_115 = arith.addf %slice3A_108, %add3A_114 : vector<64x256xf32>
    %swap3A_116 = arith.constant 0 : index
    %swap3A_117 = arith.constant 7 : index
    %swap3A_118 = arith.constant 0 : index
    %swap3A_119 = arith.constant 0 : index
    %swap3A_120 = vector.load %arg4[%swap3A_116, %swap3A_117, %swap3A_118, %swap3A_119] : memref<1x10x64x256xf32, #tpu.memory_space<vmem>>, vector<1x1x64x256xf32>
    %swap3A_121 = vector.shape_cast %swap3A_120 : vector<1x1x64x256xf32> to vector<64x256xf32>
    %swap3A_122 = vector.shape_cast %add3A_115 : vector<64x256xf32> to vector<1x1x64x256xf32>
    tpu.vector_store %arg4[%swap3A_116, %swap3A_117, %swap3A_118, %swap3A_119], %swap3A_122 {strides = array<i32>} : memref<1x10x64x256xf32, #tpu.memory_space<vmem>>, vector<1x1x64x256xf32>,
    %slice3A_123 = vector.extract_strided_slice %dot_general3A_5 {offsets = [0, 2048], sizes = [64, 256], strides = [1, 1]} : vector<64x2560xf32> to vector<64x256xf32>
    %get3A_124 = arith.constant 8 : index
    %get3A_125 = arith.constant 0 : index
    %get3A_126 = arith.constant 0 : index
    %get3A_127 = vector.load %arg3[%get3A_124, %get3A_125, %get3A_126] : memref<10x64x8xf32, #tpu.memory_space<vmem>>, vector<1x64x1xf32>
    %get3A_128 = vector.shape_cast %get3A_127 : vector<1x64x1xf32> to vector<64x1xf32>
    %add3A_129 = vector.broadcast %get3A_128 : vector<64x1xf32> to vector<64x256xf32>
    %add3A_130 = arith.addf %slice3A_123, %add3A_129 : vector<64x256xf32>
    %swap3A_131 = arith.constant 0 : index
    %swap3A_132 = arith.constant 8 : index
    %swap3A_133 = arith.constant 0 : index
    %swap3A_134 = arith.constant 0 : index
    %swap3A_135 = vector.load %arg4[%swap3A_131, %swap3A_132, %swap3A_133, %swap3A_134] : memref<1x10x64x256xf32, #tpu.memory_space<vmem>>, vector<1x1x64x256xf32>
    %swap3A_136 = vector.shape_cast %swap3A_135 : vector<1x1x64x256xf32> to vector<64x256xf32>
    %swap3A_137 = vector.shape_cast %add3A_130 : vector<64x256xf32> to vector<1x1x64x256xf32>
    tpu.vector_store %arg4[%swap3A_131, %swap3A_132, %swap3A_133, %swap3A_134], %swap3A_137 {strides = array<i32>} : memref<1x10x64x256xf32, #tpu.memory_space<vmem>>, vector<1x1x64x256xf32>,
    %slice3A_138 = vector.extract_strided_slice %dot_general3A_5 {offsets = [0, 2304], sizes = [64, 256], strides = [1, 1]} : vector<64x2560xf32> to vector<64x256xf32>
    %get3A_139 = arith.constant 9 : index
    %get3A_140 = arith.constant 0 : index
    %get3A_141 = arith.constant 0 : index
    %get3A_142 = vector.load %arg3[%get3A_139, %get3A_140, %get3A_141] : memref<10x64x8xf32, #tpu.memory_space<vmem>>, vector<1x64x1xf32>
    %get3A_143 = vector.shape_cast %get3A_142 : vector<1x64x1xf32> to vector<64x1xf32>
    %add3A_144 = vector.broadcast %get3A_143 : vector<64x1xf32> to vector<64x256xf32>
    %add3A_145 = arith.addf %slice3A_138, %add3A_144 : vector<64x256xf32>
    %swap3A_146 = arith.constant 0 : index
    %swap3A_147 = arith.constant 9 : index
    %swap3A_148 = arith.constant 0 : index
    %swap3A_149 = arith.constant 0 : index
    %swap3A_150 = vector.load %arg4[%swap3A_146, %swap3A_147, %swap3A_148, %swap3A_149] : memref<1x10x64x256xf32, #tpu.memory_space<vmem>>, vector<1x1x64x256xf32>
    %swap3A_151 = vector.shape_cast %swap3A_150 : vector<1x1x64x256xf32> to vector<64x256xf32>
    %swap3A_152 = vector.shape_cast %add3A_145 : vector<64x256xf32> to vector<1x1x64x256xf32>
    tpu.vector_store %arg4[%swap3A_146, %swap3A_147, %swap3A_148, %swap3A_149], %swap3A_152 {strides = array<i32>} : memref<1x10x64x256xf32, #tpu.memory_space<vmem>>, vector<1x1x64x256xf32>,
    return
  }
  func.func @transform_0(%arg0: i32) -> (i32, i32) {
    %c0_i32 = arith.constant 0 : i32
    %c0_i32_0 = arith.constant 0 : i32
    return %c0_i32, %arg0 : i32, i32
  }
  func.func @transform_1(%arg0: i32) -> (i32, i32) {
    %c0_i32 = arith.constant 0 : i32
    %c0_i32_0 = arith.constant 0 : i32
    %c0_i32_1 = arith.constant 0 : i32
    return %c0_i32, %c0_i32_0 : i32, i32
  }
  func.func @transform_2(%arg0: i32) -> (i32, i32, i32) {
    %c0_i32 = arith.constant 0 : i32
    %c0_i32_0 = arith.constant 0 : i32
    %c0_i32_1 = arith.constant 0 : i32
    return %arg0, %c0_i32, %c0_i32_0 : i32, i32, i32
  }
  func.func @transform_3(%arg0: i32) -> (i32, i32, i32, i32) {
    %c2_i32 = arith.constant 2 : i32
    %c0_i32 = arith.constant 0 : i32
    %c0_i32_0 = arith.constant 0 : i32
    %c0_i32_1 = arith.constant 0 : i32
    return %c2_i32, %arg0, %c0_i32, %c0_i32_0 : i32, i32, i32, i32
  }
}

module attributes {stable_mosaic.version = 14 : i64} {
  func.func @_pad_body(%arg0: i32, %arg1: memref<64x16384xf32, #tpu.memory_space<vmem>>, %arg2: memref<16384x128xf32, #tpu.memory_space<vmem>>) attributes {dimension_semantics = [#tpu.dimension_semantics<arbitrary>], iteration_bounds = array<i64: 7>, scalar_prefetch = 0 : i64, scratch_operands = 0 : i64, tpu.core_type = #tpu.core_type<tc>, window_params = [{transform_indices = @transform_0, window_bounds = array<i64: 64, 16384>}, {transform_indices = @transform_1, window_bounds = array<i64: 16384, 128>}]} {
    %get3A = arith.constant 0 : index
    %get3A_0 = arith.constant 0 : index
    %get3A_1 = vector.load %arg1[%get3A, %get3A_0] : memref<64x16384xf32, #tpu.memory_space<vmem>>, vector<64x16384xf32>
    %transpose3A = tpu.transpose %get3A_1, [1, 0] : vector<64x16384xf32> -> vector<16384x64xf32>
    %broadcast_in_dim3A = arith.constant 0.000000e+00 : f32
    %broadcast_in_dim3A_2 = vector.broadcast %broadcast_in_dim3A : f32 to vector<16384x64xf32>
    %concatenate3A = tpu.concatenate %transpose3A, %broadcast_in_dim3A_2 in 1 : vector<16384x64xf32>, vector<16384x64xf32> -> vector<16384x128xf32>
    %swap3A = arith.constant 0 : index
    %swap3A_3 = arith.constant 0 : index
    %swap3A_4 = vector.load %arg2[%swap3A, %swap3A_3] : memref<16384x128xf32, #tpu.memory_space<vmem>>, vector<16384x128xf32>
    tpu.vector_store %arg2[%swap3A, %swap3A_3], %concatenate3A {strides = array<i32>} : memref<16384x128xf32, #tpu.memory_space<vmem>>, vector<16384x128xf32>,
    return
  }
  func.func @transform_0(%arg0: i32) -> (i32, i32) {
    %c0_i32 = arith.constant 0 : i32
    %c0_i32_0 = arith.constant 0 : i32
    return %c0_i32, %arg0 : i32, i32
  }
  func.func @transform_1(%arg0: i32) -> (i32, i32) {
    %c0_i32 = arith.constant 0 : i32
    %c0_i32_0 = arith.constant 0 : i32
    return %arg0, %c0_i32 : i32, i32
  }
}

module attributes {stable_mosaic.version = 14 : i64} {
  func.func @_tc_asm_body(%arg0: i32, %arg1: memref<3x200x64x256xf32, #tpu.memory_space<hbm>>, %arg2: memref<6400x128xf32, #tpu.memory_space<vmem>>, %arg3: memref<6400x128xf32, #tpu.memory_space<vmem>>, %arg4: memref<50x64x8xf32, #tpu.memory_space<vmem>>, %arg5: memref<256x256xf32, #tpu.memory_space<vmem>>, %arg6: memref<2x50x64x256xf32, #tpu.memory_space<vmem>>) attributes {dimension_semantics = [#tpu.dimension_semantics<arbitrary>], iteration_bounds = array<i64: 4>, scalar_prefetch = 0 : i64, scratch_operands = 0 : i64, tpu.core_type = #tpu.core_type<tc>, window_params = [{}, {transform_indices = @transform_1, window_bounds = array<i64: 6400, 128>}, {transform_indices = @transform_2, window_bounds = array<i64: 6400, 128>}, {transform_indices = @transform_3, window_bounds = array<i64: 50, 64, 8>}, {pipeline_mode = #tpu.pipeline_mode<synchronous>, transform_indices = @transform_4, window_bounds = array<i64: 256, 256>}, {transform_indices = @transform_5, window_bounds = array<i64: 2, 50, 64, 256>}]} {
    %get3A = arith.constant 0 : index
    %get3A_0 = arith.constant 0 : index
    %get3A_1 = vector.load %arg5[%get3A, %get3A_0] : memref<256x256xf32, #tpu.memory_space<vmem>>, vector<256x256xf32>
    %get3A_2 = arith.constant 0 : index
    %get3A_3 = arith.constant 0 : index
    %get3A_4 = vector.load %arg2[%get3A_2, %get3A_3] : memref<6400x128xf32, #tpu.memory_space<vmem>>, vector<128x128xf32>
    %slice3A = vector.extract_strided_slice %get3A_4 {offsets = [0, 0], sizes = [128, 64], strides = [1, 1]} : vector<128x128xf32> to vector<128x64xf32>
    %slice3A_5 = vector.extract_strided_slice %get3A_4 {offsets = [0, 64], sizes = [128, 64], strides = [1, 1]} : vector<128x128xf32> to vector<128x64xf32>
    %concatenate3A = tpu.concatenate %slice3A, %slice3A_5 in 0 : vector<128x64xf32>, vector<128x64xf32> -> vector<256x64xf32>
    %dot_general3A = arith.constant dense<0.000000e+00> : vector<64x256xf32>
    %dot_general3A_6 = tpu.matmul %concatenate3A, %get3A_1, %dot_general3A {dimension_numbers = #tpu.dot_dimension_numbers<[0], [0], [1], [1], [0, 1, 1, 1], [], []>, transpose_lhs_hint = false} : vector<256x64xf32>, vector<256x256xf32>, vector<64x256xf32> -> vector<64x256xf32>
    %get3A_7 = arith.constant 0 : index
    %get3A_8 = arith.constant 0 : index
    %get3A_9 = arith.constant 0 : index
    %get3A_10 = vector.load %arg4[%get3A_7, %get3A_8, %get3A_9] : memref<50x64x8xf32, #tpu.memory_space<vmem>>, vector<1x64x1xf32>
    %get3A_11 = vector.shape_cast %get3A_10 : vector<1x64x1xf32> to vector<64x1xf32>
    %add3A = vector.broadcast %get3A_11 : vector<64x1xf32> to vector<64x256xf32>
    %add3A_12 = arith.addf %dot_general3A_6, %add3A : vector<64x256xf32>
    %swap3A = arith.constant 0 : index
    %swap3A_13 = arith.constant 0 : index
    %swap3A_14 = arith.constant 0 : index
    %swap3A_15 = arith.constant 0 : index
    %swap3A_16 = vector.load %arg6[%swap3A, %swap3A_13, %swap3A_14, %swap3A_15] : memref<2x50x64x256xf32, #tpu.memory_space<vmem>>, vector<1x1x64x256xf32>
    %swap3A_17 = vector.shape_cast %swap3A_16 : vector<1x1x64x256xf32> to vector<64x256xf32>
    %swap3A_18 = vector.shape_cast %add3A_12 : vector<64x256xf32> to vector<1x1x64x256xf32>
    tpu.vector_store %arg6[%swap3A, %swap3A_13, %swap3A_14, %swap3A_15], %swap3A_18 {strides = array<i32>} : memref<2x50x64x256xf32, #tpu.memory_space<vmem>>, vector<1x1x64x256xf32>,
    %get3A_19 = arith.constant 128 : index
    %get3A_20 = arith.constant 0 : index
    %get3A_21 = vector.load %arg2[%get3A_19, %get3A_20] : memref<6400x128xf32, #tpu.memory_space<vmem>>, vector<128x128xf32>
    %slice3A_22 = vector.extract_strided_slice %get3A_21 {offsets = [0, 0], sizes = [128, 64], strides = [1, 1]} : vector<128x128xf32> to vector<128x64xf32>
    %slice3A_23 = vector.extract_strided_slice %get3A_21 {offsets = [0, 64], sizes = [128, 64], strides = [1, 1]} : vector<128x128xf32> to vector<128x64xf32>
    %concatenate3A_24 = tpu.concatenate %slice3A_22, %slice3A_23 in 0 : vector<128x64xf32>, vector<128x64xf32> -> vector<256x64xf32>
    %dot_general3A_25 = arith.constant dense<0.000000e+00> : vector<64x256xf32>
    %dot_general3A_26 = tpu.matmul %concatenate3A_24, %get3A_1, %dot_general3A_25 {dimension_numbers = #tpu.dot_dimension_numbers<[0], [0], [1], [1], [0, 1, 1, 1], [], []>, transpose_lhs_hint = false} : vector<256x64xf32>, vector<256x256xf32>, vector<64x256xf32> -> vector<64x256xf32>
    %get3A_27 = arith.constant 1 : index
    %get3A_28 = arith.constant 0 : index
    %get3A_29 = arith.constant 0 : index
    %get3A_30 = vector.load %arg4[%get3A_27, %get3A_28, %get3A_29] : memref<50x64x8xf32, #tpu.memory_space<vmem>>, vector<1x64x1xf32>
    %get3A_31 = vector.shape_cast %get3A_30 : vector<1x64x1xf32> to vector<64x1xf32>
    %add3A_32 = vector.broadcast %get3A_31 : vector<64x1xf32> to vector<64x256xf32>
    %add3A_33 = arith.addf %dot_general3A_26, %add3A_32 : vector<64x256xf32>
    %swap3A_34 = arith.constant 0 : index
    %swap3A_35 = arith.constant 1 : index
    %swap3A_36 = arith.constant 0 : index
    %swap3A_37 = arith.constant 0 : index
    %swap3A_38 = vector.load %arg6[%swap3A_34, %swap3A_35, %swap3A_36, %swap3A_37] : memref<2x50x64x256xf32, #tpu.memory_space<vmem>>, vector<1x1x64x256xf32>
    %swap3A_39 = vector.shape_cast %swap3A_38 : vector<1x1x64x256xf32> to vector<64x256xf32>
    %swap3A_40 = vector.shape_cast %add3A_33 : vector<64x256xf32> to vector<1x1x64x256xf32>
    tpu.vector_store %arg6[%swap3A_34, %swap3A_35, %swap3A_36, %swap3A_37], %swap3A_40 {strides = array<i32>} : memref<2x50x64x256xf32, #tpu.memory_space<vmem>>, vector<1x1x64x256xf32>,
    %get3A_41 = arith.constant 256 : index
    %get3A_42 = arith.constant 0 : index
    %get3A_43 = vector.load %arg2[%get3A_41, %get3A_42] : memref<6400x128xf32, #tpu.memory_space<vmem>>, vector<128x128xf32>
    %slice3A_44 = vector.extract_strided_slice %get3A_43 {offsets = [0, 0], sizes = [128, 64], strides = [1, 1]} : vector<128x128xf32> to vector<128x64xf32>
    %slice3A_45 = vector.extract_strided_slice %get3A_43 {offsets = [0, 64], sizes = [128, 64], strides = [1, 1]} : vector<128x128xf32> to vector<128x64xf32>
    %concatenate3A_46 = tpu.concatenate %slice3A_44, %slice3A_45 in 0 : vector<128x64xf32>, vector<128x64xf32> -> vector<256x64xf32>
    %dot_general3A_47 = arith.constant dense<0.000000e+00> : vector<64x256xf32>
    %dot_general3A_48 = tpu.matmul %concatenate3A_46, %get3A_1, %dot_general3A_47 {dimension_numbers = #tpu.dot_dimension_numbers<[0], [0], [1], [1], [0, 1, 1, 1], [], []>, transpose_lhs_hint = false} : vector<256x64xf32>, vector<256x256xf32>, vector<64x256xf32> -> vector<64x256xf32>
    %get3A_49 = arith.constant 2 : index
    %get3A_50 = arith.constant 0 : index
    %get3A_51 = arith.constant 0 : index
    %get3A_52 = vector.load %arg4[%get3A_49, %get3A_50, %get3A_51] : memref<50x64x8xf32, #tpu.memory_space<vmem>>, vector<1x64x1xf32>
    %get3A_53 = vector.shape_cast %get3A_52 : vector<1x64x1xf32> to vector<64x1xf32>
    %add3A_54 = vector.broadcast %get3A_53 : vector<64x1xf32> to vector<64x256xf32>
    %add3A_55 = arith.addf %dot_general3A_48, %add3A_54 : vector<64x256xf32>
    %swap3A_56 = arith.constant 0 : index
    %swap3A_57 = arith.constant 2 : index
    %swap3A_58 = arith.constant 0 : index
    %swap3A_59 = arith.constant 0 : index
    %swap3A_60 = vector.load %arg6[%swap3A_56, %swap3A_57, %swap3A_58, %swap3A_59] : memref<2x50x64x256xf32, #tpu.memory_space<vmem>>, vector<1x1x64x256xf32>
    %swap3A_61 = vector.shape_cast %swap3A_60 : vector<1x1x64x256xf32> to vector<64x256xf32>
    %swap3A_62 = vector.shape_cast %add3A_55 : vector<64x256xf32> to vector<1x1x64x256xf32>
    tpu.vector_store %arg6[%swap3A_56, %swap3A_57, %swap3A_58, %swap3A_59], %swap3A_62 {strides = array<i32>} : memref<2x50x64x256xf32, #tpu.memory_space<vmem>>, vector<1x1x64x256xf32>,
    %get3A_63 = arith.constant 384 : index
    %get3A_64 = arith.constant 0 : index
    %get3A_65 = vector.load %arg2[%get3A_63, %get3A_64] : memref<6400x128xf32, #tpu.memory_space<vmem>>, vector<128x128xf32>
    %slice3A_66 = vector.extract_strided_slice %get3A_65 {offsets = [0, 0], sizes = [128, 64], strides = [1, 1]} : vector<128x128xf32> to vector<128x64xf32>
    %slice3A_67 = vector.extract_strided_slice %get3A_65 {offsets = [0, 64], sizes = [128, 64], strides = [1, 1]} : vector<128x128xf32> to vector<128x64xf32>
    %concatenate3A_68 = tpu.concatenate %slice3A_66, %slice3A_67 in 0 : vector<128x64xf32>, vector<128x64xf32> -> vector<256x64xf32>
    %dot_general3A_69 = arith.constant dense<0.000000e+00> : vector<64x256xf32>
    %dot_general3A_70 = tpu.matmul %concatenate3A_68, %get3A_1, %dot_general3A_69 {dimension_numbers = #tpu.dot_dimension_numbers<[0], [0], [1], [1], [0, 1, 1, 1], [], []>, transpose_lhs_hint = false} : vector<256x64xf32>, vector<256x256xf32>, vector<64x256xf32> -> vector<64x256xf32>
    %get3A_71 = arith.constant 3 : index
    %get3A_72 = arith.constant 0 : index
    %get3A_73 = arith.constant 0 : index
    %get3A_74 = vector.load %arg4[%get3A_71, %get3A_72, %get3A_73] : memref<50x64x8xf32, #tpu.memory_space<vmem>>, vector<1x64x1xf32>
    %get3A_75 = vector.shape_cast %get3A_74 : vector<1x64x1xf32> to vector<64x1xf32>
    %add3A_76 = vector.broadcast %get3A_75 : vector<64x1xf32> to vector<64x256xf32>
    %add3A_77 = arith.addf %dot_general3A_70, %add3A_76 : vector<64x256xf32>
    %swap3A_78 = arith.constant 0 : index
    %swap3A_79 = arith.constant 3 : index
    %swap3A_80 = arith.constant 0 : index
    %swap3A_81 = arith.constant 0 : index
    %swap3A_82 = vector.load %arg6[%swap3A_78, %swap3A_79, %swap3A_80, %swap3A_81] : memref<2x50x64x256xf32, #tpu.memory_space<vmem>>, vector<1x1x64x256xf32>
    %swap3A_83 = vector.shape_cast %swap3A_82 : vector<1x1x64x256xf32> to vector<64x256xf32>
    %swap3A_84 = vector.shape_cast %add3A_77 : vector<64x256xf32> to vector<1x1x64x256xf32>
    tpu.vector_store %arg6[%swap3A_78, %swap3A_79, %swap3A_80, %swap3A_81], %swap3A_84 {strides = array<i32>} : memref<2x50x64x256xf32, #tpu.memory_space<vmem>>, vector<1x1x64x256xf32>,
    %get3A_85 = arith.constant 512 : index
    %get3A_86 = arith.constant 0 : index
    %get3A_87 = vector.load %arg2[%get3A_85, %get3A_86] : memref<6400x128xf32, #tpu.memory_space<vmem>>, vector<128x128xf32>
    %slice3A_88 = vector.extract_strided_slice %get3A_87 {offsets = [0, 0], sizes = [128, 64], strides = [1, 1]} : vector<128x128xf32> to vector<128x64xf32>
    %slice3A_89 = vector.extract_strided_slice %get3A_87 {offsets = [0, 64], sizes = [128, 64], strides = [1, 1]} : vector<128x128xf32> to vector<128x64xf32>
    %concatenate3A_90 = tpu.concatenate %slice3A_88, %slice3A_89 in 0 : vector<128x64xf32>, vector<128x64xf32> -> vector<256x64xf32>
    %dot_general3A_91 = arith.constant dense<0.000000e+00> : vector<64x256xf32>
    %dot_general3A_92 = tpu.matmul %concatenate3A_90, %get3A_1, %dot_general3A_91 {dimension_numbers = #tpu.dot_dimension_numbers<[0], [0], [1], [1], [0, 1, 1, 1], [], []>, transpose_lhs_hint = false} : vector<256x64xf32>, vector<256x256xf32>, vector<64x256xf32> -> vector<64x256xf32>
    %get3A_93 = arith.constant 4 : index
    %get3A_94 = arith.constant 0 : index
    %get3A_95 = arith.constant 0 : index
    %get3A_96 = vector.load %arg4[%get3A_93, %get3A_94, %get3A_95] : memref<50x64x8xf32, #tpu.memory_space<vmem>>, vector<1x64x1xf32>
    %get3A_97 = vector.shape_cast %get3A_96 : vector<1x64x1xf32> to vector<64x1xf32>
    %add3A_98 = vector.broadcast %get3A_97 : vector<64x1xf32> to vector<64x256xf32>
    %add3A_99 = arith.addf %dot_general3A_92, %add3A_98 : vector<64x256xf32>
    %swap3A_100 = arith.constant 0 : index
    %swap3A_101 = arith.constant 4 : index
    %swap3A_102 = arith.constant 0 : index
    %swap3A_103 = arith.constant 0 : index
    %swap3A_104 = vector.load %arg6[%swap3A_100, %swap3A_101, %swap3A_102, %swap3A_103] : memref<2x50x64x256xf32, #tpu.memory_space<vmem>>, vector<1x1x64x256xf32>
    %swap3A_105 = vector.shape_cast %swap3A_104 : vector<1x1x64x256xf32> to vector<64x256xf32>
    %swap3A_106 = vector.shape_cast %add3A_99 : vector<64x256xf32> to vector<1x1x64x256xf32>
    tpu.vector_store %arg6[%swap3A_100, %swap3A_101, %swap3A_102, %swap3A_103], %swap3A_106 {strides = array<i32>} : memref<2x50x64x256xf32, #tpu.memory_space<vmem>>, vector<1x1x64x256xf32>,
    %get3A_107 = arith.constant 640 : index
    %get3A_108 = arith.constant 0 : index
    %get3A_109 = vector.load %arg2[%get3A_107, %get3A_108] : memref<6400x128xf32, #tpu.memory_space<vmem>>, vector<128x128xf32>
    %slice3A_110 = vector.extract_strided_slice %get3A_109 {offsets = [0, 0], sizes = [128, 64], strides = [1, 1]} : vector<128x128xf32> to vector<128x64xf32>
    %slice3A_111 = vector.extract_strided_slice %get3A_109 {offsets = [0, 64], sizes = [128, 64], strides = [1, 1]} : vector<128x128xf32> to vector<128x64xf32>
    %concatenate3A_112 = tpu.concatenate %slice3A_110, %slice3A_111 in 0 : vector<128x64xf32>, vector<128x64xf32> -> vector<256x64xf32>
    %dot_general3A_113 = arith.constant dense<0.000000e+00> : vector<64x256xf32>
    %dot_general3A_114 = tpu.matmul %concatenate3A_112, %get3A_1, %dot_general3A_113 {dimension_numbers = #tpu.dot_dimension_numbers<[0], [0], [1], [1], [0, 1, 1, 1], [], []>, transpose_lhs_hint = false} : vector<256x64xf32>, vector<256x256xf32>, vector<64x256xf32> -> vector<64x256xf32>
    %get3A_115 = arith.constant 5 : index
    %get3A_116 = arith.constant 0 : index
    %get3A_117 = arith.constant 0 : index
    %get3A_118 = vector.load %arg4[%get3A_115, %get3A_116, %get3A_117] : memref<50x64x8xf32, #tpu.memory_space<vmem>>, vector<1x64x1xf32>
    %get3A_119 = vector.shape_cast %get3A_118 : vector<1x64x1xf32> to vector<64x1xf32>
    %add3A_120 = vector.broadcast %get3A_119 : vector<64x1xf32> to vector<64x256xf32>
    %add3A_121 = arith.addf %dot_general3A_114, %add3A_120 : vector<64x256xf32>
    %swap3A_122 = arith.constant 0 : index
    %swap3A_123 = arith.constant 5 : index
    %swap3A_124 = arith.constant 0 : index
    %swap3A_125 = arith.constant 0 : index
    %swap3A_126 = vector.load %arg6[%swap3A_122, %swap3A_123, %swap3A_124, %swap3A_125] : memref<2x50x64x256xf32, #tpu.memory_space<vmem>>, vector<1x1x64x256xf32>
    %swap3A_127 = vector.shape_cast %swap3A_126 : vector<1x1x64x256xf32> to vector<64x256xf32>
    %swap3A_128 = vector.shape_cast %add3A_121 : vector<64x256xf32> to vector<1x1x64x256xf32>
    tpu.vector_store %arg6[%swap3A_122, %swap3A_123, %swap3A_124, %swap3A_125], %swap3A_128 {strides = array<i32>} : memref<2x50x64x256xf32, #tpu.memory_space<vmem>>, vector<1x1x64x256xf32>,
    %get3A_129 = arith.constant 768 : index
    %get3A_130 = arith.constant 0 : index
    %get3A_131 = vector.load %arg2[%get3A_129, %get3A_130] : memref<6400x128xf32, #tpu.memory_space<vmem>>, vector<128x128xf32>
    %slice3A_132 = vector.extract_strided_slice %get3A_131 {offsets = [0, 0], sizes = [128, 64], strides = [1, 1]} : vector<128x128xf32> to vector<128x64xf32>
    %slice3A_133 = vector.extract_strided_slice %get3A_131 {offsets = [0, 64], sizes = [128, 64], strides = [1, 1]} : vector<128x128xf32> to vector<128x64xf32>
    %concatenate3A_134 = tpu.concatenate %slice3A_132, %slice3A_133 in 0 : vector<128x64xf32>, vector<128x64xf32> -> vector<256x64xf32>
    %dot_general3A_135 = arith.constant dense<0.000000e+00> : vector<64x256xf32>
    %dot_general3A_136 = tpu.matmul %concatenate3A_134, %get3A_1, %dot_general3A_135 {dimension_numbers = #tpu.dot_dimension_numbers<[0], [0], [1], [1], [0, 1, 1, 1], [], []>, transpose_lhs_hint = false} : vector<256x64xf32>, vector<256x256xf32>, vector<64x256xf32> -> vector<64x256xf32>
    %get3A_137 = arith.constant 6 : index
    %get3A_138 = arith.constant 0 : index
    %get3A_139 = arith.constant 0 : index
    %get3A_140 = vector.load %arg4[%get3A_137, %get3A_138, %get3A_139] : memref<50x64x8xf32, #tpu.memory_space<vmem>>, vector<1x64x1xf32>
    %get3A_141 = vector.shape_cast %get3A_140 : vector<1x64x1xf32> to vector<64x1xf32>
    %add3A_142 = vector.broadcast %get3A_141 : vector<64x1xf32> to vector<64x256xf32>
    %add3A_143 = arith.addf %dot_general3A_136, %add3A_142 : vector<64x256xf32>
    %swap3A_144 = arith.constant 0 : index
    %swap3A_145 = arith.constant 6 : index
    %swap3A_146 = arith.constant 0 : index
    %swap3A_147 = arith.constant 0 : index
    %swap3A_148 = vector.load %arg6[%swap3A_144, %swap3A_145, %swap3A_146, %swap3A_147] : memref<2x50x64x256xf32, #tpu.memory_space<vmem>>, vector<1x1x64x256xf32>
    %swap3A_149 = vector.shape_cast %swap3A_148 : vector<1x1x64x256xf32> to vector<64x256xf32>
    %swap3A_150 = vector.shape_cast %add3A_143 : vector<64x256xf32> to vector<1x1x64x256xf32>
    tpu.vector_store %arg6[%swap3A_144, %swap3A_145, %swap3A_146, %swap3A_147], %swap3A_150 {strides = array<i32>} : memref<2x50x64x256xf32, #tpu.memory_space<vmem>>, vector<1x1x64x256xf32>,
    %get3A_151 = arith.constant 896 : index
    %get3A_152 = arith.constant 0 : index
    %get3A_153 = vector.load %arg2[%get3A_151, %get3A_152] : memref<6400x128xf32, #tpu.memory_space<vmem>>, vector<128x128xf32>
    %slice3A_154 = vector.extract_strided_slice %get3A_153 {offsets = [0, 0], sizes = [128, 64], strides = [1, 1]} : vector<128x128xf32> to vector<128x64xf32>
    %slice3A_155 = vector.extract_strided_slice %get3A_153 {offsets = [0, 64], sizes = [128, 64], strides = [1, 1]} : vector<128x128xf32> to vector<128x64xf32>
    %concatenate3A_156 = tpu.concatenate %slice3A_154, %slice3A_155 in 0 : vector<128x64xf32>, vector<128x64xf32> -> vector<256x64xf32>
    %dot_general3A_157 = arith.constant dense<0.000000e+00> : vector<64x256xf32>
    %dot_general3A_158 = tpu.matmul %concatenate3A_156, %get3A_1, %dot_general3A_157 {dimension_numbers = #tpu.dot_dimension_numbers<[0], [0], [1], [1], [0, 1, 1, 1], [], []>, transpose_lhs_hint = false} : vector<256x64xf32>, vector<256x256xf32>, vector<64x256xf32> -> vector<64x256xf32>
    %get3A_159 = arith.constant 7 : index
    %get3A_160 = arith.constant 0 : index
    %get3A_161 = arith.constant 0 : index
    %get3A_162 = vector.load %arg4[%get3A_159, %get3A_160, %get3A_161] : memref<50x64x8xf32, #tpu.memory_space<vmem>>, vector<1x64x1xf32>
    %get3A_163 = vector.shape_cast %get3A_162 : vector<1x64x1xf32> to vector<64x1xf32>
    %add3A_164 = vector.broadcast %get3A_163 : vector<64x1xf32> to vector<64x256xf32>
    %add3A_165 = arith.addf %dot_general3A_158, %add3A_164 : vector<64x256xf32>
    %swap3A_166 = arith.constant 0 : index
    %swap3A_167 = arith.constant 7 : index
    %swap3A_168 = arith.constant 0 : index
    %swap3A_169 = arith.constant 0 : index
    %swap3A_170 = vector.load %arg6[%swap3A_166, %swap3A_167, %swap3A_168, %swap3A_169] : memref<2x50x64x256xf32, #tpu.memory_space<vmem>>, vector<1x1x64x256xf32>
    %swap3A_171 = vector.shape_cast %swap3A_170 : vector<1x1x64x256xf32> to vector<64x256xf32>
    %swap3A_172 = vector.shape_cast %add3A_165 : vector<64x256xf32> to vector<1x1x64x256xf32>
    tpu.vector_store %arg6[%swap3A_166, %swap3A_167, %swap3A_168, %swap3A_169], %swap3A_172 {strides = array<i32>} : memref<2x50x64x256xf32, #tpu.memory_space<vmem>>, vector<1x1x64x256xf32>,
    %get3A_173 = arith.constant 1024 : index
    %get3A_174 = arith.constant 0 : index
    %get3A_175 = vector.load %arg2[%get3A_173, %get3A_174] : memref<6400x128xf32, #tpu.memory_space<vmem>>, vector<128x128xf32>
    %slice3A_176 = vector.extract_strided_slice %get3A_175 {offsets = [0, 0], sizes = [128, 64], strides = [1, 1]} : vector<128x128xf32> to vector<128x64xf32>
    %slice3A_177 = vector.extract_strided_slice %get3A_175 {offsets = [0, 64], sizes = [128, 64], strides = [1, 1]} : vector<128x128xf32> to vector<128x64xf32>
    %concatenate3A_178 = tpu.concatenate %slice3A_176, %slice3A_177 in 0 : vector<128x64xf32>, vector<128x64xf32> -> vector<256x64xf32>
    %dot_general3A_179 = arith.constant dense<0.000000e+00> : vector<64x256xf32>
    %dot_general3A_180 = tpu.matmul %concatenate3A_178, %get3A_1, %dot_general3A_179 {dimension_numbers = #tpu.dot_dimension_numbers<[0], [0], [1], [1], [0, 1, 1, 1], [], []>, transpose_lhs_hint = false} : vector<256x64xf32>, vector<256x256xf32>, vector<64x256xf32> -> vector<64x256xf32>
    %get3A_181 = arith.constant 8 : index
    %get3A_182 = arith.constant 0 : index
    %get3A_183 = arith.constant 0 : index
    %get3A_184 = vector.load %arg4[%get3A_181, %get3A_182, %get3A_183] : memref<50x64x8xf32, #tpu.memory_space<vmem>>, vector<1x64x1xf32>
    %get3A_185 = vector.shape_cast %get3A_184 : vector<1x64x1xf32> to vector<64x1xf32>
    %add3A_186 = vector.broadcast %get3A_185 : vector<64x1xf32> to vector<64x256xf32>
    %add3A_187 = arith.addf %dot_general3A_180, %add3A_186 : vector<64x256xf32>
    %swap3A_188 = arith.constant 0 : index
    %swap3A_189 = arith.constant 8 : index
    %swap3A_190 = arith.constant 0 : index
    %swap3A_191 = arith.constant 0 : index
    %swap3A_192 = vector.load %arg6[%swap3A_188, %swap3A_189, %swap3A_190, %swap3A_191] : memref<2x50x64x256xf32, #tpu.memory_space<vmem>>, vector<1x1x64x256xf32>
    %swap3A_193 = vector.shape_cast %swap3A_192 : vector<1x1x64x256xf32> to vector<64x256xf32>
    %swap3A_194 = vector.shape_cast %add3A_187 : vector<64x256xf32> to vector<1x1x64x256xf32>
    tpu.vector_store %arg6[%swap3A_188, %swap3A_189, %swap3A_190, %swap3A_191], %swap3A_194 {strides = array<i32>} : memref<2x50x64x256xf32, #tpu.memory_space<vmem>>, vector<1x1x64x256xf32>,
    %get3A_195 = arith.constant 1152 : index
    %get3A_196 = arith.constant 0 : index
    %get3A_197 = vector.load %arg2[%get3A_195, %get3A_196] : memref<6400x128xf32, #tpu.memory_space<vmem>>, vector<128x128xf32>
    %slice3A_198 = vector.extract_strided_slice %get3A_197 {offsets = [0, 0], sizes = [128, 64], strides = [1, 1]} : vector<128x128xf32> to vector<128x64xf32>
    %slice3A_199 = vector.extract_strided_slice %get3A_197 {offsets = [0, 64], sizes = [128, 64], strides = [1, 1]} : vector<128x128xf32> to vector<128x64xf32>
    %concatenate3A_200 = tpu.concatenate %slice3A_198, %slice3A_199 in 0 : vector<128x64xf32>, vector<128x64xf32> -> vector<256x64xf32>
    %dot_general3A_201 = arith.constant dense<0.000000e+00> : vector<64x256xf32>
    %dot_general3A_202 = tpu.matmul %concatenate3A_200, %get3A_1, %dot_general3A_201 {dimension_numbers = #tpu.dot_dimension_numbers<[0], [0], [1], [1], [0, 1, 1, 1], [], []>, transpose_lhs_hint = false} : vector<256x64xf32>, vector<256x256xf32>, vector<64x256xf32> -> vector<64x256xf32>
    %get3A_203 = arith.constant 9 : index
    %get3A_204 = arith.constant 0 : index
    %get3A_205 = arith.constant 0 : index
    %get3A_206 = vector.load %arg4[%get3A_203, %get3A_204, %get3A_205] : memref<50x64x8xf32, #tpu.memory_space<vmem>>, vector<1x64x1xf32>
    %get3A_207 = vector.shape_cast %get3A_206 : vector<1x64x1xf32> to vector<64x1xf32>
    %add3A_208 = vector.broadcast %get3A_207 : vector<64x1xf32> to vector<64x256xf32>
    %add3A_209 = arith.addf %dot_general3A_202, %add3A_208 : vector<64x256xf32>
    %swap3A_210 = arith.constant 0 : index
    %swap3A_211 = arith.constant 9 : index
    %swap3A_212 = arith.constant 0 : index
    %swap3A_213 = arith.constant 0 : index
    %swap3A_214 = vector.load %arg6[%swap3A_210, %swap3A_211, %swap3A_212, %swap3A_213] : memref<2x50x64x256xf32, #tpu.memory_space<vmem>>, vector<1x1x64x256xf32>
    %swap3A_215 = vector.shape_cast %swap3A_214 : vector<1x1x64x256xf32> to vector<64x256xf32>
    %swap3A_216 = vector.shape_cast %add3A_209 : vector<64x256xf32> to vector<1x1x64x256xf32>
    tpu.vector_store %arg6[%swap3A_210, %swap3A_211, %swap3A_212, %swap3A_213], %swap3A_216 {strides = array<i32>} : memref<2x50x64x256xf32, #tpu.memory_space<vmem>>, vector<1x1x64x256xf32>,
    %get3A_217 = arith.constant 1280 : index
    %get3A_218 = arith.constant 0 : index
    %get3A_219 = vector.load %arg2[%get3A_217, %get3A_218] : memref<6400x128xf32, #tpu.memory_space<vmem>>, vector<128x128xf32>
    %slice3A_220 = vector.extract_strided_slice %get3A_219 {offsets = [0, 0], sizes = [128, 64], strides = [1, 1]} : vector<128x128xf32> to vector<128x64xf32>
    %slice3A_221 = vector.extract_strided_slice %get3A_219 {offsets = [0, 64], sizes = [128, 64], strides = [1, 1]} : vector<128x128xf32> to vector<128x64xf32>
    %concatenate3A_222 = tpu.concatenate %slice3A_220, %slice3A_221 in 0 : vector<128x64xf32>, vector<128x64xf32> -> vector<256x64xf32>
    %dot_general3A_223 = arith.constant dense<0.000000e+00> : vector<64x256xf32>
    %dot_general3A_224 = tpu.matmul %concatenate3A_222, %get3A_1, %dot_general3A_223 {dimension_numbers = #tpu.dot_dimension_numbers<[0], [0], [1], [1], [0, 1, 1, 1], [], []>, transpose_lhs_hint = false} : vector<256x64xf32>, vector<256x256xf32>, vector<64x256xf32> -> vector<64x256xf32>
    %get3A_225 = arith.constant 10 : index
    %get3A_226 = arith.constant 0 : index
    %get3A_227 = arith.constant 0 : index
    %get3A_228 = vector.load %arg4[%get3A_225, %get3A_226, %get3A_227] : memref<50x64x8xf32, #tpu.memory_space<vmem>>, vector<1x64x1xf32>
    %get3A_229 = vector.shape_cast %get3A_228 : vector<1x64x1xf32> to vector<64x1xf32>
    %add3A_230 = vector.broadcast %get3A_229 : vector<64x1xf32> to vector<64x256xf32>
    %add3A_231 = arith.addf %dot_general3A_224, %add3A_230 : vector<64x256xf32>
    %swap3A_232 = arith.constant 0 : index
    %swap3A_233 = arith.constant 10 : index
    %swap3A_234 = arith.constant 0 : index
    %swap3A_235 = arith.constant 0 : index
    %swap3A_236 = vector.load %arg6[%swap3A_232, %swap3A_233, %swap3A_234, %swap3A_235] : memref<2x50x64x256xf32, #tpu.memory_space<vmem>>, vector<1x1x64x256xf32>
    %swap3A_237 = vector.shape_cast %swap3A_236 : vector<1x1x64x256xf32> to vector<64x256xf32>
    %swap3A_238 = vector.shape_cast %add3A_231 : vector<64x256xf32> to vector<1x1x64x256xf32>
    tpu.vector_store %arg6[%swap3A_232, %swap3A_233, %swap3A_234, %swap3A_235], %swap3A_238 {strides = array<i32>} : memref<2x50x64x256xf32, #tpu.memory_space<vmem>>, vector<1x1x64x256xf32>,
    %get3A_239 = arith.constant 1408 : index
    %get3A_240 = arith.constant 0 : index
    %get3A_241 = vector.load %arg2[%get3A_239, %get3A_240] : memref<6400x128xf32, #tpu.memory_space<vmem>>, vector<128x128xf32>
    %slice3A_242 = vector.extract_strided_slice %get3A_241 {offsets = [0, 0], sizes = [128, 64], strides = [1, 1]} : vector<128x128xf32> to vector<128x64xf32>
    %slice3A_243 = vector.extract_strided_slice %get3A_241 {offsets = [0, 64], sizes = [128, 64], strides = [1, 1]} : vector<128x128xf32> to vector<128x64xf32>
    %concatenate3A_244 = tpu.concatenate %slice3A_242, %slice3A_243 in 0 : vector<128x64xf32>, vector<128x64xf32> -> vector<256x64xf32>
    %dot_general3A_245 = arith.constant dense<0.000000e+00> : vector<64x256xf32>
    %dot_general3A_246 = tpu.matmul %concatenate3A_244, %get3A_1, %dot_general3A_245 {dimension_numbers = #tpu.dot_dimension_numbers<[0], [0], [1], [1], [0, 1, 1, 1], [], []>, transpose_lhs_hint = false} : vector<256x64xf32>, vector<256x256xf32>, vector<64x256xf32> -> vector<64x256xf32>
    %get3A_247 = arith.constant 11 : index
    %get3A_248 = arith.constant 0 : index
    %get3A_249 = arith.constant 0 : index
    %get3A_250 = vector.load %arg4[%get3A_247, %get3A_248, %get3A_249] : memref<50x64x8xf32, #tpu.memory_space<vmem>>, vector<1x64x1xf32>
    %get3A_251 = vector.shape_cast %get3A_250 : vector<1x64x1xf32> to vector<64x1xf32>
    %add3A_252 = vector.broadcast %get3A_251 : vector<64x1xf32> to vector<64x256xf32>
    %add3A_253 = arith.addf %dot_general3A_246, %add3A_252 : vector<64x256xf32>
    %swap3A_254 = arith.constant 0 : index
    %swap3A_255 = arith.constant 11 : index
    %swap3A_256 = arith.constant 0 : index
    %swap3A_257 = arith.constant 0 : index
    %swap3A_258 = vector.load %arg6[%swap3A_254, %swap3A_255, %swap3A_256, %swap3A_257] : memref<2x50x64x256xf32, #tpu.memory_space<vmem>>, vector<1x1x64x256xf32>
    %swap3A_259 = vector.shape_cast %swap3A_258 : vector<1x1x64x256xf32> to vector<64x256xf32>
    %swap3A_260 = vector.shape_cast %add3A_253 : vector<64x256xf32> to vector<1x1x64x256xf32>
    tpu.vector_store %arg6[%swap3A_254, %swap3A_255, %swap3A_256, %swap3A_257], %swap3A_260 {strides = array<i32>} : memref<2x50x64x256xf32, #tpu.memory_space<vmem>>, vector<1x1x64x256xf32>,
    %get3A_261 = arith.constant 1536 : index
    %get3A_262 = arith.constant 0 : index
    %get3A_263 = vector.load %arg2[%get3A_261, %get3A_262] : memref<6400x128xf32, #tpu.memory_space<vmem>>, vector<128x128xf32>
    %slice3A_264 = vector.extract_strided_slice %get3A_263 {offsets = [0, 0], sizes = [128, 64], strides = [1, 1]} : vector<128x128xf32> to vector<128x64xf32>
    %slice3A_265 = vector.extract_strided_slice %get3A_263 {offsets = [0, 64], sizes = [128, 64], strides = [1, 1]} : vector<128x128xf32> to vector<128x64xf32>
    %concatenate3A_266 = tpu.concatenate %slice3A_264, %slice3A_265 in 0 : vector<128x64xf32>, vector<128x64xf32> -> vector<256x64xf32>
    %dot_general3A_267 = arith.constant dense<0.000000e+00> : vector<64x256xf32>
    %dot_general3A_268 = tpu.matmul %concatenate3A_266, %get3A_1, %dot_general3A_267 {dimension_numbers = #tpu.dot_dimension_numbers<[0], [0], [1], [1], [0, 1, 1, 1], [], []>, transpose_lhs_hint = false} : vector<256x64xf32>, vector<256x256xf32>, vector<64x256xf32> -> vector<64x256xf32>
    %get3A_269 = arith.constant 12 : index
    %get3A_270 = arith.constant 0 : index
    %get3A_271 = arith.constant 0 : index
    %get3A_272 = vector.load %arg4[%get3A_269, %get3A_270, %get3A_271] : memref<50x64x8xf32, #tpu.memory_space<vmem>>, vector<1x64x1xf32>
    %get3A_273 = vector.shape_cast %get3A_272 : vector<1x64x1xf32> to vector<64x1xf32>
    %add3A_274 = vector.broadcast %get3A_273 : vector<64x1xf32> to vector<64x256xf32>
    %add3A_275 = arith.addf %dot_general3A_268, %add3A_274 : vector<64x256xf32>
    %swap3A_276 = arith.constant 0 : index
    %swap3A_277 = arith.constant 12 : index
    %swap3A_278 = arith.constant 0 : index
    %swap3A_279 = arith.constant 0 : index
    %swap3A_280 = vector.load %arg6[%swap3A_276, %swap3A_277, %swap3A_278, %swap3A_279] : memref<2x50x64x256xf32, #tpu.memory_space<vmem>>, vector<1x1x64x256xf32>
    %swap3A_281 = vector.shape_cast %swap3A_280 : vector<1x1x64x256xf32> to vector<64x256xf32>
    %swap3A_282 = vector.shape_cast %add3A_275 : vector<64x256xf32> to vector<1x1x64x256xf32>
    tpu.vector_store %arg6[%swap3A_276, %swap3A_277, %swap3A_278, %swap3A_279], %swap3A_282 {strides = array<i32>} : memref<2x50x64x256xf32, #tpu.memory_space<vmem>>, vector<1x1x64x256xf32>,
    %get3A_283 = arith.constant 1664 : index
    %get3A_284 = arith.constant 0 : index
    %get3A_285 = vector.load %arg2[%get3A_283, %get3A_284] : memref<6400x128xf32, #tpu.memory_space<vmem>>, vector<128x128xf32>
    %slice3A_286 = vector.extract_strided_slice %get3A_285 {offsets = [0, 0], sizes = [128, 64], strides = [1, 1]} : vector<128x128xf32> to vector<128x64xf32>
    %slice3A_287 = vector.extract_strided_slice %get3A_285 {offsets = [0, 64], sizes = [128, 64], strides = [1, 1]} : vector<128x128xf32> to vector<128x64xf32>
    %concatenate3A_288 = tpu.concatenate %slice3A_286, %slice3A_287 in 0 : vector<128x64xf32>, vector<128x64xf32> -> vector<256x64xf32>
    %dot_general3A_289 = arith.constant dense<0.000000e+00> : vector<64x256xf32>
    %dot_general3A_290 = tpu.matmul %concatenate3A_288, %get3A_1, %dot_general3A_289 {dimension_numbers = #tpu.dot_dimension_numbers<[0], [0], [1], [1], [0, 1, 1, 1], [], []>, transpose_lhs_hint = false} : vector<256x64xf32>, vector<256x256xf32>, vector<64x256xf32> -> vector<64x256xf32>
    %get3A_291 = arith.constant 13 : index
    %get3A_292 = arith.constant 0 : index
    %get3A_293 = arith.constant 0 : index
    %get3A_294 = vector.load %arg4[%get3A_291, %get3A_292, %get3A_293] : memref<50x64x8xf32, #tpu.memory_space<vmem>>, vector<1x64x1xf32>
    %get3A_295 = vector.shape_cast %get3A_294 : vector<1x64x1xf32> to vector<64x1xf32>
    %add3A_296 = vector.broadcast %get3A_295 : vector<64x1xf32> to vector<64x256xf32>
    %add3A_297 = arith.addf %dot_general3A_290, %add3A_296 : vector<64x256xf32>
    %swap3A_298 = arith.constant 0 : index
    %swap3A_299 = arith.constant 13 : index
    %swap3A_300 = arith.constant 0 : index
    %swap3A_301 = arith.constant 0 : index
    %swap3A_302 = vector.load %arg6[%swap3A_298, %swap3A_299, %swap3A_300, %swap3A_301] : memref<2x50x64x256xf32, #tpu.memory_space<vmem>>, vector<1x1x64x256xf32>
    %swap3A_303 = vector.shape_cast %swap3A_302 : vector<1x1x64x256xf32> to vector<64x256xf32>
    %swap3A_304 = vector.shape_cast %add3A_297 : vector<64x256xf32> to vector<1x1x64x256xf32>
    tpu.vector_store %arg6[%swap3A_298, %swap3A_299, %swap3A_300, %swap3A_301], %swap3A_304 {strides = array<i32>} : memref<2x50x64x256xf32, #tpu.memory_space<vmem>>, vector<1x1x64x256xf32>,
    %get3A_305 = arith.constant 1792 : index
    %get3A_306 = arith.constant 0 : index
    %get3A_307 = vector.load %arg2[%get3A_305, %get3A_306] : memref<6400x128xf32, #tpu.memory_space<vmem>>, vector<128x128xf32>
    %slice3A_308 = vector.extract_strided_slice %get3A_307 {offsets = [0, 0], sizes = [128, 64], strides = [1, 1]} : vector<128x128xf32> to vector<128x64xf32>
    %slice3A_309 = vector.extract_strided_slice %get3A_307 {offsets = [0, 64], sizes = [128, 64], strides = [1, 1]} : vector<128x128xf32> to vector<128x64xf32>
    %concatenate3A_310 = tpu.concatenate %slice3A_308, %slice3A_309 in 0 : vector<128x64xf32>, vector<128x64xf32> -> vector<256x64xf32>
    %dot_general3A_311 = arith.constant dense<0.000000e+00> : vector<64x256xf32>
    %dot_general3A_312 = tpu.matmul %concatenate3A_310, %get3A_1, %dot_general3A_311 {dimension_numbers = #tpu.dot_dimension_numbers<[0], [0], [1], [1], [0, 1, 1, 1], [], []>, transpose_lhs_hint = false} : vector<256x64xf32>, vector<256x256xf32>, vector<64x256xf32> -> vector<64x256xf32>
    %get3A_313 = arith.constant 14 : index
    %get3A_314 = arith.constant 0 : index
    %get3A_315 = arith.constant 0 : index
    %get3A_316 = vector.load %arg4[%get3A_313, %get3A_314, %get3A_315] : memref<50x64x8xf32, #tpu.memory_space<vmem>>, vector<1x64x1xf32>
    %get3A_317 = vector.shape_cast %get3A_316 : vector<1x64x1xf32> to vector<64x1xf32>
    %add3A_318 = vector.broadcast %get3A_317 : vector<64x1xf32> to vector<64x256xf32>
    %add3A_319 = arith.addf %dot_general3A_312, %add3A_318 : vector<64x256xf32>
    %swap3A_320 = arith.constant 0 : index
    %swap3A_321 = arith.constant 14 : index
    %swap3A_322 = arith.constant 0 : index
    %swap3A_323 = arith.constant 0 : index
    %swap3A_324 = vector.load %arg6[%swap3A_320, %swap3A_321, %swap3A_322, %swap3A_323] : memref<2x50x64x256xf32, #tpu.memory_space<vmem>>, vector<1x1x64x256xf32>
    %swap3A_325 = vector.shape_cast %swap3A_324 : vector<1x1x64x256xf32> to vector<64x256xf32>
    %swap3A_326 = vector.shape_cast %add3A_319 : vector<64x256xf32> to vector<1x1x64x256xf32>
    tpu.vector_store %arg6[%swap3A_320, %swap3A_321, %swap3A_322, %swap3A_323], %swap3A_326 {strides = array<i32>} : memref<2x50x64x256xf32, #tpu.memory_space<vmem>>, vector<1x1x64x256xf32>,
    %get3A_327 = arith.constant 1920 : index
    %get3A_328 = arith.constant 0 : index
    %get3A_329 = vector.load %arg2[%get3A_327, %get3A_328] : memref<6400x128xf32, #tpu.memory_space<vmem>>, vector<128x128xf32>
    %slice3A_330 = vector.extract_strided_slice %get3A_329 {offsets = [0, 0], sizes = [128, 64], strides = [1, 1]} : vector<128x128xf32> to vector<128x64xf32>
    %slice3A_331 = vector.extract_strided_slice %get3A_329 {offsets = [0, 64], sizes = [128, 64], strides = [1, 1]} : vector<128x128xf32> to vector<128x64xf32>
    %concatenate3A_332 = tpu.concatenate %slice3A_330, %slice3A_331 in 0 : vector<128x64xf32>, vector<128x64xf32> -> vector<256x64xf32>
    %dot_general3A_333 = arith.constant dense<0.000000e+00> : vector<64x256xf32>
    %dot_general3A_334 = tpu.matmul %concatenate3A_332, %get3A_1, %dot_general3A_333 {dimension_numbers = #tpu.dot_dimension_numbers<[0], [0], [1], [1], [0, 1, 1, 1], [], []>, transpose_lhs_hint = false} : vector<256x64xf32>, vector<256x256xf32>, vector<64x256xf32> -> vector<64x256xf32>
    %get3A_335 = arith.constant 15 : index
    %get3A_336 = arith.constant 0 : index
    %get3A_337 = arith.constant 0 : index
    %get3A_338 = vector.load %arg4[%get3A_335, %get3A_336, %get3A_337] : memref<50x64x8xf32, #tpu.memory_space<vmem>>, vector<1x64x1xf32>
    %get3A_339 = vector.shape_cast %get3A_338 : vector<1x64x1xf32> to vector<64x1xf32>
    %add3A_340 = vector.broadcast %get3A_339 : vector<64x1xf32> to vector<64x256xf32>
    %add3A_341 = arith.addf %dot_general3A_334, %add3A_340 : vector<64x256xf32>
    %swap3A_342 = arith.constant 0 : index
    %swap3A_343 = arith.constant 15 : index
    %swap3A_344 = arith.constant 0 : index
    %swap3A_345 = arith.constant 0 : index
    %swap3A_346 = vector.load %arg6[%swap3A_342, %swap3A_343, %swap3A_344, %swap3A_345] : memref<2x50x64x256xf32, #tpu.memory_space<vmem>>, vector<1x1x64x256xf32>
    %swap3A_347 = vector.shape_cast %swap3A_346 : vector<1x1x64x256xf32> to vector<64x256xf32>
    %swap3A_348 = vector.shape_cast %add3A_341 : vector<64x256xf32> to vector<1x1x64x256xf32>
    tpu.vector_store %arg6[%swap3A_342, %swap3A_343, %swap3A_344, %swap3A_345], %swap3A_348 {strides = array<i32>} : memref<2x50x64x256xf32, #tpu.memory_space<vmem>>, vector<1x1x64x256xf32>,
    %get3A_349 = arith.constant 2048 : index
    %get3A_350 = arith.constant 0 : index
    %get3A_351 = vector.load %arg2[%get3A_349, %get3A_350] : memref<6400x128xf32, #tpu.memory_space<vmem>>, vector<128x128xf32>
    %slice3A_352 = vector.extract_strided_slice %get3A_351 {offsets = [0, 0], sizes = [128, 64], strides = [1, 1]} : vector<128x128xf32> to vector<128x64xf32>
    %slice3A_353 = vector.extract_strided_slice %get3A_351 {offsets = [0, 64], sizes = [128, 64], strides = [1, 1]} : vector<128x128xf32> to vector<128x64xf32>
    %concatenate3A_354 = tpu.concatenate %slice3A_352, %slice3A_353 in 0 : vector<128x64xf32>, vector<128x64xf32> -> vector<256x64xf32>
    %dot_general3A_355 = arith.constant dense<0.000000e+00> : vector<64x256xf32>
    %dot_general3A_356 = tpu.matmul %concatenate3A_354, %get3A_1, %dot_general3A_355 {dimension_numbers = #tpu.dot_dimension_numbers<[0], [0], [1], [1], [0, 1, 1, 1], [], []>, transpose_lhs_hint = false} : vector<256x64xf32>, vector<256x256xf32>, vector<64x256xf32> -> vector<64x256xf32>
    %get3A_357 = arith.constant 16 : index
    %get3A_358 = arith.constant 0 : index
    %get3A_359 = arith.constant 0 : index
    %get3A_360 = vector.load %arg4[%get3A_357, %get3A_358, %get3A_359] : memref<50x64x8xf32, #tpu.memory_space<vmem>>, vector<1x64x1xf32>
    %get3A_361 = vector.shape_cast %get3A_360 : vector<1x64x1xf32> to vector<64x1xf32>
    %add3A_362 = vector.broadcast %get3A_361 : vector<64x1xf32> to vector<64x256xf32>
    %add3A_363 = arith.addf %dot_general3A_356, %add3A_362 : vector<64x256xf32>
    %swap3A_364 = arith.constant 0 : index
    %swap3A_365 = arith.constant 16 : index
    %swap3A_366 = arith.constant 0 : index
    %swap3A_367 = arith.constant 0 : index
    %swap3A_368 = vector.load %arg6[%swap3A_364, %swap3A_365, %swap3A_366, %swap3A_367] : memref<2x50x64x256xf32, #tpu.memory_space<vmem>>, vector<1x1x64x256xf32>
    %swap3A_369 = vector.shape_cast %swap3A_368 : vector<1x1x64x256xf32> to vector<64x256xf32>
    %swap3A_370 = vector.shape_cast %add3A_363 : vector<64x256xf32> to vector<1x1x64x256xf32>
    tpu.vector_store %arg6[%swap3A_364, %swap3A_365, %swap3A_366, %swap3A_367], %swap3A_370 {strides = array<i32>} : memref<2x50x64x256xf32, #tpu.memory_space<vmem>>, vector<1x1x64x256xf32>,
    %get3A_371 = arith.constant 2176 : index
    %get3A_372 = arith.constant 0 : index
    %get3A_373 = vector.load %arg2[%get3A_371, %get3A_372] : memref<6400x128xf32, #tpu.memory_space<vmem>>, vector<128x128xf32>
    %slice3A_374 = vector.extract_strided_slice %get3A_373 {offsets = [0, 0], sizes = [128, 64], strides = [1, 1]} : vector<128x128xf32> to vector<128x64xf32>
    %slice3A_375 = vector.extract_strided_slice %get3A_373 {offsets = [0, 64], sizes = [128, 64], strides = [1, 1]} : vector<128x128xf32> to vector<128x64xf32>
    %concatenate3A_376 = tpu.concatenate %slice3A_374, %slice3A_375 in 0 : vector<128x64xf32>, vector<128x64xf32> -> vector<256x64xf32>
    %dot_general3A_377 = arith.constant dense<0.000000e+00> : vector<64x256xf32>
    %dot_general3A_378 = tpu.matmul %concatenate3A_376, %get3A_1, %dot_general3A_377 {dimension_numbers = #tpu.dot_dimension_numbers<[0], [0], [1], [1], [0, 1, 1, 1], [], []>, transpose_lhs_hint = false} : vector<256x64xf32>, vector<256x256xf32>, vector<64x256xf32> -> vector<64x256xf32>
    %get3A_379 = arith.constant 17 : index
    %get3A_380 = arith.constant 0 : index
    %get3A_381 = arith.constant 0 : index
    %get3A_382 = vector.load %arg4[%get3A_379, %get3A_380, %get3A_381] : memref<50x64x8xf32, #tpu.memory_space<vmem>>, vector<1x64x1xf32>
    %get3A_383 = vector.shape_cast %get3A_382 : vector<1x64x1xf32> to vector<64x1xf32>
    %add3A_384 = vector.broadcast %get3A_383 : vector<64x1xf32> to vector<64x256xf32>
    %add3A_385 = arith.addf %dot_general3A_378, %add3A_384 : vector<64x256xf32>
    %swap3A_386 = arith.constant 0 : index
    %swap3A_387 = arith.constant 17 : index
    %swap3A_388 = arith.constant 0 : index
    %swap3A_389 = arith.constant 0 : index
    %swap3A_390 = vector.load %arg6[%swap3A_386, %swap3A_387, %swap3A_388, %swap3A_389] : memref<2x50x64x256xf32, #tpu.memory_space<vmem>>, vector<1x1x64x256xf32>
    %swap3A_391 = vector.shape_cast %swap3A_390 : vector<1x1x64x256xf32> to vector<64x256xf32>
    %swap3A_392 = vector.shape_cast %add3A_385 : vector<64x256xf32> to vector<1x1x64x256xf32>
    tpu.vector_store %arg6[%swap3A_386, %swap3A_387, %swap3A_388, %swap3A_389], %swap3A_392 {strides = array<i32>} : memref<2x50x64x256xf32, #tpu.memory_space<vmem>>, vector<1x1x64x256xf32>,
    %get3A_393 = arith.constant 2304 : index
    %get3A_394 = arith.constant 0 : index
    %get3A_395 = vector.load %arg2[%get3A_393, %get3A_394] : memref<6400x128xf32, #tpu.memory_space<vmem>>, vector<128x128xf32>
    %slice3A_396 = vector.extract_strided_slice %get3A_395 {offsets = [0, 0], sizes = [128, 64], strides = [1, 1]} : vector<128x128xf32> to vector<128x64xf32>
    %slice3A_397 = vector.extract_strided_slice %get3A_395 {offsets = [0, 64], sizes = [128, 64], strides = [1, 1]} : vector<128x128xf32> to vector<128x64xf32>
    %concatenate3A_398 = tpu.concatenate %slice3A_396, %slice3A_397 in 0 : vector<128x64xf32>, vector<128x64xf32> -> vector<256x64xf32>
    %dot_general3A_399 = arith.constant dense<0.000000e+00> : vector<64x256xf32>
    %dot_general3A_400 = tpu.matmul %concatenate3A_398, %get3A_1, %dot_general3A_399 {dimension_numbers = #tpu.dot_dimension_numbers<[0], [0], [1], [1], [0, 1, 1, 1], [], []>, transpose_lhs_hint = false} : vector<256x64xf32>, vector<256x256xf32>, vector<64x256xf32> -> vector<64x256xf32>
    %get3A_401 = arith.constant 18 : index
    %get3A_402 = arith.constant 0 : index
    %get3A_403 = arith.constant 0 : index
    %get3A_404 = vector.load %arg4[%get3A_401, %get3A_402, %get3A_403] : memref<50x64x8xf32, #tpu.memory_space<vmem>>, vector<1x64x1xf32>
    %get3A_405 = vector.shape_cast %get3A_404 : vector<1x64x1xf32> to vector<64x1xf32>
    %add3A_406 = vector.broadcast %get3A_405 : vector<64x1xf32> to vector<64x256xf32>
    %add3A_407 = arith.addf %dot_general3A_400, %add3A_406 : vector<64x256xf32>
    %swap3A_408 = arith.constant 0 : index
    %swap3A_409 = arith.constant 18 : index
    %swap3A_410 = arith.constant 0 : index
    %swap3A_411 = arith.constant 0 : index
    %swap3A_412 = vector.load %arg6[%swap3A_408, %swap3A_409, %swap3A_410, %swap3A_411] : memref<2x50x64x256xf32, #tpu.memory_space<vmem>>, vector<1x1x64x256xf32>
    %swap3A_413 = vector.shape_cast %swap3A_412 : vector<1x1x64x256xf32> to vector<64x256xf32>
    %swap3A_414 = vector.shape_cast %add3A_407 : vector<64x256xf32> to vector<1x1x64x256xf32>
    tpu.vector_store %arg6[%swap3A_408, %swap3A_409, %swap3A_410, %swap3A_411], %swap3A_414 {strides = array<i32>} : memref<2x50x64x256xf32, #tpu.memory_space<vmem>>, vector<1x1x64x256xf32>,
    %get3A_415 = arith.constant 2432 : index
    %get3A_416 = arith.constant 0 : index
    %get3A_417 = vector.load %arg2[%get3A_415, %get3A_416] : memref<6400x128xf32, #tpu.memory_space<vmem>>, vector<128x128xf32>
    %slice3A_418 = vector.extract_strided_slice %get3A_417 {offsets = [0, 0], sizes = [128, 64], strides = [1, 1]} : vector<128x128xf32> to vector<128x64xf32>
    %slice3A_419 = vector.extract_strided_slice %get3A_417 {offsets = [0, 64], sizes = [128, 64], strides = [1, 1]} : vector<128x128xf32> to vector<128x64xf32>
    %concatenate3A_420 = tpu.concatenate %slice3A_418, %slice3A_419 in 0 : vector<128x64xf32>, vector<128x64xf32> -> vector<256x64xf32>
    %dot_general3A_421 = arith.constant dense<0.000000e+00> : vector<64x256xf32>
    %dot_general3A_422 = tpu.matmul %concatenate3A_420, %get3A_1, %dot_general3A_421 {dimension_numbers = #tpu.dot_dimension_numbers<[0], [0], [1], [1], [0, 1, 1, 1], [], []>, transpose_lhs_hint = false} : vector<256x64xf32>, vector<256x256xf32>, vector<64x256xf32> -> vector<64x256xf32>
    %get3A_423 = arith.constant 19 : index
    %get3A_424 = arith.constant 0 : index
    %get3A_425 = arith.constant 0 : index
    %get3A_426 = vector.load %arg4[%get3A_423, %get3A_424, %get3A_425] : memref<50x64x8xf32, #tpu.memory_space<vmem>>, vector<1x64x1xf32>
    %get3A_427 = vector.shape_cast %get3A_426 : vector<1x64x1xf32> to vector<64x1xf32>
    %add3A_428 = vector.broadcast %get3A_427 : vector<64x1xf32> to vector<64x256xf32>
    %add3A_429 = arith.addf %dot_general3A_422, %add3A_428 : vector<64x256xf32>
    %swap3A_430 = arith.constant 0 : index
    %swap3A_431 = arith.constant 19 : index
    %swap3A_432 = arith.constant 0 : index
    %swap3A_433 = arith.constant 0 : index
    %swap3A_434 = vector.load %arg6[%swap3A_430, %swap3A_431, %swap3A_432, %swap3A_433] : memref<2x50x64x256xf32, #tpu.memory_space<vmem>>, vector<1x1x64x256xf32>
    %swap3A_435 = vector.shape_cast %swap3A_434 : vector<1x1x64x256xf32> to vector<64x256xf32>
    %swap3A_436 = vector.shape_cast %add3A_429 : vector<64x256xf32> to vector<1x1x64x256xf32>
    tpu.vector_store %arg6[%swap3A_430, %swap3A_431, %swap3A_432, %swap3A_433], %swap3A_436 {strides = array<i32>} : memref<2x50x64x256xf32, #tpu.memory_space<vmem>>, vector<1x1x64x256xf32>,
    %get3A_437 = arith.constant 2560 : index
    %get3A_438 = arith.constant 0 : index
    %get3A_439 = vector.load %arg2[%get3A_437, %get3A_438] : memref<6400x128xf32, #tpu.memory_space<vmem>>, vector<128x128xf32>
    %slice3A_440 = vector.extract_strided_slice %get3A_439 {offsets = [0, 0], sizes = [128, 64], strides = [1, 1]} : vector<128x128xf32> to vector<128x64xf32>
    %slice3A_441 = vector.extract_strided_slice %get3A_439 {offsets = [0, 64], sizes = [128, 64], strides = [1, 1]} : vector<128x128xf32> to vector<128x64xf32>
    %concatenate3A_442 = tpu.concatenate %slice3A_440, %slice3A_441 in 0 : vector<128x64xf32>, vector<128x64xf32> -> vector<256x64xf32>
    %dot_general3A_443 = arith.constant dense<0.000000e+00> : vector<64x256xf32>
    %dot_general3A_444 = tpu.matmul %concatenate3A_442, %get3A_1, %dot_general3A_443 {dimension_numbers = #tpu.dot_dimension_numbers<[0], [0], [1], [1], [0, 1, 1, 1], [], []>, transpose_lhs_hint = false} : vector<256x64xf32>, vector<256x256xf32>, vector<64x256xf32> -> vector<64x256xf32>
    %get3A_445 = arith.constant 20 : index
    %get3A_446 = arith.constant 0 : index
    %get3A_447 = arith.constant 0 : index
    %get3A_448 = vector.load %arg4[%get3A_445, %get3A_446, %get3A_447] : memref<50x64x8xf32, #tpu.memory_space<vmem>>, vector<1x64x1xf32>
    %get3A_449 = vector.shape_cast %get3A_448 : vector<1x64x1xf32> to vector<64x1xf32>
    %add3A_450 = vector.broadcast %get3A_449 : vector<64x1xf32> to vector<64x256xf32>
    %add3A_451 = arith.addf %dot_general3A_444, %add3A_450 : vector<64x256xf32>
    %swap3A_452 = arith.constant 0 : index
    %swap3A_453 = arith.constant 20 : index
    %swap3A_454 = arith.constant 0 : index
    %swap3A_455 = arith.constant 0 : index
    %swap3A_456 = vector.load %arg6[%swap3A_452, %swap3A_453, %swap3A_454, %swap3A_455] : memref<2x50x64x256xf32, #tpu.memory_space<vmem>>, vector<1x1x64x256xf32>
    %swap3A_457 = vector.shape_cast %swap3A_456 : vector<1x1x64x256xf32> to vector<64x256xf32>
    %swap3A_458 = vector.shape_cast %add3A_451 : vector<64x256xf32> to vector<1x1x64x256xf32>
    tpu.vector_store %arg6[%swap3A_452, %swap3A_453, %swap3A_454, %swap3A_455], %swap3A_458 {strides = array<i32>} : memref<2x50x64x256xf32, #tpu.memory_space<vmem>>, vector<1x1x64x256xf32>,
    %get3A_459 = arith.constant 2688 : index
    %get3A_460 = arith.constant 0 : index
    %get3A_461 = vector.load %arg2[%get3A_459, %get3A_460] : memref<6400x128xf32, #tpu.memory_space<vmem>>, vector<128x128xf32>
    %slice3A_462 = vector.extract_strided_slice %get3A_461 {offsets = [0, 0], sizes = [128, 64], strides = [1, 1]} : vector<128x128xf32> to vector<128x64xf32>
    %slice3A_463 = vector.extract_strided_slice %get3A_461 {offsets = [0, 64], sizes = [128, 64], strides = [1, 1]} : vector<128x128xf32> to vector<128x64xf32>
    %concatenate3A_464 = tpu.concatenate %slice3A_462, %slice3A_463 in 0 : vector<128x64xf32>, vector<128x64xf32> -> vector<256x64xf32>
    %dot_general3A_465 = arith.constant dense<0.000000e+00> : vector<64x256xf32>
    %dot_general3A_466 = tpu.matmul %concatenate3A_464, %get3A_1, %dot_general3A_465 {dimension_numbers = #tpu.dot_dimension_numbers<[0], [0], [1], [1], [0, 1, 1, 1], [], []>, transpose_lhs_hint = false} : vector<256x64xf32>, vector<256x256xf32>, vector<64x256xf32> -> vector<64x256xf32>
    %get3A_467 = arith.constant 21 : index
    %get3A_468 = arith.constant 0 : index
    %get3A_469 = arith.constant 0 : index
    %get3A_470 = vector.load %arg4[%get3A_467, %get3A_468, %get3A_469] : memref<50x64x8xf32, #tpu.memory_space<vmem>>, vector<1x64x1xf32>
    %get3A_471 = vector.shape_cast %get3A_470 : vector<1x64x1xf32> to vector<64x1xf32>
    %add3A_472 = vector.broadcast %get3A_471 : vector<64x1xf32> to vector<64x256xf32>
    %add3A_473 = arith.addf %dot_general3A_466, %add3A_472 : vector<64x256xf32>
    %swap3A_474 = arith.constant 0 : index
    %swap3A_475 = arith.constant 21 : index
    %swap3A_476 = arith.constant 0 : index
    %swap3A_477 = arith.constant 0 : index
    %swap3A_478 = vector.load %arg6[%swap3A_474, %swap3A_475, %swap3A_476, %swap3A_477] : memref<2x50x64x256xf32, #tpu.memory_space<vmem>>, vector<1x1x64x256xf32>
    %swap3A_479 = vector.shape_cast %swap3A_478 : vector<1x1x64x256xf32> to vector<64x256xf32>
    %swap3A_480 = vector.shape_cast %add3A_473 : vector<64x256xf32> to vector<1x1x64x256xf32>
    tpu.vector_store %arg6[%swap3A_474, %swap3A_475, %swap3A_476, %swap3A_477], %swap3A_480 {strides = array<i32>} : memref<2x50x64x256xf32, #tpu.memory_space<vmem>>, vector<1x1x64x256xf32>,
    %get3A_481 = arith.constant 2816 : index
    %get3A_482 = arith.constant 0 : index
    %get3A_483 = vector.load %arg2[%get3A_481, %get3A_482] : memref<6400x128xf32, #tpu.memory_space<vmem>>, vector<128x128xf32>
    %slice3A_484 = vector.extract_strided_slice %get3A_483 {offsets = [0, 0], sizes = [128, 64], strides = [1, 1]} : vector<128x128xf32> to vector<128x64xf32>
    %slice3A_485 = vector.extract_strided_slice %get3A_483 {offsets = [0, 64], sizes = [128, 64], strides = [1, 1]} : vector<128x128xf32> to vector<128x64xf32>
    %concatenate3A_486 = tpu.concatenate %slice3A_484, %slice3A_485 in 0 : vector<128x64xf32>, vector<128x64xf32> -> vector<256x64xf32>
    %dot_general3A_487 = arith.constant dense<0.000000e+00> : vector<64x256xf32>
    %dot_general3A_488 = tpu.matmul %concatenate3A_486, %get3A_1, %dot_general3A_487 {dimension_numbers = #tpu.dot_dimension_numbers<[0], [0], [1], [1], [0, 1, 1, 1], [], []>, transpose_lhs_hint = false} : vector<256x64xf32>, vector<256x256xf32>, vector<64x256xf32> -> vector<64x256xf32>
    %get3A_489 = arith.constant 22 : index
    %get3A_490 = arith.constant 0 : index
    %get3A_491 = arith.constant 0 : index
    %get3A_492 = vector.load %arg4[%get3A_489, %get3A_490, %get3A_491] : memref<50x64x8xf32, #tpu.memory_space<vmem>>, vector<1x64x1xf32>
    %get3A_493 = vector.shape_cast %get3A_492 : vector<1x64x1xf32> to vector<64x1xf32>
    %add3A_494 = vector.broadcast %get3A_493 : vector<64x1xf32> to vector<64x256xf32>
    %add3A_495 = arith.addf %dot_general3A_488, %add3A_494 : vector<64x256xf32>
    %swap3A_496 = arith.constant 0 : index
    %swap3A_497 = arith.constant 22 : index
    %swap3A_498 = arith.constant 0 : index
    %swap3A_499 = arith.constant 0 : index
    %swap3A_500 = vector.load %arg6[%swap3A_496, %swap3A_497, %swap3A_498, %swap3A_499] : memref<2x50x64x256xf32, #tpu.memory_space<vmem>>, vector<1x1x64x256xf32>
    %swap3A_501 = vector.shape_cast %swap3A_500 : vector<1x1x64x256xf32> to vector<64x256xf32>
    %swap3A_502 = vector.shape_cast %add3A_495 : vector<64x256xf32> to vector<1x1x64x256xf32>
    tpu.vector_store %arg6[%swap3A_496, %swap3A_497, %swap3A_498, %swap3A_499], %swap3A_502 {strides = array<i32>} : memref<2x50x64x256xf32, #tpu.memory_space<vmem>>, vector<1x1x64x256xf32>,
    %get3A_503 = arith.constant 2944 : index
    %get3A_504 = arith.constant 0 : index
    %get3A_505 = vector.load %arg2[%get3A_503, %get3A_504] : memref<6400x128xf32, #tpu.memory_space<vmem>>, vector<128x128xf32>
    %slice3A_506 = vector.extract_strided_slice %get3A_505 {offsets = [0, 0], sizes = [128, 64], strides = [1, 1]} : vector<128x128xf32> to vector<128x64xf32>
    %slice3A_507 = vector.extract_strided_slice %get3A_505 {offsets = [0, 64], sizes = [128, 64], strides = [1, 1]} : vector<128x128xf32> to vector<128x64xf32>
    %concatenate3A_508 = tpu.concatenate %slice3A_506, %slice3A_507 in 0 : vector<128x64xf32>, vector<128x64xf32> -> vector<256x64xf32>
    %dot_general3A_509 = arith.constant dense<0.000000e+00> : vector<64x256xf32>
    %dot_general3A_510 = tpu.matmul %concatenate3A_508, %get3A_1, %dot_general3A_509 {dimension_numbers = #tpu.dot_dimension_numbers<[0], [0], [1], [1], [0, 1, 1, 1], [], []>, transpose_lhs_hint = false} : vector<256x64xf32>, vector<256x256xf32>, vector<64x256xf32> -> vector<64x256xf32>
    %get3A_511 = arith.constant 23 : index
    %get3A_512 = arith.constant 0 : index
    %get3A_513 = arith.constant 0 : index
    %get3A_514 = vector.load %arg4[%get3A_511, %get3A_512, %get3A_513] : memref<50x64x8xf32, #tpu.memory_space<vmem>>, vector<1x64x1xf32>
    %get3A_515 = vector.shape_cast %get3A_514 : vector<1x64x1xf32> to vector<64x1xf32>
    %add3A_516 = vector.broadcast %get3A_515 : vector<64x1xf32> to vector<64x256xf32>
    %add3A_517 = arith.addf %dot_general3A_510, %add3A_516 : vector<64x256xf32>
    %swap3A_518 = arith.constant 0 : index
    %swap3A_519 = arith.constant 23 : index
    %swap3A_520 = arith.constant 0 : index
    %swap3A_521 = arith.constant 0 : index
    %swap3A_522 = vector.load %arg6[%swap3A_518, %swap3A_519, %swap3A_520, %swap3A_521] : memref<2x50x64x256xf32, #tpu.memory_space<vmem>>, vector<1x1x64x256xf32>
    %swap3A_523 = vector.shape_cast %swap3A_522 : vector<1x1x64x256xf32> to vector<64x256xf32>
    %swap3A_524 = vector.shape_cast %add3A_517 : vector<64x256xf32> to vector<1x1x64x256xf32>
    tpu.vector_store %arg6[%swap3A_518, %swap3A_519, %swap3A_520, %swap3A_521], %swap3A_524 {strides = array<i32>} : memref<2x50x64x256xf32, #tpu.memory_space<vmem>>, vector<1x1x64x256xf32>,
    %get3A_525 = arith.constant 3072 : index
    %get3A_526 = arith.constant 0 : index
    %get3A_527 = vector.load %arg2[%get3A_525, %get3A_526] : memref<6400x128xf32, #tpu.memory_space<vmem>>, vector<128x128xf32>
    %slice3A_528 = vector.extract_strided_slice %get3A_527 {offsets = [0, 0], sizes = [128, 64], strides = [1, 1]} : vector<128x128xf32> to vector<128x64xf32>
    %slice3A_529 = vector.extract_strided_slice %get3A_527 {offsets = [0, 64], sizes = [128, 64], strides = [1, 1]} : vector<128x128xf32> to vector<128x64xf32>
    %concatenate3A_530 = tpu.concatenate %slice3A_528, %slice3A_529 in 0 : vector<128x64xf32>, vector<128x64xf32> -> vector<256x64xf32>
    %dot_general3A_531 = arith.constant dense<0.000000e+00> : vector<64x256xf32>
    %dot_general3A_532 = tpu.matmul %concatenate3A_530, %get3A_1, %dot_general3A_531 {dimension_numbers = #tpu.dot_dimension_numbers<[0], [0], [1], [1], [0, 1, 1, 1], [], []>, transpose_lhs_hint = false} : vector<256x64xf32>, vector<256x256xf32>, vector<64x256xf32> -> vector<64x256xf32>
    %get3A_533 = arith.constant 24 : index
    %get3A_534 = arith.constant 0 : index
    %get3A_535 = arith.constant 0 : index
    %get3A_536 = vector.load %arg4[%get3A_533, %get3A_534, %get3A_535] : memref<50x64x8xf32, #tpu.memory_space<vmem>>, vector<1x64x1xf32>
    %get3A_537 = vector.shape_cast %get3A_536 : vector<1x64x1xf32> to vector<64x1xf32>
    %add3A_538 = vector.broadcast %get3A_537 : vector<64x1xf32> to vector<64x256xf32>
    %add3A_539 = arith.addf %dot_general3A_532, %add3A_538 : vector<64x256xf32>
    %swap3A_540 = arith.constant 0 : index
    %swap3A_541 = arith.constant 24 : index
    %swap3A_542 = arith.constant 0 : index
    %swap3A_543 = arith.constant 0 : index
    %swap3A_544 = vector.load %arg6[%swap3A_540, %swap3A_541, %swap3A_542, %swap3A_543] : memref<2x50x64x256xf32, #tpu.memory_space<vmem>>, vector<1x1x64x256xf32>
    %swap3A_545 = vector.shape_cast %swap3A_544 : vector<1x1x64x256xf32> to vector<64x256xf32>
    %swap3A_546 = vector.shape_cast %add3A_539 : vector<64x256xf32> to vector<1x1x64x256xf32>
    tpu.vector_store %arg6[%swap3A_540, %swap3A_541, %swap3A_542, %swap3A_543], %swap3A_546 {strides = array<i32>} : memref<2x50x64x256xf32, #tpu.memory_space<vmem>>, vector<1x1x64x256xf32>,
    %get3A_547 = arith.constant 3200 : index
    %get3A_548 = arith.constant 0 : index
    %get3A_549 = vector.load %arg2[%get3A_547, %get3A_548] : memref<6400x128xf32, #tpu.memory_space<vmem>>, vector<128x128xf32>
    %slice3A_550 = vector.extract_strided_slice %get3A_549 {offsets = [0, 0], sizes = [128, 64], strides = [1, 1]} : vector<128x128xf32> to vector<128x64xf32>
    %slice3A_551 = vector.extract_strided_slice %get3A_549 {offsets = [0, 64], sizes = [128, 64], strides = [1, 1]} : vector<128x128xf32> to vector<128x64xf32>
    %concatenate3A_552 = tpu.concatenate %slice3A_550, %slice3A_551 in 0 : vector<128x64xf32>, vector<128x64xf32> -> vector<256x64xf32>
    %dot_general3A_553 = arith.constant dense<0.000000e+00> : vector<64x256xf32>
    %dot_general3A_554 = tpu.matmul %concatenate3A_552, %get3A_1, %dot_general3A_553 {dimension_numbers = #tpu.dot_dimension_numbers<[0], [0], [1], [1], [0, 1, 1, 1], [], []>, transpose_lhs_hint = false} : vector<256x64xf32>, vector<256x256xf32>, vector<64x256xf32> -> vector<64x256xf32>
    %get3A_555 = arith.constant 25 : index
    %get3A_556 = arith.constant 0 : index
    %get3A_557 = arith.constant 0 : index
    %get3A_558 = vector.load %arg4[%get3A_555, %get3A_556, %get3A_557] : memref<50x64x8xf32, #tpu.memory_space<vmem>>, vector<1x64x1xf32>
    %get3A_559 = vector.shape_cast %get3A_558 : vector<1x64x1xf32> to vector<64x1xf32>
    %add3A_560 = vector.broadcast %get3A_559 : vector<64x1xf32> to vector<64x256xf32>
    %add3A_561 = arith.addf %dot_general3A_554, %add3A_560 : vector<64x256xf32>
    %swap3A_562 = arith.constant 0 : index
    %swap3A_563 = arith.constant 25 : index
    %swap3A_564 = arith.constant 0 : index
    %swap3A_565 = arith.constant 0 : index
    %swap3A_566 = vector.load %arg6[%swap3A_562, %swap3A_563, %swap3A_564, %swap3A_565] : memref<2x50x64x256xf32, #tpu.memory_space<vmem>>, vector<1x1x64x256xf32>
    %swap3A_567 = vector.shape_cast %swap3A_566 : vector<1x1x64x256xf32> to vector<64x256xf32>
    %swap3A_568 = vector.shape_cast %add3A_561 : vector<64x256xf32> to vector<1x1x64x256xf32>
    tpu.vector_store %arg6[%swap3A_562, %swap3A_563, %swap3A_564, %swap3A_565], %swap3A_568 {strides = array<i32>} : memref<2x50x64x256xf32, #tpu.memory_space<vmem>>, vector<1x1x64x256xf32>,
    %get3A_569 = arith.constant 3328 : index
    %get3A_570 = arith.constant 0 : index
    %get3A_571 = vector.load %arg2[%get3A_569, %get3A_570] : memref<6400x128xf32, #tpu.memory_space<vmem>>, vector<128x128xf32>
    %slice3A_572 = vector.extract_strided_slice %get3A_571 {offsets = [0, 0], sizes = [128, 64], strides = [1, 1]} : vector<128x128xf32> to vector<128x64xf32>
    %slice3A_573 = vector.extract_strided_slice %get3A_571 {offsets = [0, 64], sizes = [128, 64], strides = [1, 1]} : vector<128x128xf32> to vector<128x64xf32>
    %concatenate3A_574 = tpu.concatenate %slice3A_572, %slice3A_573 in 0 : vector<128x64xf32>, vector<128x64xf32> -> vector<256x64xf32>
    %dot_general3A_575 = arith.constant dense<0.000000e+00> : vector<64x256xf32>
    %dot_general3A_576 = tpu.matmul %concatenate3A_574, %get3A_1, %dot_general3A_575 {dimension_numbers = #tpu.dot_dimension_numbers<[0], [0], [1], [1], [0, 1, 1, 1], [], []>, transpose_lhs_hint = false} : vector<256x64xf32>, vector<256x256xf32>, vector<64x256xf32> -> vector<64x256xf32>
    %get3A_577 = arith.constant 26 : index
    %get3A_578 = arith.constant 0 : index
    %get3A_579 = arith.constant 0 : index
    %get3A_580 = vector.load %arg4[%get3A_577, %get3A_578, %get3A_579] : memref<50x64x8xf32, #tpu.memory_space<vmem>>, vector<1x64x1xf32>
    %get3A_581 = vector.shape_cast %get3A_580 : vector<1x64x1xf32> to vector<64x1xf32>
    %add3A_582 = vector.broadcast %get3A_581 : vector<64x1xf32> to vector<64x256xf32>
    %add3A_583 = arith.addf %dot_general3A_576, %add3A_582 : vector<64x256xf32>
    %swap3A_584 = arith.constant 0 : index
    %swap3A_585 = arith.constant 26 : index
    %swap3A_586 = arith.constant 0 : index
    %swap3A_587 = arith.constant 0 : index
    %swap3A_588 = vector.load %arg6[%swap3A_584, %swap3A_585, %swap3A_586, %swap3A_587] : memref<2x50x64x256xf32, #tpu.memory_space<vmem>>, vector<1x1x64x256xf32>
    %swap3A_589 = vector.shape_cast %swap3A_588 : vector<1x1x64x256xf32> to vector<64x256xf32>
    %swap3A_590 = vector.shape_cast %add3A_583 : vector<64x256xf32> to vector<1x1x64x256xf32>
    tpu.vector_store %arg6[%swap3A_584, %swap3A_585, %swap3A_586, %swap3A_587], %swap3A_590 {strides = array<i32>} : memref<2x50x64x256xf32, #tpu.memory_space<vmem>>, vector<1x1x64x256xf32>,
    %get3A_591 = arith.constant 3456 : index
    %get3A_592 = arith.constant 0 : index
    %get3A_593 = vector.load %arg2[%get3A_591, %get3A_592] : memref<6400x128xf32, #tpu.memory_space<vmem>>, vector<128x128xf32>
    %slice3A_594 = vector.extract_strided_slice %get3A_593 {offsets = [0, 0], sizes = [128, 64], strides = [1, 1]} : vector<128x128xf32> to vector<128x64xf32>
    %slice3A_595 = vector.extract_strided_slice %get3A_593 {offsets = [0, 64], sizes = [128, 64], strides = [1, 1]} : vector<128x128xf32> to vector<128x64xf32>
    %concatenate3A_596 = tpu.concatenate %slice3A_594, %slice3A_595 in 0 : vector<128x64xf32>, vector<128x64xf32> -> vector<256x64xf32>
    %dot_general3A_597 = arith.constant dense<0.000000e+00> : vector<64x256xf32>
    %dot_general3A_598 = tpu.matmul %concatenate3A_596, %get3A_1, %dot_general3A_597 {dimension_numbers = #tpu.dot_dimension_numbers<[0], [0], [1], [1], [0, 1, 1, 1], [], []>, transpose_lhs_hint = false} : vector<256x64xf32>, vector<256x256xf32>, vector<64x256xf32> -> vector<64x256xf32>
    %get3A_599 = arith.constant 27 : index
    %get3A_600 = arith.constant 0 : index
    %get3A_601 = arith.constant 0 : index
    %get3A_602 = vector.load %arg4[%get3A_599, %get3A_600, %get3A_601] : memref<50x64x8xf32, #tpu.memory_space<vmem>>, vector<1x64x1xf32>
    %get3A_603 = vector.shape_cast %get3A_602 : vector<1x64x1xf32> to vector<64x1xf32>
    %add3A_604 = vector.broadcast %get3A_603 : vector<64x1xf32> to vector<64x256xf32>
    %add3A_605 = arith.addf %dot_general3A_598, %add3A_604 : vector<64x256xf32>
    %swap3A_606 = arith.constant 0 : index
    %swap3A_607 = arith.constant 27 : index
    %swap3A_608 = arith.constant 0 : index
    %swap3A_609 = arith.constant 0 : index
    %swap3A_610 = vector.load %arg6[%swap3A_606, %swap3A_607, %swap3A_608, %swap3A_609] : memref<2x50x64x256xf32, #tpu.memory_space<vmem>>, vector<1x1x64x256xf32>
    %swap3A_611 = vector.shape_cast %swap3A_610 : vector<1x1x64x256xf32> to vector<64x256xf32>
    %swap3A_612 = vector.shape_cast %add3A_605 : vector<64x256xf32> to vector<1x1x64x256xf32>
    tpu.vector_store %arg6[%swap3A_606, %swap3A_607, %swap3A_608, %swap3A_609], %swap3A_612 {strides = array<i32>} : memref<2x50x64x256xf32, #tpu.memory_space<vmem>>, vector<1x1x64x256xf32>,
    %get3A_613 = arith.constant 3584 : index
    %get3A_614 = arith.constant 0 : index
    %get3A_615 = vector.load %arg2[%get3A_613, %get3A_614] : memref<6400x128xf32, #tpu.memory_space<vmem>>, vector<128x128xf32>
    %slice3A_616 = vector.extract_strided_slice %get3A_615 {offsets = [0, 0], sizes = [128, 64], strides = [1, 1]} : vector<128x128xf32> to vector<128x64xf32>
    %slice3A_617 = vector.extract_strided_slice %get3A_615 {offsets = [0, 64], sizes = [128, 64], strides = [1, 1]} : vector<128x128xf32> to vector<128x64xf32>
    %concatenate3A_618 = tpu.concatenate %slice3A_616, %slice3A_617 in 0 : vector<128x64xf32>, vector<128x64xf32> -> vector<256x64xf32>
    %dot_general3A_619 = arith.constant dense<0.000000e+00> : vector<64x256xf32>
    %dot_general3A_620 = tpu.matmul %concatenate3A_618, %get3A_1, %dot_general3A_619 {dimension_numbers = #tpu.dot_dimension_numbers<[0], [0], [1], [1], [0, 1, 1, 1], [], []>, transpose_lhs_hint = false} : vector<256x64xf32>, vector<256x256xf32>, vector<64x256xf32> -> vector<64x256xf32>
    %get3A_621 = arith.constant 28 : index
    %get3A_622 = arith.constant 0 : index
    %get3A_623 = arith.constant 0 : index
    %get3A_624 = vector.load %arg4[%get3A_621, %get3A_622, %get3A_623] : memref<50x64x8xf32, #tpu.memory_space<vmem>>, vector<1x64x1xf32>
    %get3A_625 = vector.shape_cast %get3A_624 : vector<1x64x1xf32> to vector<64x1xf32>
    %add3A_626 = vector.broadcast %get3A_625 : vector<64x1xf32> to vector<64x256xf32>
    %add3A_627 = arith.addf %dot_general3A_620, %add3A_626 : vector<64x256xf32>
    %swap3A_628 = arith.constant 0 : index
    %swap3A_629 = arith.constant 28 : index
    %swap3A_630 = arith.constant 0 : index
    %swap3A_631 = arith.constant 0 : index
    %swap3A_632 = vector.load %arg6[%swap3A_628, %swap3A_629, %swap3A_630, %swap3A_631] : memref<2x50x64x256xf32, #tpu.memory_space<vmem>>, vector<1x1x64x256xf32>
    %swap3A_633 = vector.shape_cast %swap3A_632 : vector<1x1x64x256xf32> to vector<64x256xf32>
    %swap3A_634 = vector.shape_cast %add3A_627 : vector<64x256xf32> to vector<1x1x64x256xf32>
    tpu.vector_store %arg6[%swap3A_628, %swap3A_629, %swap3A_630, %swap3A_631], %swap3A_634 {strides = array<i32>} : memref<2x50x64x256xf32, #tpu.memory_space<vmem>>, vector<1x1x64x256xf32>,
    %get3A_635 = arith.constant 3712 : index
    %get3A_636 = arith.constant 0 : index
    %get3A_637 = vector.load %arg2[%get3A_635, %get3A_636] : memref<6400x128xf32, #tpu.memory_space<vmem>>, vector<128x128xf32>
    %slice3A_638 = vector.extract_strided_slice %get3A_637 {offsets = [0, 0], sizes = [128, 64], strides = [1, 1]} : vector<128x128xf32> to vector<128x64xf32>
    %slice3A_639 = vector.extract_strided_slice %get3A_637 {offsets = [0, 64], sizes = [128, 64], strides = [1, 1]} : vector<128x128xf32> to vector<128x64xf32>
    %concatenate3A_640 = tpu.concatenate %slice3A_638, %slice3A_639 in 0 : vector<128x64xf32>, vector<128x64xf32> -> vector<256x64xf32>
    %dot_general3A_641 = arith.constant dense<0.000000e+00> : vector<64x256xf32>
    %dot_general3A_642 = tpu.matmul %concatenate3A_640, %get3A_1, %dot_general3A_641 {dimension_numbers = #tpu.dot_dimension_numbers<[0], [0], [1], [1], [0, 1, 1, 1], [], []>, transpose_lhs_hint = false} : vector<256x64xf32>, vector<256x256xf32>, vector<64x256xf32> -> vector<64x256xf32>
    %get3A_643 = arith.constant 29 : index
    %get3A_644 = arith.constant 0 : index
    %get3A_645 = arith.constant 0 : index
    %get3A_646 = vector.load %arg4[%get3A_643, %get3A_644, %get3A_645] : memref<50x64x8xf32, #tpu.memory_space<vmem>>, vector<1x64x1xf32>
    %get3A_647 = vector.shape_cast %get3A_646 : vector<1x64x1xf32> to vector<64x1xf32>
    %add3A_648 = vector.broadcast %get3A_647 : vector<64x1xf32> to vector<64x256xf32>
    %add3A_649 = arith.addf %dot_general3A_642, %add3A_648 : vector<64x256xf32>
    %swap3A_650 = arith.constant 0 : index
    %swap3A_651 = arith.constant 29 : index
    %swap3A_652 = arith.constant 0 : index
    %swap3A_653 = arith.constant 0 : index
    %swap3A_654 = vector.load %arg6[%swap3A_650, %swap3A_651, %swap3A_652, %swap3A_653] : memref<2x50x64x256xf32, #tpu.memory_space<vmem>>, vector<1x1x64x256xf32>
    %swap3A_655 = vector.shape_cast %swap3A_654 : vector<1x1x64x256xf32> to vector<64x256xf32>
    %swap3A_656 = vector.shape_cast %add3A_649 : vector<64x256xf32> to vector<1x1x64x256xf32>
    tpu.vector_store %arg6[%swap3A_650, %swap3A_651, %swap3A_652, %swap3A_653], %swap3A_656 {strides = array<i32>} : memref<2x50x64x256xf32, #tpu.memory_space<vmem>>, vector<1x1x64x256xf32>,
    %get3A_657 = arith.constant 3840 : index
    %get3A_658 = arith.constant 0 : index
    %get3A_659 = vector.load %arg2[%get3A_657, %get3A_658] : memref<6400x128xf32, #tpu.memory_space<vmem>>, vector<128x128xf32>
    %slice3A_660 = vector.extract_strided_slice %get3A_659 {offsets = [0, 0], sizes = [128, 64], strides = [1, 1]} : vector<128x128xf32> to vector<128x64xf32>
    %slice3A_661 = vector.extract_strided_slice %get3A_659 {offsets = [0, 64], sizes = [128, 64], strides = [1, 1]} : vector<128x128xf32> to vector<128x64xf32>
    %concatenate3A_662 = tpu.concatenate %slice3A_660, %slice3A_661 in 0 : vector<128x64xf32>, vector<128x64xf32> -> vector<256x64xf32>
    %dot_general3A_663 = arith.constant dense<0.000000e+00> : vector<64x256xf32>
    %dot_general3A_664 = tpu.matmul %concatenate3A_662, %get3A_1, %dot_general3A_663 {dimension_numbers = #tpu.dot_dimension_numbers<[0], [0], [1], [1], [0, 1, 1, 1], [], []>, transpose_lhs_hint = false} : vector<256x64xf32>, vector<256x256xf32>, vector<64x256xf32> -> vector<64x256xf32>
    %get3A_665 = arith.constant 30 : index
    %get3A_666 = arith.constant 0 : index
    %get3A_667 = arith.constant 0 : index
    %get3A_668 = vector.load %arg4[%get3A_665, %get3A_666, %get3A_667] : memref<50x64x8xf32, #tpu.memory_space<vmem>>, vector<1x64x1xf32>
    %get3A_669 = vector.shape_cast %get3A_668 : vector<1x64x1xf32> to vector<64x1xf32>
    %add3A_670 = vector.broadcast %get3A_669 : vector<64x1xf32> to vector<64x256xf32>
    %add3A_671 = arith.addf %dot_general3A_664, %add3A_670 : vector<64x256xf32>
    %swap3A_672 = arith.constant 0 : index
    %swap3A_673 = arith.constant 30 : index
    %swap3A_674 = arith.constant 0 : index
    %swap3A_675 = arith.constant 0 : index
    %swap3A_676 = vector.load %arg6[%swap3A_672, %swap3A_673, %swap3A_674, %swap3A_675] : memref<2x50x64x256xf32, #tpu.memory_space<vmem>>, vector<1x1x64x256xf32>
    %swap3A_677 = vector.shape_cast %swap3A_676 : vector<1x1x64x256xf32> to vector<64x256xf32>
    %swap3A_678 = vector.shape_cast %add3A_671 : vector<64x256xf32> to vector<1x1x64x256xf32>
    tpu.vector_store %arg6[%swap3A_672, %swap3A_673, %swap3A_674, %swap3A_675], %swap3A_678 {strides = array<i32>} : memref<2x50x64x256xf32, #tpu.memory_space<vmem>>, vector<1x1x64x256xf32>,
    %get3A_679 = arith.constant 3968 : index
    %get3A_680 = arith.constant 0 : index
    %get3A_681 = vector.load %arg2[%get3A_679, %get3A_680] : memref<6400x128xf32, #tpu.memory_space<vmem>>, vector<128x128xf32>
    %slice3A_682 = vector.extract_strided_slice %get3A_681 {offsets = [0, 0], sizes = [128, 64], strides = [1, 1]} : vector<128x128xf32> to vector<128x64xf32>
    %slice3A_683 = vector.extract_strided_slice %get3A_681 {offsets = [0, 64], sizes = [128, 64], strides = [1, 1]} : vector<128x128xf32> to vector<128x64xf32>
    %concatenate3A_684 = tpu.concatenate %slice3A_682, %slice3A_683 in 0 : vector<128x64xf32>, vector<128x64xf32> -> vector<256x64xf32>
    %dot_general3A_685 = arith.constant dense<0.000000e+00> : vector<64x256xf32>
    %dot_general3A_686 = tpu.matmul %concatenate3A_684, %get3A_1, %dot_general3A_685 {dimension_numbers = #tpu.dot_dimension_numbers<[0], [0], [1], [1], [0, 1, 1, 1], [], []>, transpose_lhs_hint = false} : vector<256x64xf32>, vector<256x256xf32>, vector<64x256xf32> -> vector<64x256xf32>
    %get3A_687 = arith.constant 31 : index
    %get3A_688 = arith.constant 0 : index
    %get3A_689 = arith.constant 0 : index
    %get3A_690 = vector.load %arg4[%get3A_687, %get3A_688, %get3A_689] : memref<50x64x8xf32, #tpu.memory_space<vmem>>, vector<1x64x1xf32>
    %get3A_691 = vector.shape_cast %get3A_690 : vector<1x64x1xf32> to vector<64x1xf32>
    %add3A_692 = vector.broadcast %get3A_691 : vector<64x1xf32> to vector<64x256xf32>
    %add3A_693 = arith.addf %dot_general3A_686, %add3A_692 : vector<64x256xf32>
    %swap3A_694 = arith.constant 0 : index
    %swap3A_695 = arith.constant 31 : index
    %swap3A_696 = arith.constant 0 : index
    %swap3A_697 = arith.constant 0 : index
    %swap3A_698 = vector.load %arg6[%swap3A_694, %swap3A_695, %swap3A_696, %swap3A_697] : memref<2x50x64x256xf32, #tpu.memory_space<vmem>>, vector<1x1x64x256xf32>
    %swap3A_699 = vector.shape_cast %swap3A_698 : vector<1x1x64x256xf32> to vector<64x256xf32>
    %swap3A_700 = vector.shape_cast %add3A_693 : vector<64x256xf32> to vector<1x1x64x256xf32>
    tpu.vector_store %arg6[%swap3A_694, %swap3A_695, %swap3A_696, %swap3A_697], %swap3A_700 {strides = array<i32>} : memref<2x50x64x256xf32, #tpu.memory_space<vmem>>, vector<1x1x64x256xf32>,
    %get3A_701 = arith.constant 4096 : index
    %get3A_702 = arith.constant 0 : index
    %get3A_703 = vector.load %arg2[%get3A_701, %get3A_702] : memref<6400x128xf32, #tpu.memory_space<vmem>>, vector<128x128xf32>
    %slice3A_704 = vector.extract_strided_slice %get3A_703 {offsets = [0, 0], sizes = [128, 64], strides = [1, 1]} : vector<128x128xf32> to vector<128x64xf32>
    %slice3A_705 = vector.extract_strided_slice %get3A_703 {offsets = [0, 64], sizes = [128, 64], strides = [1, 1]} : vector<128x128xf32> to vector<128x64xf32>
    %concatenate3A_706 = tpu.concatenate %slice3A_704, %slice3A_705 in 0 : vector<128x64xf32>, vector<128x64xf32> -> vector<256x64xf32>
    %dot_general3A_707 = arith.constant dense<0.000000e+00> : vector<64x256xf32>
    %dot_general3A_708 = tpu.matmul %concatenate3A_706, %get3A_1, %dot_general3A_707 {dimension_numbers = #tpu.dot_dimension_numbers<[0], [0], [1], [1], [0, 1, 1, 1], [], []>, transpose_lhs_hint = false} : vector<256x64xf32>, vector<256x256xf32>, vector<64x256xf32> -> vector<64x256xf32>
    %get3A_709 = arith.constant 32 : index
    %get3A_710 = arith.constant 0 : index
    %get3A_711 = arith.constant 0 : index
    %get3A_712 = vector.load %arg4[%get3A_709, %get3A_710, %get3A_711] : memref<50x64x8xf32, #tpu.memory_space<vmem>>, vector<1x64x1xf32>
    %get3A_713 = vector.shape_cast %get3A_712 : vector<1x64x1xf32> to vector<64x1xf32>
    %add3A_714 = vector.broadcast %get3A_713 : vector<64x1xf32> to vector<64x256xf32>
    %add3A_715 = arith.addf %dot_general3A_708, %add3A_714 : vector<64x256xf32>
    %swap3A_716 = arith.constant 0 : index
    %swap3A_717 = arith.constant 32 : index
    %swap3A_718 = arith.constant 0 : index
    %swap3A_719 = arith.constant 0 : index
    %swap3A_720 = vector.load %arg6[%swap3A_716, %swap3A_717, %swap3A_718, %swap3A_719] : memref<2x50x64x256xf32, #tpu.memory_space<vmem>>, vector<1x1x64x256xf32>
    %swap3A_721 = vector.shape_cast %swap3A_720 : vector<1x1x64x256xf32> to vector<64x256xf32>
    %swap3A_722 = vector.shape_cast %add3A_715 : vector<64x256xf32> to vector<1x1x64x256xf32>
    tpu.vector_store %arg6[%swap3A_716, %swap3A_717, %swap3A_718, %swap3A_719], %swap3A_722 {strides = array<i32>} : memref<2x50x64x256xf32, #tpu.memory_space<vmem>>, vector<1x1x64x256xf32>,
    %get3A_723 = arith.constant 4224 : index
    %get3A_724 = arith.constant 0 : index
    %get3A_725 = vector.load %arg2[%get3A_723, %get3A_724] : memref<6400x128xf32, #tpu.memory_space<vmem>>, vector<128x128xf32>
    %slice3A_726 = vector.extract_strided_slice %get3A_725 {offsets = [0, 0], sizes = [128, 64], strides = [1, 1]} : vector<128x128xf32> to vector<128x64xf32>
    %slice3A_727 = vector.extract_strided_slice %get3A_725 {offsets = [0, 64], sizes = [128, 64], strides = [1, 1]} : vector<128x128xf32> to vector<128x64xf32>
    %concatenate3A_728 = tpu.concatenate %slice3A_726, %slice3A_727 in 0 : vector<128x64xf32>, vector<128x64xf32> -> vector<256x64xf32>
    %dot_general3A_729 = arith.constant dense<0.000000e+00> : vector<64x256xf32>
    %dot_general3A_730 = tpu.matmul %concatenate3A_728, %get3A_1, %dot_general3A_729 {dimension_numbers = #tpu.dot_dimension_numbers<[0], [0], [1], [1], [0, 1, 1, 1], [], []>, transpose_lhs_hint = false} : vector<256x64xf32>, vector<256x256xf32>, vector<64x256xf32> -> vector<64x256xf32>
    %get3A_731 = arith.constant 33 : index
    %get3A_732 = arith.constant 0 : index
    %get3A_733 = arith.constant 0 : index
    %get3A_734 = vector.load %arg4[%get3A_731, %get3A_732, %get3A_733] : memref<50x64x8xf32, #tpu.memory_space<vmem>>, vector<1x64x1xf32>
    %get3A_735 = vector.shape_cast %get3A_734 : vector<1x64x1xf32> to vector<64x1xf32>
    %add3A_736 = vector.broadcast %get3A_735 : vector<64x1xf32> to vector<64x256xf32>
    %add3A_737 = arith.addf %dot_general3A_730, %add3A_736 : vector<64x256xf32>
    %swap3A_738 = arith.constant 0 : index
    %swap3A_739 = arith.constant 33 : index
    %swap3A_740 = arith.constant 0 : index
    %swap3A_741 = arith.constant 0 : index
    %swap3A_742 = vector.load %arg6[%swap3A_738, %swap3A_739, %swap3A_740, %swap3A_741] : memref<2x50x64x256xf32, #tpu.memory_space<vmem>>, vector<1x1x64x256xf32>
    %swap3A_743 = vector.shape_cast %swap3A_742 : vector<1x1x64x256xf32> to vector<64x256xf32>
    %swap3A_744 = vector.shape_cast %add3A_737 : vector<64x256xf32> to vector<1x1x64x256xf32>
    tpu.vector_store %arg6[%swap3A_738, %swap3A_739, %swap3A_740, %swap3A_741], %swap3A_744 {strides = array<i32>} : memref<2x50x64x256xf32, #tpu.memory_space<vmem>>, vector<1x1x64x256xf32>,
    %get3A_745 = arith.constant 4352 : index
    %get3A_746 = arith.constant 0 : index
    %get3A_747 = vector.load %arg2[%get3A_745, %get3A_746] : memref<6400x128xf32, #tpu.memory_space<vmem>>, vector<128x128xf32>
    %slice3A_748 = vector.extract_strided_slice %get3A_747 {offsets = [0, 0], sizes = [128, 64], strides = [1, 1]} : vector<128x128xf32> to vector<128x64xf32>
    %slice3A_749 = vector.extract_strided_slice %get3A_747 {offsets = [0, 64], sizes = [128, 64], strides = [1, 1]} : vector<128x128xf32> to vector<128x64xf32>
    %concatenate3A_750 = tpu.concatenate %slice3A_748, %slice3A_749 in 0 : vector<128x64xf32>, vector<128x64xf32> -> vector<256x64xf32>
    %dot_general3A_751 = arith.constant dense<0.000000e+00> : vector<64x256xf32>
    %dot_general3A_752 = tpu.matmul %concatenate3A_750, %get3A_1, %dot_general3A_751 {dimension_numbers = #tpu.dot_dimension_numbers<[0], [0], [1], [1], [0, 1, 1, 1], [], []>, transpose_lhs_hint = false} : vector<256x64xf32>, vector<256x256xf32>, vector<64x256xf32> -> vector<64x256xf32>
    %get3A_753 = arith.constant 34 : index
    %get3A_754 = arith.constant 0 : index
    %get3A_755 = arith.constant 0 : index
    %get3A_756 = vector.load %arg4[%get3A_753, %get3A_754, %get3A_755] : memref<50x64x8xf32, #tpu.memory_space<vmem>>, vector<1x64x1xf32>
    %get3A_757 = vector.shape_cast %get3A_756 : vector<1x64x1xf32> to vector<64x1xf32>
    %add3A_758 = vector.broadcast %get3A_757 : vector<64x1xf32> to vector<64x256xf32>
    %add3A_759 = arith.addf %dot_general3A_752, %add3A_758 : vector<64x256xf32>
    %swap3A_760 = arith.constant 0 : index
    %swap3A_761 = arith.constant 34 : index
    %swap3A_762 = arith.constant 0 : index
    %swap3A_763 = arith.constant 0 : index
    %swap3A_764 = vector.load %arg6[%swap3A_760, %swap3A_761, %swap3A_762, %swap3A_763] : memref<2x50x64x256xf32, #tpu.memory_space<vmem>>, vector<1x1x64x256xf32>
    %swap3A_765 = vector.shape_cast %swap3A_764 : vector<1x1x64x256xf32> to vector<64x256xf32>
    %swap3A_766 = vector.shape_cast %add3A_759 : vector<64x256xf32> to vector<1x1x64x256xf32>
    tpu.vector_store %arg6[%swap3A_760, %swap3A_761, %swap3A_762, %swap3A_763], %swap3A_766 {strides = array<i32>} : memref<2x50x64x256xf32, #tpu.memory_space<vmem>>, vector<1x1x64x256xf32>,
    %get3A_767 = arith.constant 4480 : index
    %get3A_768 = arith.constant 0 : index
    %get3A_769 = vector.load %arg2[%get3A_767, %get3A_768] : memref<6400x128xf32, #tpu.memory_space<vmem>>, vector<128x128xf32>
    %slice3A_770 = vector.extract_strided_slice %get3A_769 {offsets = [0, 0], sizes = [128, 64], strides = [1, 1]} : vector<128x128xf32> to vector<128x64xf32>
    %slice3A_771 = vector.extract_strided_slice %get3A_769 {offsets = [0, 64], sizes = [128, 64], strides = [1, 1]} : vector<128x128xf32> to vector<128x64xf32>
    %concatenate3A_772 = tpu.concatenate %slice3A_770, %slice3A_771 in 0 : vector<128x64xf32>, vector<128x64xf32> -> vector<256x64xf32>
    %dot_general3A_773 = arith.constant dense<0.000000e+00> : vector<64x256xf32>
    %dot_general3A_774 = tpu.matmul %concatenate3A_772, %get3A_1, %dot_general3A_773 {dimension_numbers = #tpu.dot_dimension_numbers<[0], [0], [1], [1], [0, 1, 1, 1], [], []>, transpose_lhs_hint = false} : vector<256x64xf32>, vector<256x256xf32>, vector<64x256xf32> -> vector<64x256xf32>
    %get3A_775 = arith.constant 35 : index
    %get3A_776 = arith.constant 0 : index
    %get3A_777 = arith.constant 0 : index
    %get3A_778 = vector.load %arg4[%get3A_775, %get3A_776, %get3A_777] : memref<50x64x8xf32, #tpu.memory_space<vmem>>, vector<1x64x1xf32>
    %get3A_779 = vector.shape_cast %get3A_778 : vector<1x64x1xf32> to vector<64x1xf32>
    %add3A_780 = vector.broadcast %get3A_779 : vector<64x1xf32> to vector<64x256xf32>
    %add3A_781 = arith.addf %dot_general3A_774, %add3A_780 : vector<64x256xf32>
    %swap3A_782 = arith.constant 0 : index
    %swap3A_783 = arith.constant 35 : index
    %swap3A_784 = arith.constant 0 : index
    %swap3A_785 = arith.constant 0 : index
    %swap3A_786 = vector.load %arg6[%swap3A_782, %swap3A_783, %swap3A_784, %swap3A_785] : memref<2x50x64x256xf32, #tpu.memory_space<vmem>>, vector<1x1x64x256xf32>
    %swap3A_787 = vector.shape_cast %swap3A_786 : vector<1x1x64x256xf32> to vector<64x256xf32>
    %swap3A_788 = vector.shape_cast %add3A_781 : vector<64x256xf32> to vector<1x1x64x256xf32>
    tpu.vector_store %arg6[%swap3A_782, %swap3A_783, %swap3A_784, %swap3A_785], %swap3A_788 {strides = array<i32>} : memref<2x50x64x256xf32, #tpu.memory_space<vmem>>, vector<1x1x64x256xf32>,
    %get3A_789 = arith.constant 4608 : index
    %get3A_790 = arith.constant 0 : index
    %get3A_791 = vector.load %arg2[%get3A_789, %get3A_790] : memref<6400x128xf32, #tpu.memory_space<vmem>>, vector<128x128xf32>
    %slice3A_792 = vector.extract_strided_slice %get3A_791 {offsets = [0, 0], sizes = [128, 64], strides = [1, 1]} : vector<128x128xf32> to vector<128x64xf32>
    %slice3A_793 = vector.extract_strided_slice %get3A_791 {offsets = [0, 64], sizes = [128, 64], strides = [1, 1]} : vector<128x128xf32> to vector<128x64xf32>
    %concatenate3A_794 = tpu.concatenate %slice3A_792, %slice3A_793 in 0 : vector<128x64xf32>, vector<128x64xf32> -> vector<256x64xf32>
    %dot_general3A_795 = arith.constant dense<0.000000e+00> : vector<64x256xf32>
    %dot_general3A_796 = tpu.matmul %concatenate3A_794, %get3A_1, %dot_general3A_795 {dimension_numbers = #tpu.dot_dimension_numbers<[0], [0], [1], [1], [0, 1, 1, 1], [], []>, transpose_lhs_hint = false} : vector<256x64xf32>, vector<256x256xf32>, vector<64x256xf32> -> vector<64x256xf32>
    %get3A_797 = arith.constant 36 : index
    %get3A_798 = arith.constant 0 : index
    %get3A_799 = arith.constant 0 : index
    %get3A_800 = vector.load %arg4[%get3A_797, %get3A_798, %get3A_799] : memref<50x64x8xf32, #tpu.memory_space<vmem>>, vector<1x64x1xf32>
    %get3A_801 = vector.shape_cast %get3A_800 : vector<1x64x1xf32> to vector<64x1xf32>
    %add3A_802 = vector.broadcast %get3A_801 : vector<64x1xf32> to vector<64x256xf32>
    %add3A_803 = arith.addf %dot_general3A_796, %add3A_802 : vector<64x256xf32>
    %swap3A_804 = arith.constant 0 : index
    %swap3A_805 = arith.constant 36 : index
    %swap3A_806 = arith.constant 0 : index
    %swap3A_807 = arith.constant 0 : index
    %swap3A_808 = vector.load %arg6[%swap3A_804, %swap3A_805, %swap3A_806, %swap3A_807] : memref<2x50x64x256xf32, #tpu.memory_space<vmem>>, vector<1x1x64x256xf32>
    %swap3A_809 = vector.shape_cast %swap3A_808 : vector<1x1x64x256xf32> to vector<64x256xf32>
    %swap3A_810 = vector.shape_cast %add3A_803 : vector<64x256xf32> to vector<1x1x64x256xf32>
    tpu.vector_store %arg6[%swap3A_804, %swap3A_805, %swap3A_806, %swap3A_807], %swap3A_810 {strides = array<i32>} : memref<2x50x64x256xf32, #tpu.memory_space<vmem>>, vector<1x1x64x256xf32>,
    %get3A_811 = arith.constant 4736 : index
    %get3A_812 = arith.constant 0 : index
    %get3A_813 = vector.load %arg2[%get3A_811, %get3A_812] : memref<6400x128xf32, #tpu.memory_space<vmem>>, vector<128x128xf32>
    %slice3A_814 = vector.extract_strided_slice %get3A_813 {offsets = [0, 0], sizes = [128, 64], strides = [1, 1]} : vector<128x128xf32> to vector<128x64xf32>
    %slice3A_815 = vector.extract_strided_slice %get3A_813 {offsets = [0, 64], sizes = [128, 64], strides = [1, 1]} : vector<128x128xf32> to vector<128x64xf32>
    %concatenate3A_816 = tpu.concatenate %slice3A_814, %slice3A_815 in 0 : vector<128x64xf32>, vector<128x64xf32> -> vector<256x64xf32>
    %dot_general3A_817 = arith.constant dense<0.000000e+00> : vector<64x256xf32>
    %dot_general3A_818 = tpu.matmul %concatenate3A_816, %get3A_1, %dot_general3A_817 {dimension_numbers = #tpu.dot_dimension_numbers<[0], [0], [1], [1], [0, 1, 1, 1], [], []>, transpose_lhs_hint = false} : vector<256x64xf32>, vector<256x256xf32>, vector<64x256xf32> -> vector<64x256xf32>
    %get3A_819 = arith.constant 37 : index
    %get3A_820 = arith.constant 0 : index
    %get3A_821 = arith.constant 0 : index
    %get3A_822 = vector.load %arg4[%get3A_819, %get3A_820, %get3A_821] : memref<50x64x8xf32, #tpu.memory_space<vmem>>, vector<1x64x1xf32>
    %get3A_823 = vector.shape_cast %get3A_822 : vector<1x64x1xf32> to vector<64x1xf32>
    %add3A_824 = vector.broadcast %get3A_823 : vector<64x1xf32> to vector<64x256xf32>
    %add3A_825 = arith.addf %dot_general3A_818, %add3A_824 : vector<64x256xf32>
    %swap3A_826 = arith.constant 0 : index
    %swap3A_827 = arith.constant 37 : index
    %swap3A_828 = arith.constant 0 : index
    %swap3A_829 = arith.constant 0 : index
    %swap3A_830 = vector.load %arg6[%swap3A_826, %swap3A_827, %swap3A_828, %swap3A_829] : memref<2x50x64x256xf32, #tpu.memory_space<vmem>>, vector<1x1x64x256xf32>
    %swap3A_831 = vector.shape_cast %swap3A_830 : vector<1x1x64x256xf32> to vector<64x256xf32>
    %swap3A_832 = vector.shape_cast %add3A_825 : vector<64x256xf32> to vector<1x1x64x256xf32>
    tpu.vector_store %arg6[%swap3A_826, %swap3A_827, %swap3A_828, %swap3A_829], %swap3A_832 {strides = array<i32>} : memref<2x50x64x256xf32, #tpu.memory_space<vmem>>, vector<1x1x64x256xf32>,
    %get3A_833 = arith.constant 4864 : index
    %get3A_834 = arith.constant 0 : index
    %get3A_835 = vector.load %arg2[%get3A_833, %get3A_834] : memref<6400x128xf32, #tpu.memory_space<vmem>>, vector<128x128xf32>
    %slice3A_836 = vector.extract_strided_slice %get3A_835 {offsets = [0, 0], sizes = [128, 64], strides = [1, 1]} : vector<128x128xf32> to vector<128x64xf32>
    %slice3A_837 = vector.extract_strided_slice %get3A_835 {offsets = [0, 64], sizes = [128, 64], strides = [1, 1]} : vector<128x128xf32> to vector<128x64xf32>
    %concatenate3A_838 = tpu.concatenate %slice3A_836, %slice3A_837 in 0 : vector<128x64xf32>, vector<128x64xf32> -> vector<256x64xf32>
    %dot_general3A_839 = arith.constant dense<0.000000e+00> : vector<64x256xf32>
    %dot_general3A_840 = tpu.matmul %concatenate3A_838, %get3A_1, %dot_general3A_839 {dimension_numbers = #tpu.dot_dimension_numbers<[0], [0], [1], [1], [0, 1, 1, 1], [], []>, transpose_lhs_hint = false} : vector<256x64xf32>, vector<256x256xf32>, vector<64x256xf32> -> vector<64x256xf32>
    %get3A_841 = arith.constant 38 : index
    %get3A_842 = arith.constant 0 : index
    %get3A_843 = arith.constant 0 : index
    %get3A_844 = vector.load %arg4[%get3A_841, %get3A_842, %get3A_843] : memref<50x64x8xf32, #tpu.memory_space<vmem>>, vector<1x64x1xf32>
    %get3A_845 = vector.shape_cast %get3A_844 : vector<1x64x1xf32> to vector<64x1xf32>
    %add3A_846 = vector.broadcast %get3A_845 : vector<64x1xf32> to vector<64x256xf32>
    %add3A_847 = arith.addf %dot_general3A_840, %add3A_846 : vector<64x256xf32>
    %swap3A_848 = arith.constant 0 : index
    %swap3A_849 = arith.constant 38 : index
    %swap3A_850 = arith.constant 0 : index
    %swap3A_851 = arith.constant 0 : index
    %swap3A_852 = vector.load %arg6[%swap3A_848, %swap3A_849, %swap3A_850, %swap3A_851] : memref<2x50x64x256xf32, #tpu.memory_space<vmem>>, vector<1x1x64x256xf32>
    %swap3A_853 = vector.shape_cast %swap3A_852 : vector<1x1x64x256xf32> to vector<64x256xf32>
    %swap3A_854 = vector.shape_cast %add3A_847 : vector<64x256xf32> to vector<1x1x64x256xf32>
    tpu.vector_store %arg6[%swap3A_848, %swap3A_849, %swap3A_850, %swap3A_851], %swap3A_854 {strides = array<i32>} : memref<2x50x64x256xf32, #tpu.memory_space<vmem>>, vector<1x1x64x256xf32>,
    %get3A_855 = arith.constant 4992 : index
    %get3A_856 = arith.constant 0 : index
    %get3A_857 = vector.load %arg2[%get3A_855, %get3A_856] : memref<6400x128xf32, #tpu.memory_space<vmem>>, vector<128x128xf32>
    %slice3A_858 = vector.extract_strided_slice %get3A_857 {offsets = [0, 0], sizes = [128, 64], strides = [1, 1]} : vector<128x128xf32> to vector<128x64xf32>
    %slice3A_859 = vector.extract_strided_slice %get3A_857 {offsets = [0, 64], sizes = [128, 64], strides = [1, 1]} : vector<128x128xf32> to vector<128x64xf32>
    %concatenate3A_860 = tpu.concatenate %slice3A_858, %slice3A_859 in 0 : vector<128x64xf32>, vector<128x64xf32> -> vector<256x64xf32>
    %dot_general3A_861 = arith.constant dense<0.000000e+00> : vector<64x256xf32>
    %dot_general3A_862 = tpu.matmul %concatenate3A_860, %get3A_1, %dot_general3A_861 {dimension_numbers = #tpu.dot_dimension_numbers<[0], [0], [1], [1], [0, 1, 1, 1], [], []>, transpose_lhs_hint = false} : vector<256x64xf32>, vector<256x256xf32>, vector<64x256xf32> -> vector<64x256xf32>
    %get3A_863 = arith.constant 39 : index
    %get3A_864 = arith.constant 0 : index
    %get3A_865 = arith.constant 0 : index
    %get3A_866 = vector.load %arg4[%get3A_863, %get3A_864, %get3A_865] : memref<50x64x8xf32, #tpu.memory_space<vmem>>, vector<1x64x1xf32>
    %get3A_867 = vector.shape_cast %get3A_866 : vector<1x64x1xf32> to vector<64x1xf32>
    %add3A_868 = vector.broadcast %get3A_867 : vector<64x1xf32> to vector<64x256xf32>
    %add3A_869 = arith.addf %dot_general3A_862, %add3A_868 : vector<64x256xf32>
    %swap3A_870 = arith.constant 0 : index
    %swap3A_871 = arith.constant 39 : index
    %swap3A_872 = arith.constant 0 : index
    %swap3A_873 = arith.constant 0 : index
    %swap3A_874 = vector.load %arg6[%swap3A_870, %swap3A_871, %swap3A_872, %swap3A_873] : memref<2x50x64x256xf32, #tpu.memory_space<vmem>>, vector<1x1x64x256xf32>
    %swap3A_875 = vector.shape_cast %swap3A_874 : vector<1x1x64x256xf32> to vector<64x256xf32>
    %swap3A_876 = vector.shape_cast %add3A_869 : vector<64x256xf32> to vector<1x1x64x256xf32>
    tpu.vector_store %arg6[%swap3A_870, %swap3A_871, %swap3A_872, %swap3A_873], %swap3A_876 {strides = array<i32>} : memref<2x50x64x256xf32, #tpu.memory_space<vmem>>, vector<1x1x64x256xf32>,
    %get3A_877 = arith.constant 5120 : index
    %get3A_878 = arith.constant 0 : index
    %get3A_879 = vector.load %arg2[%get3A_877, %get3A_878] : memref<6400x128xf32, #tpu.memory_space<vmem>>, vector<128x128xf32>
    %slice3A_880 = vector.extract_strided_slice %get3A_879 {offsets = [0, 0], sizes = [128, 64], strides = [1, 1]} : vector<128x128xf32> to vector<128x64xf32>
    %slice3A_881 = vector.extract_strided_slice %get3A_879 {offsets = [0, 64], sizes = [128, 64], strides = [1, 1]} : vector<128x128xf32> to vector<128x64xf32>
    %concatenate3A_882 = tpu.concatenate %slice3A_880, %slice3A_881 in 0 : vector<128x64xf32>, vector<128x64xf32> -> vector<256x64xf32>
    %dot_general3A_883 = arith.constant dense<0.000000e+00> : vector<64x256xf32>
    %dot_general3A_884 = tpu.matmul %concatenate3A_882, %get3A_1, %dot_general3A_883 {dimension_numbers = #tpu.dot_dimension_numbers<[0], [0], [1], [1], [0, 1, 1, 1], [], []>, transpose_lhs_hint = false} : vector<256x64xf32>, vector<256x256xf32>, vector<64x256xf32> -> vector<64x256xf32>
    %get3A_885 = arith.constant 40 : index
    %get3A_886 = arith.constant 0 : index
    %get3A_887 = arith.constant 0 : index
    %get3A_888 = vector.load %arg4[%get3A_885, %get3A_886, %get3A_887] : memref<50x64x8xf32, #tpu.memory_space<vmem>>, vector<1x64x1xf32>
    %get3A_889 = vector.shape_cast %get3A_888 : vector<1x64x1xf32> to vector<64x1xf32>
    %add3A_890 = vector.broadcast %get3A_889 : vector<64x1xf32> to vector<64x256xf32>
    %add3A_891 = arith.addf %dot_general3A_884, %add3A_890 : vector<64x256xf32>
    %swap3A_892 = arith.constant 0 : index
    %swap3A_893 = arith.constant 40 : index
    %swap3A_894 = arith.constant 0 : index
    %swap3A_895 = arith.constant 0 : index
    %swap3A_896 = vector.load %arg6[%swap3A_892, %swap3A_893, %swap3A_894, %swap3A_895] : memref<2x50x64x256xf32, #tpu.memory_space<vmem>>, vector<1x1x64x256xf32>
    %swap3A_897 = vector.shape_cast %swap3A_896 : vector<1x1x64x256xf32> to vector<64x256xf32>
    %swap3A_898 = vector.shape_cast %add3A_891 : vector<64x256xf32> to vector<1x1x64x256xf32>
    tpu.vector_store %arg6[%swap3A_892, %swap3A_893, %swap3A_894, %swap3A_895], %swap3A_898 {strides = array<i32>} : memref<2x50x64x256xf32, #tpu.memory_space<vmem>>, vector<1x1x64x256xf32>,
    %get3A_899 = arith.constant 5248 : index
    %get3A_900 = arith.constant 0 : index
    %get3A_901 = vector.load %arg2[%get3A_899, %get3A_900] : memref<6400x128xf32, #tpu.memory_space<vmem>>, vector<128x128xf32>
    %slice3A_902 = vector.extract_strided_slice %get3A_901 {offsets = [0, 0], sizes = [128, 64], strides = [1, 1]} : vector<128x128xf32> to vector<128x64xf32>
    %slice3A_903 = vector.extract_strided_slice %get3A_901 {offsets = [0, 64], sizes = [128, 64], strides = [1, 1]} : vector<128x128xf32> to vector<128x64xf32>
    %concatenate3A_904 = tpu.concatenate %slice3A_902, %slice3A_903 in 0 : vector<128x64xf32>, vector<128x64xf32> -> vector<256x64xf32>
    %dot_general3A_905 = arith.constant dense<0.000000e+00> : vector<64x256xf32>
    %dot_general3A_906 = tpu.matmul %concatenate3A_904, %get3A_1, %dot_general3A_905 {dimension_numbers = #tpu.dot_dimension_numbers<[0], [0], [1], [1], [0, 1, 1, 1], [], []>, transpose_lhs_hint = false} : vector<256x64xf32>, vector<256x256xf32>, vector<64x256xf32> -> vector<64x256xf32>
    %get3A_907 = arith.constant 41 : index
    %get3A_908 = arith.constant 0 : index
    %get3A_909 = arith.constant 0 : index
    %get3A_910 = vector.load %arg4[%get3A_907, %get3A_908, %get3A_909] : memref<50x64x8xf32, #tpu.memory_space<vmem>>, vector<1x64x1xf32>
    %get3A_911 = vector.shape_cast %get3A_910 : vector<1x64x1xf32> to vector<64x1xf32>
    %add3A_912 = vector.broadcast %get3A_911 : vector<64x1xf32> to vector<64x256xf32>
    %add3A_913 = arith.addf %dot_general3A_906, %add3A_912 : vector<64x256xf32>
    %swap3A_914 = arith.constant 0 : index
    %swap3A_915 = arith.constant 41 : index
    %swap3A_916 = arith.constant 0 : index
    %swap3A_917 = arith.constant 0 : index
    %swap3A_918 = vector.load %arg6[%swap3A_914, %swap3A_915, %swap3A_916, %swap3A_917] : memref<2x50x64x256xf32, #tpu.memory_space<vmem>>, vector<1x1x64x256xf32>
    %swap3A_919 = vector.shape_cast %swap3A_918 : vector<1x1x64x256xf32> to vector<64x256xf32>
    %swap3A_920 = vector.shape_cast %add3A_913 : vector<64x256xf32> to vector<1x1x64x256xf32>
    tpu.vector_store %arg6[%swap3A_914, %swap3A_915, %swap3A_916, %swap3A_917], %swap3A_920 {strides = array<i32>} : memref<2x50x64x256xf32, #tpu.memory_space<vmem>>, vector<1x1x64x256xf32>,
    %get3A_921 = arith.constant 5376 : index
    %get3A_922 = arith.constant 0 : index
    %get3A_923 = vector.load %arg2[%get3A_921, %get3A_922] : memref<6400x128xf32, #tpu.memory_space<vmem>>, vector<128x128xf32>
    %slice3A_924 = vector.extract_strided_slice %get3A_923 {offsets = [0, 0], sizes = [128, 64], strides = [1, 1]} : vector<128x128xf32> to vector<128x64xf32>
    %slice3A_925 = vector.extract_strided_slice %get3A_923 {offsets = [0, 64], sizes = [128, 64], strides = [1, 1]} : vector<128x128xf32> to vector<128x64xf32>
    %concatenate3A_926 = tpu.concatenate %slice3A_924, %slice3A_925 in 0 : vector<128x64xf32>, vector<128x64xf32> -> vector<256x64xf32>
    %dot_general3A_927 = arith.constant dense<0.000000e+00> : vector<64x256xf32>
    %dot_general3A_928 = tpu.matmul %concatenate3A_926, %get3A_1, %dot_general3A_927 {dimension_numbers = #tpu.dot_dimension_numbers<[0], [0], [1], [1], [0, 1, 1, 1], [], []>, transpose_lhs_hint = false} : vector<256x64xf32>, vector<256x256xf32>, vector<64x256xf32> -> vector<64x256xf32>
    %get3A_929 = arith.constant 42 : index
    %get3A_930 = arith.constant 0 : index
    %get3A_931 = arith.constant 0 : index
    %get3A_932 = vector.load %arg4[%get3A_929, %get3A_930, %get3A_931] : memref<50x64x8xf32, #tpu.memory_space<vmem>>, vector<1x64x1xf32>
    %get3A_933 = vector.shape_cast %get3A_932 : vector<1x64x1xf32> to vector<64x1xf32>
    %add3A_934 = vector.broadcast %get3A_933 : vector<64x1xf32> to vector<64x256xf32>
    %add3A_935 = arith.addf %dot_general3A_928, %add3A_934 : vector<64x256xf32>
    %swap3A_936 = arith.constant 0 : index
    %swap3A_937 = arith.constant 42 : index
    %swap3A_938 = arith.constant 0 : index
    %swap3A_939 = arith.constant 0 : index
    %swap3A_940 = vector.load %arg6[%swap3A_936, %swap3A_937, %swap3A_938, %swap3A_939] : memref<2x50x64x256xf32, #tpu.memory_space<vmem>>, vector<1x1x64x256xf32>
    %swap3A_941 = vector.shape_cast %swap3A_940 : vector<1x1x64x256xf32> to vector<64x256xf32>
    %swap3A_942 = vector.shape_cast %add3A_935 : vector<64x256xf32> to vector<1x1x64x256xf32>
    tpu.vector_store %arg6[%swap3A_936, %swap3A_937, %swap3A_938, %swap3A_939], %swap3A_942 {strides = array<i32>} : memref<2x50x64x256xf32, #tpu.memory_space<vmem>>, vector<1x1x64x256xf32>,
    %get3A_943 = arith.constant 5504 : index
    %get3A_944 = arith.constant 0 : index
    %get3A_945 = vector.load %arg2[%get3A_943, %get3A_944] : memref<6400x128xf32, #tpu.memory_space<vmem>>, vector<128x128xf32>
    %slice3A_946 = vector.extract_strided_slice %get3A_945 {offsets = [0, 0], sizes = [128, 64], strides = [1, 1]} : vector<128x128xf32> to vector<128x64xf32>
    %slice3A_947 = vector.extract_strided_slice %get3A_945 {offsets = [0, 64], sizes = [128, 64], strides = [1, 1]} : vector<128x128xf32> to vector<128x64xf32>
    %concatenate3A_948 = tpu.concatenate %slice3A_946, %slice3A_947 in 0 : vector<128x64xf32>, vector<128x64xf32> -> vector<256x64xf32>
    %dot_general3A_949 = arith.constant dense<0.000000e+00> : vector<64x256xf32>
    %dot_general3A_950 = tpu.matmul %concatenate3A_948, %get3A_1, %dot_general3A_949 {dimension_numbers = #tpu.dot_dimension_numbers<[0], [0], [1], [1], [0, 1, 1, 1], [], []>, transpose_lhs_hint = false} : vector<256x64xf32>, vector<256x256xf32>, vector<64x256xf32> -> vector<64x256xf32>
    %get3A_951 = arith.constant 43 : index
    %get3A_952 = arith.constant 0 : index
    %get3A_953 = arith.constant 0 : index
    %get3A_954 = vector.load %arg4[%get3A_951, %get3A_952, %get3A_953] : memref<50x64x8xf32, #tpu.memory_space<vmem>>, vector<1x64x1xf32>
    %get3A_955 = vector.shape_cast %get3A_954 : vector<1x64x1xf32> to vector<64x1xf32>
    %add3A_956 = vector.broadcast %get3A_955 : vector<64x1xf32> to vector<64x256xf32>
    %add3A_957 = arith.addf %dot_general3A_950, %add3A_956 : vector<64x256xf32>
    %swap3A_958 = arith.constant 0 : index
    %swap3A_959 = arith.constant 43 : index
    %swap3A_960 = arith.constant 0 : index
    %swap3A_961 = arith.constant 0 : index
    %swap3A_962 = vector.load %arg6[%swap3A_958, %swap3A_959, %swap3A_960, %swap3A_961] : memref<2x50x64x256xf32, #tpu.memory_space<vmem>>, vector<1x1x64x256xf32>
    %swap3A_963 = vector.shape_cast %swap3A_962 : vector<1x1x64x256xf32> to vector<64x256xf32>
    %swap3A_964 = vector.shape_cast %add3A_957 : vector<64x256xf32> to vector<1x1x64x256xf32>
    tpu.vector_store %arg6[%swap3A_958, %swap3A_959, %swap3A_960, %swap3A_961], %swap3A_964 {strides = array<i32>} : memref<2x50x64x256xf32, #tpu.memory_space<vmem>>, vector<1x1x64x256xf32>,
    %get3A_965 = arith.constant 5632 : index
    %get3A_966 = arith.constant 0 : index
    %get3A_967 = vector.load %arg2[%get3A_965, %get3A_966] : memref<6400x128xf32, #tpu.memory_space<vmem>>, vector<128x128xf32>
    %slice3A_968 = vector.extract_strided_slice %get3A_967 {offsets = [0, 0], sizes = [128, 64], strides = [1, 1]} : vector<128x128xf32> to vector<128x64xf32>
    %slice3A_969 = vector.extract_strided_slice %get3A_967 {offsets = [0, 64], sizes = [128, 64], strides = [1, 1]} : vector<128x128xf32> to vector<128x64xf32>
    %concatenate3A_970 = tpu.concatenate %slice3A_968, %slice3A_969 in 0 : vector<128x64xf32>, vector<128x64xf32> -> vector<256x64xf32>
    %dot_general3A_971 = arith.constant dense<0.000000e+00> : vector<64x256xf32>
    %dot_general3A_972 = tpu.matmul %concatenate3A_970, %get3A_1, %dot_general3A_971 {dimension_numbers = #tpu.dot_dimension_numbers<[0], [0], [1], [1], [0, 1, 1, 1], [], []>, transpose_lhs_hint = false} : vector<256x64xf32>, vector<256x256xf32>, vector<64x256xf32> -> vector<64x256xf32>
    %get3A_973 = arith.constant 44 : index
    %get3A_974 = arith.constant 0 : index
    %get3A_975 = arith.constant 0 : index
    %get3A_976 = vector.load %arg4[%get3A_973, %get3A_974, %get3A_975] : memref<50x64x8xf32, #tpu.memory_space<vmem>>, vector<1x64x1xf32>
    %get3A_977 = vector.shape_cast %get3A_976 : vector<1x64x1xf32> to vector<64x1xf32>
    %add3A_978 = vector.broadcast %get3A_977 : vector<64x1xf32> to vector<64x256xf32>
    %add3A_979 = arith.addf %dot_general3A_972, %add3A_978 : vector<64x256xf32>
    %swap3A_980 = arith.constant 0 : index
    %swap3A_981 = arith.constant 44 : index
    %swap3A_982 = arith.constant 0 : index
    %swap3A_983 = arith.constant 0 : index
    %swap3A_984 = vector.load %arg6[%swap3A_980, %swap3A_981, %swap3A_982, %swap3A_983] : memref<2x50x64x256xf32, #tpu.memory_space<vmem>>, vector<1x1x64x256xf32>
    %swap3A_985 = vector.shape_cast %swap3A_984 : vector<1x1x64x256xf32> to vector<64x256xf32>
    %swap3A_986 = vector.shape_cast %add3A_979 : vector<64x256xf32> to vector<1x1x64x256xf32>
    tpu.vector_store %arg6[%swap3A_980, %swap3A_981, %swap3A_982, %swap3A_983], %swap3A_986 {strides = array<i32>} : memref<2x50x64x256xf32, #tpu.memory_space<vmem>>, vector<1x1x64x256xf32>,
    %get3A_987 = arith.constant 5760 : index
    %get3A_988 = arith.constant 0 : index
    %get3A_989 = vector.load %arg2[%get3A_987, %get3A_988] : memref<6400x128xf32, #tpu.memory_space<vmem>>, vector<128x128xf32>
    %slice3A_990 = vector.extract_strided_slice %get3A_989 {offsets = [0, 0], sizes = [128, 64], strides = [1, 1]} : vector<128x128xf32> to vector<128x64xf32>
    %slice3A_991 = vector.extract_strided_slice %get3A_989 {offsets = [0, 64], sizes = [128, 64], strides = [1, 1]} : vector<128x128xf32> to vector<128x64xf32>
    %concatenate3A_992 = tpu.concatenate %slice3A_990, %slice3A_991 in 0 : vector<128x64xf32>, vector<128x64xf32> -> vector<256x64xf32>
    %dot_general3A_993 = arith.constant dense<0.000000e+00> : vector<64x256xf32>
    %dot_general3A_994 = tpu.matmul %concatenate3A_992, %get3A_1, %dot_general3A_993 {dimension_numbers = #tpu.dot_dimension_numbers<[0], [0], [1], [1], [0, 1, 1, 1], [], []>, transpose_lhs_hint = false} : vector<256x64xf32>, vector<256x256xf32>, vector<64x256xf32> -> vector<64x256xf32>
    %get3A_995 = arith.constant 45 : index
    %get3A_996 = arith.constant 0 : index
    %get3A_997 = arith.constant 0 : index
    %get3A_998 = vector.load %arg4[%get3A_995, %get3A_996, %get3A_997] : memref<50x64x8xf32, #tpu.memory_space<vmem>>, vector<1x64x1xf32>
    %get3A_999 = vector.shape_cast %get3A_998 : vector<1x64x1xf32> to vector<64x1xf32>
    %add3A_1000 = vector.broadcast %get3A_999 : vector<64x1xf32> to vector<64x256xf32>
    %add3A_1001 = arith.addf %dot_general3A_994, %add3A_1000 : vector<64x256xf32>
    %swap3A_1002 = arith.constant 0 : index
    %swap3A_1003 = arith.constant 45 : index
    %swap3A_1004 = arith.constant 0 : index
    %swap3A_1005 = arith.constant 0 : index
    %swap3A_1006 = vector.load %arg6[%swap3A_1002, %swap3A_1003, %swap3A_1004, %swap3A_1005] : memref<2x50x64x256xf32, #tpu.memory_space<vmem>>, vector<1x1x64x256xf32>
    %swap3A_1007 = vector.shape_cast %swap3A_1006 : vector<1x1x64x256xf32> to vector<64x256xf32>
    %swap3A_1008 = vector.shape_cast %add3A_1001 : vector<64x256xf32> to vector<1x1x64x256xf32>
    tpu.vector_store %arg6[%swap3A_1002, %swap3A_1003, %swap3A_1004, %swap3A_1005], %swap3A_1008 {strides = array<i32>} : memref<2x50x64x256xf32, #tpu.memory_space<vmem>>, vector<1x1x64x256xf32>,
    %get3A_1009 = arith.constant 5888 : index
    %get3A_1010 = arith.constant 0 : index
    %get3A_1011 = vector.load %arg2[%get3A_1009, %get3A_1010] : memref<6400x128xf32, #tpu.memory_space<vmem>>, vector<128x128xf32>
    %slice3A_1012 = vector.extract_strided_slice %get3A_1011 {offsets = [0, 0], sizes = [128, 64], strides = [1, 1]} : vector<128x128xf32> to vector<128x64xf32>
    %slice3A_1013 = vector.extract_strided_slice %get3A_1011 {offsets = [0, 64], sizes = [128, 64], strides = [1, 1]} : vector<128x128xf32> to vector<128x64xf32>
    %concatenate3A_1014 = tpu.concatenate %slice3A_1012, %slice3A_1013 in 0 : vector<128x64xf32>, vector<128x64xf32> -> vector<256x64xf32>
    %dot_general3A_1015 = arith.constant dense<0.000000e+00> : vector<64x256xf32>
    %dot_general3A_1016 = tpu.matmul %concatenate3A_1014, %get3A_1, %dot_general3A_1015 {dimension_numbers = #tpu.dot_dimension_numbers<[0], [0], [1], [1], [0, 1, 1, 1], [], []>, transpose_lhs_hint = false} : vector<256x64xf32>, vector<256x256xf32>, vector<64x256xf32> -> vector<64x256xf32>
    %get3A_1017 = arith.constant 46 : index
    %get3A_1018 = arith.constant 0 : index
    %get3A_1019 = arith.constant 0 : index
    %get3A_1020 = vector.load %arg4[%get3A_1017, %get3A_1018, %get3A_1019] : memref<50x64x8xf32, #tpu.memory_space<vmem>>, vector<1x64x1xf32>
    %get3A_1021 = vector.shape_cast %get3A_1020 : vector<1x64x1xf32> to vector<64x1xf32>
    %add3A_1022 = vector.broadcast %get3A_1021 : vector<64x1xf32> to vector<64x256xf32>
    %add3A_1023 = arith.addf %dot_general3A_1016, %add3A_1022 : vector<64x256xf32>
    %swap3A_1024 = arith.constant 0 : index
    %swap3A_1025 = arith.constant 46 : index
    %swap3A_1026 = arith.constant 0 : index
    %swap3A_1027 = arith.constant 0 : index
    %swap3A_1028 = vector.load %arg6[%swap3A_1024, %swap3A_1025, %swap3A_1026, %swap3A_1027] : memref<2x50x64x256xf32, #tpu.memory_space<vmem>>, vector<1x1x64x256xf32>
    %swap3A_1029 = vector.shape_cast %swap3A_1028 : vector<1x1x64x256xf32> to vector<64x256xf32>
    %swap3A_1030 = vector.shape_cast %add3A_1023 : vector<64x256xf32> to vector<1x1x64x256xf32>
    tpu.vector_store %arg6[%swap3A_1024, %swap3A_1025, %swap3A_1026, %swap3A_1027], %swap3A_1030 {strides = array<i32>} : memref<2x50x64x256xf32, #tpu.memory_space<vmem>>, vector<1x1x64x256xf32>,
    %get3A_1031 = arith.constant 6016 : index
    %get3A_1032 = arith.constant 0 : index
    %get3A_1033 = vector.load %arg2[%get3A_1031, %get3A_1032] : memref<6400x128xf32, #tpu.memory_space<vmem>>, vector<128x128xf32>
    %slice3A_1034 = vector.extract_strided_slice %get3A_1033 {offsets = [0, 0], sizes = [128, 64], strides = [1, 1]} : vector<128x128xf32> to vector<128x64xf32>
    %slice3A_1035 = vector.extract_strided_slice %get3A_1033 {offsets = [0, 64], sizes = [128, 64], strides = [1, 1]} : vector<128x128xf32> to vector<128x64xf32>
    %concatenate3A_1036 = tpu.concatenate %slice3A_1034, %slice3A_1035 in 0 : vector<128x64xf32>, vector<128x64xf32> -> vector<256x64xf32>
    %dot_general3A_1037 = arith.constant dense<0.000000e+00> : vector<64x256xf32>
    %dot_general3A_1038 = tpu.matmul %concatenate3A_1036, %get3A_1, %dot_general3A_1037 {dimension_numbers = #tpu.dot_dimension_numbers<[0], [0], [1], [1], [0, 1, 1, 1], [], []>, transpose_lhs_hint = false} : vector<256x64xf32>, vector<256x256xf32>, vector<64x256xf32> -> vector<64x256xf32>
    %get3A_1039 = arith.constant 47 : index
    %get3A_1040 = arith.constant 0 : index
    %get3A_1041 = arith.constant 0 : index
    %get3A_1042 = vector.load %arg4[%get3A_1039, %get3A_1040, %get3A_1041] : memref<50x64x8xf32, #tpu.memory_space<vmem>>, vector<1x64x1xf32>
    %get3A_1043 = vector.shape_cast %get3A_1042 : vector<1x64x1xf32> to vector<64x1xf32>
    %add3A_1044 = vector.broadcast %get3A_1043 : vector<64x1xf32> to vector<64x256xf32>
    %add3A_1045 = arith.addf %dot_general3A_1038, %add3A_1044 : vector<64x256xf32>
    %swap3A_1046 = arith.constant 0 : index
    %swap3A_1047 = arith.constant 47 : index
    %swap3A_1048 = arith.constant 0 : index
    %swap3A_1049 = arith.constant 0 : index
    %swap3A_1050 = vector.load %arg6[%swap3A_1046, %swap3A_1047, %swap3A_1048, %swap3A_1049] : memref<2x50x64x256xf32, #tpu.memory_space<vmem>>, vector<1x1x64x256xf32>
    %swap3A_1051 = vector.shape_cast %swap3A_1050 : vector<1x1x64x256xf32> to vector<64x256xf32>
    %swap3A_1052 = vector.shape_cast %add3A_1045 : vector<64x256xf32> to vector<1x1x64x256xf32>
    tpu.vector_store %arg6[%swap3A_1046, %swap3A_1047, %swap3A_1048, %swap3A_1049], %swap3A_1052 {strides = array<i32>} : memref<2x50x64x256xf32, #tpu.memory_space<vmem>>, vector<1x1x64x256xf32>,
    %get3A_1053 = arith.constant 6144 : index
    %get3A_1054 = arith.constant 0 : index
    %get3A_1055 = vector.load %arg2[%get3A_1053, %get3A_1054] : memref<6400x128xf32, #tpu.memory_space<vmem>>, vector<128x128xf32>
    %slice3A_1056 = vector.extract_strided_slice %get3A_1055 {offsets = [0, 0], sizes = [128, 64], strides = [1, 1]} : vector<128x128xf32> to vector<128x64xf32>
    %slice3A_1057 = vector.extract_strided_slice %get3A_1055 {offsets = [0, 64], sizes = [128, 64], strides = [1, 1]} : vector<128x128xf32> to vector<128x64xf32>
    %concatenate3A_1058 = tpu.concatenate %slice3A_1056, %slice3A_1057 in 0 : vector<128x64xf32>, vector<128x64xf32> -> vector<256x64xf32>
    %dot_general3A_1059 = arith.constant dense<0.000000e+00> : vector<64x256xf32>
    %dot_general3A_1060 = tpu.matmul %concatenate3A_1058, %get3A_1, %dot_general3A_1059 {dimension_numbers = #tpu.dot_dimension_numbers<[0], [0], [1], [1], [0, 1, 1, 1], [], []>, transpose_lhs_hint = false} : vector<256x64xf32>, vector<256x256xf32>, vector<64x256xf32> -> vector<64x256xf32>
    %get3A_1061 = arith.constant 48 : index
    %get3A_1062 = arith.constant 0 : index
    %get3A_1063 = arith.constant 0 : index
    %get3A_1064 = vector.load %arg4[%get3A_1061, %get3A_1062, %get3A_1063] : memref<50x64x8xf32, #tpu.memory_space<vmem>>, vector<1x64x1xf32>
    %get3A_1065 = vector.shape_cast %get3A_1064 : vector<1x64x1xf32> to vector<64x1xf32>
    %add3A_1066 = vector.broadcast %get3A_1065 : vector<64x1xf32> to vector<64x256xf32>
    %add3A_1067 = arith.addf %dot_general3A_1060, %add3A_1066 : vector<64x256xf32>
    %swap3A_1068 = arith.constant 0 : index
    %swap3A_1069 = arith.constant 48 : index
    %swap3A_1070 = arith.constant 0 : index
    %swap3A_1071 = arith.constant 0 : index
    %swap3A_1072 = vector.load %arg6[%swap3A_1068, %swap3A_1069, %swap3A_1070, %swap3A_1071] : memref<2x50x64x256xf32, #tpu.memory_space<vmem>>, vector<1x1x64x256xf32>
    %swap3A_1073 = vector.shape_cast %swap3A_1072 : vector<1x1x64x256xf32> to vector<64x256xf32>
    %swap3A_1074 = vector.shape_cast %add3A_1067 : vector<64x256xf32> to vector<1x1x64x256xf32>
    tpu.vector_store %arg6[%swap3A_1068, %swap3A_1069, %swap3A_1070, %swap3A_1071], %swap3A_1074 {strides = array<i32>} : memref<2x50x64x256xf32, #tpu.memory_space<vmem>>, vector<1x1x64x256xf32>,
    %get3A_1075 = arith.constant 6272 : index
    %get3A_1076 = arith.constant 0 : index
    %get3A_1077 = vector.load %arg2[%get3A_1075, %get3A_1076] : memref<6400x128xf32, #tpu.memory_space<vmem>>, vector<128x128xf32>
    %slice3A_1078 = vector.extract_strided_slice %get3A_1077 {offsets = [0, 0], sizes = [128, 64], strides = [1, 1]} : vector<128x128xf32> to vector<128x64xf32>
    %slice3A_1079 = vector.extract_strided_slice %get3A_1077 {offsets = [0, 64], sizes = [128, 64], strides = [1, 1]} : vector<128x128xf32> to vector<128x64xf32>
    %concatenate3A_1080 = tpu.concatenate %slice3A_1078, %slice3A_1079 in 0 : vector<128x64xf32>, vector<128x64xf32> -> vector<256x64xf32>
    %dot_general3A_1081 = arith.constant dense<0.000000e+00> : vector<64x256xf32>
    %dot_general3A_1082 = tpu.matmul %concatenate3A_1080, %get3A_1, %dot_general3A_1081 {dimension_numbers = #tpu.dot_dimension_numbers<[0], [0], [1], [1], [0, 1, 1, 1], [], []>, transpose_lhs_hint = false} : vector<256x64xf32>, vector<256x256xf32>, vector<64x256xf32> -> vector<64x256xf32>
    %get3A_1083 = arith.constant 49 : index
    %get3A_1084 = arith.constant 0 : index
    %get3A_1085 = arith.constant 0 : index
    %get3A_1086 = vector.load %arg4[%get3A_1083, %get3A_1084, %get3A_1085] : memref<50x64x8xf32, #tpu.memory_space<vmem>>, vector<1x64x1xf32>
    %get3A_1087 = vector.shape_cast %get3A_1086 : vector<1x64x1xf32> to vector<64x1xf32>
    %add3A_1088 = vector.broadcast %get3A_1087 : vector<64x1xf32> to vector<64x256xf32>
    %add3A_1089 = arith.addf %dot_general3A_1082, %add3A_1088 : vector<64x256xf32>
    %swap3A_1090 = arith.constant 0 : index
    %swap3A_1091 = arith.constant 49 : index
    %swap3A_1092 = arith.constant 0 : index
    %swap3A_1093 = arith.constant 0 : index
    %swap3A_1094 = vector.load %arg6[%swap3A_1090, %swap3A_1091, %swap3A_1092, %swap3A_1093] : memref<2x50x64x256xf32, #tpu.memory_space<vmem>>, vector<1x1x64x256xf32>
    %swap3A_1095 = vector.shape_cast %swap3A_1094 : vector<1x1x64x256xf32> to vector<64x256xf32>
    %swap3A_1096 = vector.shape_cast %add3A_1089 : vector<64x256xf32> to vector<1x1x64x256xf32>
    tpu.vector_store %arg6[%swap3A_1090, %swap3A_1091, %swap3A_1092, %swap3A_1093], %swap3A_1096 {strides = array<i32>} : memref<2x50x64x256xf32, #tpu.memory_space<vmem>>, vector<1x1x64x256xf32>,
    %get3A_1097 = arith.constant 0 : index
    %get3A_1098 = arith.constant 0 : index
    %get3A_1099 = vector.load %arg3[%get3A_1097, %get3A_1098] : memref<6400x128xf32, #tpu.memory_space<vmem>>, vector<128x128xf32>
    %slice3A_1100 = vector.extract_strided_slice %get3A_1099 {offsets = [0, 0], sizes = [128, 64], strides = [1, 1]} : vector<128x128xf32> to vector<128x64xf32>
    %slice3A_1101 = vector.extract_strided_slice %get3A_1099 {offsets = [0, 64], sizes = [128, 64], strides = [1, 1]} : vector<128x128xf32> to vector<128x64xf32>
    %concatenate3A_1102 = tpu.concatenate %slice3A_1100, %slice3A_1101 in 0 : vector<128x64xf32>, vector<128x64xf32> -> vector<256x64xf32>
    %dot_general3A_1103 = arith.constant dense<0.000000e+00> : vector<64x256xf32>
    %dot_general3A_1104 = tpu.matmul %concatenate3A_1102, %get3A_1, %dot_general3A_1103 {dimension_numbers = #tpu.dot_dimension_numbers<[0], [0], [1], [1], [0, 1, 1, 1], [], []>, transpose_lhs_hint = false} : vector<256x64xf32>, vector<256x256xf32>, vector<64x256xf32> -> vector<64x256xf32>
    %get3A_1105 = arith.constant 0 : index
    %get3A_1106 = arith.constant 0 : index
    %get3A_1107 = arith.constant 0 : index
    %get3A_1108 = vector.load %arg4[%get3A_1105, %get3A_1106, %get3A_1107] : memref<50x64x8xf32, #tpu.memory_space<vmem>>, vector<1x64x1xf32>
    %get3A_1109 = vector.shape_cast %get3A_1108 : vector<1x64x1xf32> to vector<64x1xf32>
    %add3A_1110 = vector.broadcast %get3A_1109 : vector<64x1xf32> to vector<64x256xf32>
    %add3A_1111 = arith.addf %dot_general3A_1104, %add3A_1110 : vector<64x256xf32>
    %swap3A_1112 = arith.constant 1 : index
    %swap3A_1113 = arith.constant 0 : index
    %swap3A_1114 = arith.constant 0 : index
    %swap3A_1115 = arith.constant 0 : index
    %swap3A_1116 = vector.load %arg6[%swap3A_1112, %swap3A_1113, %swap3A_1114, %swap3A_1115] : memref<2x50x64x256xf32, #tpu.memory_space<vmem>>, vector<1x1x64x256xf32>
    %swap3A_1117 = vector.shape_cast %swap3A_1116 : vector<1x1x64x256xf32> to vector<64x256xf32>
    %swap3A_1118 = vector.shape_cast %add3A_1111 : vector<64x256xf32> to vector<1x1x64x256xf32>
    tpu.vector_store %arg6[%swap3A_1112, %swap3A_1113, %swap3A_1114, %swap3A_1115], %swap3A_1118 {strides = array<i32>} : memref<2x50x64x256xf32, #tpu.memory_space<vmem>>, vector<1x1x64x256xf32>,
    %get3A_1119 = arith.constant 128 : index
    %get3A_1120 = arith.constant 0 : index
    %get3A_1121 = vector.load %arg3[%get3A_1119, %get3A_1120] : memref<6400x128xf32, #tpu.memory_space<vmem>>, vector<128x128xf32>
    %slice3A_1122 = vector.extract_strided_slice %get3A_1121 {offsets = [0, 0], sizes = [128, 64], strides = [1, 1]} : vector<128x128xf32> to vector<128x64xf32>
    %slice3A_1123 = vector.extract_strided_slice %get3A_1121 {offsets = [0, 64], sizes = [128, 64], strides = [1, 1]} : vector<128x128xf32> to vector<128x64xf32>
    %concatenate3A_1124 = tpu.concatenate %slice3A_1122, %slice3A_1123 in 0 : vector<128x64xf32>, vector<128x64xf32> -> vector<256x64xf32>
    %dot_general3A_1125 = arith.constant dense<0.000000e+00> : vector<64x256xf32>
    %dot_general3A_1126 = tpu.matmul %concatenate3A_1124, %get3A_1, %dot_general3A_1125 {dimension_numbers = #tpu.dot_dimension_numbers<[0], [0], [1], [1], [0, 1, 1, 1], [], []>, transpose_lhs_hint = false} : vector<256x64xf32>, vector<256x256xf32>, vector<64x256xf32> -> vector<64x256xf32>
    %get3A_1127 = arith.constant 1 : index
    %get3A_1128 = arith.constant 0 : index
    %get3A_1129 = arith.constant 0 : index
    %get3A_1130 = vector.load %arg4[%get3A_1127, %get3A_1128, %get3A_1129] : memref<50x64x8xf32, #tpu.memory_space<vmem>>, vector<1x64x1xf32>
    %get3A_1131 = vector.shape_cast %get3A_1130 : vector<1x64x1xf32> to vector<64x1xf32>
    %add3A_1132 = vector.broadcast %get3A_1131 : vector<64x1xf32> to vector<64x256xf32>
    %add3A_1133 = arith.addf %dot_general3A_1126, %add3A_1132 : vector<64x256xf32>
    %swap3A_1134 = arith.constant 1 : index
    %swap3A_1135 = arith.constant 1 : index
    %swap3A_1136 = arith.constant 0 : index
    %swap3A_1137 = arith.constant 0 : index
    %swap3A_1138 = vector.load %arg6[%swap3A_1134, %swap3A_1135, %swap3A_1136, %swap3A_1137] : memref<2x50x64x256xf32, #tpu.memory_space<vmem>>, vector<1x1x64x256xf32>
    %swap3A_1139 = vector.shape_cast %swap3A_1138 : vector<1x1x64x256xf32> to vector<64x256xf32>
    %swap3A_1140 = vector.shape_cast %add3A_1133 : vector<64x256xf32> to vector<1x1x64x256xf32>
    tpu.vector_store %arg6[%swap3A_1134, %swap3A_1135, %swap3A_1136, %swap3A_1137], %swap3A_1140 {strides = array<i32>} : memref<2x50x64x256xf32, #tpu.memory_space<vmem>>, vector<1x1x64x256xf32>,
    %get3A_1141 = arith.constant 256 : index
    %get3A_1142 = arith.constant 0 : index
    %get3A_1143 = vector.load %arg3[%get3A_1141, %get3A_1142] : memref<6400x128xf32, #tpu.memory_space<vmem>>, vector<128x128xf32>
    %slice3A_1144 = vector.extract_strided_slice %get3A_1143 {offsets = [0, 0], sizes = [128, 64], strides = [1, 1]} : vector<128x128xf32> to vector<128x64xf32>
    %slice3A_1145 = vector.extract_strided_slice %get3A_1143 {offsets = [0, 64], sizes = [128, 64], strides = [1, 1]} : vector<128x128xf32> to vector<128x64xf32>
    %concatenate3A_1146 = tpu.concatenate %slice3A_1144, %slice3A_1145 in 0 : vector<128x64xf32>, vector<128x64xf32> -> vector<256x64xf32>
    %dot_general3A_1147 = arith.constant dense<0.000000e+00> : vector<64x256xf32>
    %dot_general3A_1148 = tpu.matmul %concatenate3A_1146, %get3A_1, %dot_general3A_1147 {dimension_numbers = #tpu.dot_dimension_numbers<[0], [0], [1], [1], [0, 1, 1, 1], [], []>, transpose_lhs_hint = false} : vector<256x64xf32>, vector<256x256xf32>, vector<64x256xf32> -> vector<64x256xf32>
    %get3A_1149 = arith.constant 2 : index
    %get3A_1150 = arith.constant 0 : index
    %get3A_1151 = arith.constant 0 : index
    %get3A_1152 = vector.load %arg4[%get3A_1149, %get3A_1150, %get3A_1151] : memref<50x64x8xf32, #tpu.memory_space<vmem>>, vector<1x64x1xf32>
    %get3A_1153 = vector.shape_cast %get3A_1152 : vector<1x64x1xf32> to vector<64x1xf32>
    %add3A_1154 = vector.broadcast %get3A_1153 : vector<64x1xf32> to vector<64x256xf32>
    %add3A_1155 = arith.addf %dot_general3A_1148, %add3A_1154 : vector<64x256xf32>
    %swap3A_1156 = arith.constant 1 : index
    %swap3A_1157 = arith.constant 2 : index
    %swap3A_1158 = arith.constant 0 : index
    %swap3A_1159 = arith.constant 0 : index
    %swap3A_1160 = vector.load %arg6[%swap3A_1156, %swap3A_1157, %swap3A_1158, %swap3A_1159] : memref<2x50x64x256xf32, #tpu.memory_space<vmem>>, vector<1x1x64x256xf32>
    %swap3A_1161 = vector.shape_cast %swap3A_1160 : vector<1x1x64x256xf32> to vector<64x256xf32>
    %swap3A_1162 = vector.shape_cast %add3A_1155 : vector<64x256xf32> to vector<1x1x64x256xf32>
    tpu.vector_store %arg6[%swap3A_1156, %swap3A_1157, %swap3A_1158, %swap3A_1159], %swap3A_1162 {strides = array<i32>} : memref<2x50x64x256xf32, #tpu.memory_space<vmem>>, vector<1x1x64x256xf32>,
    %get3A_1163 = arith.constant 384 : index
    %get3A_1164 = arith.constant 0 : index
    %get3A_1165 = vector.load %arg3[%get3A_1163, %get3A_1164] : memref<6400x128xf32, #tpu.memory_space<vmem>>, vector<128x128xf32>
    %slice3A_1166 = vector.extract_strided_slice %get3A_1165 {offsets = [0, 0], sizes = [128, 64], strides = [1, 1]} : vector<128x128xf32> to vector<128x64xf32>
    %slice3A_1167 = vector.extract_strided_slice %get3A_1165 {offsets = [0, 64], sizes = [128, 64], strides = [1, 1]} : vector<128x128xf32> to vector<128x64xf32>
    %concatenate3A_1168 = tpu.concatenate %slice3A_1166, %slice3A_1167 in 0 : vector<128x64xf32>, vector<128x64xf32> -> vector<256x64xf32>
    %dot_general3A_1169 = arith.constant dense<0.000000e+00> : vector<64x256xf32>
    %dot_general3A_1170 = tpu.matmul %concatenate3A_1168, %get3A_1, %dot_general3A_1169 {dimension_numbers = #tpu.dot_dimension_numbers<[0], [0], [1], [1], [0, 1, 1, 1], [], []>, transpose_lhs_hint = false} : vector<256x64xf32>, vector<256x256xf32>, vector<64x256xf32> -> vector<64x256xf32>
    %get3A_1171 = arith.constant 3 : index
    %get3A_1172 = arith.constant 0 : index
    %get3A_1173 = arith.constant 0 : index
    %get3A_1174 = vector.load %arg4[%get3A_1171, %get3A_1172, %get3A_1173] : memref<50x64x8xf32, #tpu.memory_space<vmem>>, vector<1x64x1xf32>
    %get3A_1175 = vector.shape_cast %get3A_1174 : vector<1x64x1xf32> to vector<64x1xf32>
    %add3A_1176 = vector.broadcast %get3A_1175 : vector<64x1xf32> to vector<64x256xf32>
    %add3A_1177 = arith.addf %dot_general3A_1170, %add3A_1176 : vector<64x256xf32>
    %swap3A_1178 = arith.constant 1 : index
    %swap3A_1179 = arith.constant 3 : index
    %swap3A_1180 = arith.constant 0 : index
    %swap3A_1181 = arith.constant 0 : index
    %swap3A_1182 = vector.load %arg6[%swap3A_1178, %swap3A_1179, %swap3A_1180, %swap3A_1181] : memref<2x50x64x256xf32, #tpu.memory_space<vmem>>, vector<1x1x64x256xf32>
    %swap3A_1183 = vector.shape_cast %swap3A_1182 : vector<1x1x64x256xf32> to vector<64x256xf32>
    %swap3A_1184 = vector.shape_cast %add3A_1177 : vector<64x256xf32> to vector<1x1x64x256xf32>
    tpu.vector_store %arg6[%swap3A_1178, %swap3A_1179, %swap3A_1180, %swap3A_1181], %swap3A_1184 {strides = array<i32>} : memref<2x50x64x256xf32, #tpu.memory_space<vmem>>, vector<1x1x64x256xf32>,
    %get3A_1185 = arith.constant 512 : index
    %get3A_1186 = arith.constant 0 : index
    %get3A_1187 = vector.load %arg3[%get3A_1185, %get3A_1186] : memref<6400x128xf32, #tpu.memory_space<vmem>>, vector<128x128xf32>
    %slice3A_1188 = vector.extract_strided_slice %get3A_1187 {offsets = [0, 0], sizes = [128, 64], strides = [1, 1]} : vector<128x128xf32> to vector<128x64xf32>
    %slice3A_1189 = vector.extract_strided_slice %get3A_1187 {offsets = [0, 64], sizes = [128, 64], strides = [1, 1]} : vector<128x128xf32> to vector<128x64xf32>
    %concatenate3A_1190 = tpu.concatenate %slice3A_1188, %slice3A_1189 in 0 : vector<128x64xf32>, vector<128x64xf32> -> vector<256x64xf32>
    %dot_general3A_1191 = arith.constant dense<0.000000e+00> : vector<64x256xf32>
    %dot_general3A_1192 = tpu.matmul %concatenate3A_1190, %get3A_1, %dot_general3A_1191 {dimension_numbers = #tpu.dot_dimension_numbers<[0], [0], [1], [1], [0, 1, 1, 1], [], []>, transpose_lhs_hint = false} : vector<256x64xf32>, vector<256x256xf32>, vector<64x256xf32> -> vector<64x256xf32>
    %get3A_1193 = arith.constant 4 : index
    %get3A_1194 = arith.constant 0 : index
    %get3A_1195 = arith.constant 0 : index
    %get3A_1196 = vector.load %arg4[%get3A_1193, %get3A_1194, %get3A_1195] : memref<50x64x8xf32, #tpu.memory_space<vmem>>, vector<1x64x1xf32>
    %get3A_1197 = vector.shape_cast %get3A_1196 : vector<1x64x1xf32> to vector<64x1xf32>
    %add3A_1198 = vector.broadcast %get3A_1197 : vector<64x1xf32> to vector<64x256xf32>
    %add3A_1199 = arith.addf %dot_general3A_1192, %add3A_1198 : vector<64x256xf32>
    %swap3A_1200 = arith.constant 1 : index
    %swap3A_1201 = arith.constant 4 : index
    %swap3A_1202 = arith.constant 0 : index
    %swap3A_1203 = arith.constant 0 : index
    %swap3A_1204 = vector.load %arg6[%swap3A_1200, %swap3A_1201, %swap3A_1202, %swap3A_1203] : memref<2x50x64x256xf32, #tpu.memory_space<vmem>>, vector<1x1x64x256xf32>
    %swap3A_1205 = vector.shape_cast %swap3A_1204 : vector<1x1x64x256xf32> to vector<64x256xf32>
    %swap3A_1206 = vector.shape_cast %add3A_1199 : vector<64x256xf32> to vector<1x1x64x256xf32>
    tpu.vector_store %arg6[%swap3A_1200, %swap3A_1201, %swap3A_1202, %swap3A_1203], %swap3A_1206 {strides = array<i32>} : memref<2x50x64x256xf32, #tpu.memory_space<vmem>>, vector<1x1x64x256xf32>,
    %get3A_1207 = arith.constant 640 : index
    %get3A_1208 = arith.constant 0 : index
    %get3A_1209 = vector.load %arg3[%get3A_1207, %get3A_1208] : memref<6400x128xf32, #tpu.memory_space<vmem>>, vector<128x128xf32>
    %slice3A_1210 = vector.extract_strided_slice %get3A_1209 {offsets = [0, 0], sizes = [128, 64], strides = [1, 1]} : vector<128x128xf32> to vector<128x64xf32>
    %slice3A_1211 = vector.extract_strided_slice %get3A_1209 {offsets = [0, 64], sizes = [128, 64], strides = [1, 1]} : vector<128x128xf32> to vector<128x64xf32>
    %concatenate3A_1212 = tpu.concatenate %slice3A_1210, %slice3A_1211 in 0 : vector<128x64xf32>, vector<128x64xf32> -> vector<256x64xf32>
    %dot_general3A_1213 = arith.constant dense<0.000000e+00> : vector<64x256xf32>
    %dot_general3A_1214 = tpu.matmul %concatenate3A_1212, %get3A_1, %dot_general3A_1213 {dimension_numbers = #tpu.dot_dimension_numbers<[0], [0], [1], [1], [0, 1, 1, 1], [], []>, transpose_lhs_hint = false} : vector<256x64xf32>, vector<256x256xf32>, vector<64x256xf32> -> vector<64x256xf32>
    %get3A_1215 = arith.constant 5 : index
    %get3A_1216 = arith.constant 0 : index
    %get3A_1217 = arith.constant 0 : index
    %get3A_1218 = vector.load %arg4[%get3A_1215, %get3A_1216, %get3A_1217] : memref<50x64x8xf32, #tpu.memory_space<vmem>>, vector<1x64x1xf32>
    %get3A_1219 = vector.shape_cast %get3A_1218 : vector<1x64x1xf32> to vector<64x1xf32>
    %add3A_1220 = vector.broadcast %get3A_1219 : vector<64x1xf32> to vector<64x256xf32>
    %add3A_1221 = arith.addf %dot_general3A_1214, %add3A_1220 : vector<64x256xf32>
    %swap3A_1222 = arith.constant 1 : index
    %swap3A_1223 = arith.constant 5 : index
    %swap3A_1224 = arith.constant 0 : index
    %swap3A_1225 = arith.constant 0 : index
    %swap3A_1226 = vector.load %arg6[%swap3A_1222, %swap3A_1223, %swap3A_1224, %swap3A_1225] : memref<2x50x64x256xf32, #tpu.memory_space<vmem>>, vector<1x1x64x256xf32>
    %swap3A_1227 = vector.shape_cast %swap3A_1226 : vector<1x1x64x256xf32> to vector<64x256xf32>
    %swap3A_1228 = vector.shape_cast %add3A_1221 : vector<64x256xf32> to vector<1x1x64x256xf32>
    tpu.vector_store %arg6[%swap3A_1222, %swap3A_1223, %swap3A_1224, %swap3A_1225], %swap3A_1228 {strides = array<i32>} : memref<2x50x64x256xf32, #tpu.memory_space<vmem>>, vector<1x1x64x256xf32>,
    %get3A_1229 = arith.constant 768 : index
    %get3A_1230 = arith.constant 0 : index
    %get3A_1231 = vector.load %arg3[%get3A_1229, %get3A_1230] : memref<6400x128xf32, #tpu.memory_space<vmem>>, vector<128x128xf32>
    %slice3A_1232 = vector.extract_strided_slice %get3A_1231 {offsets = [0, 0], sizes = [128, 64], strides = [1, 1]} : vector<128x128xf32> to vector<128x64xf32>
    %slice3A_1233 = vector.extract_strided_slice %get3A_1231 {offsets = [0, 64], sizes = [128, 64], strides = [1, 1]} : vector<128x128xf32> to vector<128x64xf32>
    %concatenate3A_1234 = tpu.concatenate %slice3A_1232, %slice3A_1233 in 0 : vector<128x64xf32>, vector<128x64xf32> -> vector<256x64xf32>
    %dot_general3A_1235 = arith.constant dense<0.000000e+00> : vector<64x256xf32>
    %dot_general3A_1236 = tpu.matmul %concatenate3A_1234, %get3A_1, %dot_general3A_1235 {dimension_numbers = #tpu.dot_dimension_numbers<[0], [0], [1], [1], [0, 1, 1, 1], [], []>, transpose_lhs_hint = false} : vector<256x64xf32>, vector<256x256xf32>, vector<64x256xf32> -> vector<64x256xf32>
    %get3A_1237 = arith.constant 6 : index
    %get3A_1238 = arith.constant 0 : index
    %get3A_1239 = arith.constant 0 : index
    %get3A_1240 = vector.load %arg4[%get3A_1237, %get3A_1238, %get3A_1239] : memref<50x64x8xf32, #tpu.memory_space<vmem>>, vector<1x64x1xf32>
    %get3A_1241 = vector.shape_cast %get3A_1240 : vector<1x64x1xf32> to vector<64x1xf32>
    %add3A_1242 = vector.broadcast %get3A_1241 : vector<64x1xf32> to vector<64x256xf32>
    %add3A_1243 = arith.addf %dot_general3A_1236, %add3A_1242 : vector<64x256xf32>
    %swap3A_1244 = arith.constant 1 : index
    %swap3A_1245 = arith.constant 6 : index
    %swap3A_1246 = arith.constant 0 : index
    %swap3A_1247 = arith.constant 0 : index
    %swap3A_1248 = vector.load %arg6[%swap3A_1244, %swap3A_1245, %swap3A_1246, %swap3A_1247] : memref<2x50x64x256xf32, #tpu.memory_space<vmem>>, vector<1x1x64x256xf32>
    %swap3A_1249 = vector.shape_cast %swap3A_1248 : vector<1x1x64x256xf32> to vector<64x256xf32>
    %swap3A_1250 = vector.shape_cast %add3A_1243 : vector<64x256xf32> to vector<1x1x64x256xf32>
    tpu.vector_store %arg6[%swap3A_1244, %swap3A_1245, %swap3A_1246, %swap3A_1247], %swap3A_1250 {strides = array<i32>} : memref<2x50x64x256xf32, #tpu.memory_space<vmem>>, vector<1x1x64x256xf32>,
    %get3A_1251 = arith.constant 896 : index
    %get3A_1252 = arith.constant 0 : index
    %get3A_1253 = vector.load %arg3[%get3A_1251, %get3A_1252] : memref<6400x128xf32, #tpu.memory_space<vmem>>, vector<128x128xf32>
    %slice3A_1254 = vector.extract_strided_slice %get3A_1253 {offsets = [0, 0], sizes = [128, 64], strides = [1, 1]} : vector<128x128xf32> to vector<128x64xf32>
    %slice3A_1255 = vector.extract_strided_slice %get3A_1253 {offsets = [0, 64], sizes = [128, 64], strides = [1, 1]} : vector<128x128xf32> to vector<128x64xf32>
    %concatenate3A_1256 = tpu.concatenate %slice3A_1254, %slice3A_1255 in 0 : vector<128x64xf32>, vector<128x64xf32> -> vector<256x64xf32>
    %dot_general3A_1257 = arith.constant dense<0.000000e+00> : vector<64x256xf32>
    %dot_general3A_1258 = tpu.matmul %concatenate3A_1256, %get3A_1, %dot_general3A_1257 {dimension_numbers = #tpu.dot_dimension_numbers<[0], [0], [1], [1], [0, 1, 1, 1], [], []>, transpose_lhs_hint = false} : vector<256x64xf32>, vector<256x256xf32>, vector<64x256xf32> -> vector<64x256xf32>
    %get3A_1259 = arith.constant 7 : index
    %get3A_1260 = arith.constant 0 : index
    %get3A_1261 = arith.constant 0 : index
    %get3A_1262 = vector.load %arg4[%get3A_1259, %get3A_1260, %get3A_1261] : memref<50x64x8xf32, #tpu.memory_space<vmem>>, vector<1x64x1xf32>
    %get3A_1263 = vector.shape_cast %get3A_1262 : vector<1x64x1xf32> to vector<64x1xf32>
    %add3A_1264 = vector.broadcast %get3A_1263 : vector<64x1xf32> to vector<64x256xf32>
    %add3A_1265 = arith.addf %dot_general3A_1258, %add3A_1264 : vector<64x256xf32>
    %swap3A_1266 = arith.constant 1 : index
    %swap3A_1267 = arith.constant 7 : index
    %swap3A_1268 = arith.constant 0 : index
    %swap3A_1269 = arith.constant 0 : index
    %swap3A_1270 = vector.load %arg6[%swap3A_1266, %swap3A_1267, %swap3A_1268, %swap3A_1269] : memref<2x50x64x256xf32, #tpu.memory_space<vmem>>, vector<1x1x64x256xf32>
    %swap3A_1271 = vector.shape_cast %swap3A_1270 : vector<1x1x64x256xf32> to vector<64x256xf32>
    %swap3A_1272 = vector.shape_cast %add3A_1265 : vector<64x256xf32> to vector<1x1x64x256xf32>
    tpu.vector_store %arg6[%swap3A_1266, %swap3A_1267, %swap3A_1268, %swap3A_1269], %swap3A_1272 {strides = array<i32>} : memref<2x50x64x256xf32, #tpu.memory_space<vmem>>, vector<1x1x64x256xf32>,
    %get3A_1273 = arith.constant 1024 : index
    %get3A_1274 = arith.constant 0 : index
    %get3A_1275 = vector.load %arg3[%get3A_1273, %get3A_1274] : memref<6400x128xf32, #tpu.memory_space<vmem>>, vector<128x128xf32>
    %slice3A_1276 = vector.extract_strided_slice %get3A_1275 {offsets = [0, 0], sizes = [128, 64], strides = [1, 1]} : vector<128x128xf32> to vector<128x64xf32>
    %slice3A_1277 = vector.extract_strided_slice %get3A_1275 {offsets = [0, 64], sizes = [128, 64], strides = [1, 1]} : vector<128x128xf32> to vector<128x64xf32>
    %concatenate3A_1278 = tpu.concatenate %slice3A_1276, %slice3A_1277 in 0 : vector<128x64xf32>, vector<128x64xf32> -> vector<256x64xf32>
    %dot_general3A_1279 = arith.constant dense<0.000000e+00> : vector<64x256xf32>
    %dot_general3A_1280 = tpu.matmul %concatenate3A_1278, %get3A_1, %dot_general3A_1279 {dimension_numbers = #tpu.dot_dimension_numbers<[0], [0], [1], [1], [0, 1, 1, 1], [], []>, transpose_lhs_hint = false} : vector<256x64xf32>, vector<256x256xf32>, vector<64x256xf32> -> vector<64x256xf32>
    %get3A_1281 = arith.constant 8 : index
    %get3A_1282 = arith.constant 0 : index
    %get3A_1283 = arith.constant 0 : index
    %get3A_1284 = vector.load %arg4[%get3A_1281, %get3A_1282, %get3A_1283] : memref<50x64x8xf32, #tpu.memory_space<vmem>>, vector<1x64x1xf32>
    %get3A_1285 = vector.shape_cast %get3A_1284 : vector<1x64x1xf32> to vector<64x1xf32>
    %add3A_1286 = vector.broadcast %get3A_1285 : vector<64x1xf32> to vector<64x256xf32>
    %add3A_1287 = arith.addf %dot_general3A_1280, %add3A_1286 : vector<64x256xf32>
    %swap3A_1288 = arith.constant 1 : index
    %swap3A_1289 = arith.constant 8 : index
    %swap3A_1290 = arith.constant 0 : index
    %swap3A_1291 = arith.constant 0 : index
    %swap3A_1292 = vector.load %arg6[%swap3A_1288, %swap3A_1289, %swap3A_1290, %swap3A_1291] : memref<2x50x64x256xf32, #tpu.memory_space<vmem>>, vector<1x1x64x256xf32>
    %swap3A_1293 = vector.shape_cast %swap3A_1292 : vector<1x1x64x256xf32> to vector<64x256xf32>
    %swap3A_1294 = vector.shape_cast %add3A_1287 : vector<64x256xf32> to vector<1x1x64x256xf32>
    tpu.vector_store %arg6[%swap3A_1288, %swap3A_1289, %swap3A_1290, %swap3A_1291], %swap3A_1294 {strides = array<i32>} : memref<2x50x64x256xf32, #tpu.memory_space<vmem>>, vector<1x1x64x256xf32>,
    %get3A_1295 = arith.constant 1152 : index
    %get3A_1296 = arith.constant 0 : index
    %get3A_1297 = vector.load %arg3[%get3A_1295, %get3A_1296] : memref<6400x128xf32, #tpu.memory_space<vmem>>, vector<128x128xf32>
    %slice3A_1298 = vector.extract_strided_slice %get3A_1297 {offsets = [0, 0], sizes = [128, 64], strides = [1, 1]} : vector<128x128xf32> to vector<128x64xf32>
    %slice3A_1299 = vector.extract_strided_slice %get3A_1297 {offsets = [0, 64], sizes = [128, 64], strides = [1, 1]} : vector<128x128xf32> to vector<128x64xf32>
    %concatenate3A_1300 = tpu.concatenate %slice3A_1298, %slice3A_1299 in 0 : vector<128x64xf32>, vector<128x64xf32> -> vector<256x64xf32>
    %dot_general3A_1301 = arith.constant dense<0.000000e+00> : vector<64x256xf32>
    %dot_general3A_1302 = tpu.matmul %concatenate3A_1300, %get3A_1, %dot_general3A_1301 {dimension_numbers = #tpu.dot_dimension_numbers<[0], [0], [1], [1], [0, 1, 1, 1], [], []>, transpose_lhs_hint = false} : vector<256x64xf32>, vector<256x256xf32>, vector<64x256xf32> -> vector<64x256xf32>
    %get3A_1303 = arith.constant 9 : index
    %get3A_1304 = arith.constant 0 : index
    %get3A_1305 = arith.constant 0 : index
    %get3A_1306 = vector.load %arg4[%get3A_1303, %get3A_1304, %get3A_1305] : memref<50x64x8xf32, #tpu.memory_space<vmem>>, vector<1x64x1xf32>
    %get3A_1307 = vector.shape_cast %get3A_1306 : vector<1x64x1xf32> to vector<64x1xf32>
    %add3A_1308 = vector.broadcast %get3A_1307 : vector<64x1xf32> to vector<64x256xf32>
    %add3A_1309 = arith.addf %dot_general3A_1302, %add3A_1308 : vector<64x256xf32>
    %swap3A_1310 = arith.constant 1 : index
    %swap3A_1311 = arith.constant 9 : index
    %swap3A_1312 = arith.constant 0 : index
    %swap3A_1313 = arith.constant 0 : index
    %swap3A_1314 = vector.load %arg6[%swap3A_1310, %swap3A_1311, %swap3A_1312, %swap3A_1313] : memref<2x50x64x256xf32, #tpu.memory_space<vmem>>, vector<1x1x64x256xf32>
    %swap3A_1315 = vector.shape_cast %swap3A_1314 : vector<1x1x64x256xf32> to vector<64x256xf32>
    %swap3A_1316 = vector.shape_cast %add3A_1309 : vector<64x256xf32> to vector<1x1x64x256xf32>
    tpu.vector_store %arg6[%swap3A_1310, %swap3A_1311, %swap3A_1312, %swap3A_1313], %swap3A_1316 {strides = array<i32>} : memref<2x50x64x256xf32, #tpu.memory_space<vmem>>, vector<1x1x64x256xf32>,
    %get3A_1317 = arith.constant 1280 : index
    %get3A_1318 = arith.constant 0 : index
    %get3A_1319 = vector.load %arg3[%get3A_1317, %get3A_1318] : memref<6400x128xf32, #tpu.memory_space<vmem>>, vector<128x128xf32>
    %slice3A_1320 = vector.extract_strided_slice %get3A_1319 {offsets = [0, 0], sizes = [128, 64], strides = [1, 1]} : vector<128x128xf32> to vector<128x64xf32>
    %slice3A_1321 = vector.extract_strided_slice %get3A_1319 {offsets = [0, 64], sizes = [128, 64], strides = [1, 1]} : vector<128x128xf32> to vector<128x64xf32>
    %concatenate3A_1322 = tpu.concatenate %slice3A_1320, %slice3A_1321 in 0 : vector<128x64xf32>, vector<128x64xf32> -> vector<256x64xf32>
    %dot_general3A_1323 = arith.constant dense<0.000000e+00> : vector<64x256xf32>
    %dot_general3A_1324 = tpu.matmul %concatenate3A_1322, %get3A_1, %dot_general3A_1323 {dimension_numbers = #tpu.dot_dimension_numbers<[0], [0], [1], [1], [0, 1, 1, 1], [], []>, transpose_lhs_hint = false} : vector<256x64xf32>, vector<256x256xf32>, vector<64x256xf32> -> vector<64x256xf32>
    %get3A_1325 = arith.constant 10 : index
    %get3A_1326 = arith.constant 0 : index
    %get3A_1327 = arith.constant 0 : index
    %get3A_1328 = vector.load %arg4[%get3A_1325, %get3A_1326, %get3A_1327] : memref<50x64x8xf32, #tpu.memory_space<vmem>>, vector<1x64x1xf32>
    %get3A_1329 = vector.shape_cast %get3A_1328 : vector<1x64x1xf32> to vector<64x1xf32>
    %add3A_1330 = vector.broadcast %get3A_1329 : vector<64x1xf32> to vector<64x256xf32>
    %add3A_1331 = arith.addf %dot_general3A_1324, %add3A_1330 : vector<64x256xf32>
    %swap3A_1332 = arith.constant 1 : index
    %swap3A_1333 = arith.constant 10 : index
    %swap3A_1334 = arith.constant 0 : index
    %swap3A_1335 = arith.constant 0 : index
    %swap3A_1336 = vector.load %arg6[%swap3A_1332, %swap3A_1333, %swap3A_1334, %swap3A_1335] : memref<2x50x64x256xf32, #tpu.memory_space<vmem>>, vector<1x1x64x256xf32>
    %swap3A_1337 = vector.shape_cast %swap3A_1336 : vector<1x1x64x256xf32> to vector<64x256xf32>
    %swap3A_1338 = vector.shape_cast %add3A_1331 : vector<64x256xf32> to vector<1x1x64x256xf32>
    tpu.vector_store %arg6[%swap3A_1332, %swap3A_1333, %swap3A_1334, %swap3A_1335], %swap3A_1338 {strides = array<i32>} : memref<2x50x64x256xf32, #tpu.memory_space<vmem>>, vector<1x1x64x256xf32>,
    %get3A_1339 = arith.constant 1408 : index
    %get3A_1340 = arith.constant 0 : index
    %get3A_1341 = vector.load %arg3[%get3A_1339, %get3A_1340] : memref<6400x128xf32, #tpu.memory_space<vmem>>, vector<128x128xf32>
    %slice3A_1342 = vector.extract_strided_slice %get3A_1341 {offsets = [0, 0], sizes = [128, 64], strides = [1, 1]} : vector<128x128xf32> to vector<128x64xf32>
    %slice3A_1343 = vector.extract_strided_slice %get3A_1341 {offsets = [0, 64], sizes = [128, 64], strides = [1, 1]} : vector<128x128xf32> to vector<128x64xf32>
    %concatenate3A_1344 = tpu.concatenate %slice3A_1342, %slice3A_1343 in 0 : vector<128x64xf32>, vector<128x64xf32> -> vector<256x64xf32>
    %dot_general3A_1345 = arith.constant dense<0.000000e+00> : vector<64x256xf32>
    %dot_general3A_1346 = tpu.matmul %concatenate3A_1344, %get3A_1, %dot_general3A_1345 {dimension_numbers = #tpu.dot_dimension_numbers<[0], [0], [1], [1], [0, 1, 1, 1], [], []>, transpose_lhs_hint = false} : vector<256x64xf32>, vector<256x256xf32>, vector<64x256xf32> -> vector<64x256xf32>
    %get3A_1347 = arith.constant 11 : index
    %get3A_1348 = arith.constant 0 : index
    %get3A_1349 = arith.constant 0 : index
    %get3A_1350 = vector.load %arg4[%get3A_1347, %get3A_1348, %get3A_1349] : memref<50x64x8xf32, #tpu.memory_space<vmem>>, vector<1x64x1xf32>
    %get3A_1351 = vector.shape_cast %get3A_1350 : vector<1x64x1xf32> to vector<64x1xf32>
    %add3A_1352 = vector.broadcast %get3A_1351 : vector<64x1xf32> to vector<64x256xf32>
    %add3A_1353 = arith.addf %dot_general3A_1346, %add3A_1352 : vector<64x256xf32>
    %swap3A_1354 = arith.constant 1 : index
    %swap3A_1355 = arith.constant 11 : index
    %swap3A_1356 = arith.constant 0 : index
    %swap3A_1357 = arith.constant 0 : index
    %swap3A_1358 = vector.load %arg6[%swap3A_1354, %swap3A_1355, %swap3A_1356, %swap3A_1357] : memref<2x50x64x256xf32, #tpu.memory_space<vmem>>, vector<1x1x64x256xf32>
    %swap3A_1359 = vector.shape_cast %swap3A_1358 : vector<1x1x64x256xf32> to vector<64x256xf32>
    %swap3A_1360 = vector.shape_cast %add3A_1353 : vector<64x256xf32> to vector<1x1x64x256xf32>
    tpu.vector_store %arg6[%swap3A_1354, %swap3A_1355, %swap3A_1356, %swap3A_1357], %swap3A_1360 {strides = array<i32>} : memref<2x50x64x256xf32, #tpu.memory_space<vmem>>, vector<1x1x64x256xf32>,
    %get3A_1361 = arith.constant 1536 : index
    %get3A_1362 = arith.constant 0 : index
    %get3A_1363 = vector.load %arg3[%get3A_1361, %get3A_1362] : memref<6400x128xf32, #tpu.memory_space<vmem>>, vector<128x128xf32>
    %slice3A_1364 = vector.extract_strided_slice %get3A_1363 {offsets = [0, 0], sizes = [128, 64], strides = [1, 1]} : vector<128x128xf32> to vector<128x64xf32>
    %slice3A_1365 = vector.extract_strided_slice %get3A_1363 {offsets = [0, 64], sizes = [128, 64], strides = [1, 1]} : vector<128x128xf32> to vector<128x64xf32>
    %concatenate3A_1366 = tpu.concatenate %slice3A_1364, %slice3A_1365 in 0 : vector<128x64xf32>, vector<128x64xf32> -> vector<256x64xf32>
    %dot_general3A_1367 = arith.constant dense<0.000000e+00> : vector<64x256xf32>
    %dot_general3A_1368 = tpu.matmul %concatenate3A_1366, %get3A_1, %dot_general3A_1367 {dimension_numbers = #tpu.dot_dimension_numbers<[0], [0], [1], [1], [0, 1, 1, 1], [], []>, transpose_lhs_hint = false} : vector<256x64xf32>, vector<256x256xf32>, vector<64x256xf32> -> vector<64x256xf32>
    %get3A_1369 = arith.constant 12 : index
    %get3A_1370 = arith.constant 0 : index
    %get3A_1371 = arith.constant 0 : index
    %get3A_1372 = vector.load %arg4[%get3A_1369, %get3A_1370, %get3A_1371] : memref<50x64x8xf32, #tpu.memory_space<vmem>>, vector<1x64x1xf32>
    %get3A_1373 = vector.shape_cast %get3A_1372 : vector<1x64x1xf32> to vector<64x1xf32>
    %add3A_1374 = vector.broadcast %get3A_1373 : vector<64x1xf32> to vector<64x256xf32>
    %add3A_1375 = arith.addf %dot_general3A_1368, %add3A_1374 : vector<64x256xf32>
    %swap3A_1376 = arith.constant 1 : index
    %swap3A_1377 = arith.constant 12 : index
    %swap3A_1378 = arith.constant 0 : index
    %swap3A_1379 = arith.constant 0 : index
    %swap3A_1380 = vector.load %arg6[%swap3A_1376, %swap3A_1377, %swap3A_1378, %swap3A_1379] : memref<2x50x64x256xf32, #tpu.memory_space<vmem>>, vector<1x1x64x256xf32>
    %swap3A_1381 = vector.shape_cast %swap3A_1380 : vector<1x1x64x256xf32> to vector<64x256xf32>
    %swap3A_1382 = vector.shape_cast %add3A_1375 : vector<64x256xf32> to vector<1x1x64x256xf32>
    tpu.vector_store %arg6[%swap3A_1376, %swap3A_1377, %swap3A_1378, %swap3A_1379], %swap3A_1382 {strides = array<i32>} : memref<2x50x64x256xf32, #tpu.memory_space<vmem>>, vector<1x1x64x256xf32>,
    %get3A_1383 = arith.constant 1664 : index
    %get3A_1384 = arith.constant 0 : index
    %get3A_1385 = vector.load %arg3[%get3A_1383, %get3A_1384] : memref<6400x128xf32, #tpu.memory_space<vmem>>, vector<128x128xf32>
    %slice3A_1386 = vector.extract_strided_slice %get3A_1385 {offsets = [0, 0], sizes = [128, 64], strides = [1, 1]} : vector<128x128xf32> to vector<128x64xf32>
    %slice3A_1387 = vector.extract_strided_slice %get3A_1385 {offsets = [0, 64], sizes = [128, 64], strides = [1, 1]} : vector<128x128xf32> to vector<128x64xf32>
    %concatenate3A_1388 = tpu.concatenate %slice3A_1386, %slice3A_1387 in 0 : vector<128x64xf32>, vector<128x64xf32> -> vector<256x64xf32>
    %dot_general3A_1389 = arith.constant dense<0.000000e+00> : vector<64x256xf32>
    %dot_general3A_1390 = tpu.matmul %concatenate3A_1388, %get3A_1, %dot_general3A_1389 {dimension_numbers = #tpu.dot_dimension_numbers<[0], [0], [1], [1], [0, 1, 1, 1], [], []>, transpose_lhs_hint = false} : vector<256x64xf32>, vector<256x256xf32>, vector<64x256xf32> -> vector<64x256xf32>
    %get3A_1391 = arith.constant 13 : index
    %get3A_1392 = arith.constant 0 : index
    %get3A_1393 = arith.constant 0 : index
    %get3A_1394 = vector.load %arg4[%get3A_1391, %get3A_1392, %get3A_1393] : memref<50x64x8xf32, #tpu.memory_space<vmem>>, vector<1x64x1xf32>
    %get3A_1395 = vector.shape_cast %get3A_1394 : vector<1x64x1xf32> to vector<64x1xf32>
    %add3A_1396 = vector.broadcast %get3A_1395 : vector<64x1xf32> to vector<64x256xf32>
    %add3A_1397 = arith.addf %dot_general3A_1390, %add3A_1396 : vector<64x256xf32>
    %swap3A_1398 = arith.constant 1 : index
    %swap3A_1399 = arith.constant 13 : index
    %swap3A_1400 = arith.constant 0 : index
    %swap3A_1401 = arith.constant 0 : index
    %swap3A_1402 = vector.load %arg6[%swap3A_1398, %swap3A_1399, %swap3A_1400, %swap3A_1401] : memref<2x50x64x256xf32, #tpu.memory_space<vmem>>, vector<1x1x64x256xf32>
    %swap3A_1403 = vector.shape_cast %swap3A_1402 : vector<1x1x64x256xf32> to vector<64x256xf32>
    %swap3A_1404 = vector.shape_cast %add3A_1397 : vector<64x256xf32> to vector<1x1x64x256xf32>
    tpu.vector_store %arg6[%swap3A_1398, %swap3A_1399, %swap3A_1400, %swap3A_1401], %swap3A_1404 {strides = array<i32>} : memref<2x50x64x256xf32, #tpu.memory_space<vmem>>, vector<1x1x64x256xf32>,
    %get3A_1405 = arith.constant 1792 : index
    %get3A_1406 = arith.constant 0 : index
    %get3A_1407 = vector.load %arg3[%get3A_1405, %get3A_1406] : memref<6400x128xf32, #tpu.memory_space<vmem>>, vector<128x128xf32>
    %slice3A_1408 = vector.extract_strided_slice %get3A_1407 {offsets = [0, 0], sizes = [128, 64], strides = [1, 1]} : vector<128x128xf32> to vector<128x64xf32>
    %slice3A_1409 = vector.extract_strided_slice %get3A_1407 {offsets = [0, 64], sizes = [128, 64], strides = [1, 1]} : vector<128x128xf32> to vector<128x64xf32>
    %concatenate3A_1410 = tpu.concatenate %slice3A_1408, %slice3A_1409 in 0 : vector<128x64xf32>, vector<128x64xf32> -> vector<256x64xf32>
    %dot_general3A_1411 = arith.constant dense<0.000000e+00> : vector<64x256xf32>
    %dot_general3A_1412 = tpu.matmul %concatenate3A_1410, %get3A_1, %dot_general3A_1411 {dimension_numbers = #tpu.dot_dimension_numbers<[0], [0], [1], [1], [0, 1, 1, 1], [], []>, transpose_lhs_hint = false} : vector<256x64xf32>, vector<256x256xf32>, vector<64x256xf32> -> vector<64x256xf32>
    %get3A_1413 = arith.constant 14 : index
    %get3A_1414 = arith.constant 0 : index
    %get3A_1415 = arith.constant 0 : index
    %get3A_1416 = vector.load %arg4[%get3A_1413, %get3A_1414, %get3A_1415] : memref<50x64x8xf32, #tpu.memory_space<vmem>>, vector<1x64x1xf32>
    %get3A_1417 = vector.shape_cast %get3A_1416 : vector<1x64x1xf32> to vector<64x1xf32>
    %add3A_1418 = vector.broadcast %get3A_1417 : vector<64x1xf32> to vector<64x256xf32>
    %add3A_1419 = arith.addf %dot_general3A_1412, %add3A_1418 : vector<64x256xf32>
    %swap3A_1420 = arith.constant 1 : index
    %swap3A_1421 = arith.constant 14 : index
    %swap3A_1422 = arith.constant 0 : index
    %swap3A_1423 = arith.constant 0 : index
    %swap3A_1424 = vector.load %arg6[%swap3A_1420, %swap3A_1421, %swap3A_1422, %swap3A_1423] : memref<2x50x64x256xf32, #tpu.memory_space<vmem>>, vector<1x1x64x256xf32>
    %swap3A_1425 = vector.shape_cast %swap3A_1424 : vector<1x1x64x256xf32> to vector<64x256xf32>
    %swap3A_1426 = vector.shape_cast %add3A_1419 : vector<64x256xf32> to vector<1x1x64x256xf32>
    tpu.vector_store %arg6[%swap3A_1420, %swap3A_1421, %swap3A_1422, %swap3A_1423], %swap3A_1426 {strides = array<i32>} : memref<2x50x64x256xf32, #tpu.memory_space<vmem>>, vector<1x1x64x256xf32>,
    %get3A_1427 = arith.constant 1920 : index
    %get3A_1428 = arith.constant 0 : index
    %get3A_1429 = vector.load %arg3[%get3A_1427, %get3A_1428] : memref<6400x128xf32, #tpu.memory_space<vmem>>, vector<128x128xf32>
    %slice3A_1430 = vector.extract_strided_slice %get3A_1429 {offsets = [0, 0], sizes = [128, 64], strides = [1, 1]} : vector<128x128xf32> to vector<128x64xf32>
    %slice3A_1431 = vector.extract_strided_slice %get3A_1429 {offsets = [0, 64], sizes = [128, 64], strides = [1, 1]} : vector<128x128xf32> to vector<128x64xf32>
    %concatenate3A_1432 = tpu.concatenate %slice3A_1430, %slice3A_1431 in 0 : vector<128x64xf32>, vector<128x64xf32> -> vector<256x64xf32>
    %dot_general3A_1433 = arith.constant dense<0.000000e+00> : vector<64x256xf32>
    %dot_general3A_1434 = tpu.matmul %concatenate3A_1432, %get3A_1, %dot_general3A_1433 {dimension_numbers = #tpu.dot_dimension_numbers<[0], [0], [1], [1], [0, 1, 1, 1], [], []>, transpose_lhs_hint = false} : vector<256x64xf32>, vector<256x256xf32>, vector<64x256xf32> -> vector<64x256xf32>
    %get3A_1435 = arith.constant 15 : index
    %get3A_1436 = arith.constant 0 : index
    %get3A_1437 = arith.constant 0 : index
    %get3A_1438 = vector.load %arg4[%get3A_1435, %get3A_1436, %get3A_1437] : memref<50x64x8xf32, #tpu.memory_space<vmem>>, vector<1x64x1xf32>
    %get3A_1439 = vector.shape_cast %get3A_1438 : vector<1x64x1xf32> to vector<64x1xf32>
    %add3A_1440 = vector.broadcast %get3A_1439 : vector<64x1xf32> to vector<64x256xf32>
    %add3A_1441 = arith.addf %dot_general3A_1434, %add3A_1440 : vector<64x256xf32>
    %swap3A_1442 = arith.constant 1 : index
    %swap3A_1443 = arith.constant 15 : index
    %swap3A_1444 = arith.constant 0 : index
    %swap3A_1445 = arith.constant 0 : index
    %swap3A_1446 = vector.load %arg6[%swap3A_1442, %swap3A_1443, %swap3A_1444, %swap3A_1445] : memref<2x50x64x256xf32, #tpu.memory_space<vmem>>, vector<1x1x64x256xf32>
    %swap3A_1447 = vector.shape_cast %swap3A_1446 : vector<1x1x64x256xf32> to vector<64x256xf32>
    %swap3A_1448 = vector.shape_cast %add3A_1441 : vector<64x256xf32> to vector<1x1x64x256xf32>
    tpu.vector_store %arg6[%swap3A_1442, %swap3A_1443, %swap3A_1444, %swap3A_1445], %swap3A_1448 {strides = array<i32>} : memref<2x50x64x256xf32, #tpu.memory_space<vmem>>, vector<1x1x64x256xf32>,
    %get3A_1449 = arith.constant 2048 : index
    %get3A_1450 = arith.constant 0 : index
    %get3A_1451 = vector.load %arg3[%get3A_1449, %get3A_1450] : memref<6400x128xf32, #tpu.memory_space<vmem>>, vector<128x128xf32>
    %slice3A_1452 = vector.extract_strided_slice %get3A_1451 {offsets = [0, 0], sizes = [128, 64], strides = [1, 1]} : vector<128x128xf32> to vector<128x64xf32>
    %slice3A_1453 = vector.extract_strided_slice %get3A_1451 {offsets = [0, 64], sizes = [128, 64], strides = [1, 1]} : vector<128x128xf32> to vector<128x64xf32>
    %concatenate3A_1454 = tpu.concatenate %slice3A_1452, %slice3A_1453 in 0 : vector<128x64xf32>, vector<128x64xf32> -> vector<256x64xf32>
    %dot_general3A_1455 = arith.constant dense<0.000000e+00> : vector<64x256xf32>
    %dot_general3A_1456 = tpu.matmul %concatenate3A_1454, %get3A_1, %dot_general3A_1455 {dimension_numbers = #tpu.dot_dimension_numbers<[0], [0], [1], [1], [0, 1, 1, 1], [], []>, transpose_lhs_hint = false} : vector<256x64xf32>, vector<256x256xf32>, vector<64x256xf32> -> vector<64x256xf32>
    %get3A_1457 = arith.constant 16 : index
    %get3A_1458 = arith.constant 0 : index
    %get3A_1459 = arith.constant 0 : index
    %get3A_1460 = vector.load %arg4[%get3A_1457, %get3A_1458, %get3A_1459] : memref<50x64x8xf32, #tpu.memory_space<vmem>>, vector<1x64x1xf32>
    %get3A_1461 = vector.shape_cast %get3A_1460 : vector<1x64x1xf32> to vector<64x1xf32>
    %add3A_1462 = vector.broadcast %get3A_1461 : vector<64x1xf32> to vector<64x256xf32>
    %add3A_1463 = arith.addf %dot_general3A_1456, %add3A_1462 : vector<64x256xf32>
    %swap3A_1464 = arith.constant 1 : index
    %swap3A_1465 = arith.constant 16 : index
    %swap3A_1466 = arith.constant 0 : index
    %swap3A_1467 = arith.constant 0 : index
    %swap3A_1468 = vector.load %arg6[%swap3A_1464, %swap3A_1465, %swap3A_1466, %swap3A_1467] : memref<2x50x64x256xf32, #tpu.memory_space<vmem>>, vector<1x1x64x256xf32>
    %swap3A_1469 = vector.shape_cast %swap3A_1468 : vector<1x1x64x256xf32> to vector<64x256xf32>
    %swap3A_1470 = vector.shape_cast %add3A_1463 : vector<64x256xf32> to vector<1x1x64x256xf32>
    tpu.vector_store %arg6[%swap3A_1464, %swap3A_1465, %swap3A_1466, %swap3A_1467], %swap3A_1470 {strides = array<i32>} : memref<2x50x64x256xf32, #tpu.memory_space<vmem>>, vector<1x1x64x256xf32>,
    %get3A_1471 = arith.constant 2176 : index
    %get3A_1472 = arith.constant 0 : index
    %get3A_1473 = vector.load %arg3[%get3A_1471, %get3A_1472] : memref<6400x128xf32, #tpu.memory_space<vmem>>, vector<128x128xf32>
    %slice3A_1474 = vector.extract_strided_slice %get3A_1473 {offsets = [0, 0], sizes = [128, 64], strides = [1, 1]} : vector<128x128xf32> to vector<128x64xf32>
    %slice3A_1475 = vector.extract_strided_slice %get3A_1473 {offsets = [0, 64], sizes = [128, 64], strides = [1, 1]} : vector<128x128xf32> to vector<128x64xf32>
    %concatenate3A_1476 = tpu.concatenate %slice3A_1474, %slice3A_1475 in 0 : vector<128x64xf32>, vector<128x64xf32> -> vector<256x64xf32>
    %dot_general3A_1477 = arith.constant dense<0.000000e+00> : vector<64x256xf32>
    %dot_general3A_1478 = tpu.matmul %concatenate3A_1476, %get3A_1, %dot_general3A_1477 {dimension_numbers = #tpu.dot_dimension_numbers<[0], [0], [1], [1], [0, 1, 1, 1], [], []>, transpose_lhs_hint = false} : vector<256x64xf32>, vector<256x256xf32>, vector<64x256xf32> -> vector<64x256xf32>
    %get3A_1479 = arith.constant 17 : index
    %get3A_1480 = arith.constant 0 : index
    %get3A_1481 = arith.constant 0 : index
    %get3A_1482 = vector.load %arg4[%get3A_1479, %get3A_1480, %get3A_1481] : memref<50x64x8xf32, #tpu.memory_space<vmem>>, vector<1x64x1xf32>
    %get3A_1483 = vector.shape_cast %get3A_1482 : vector<1x64x1xf32> to vector<64x1xf32>
    %add3A_1484 = vector.broadcast %get3A_1483 : vector<64x1xf32> to vector<64x256xf32>
    %add3A_1485 = arith.addf %dot_general3A_1478, %add3A_1484 : vector<64x256xf32>
    %swap3A_1486 = arith.constant 1 : index
    %swap3A_1487 = arith.constant 17 : index
    %swap3A_1488 = arith.constant 0 : index
    %swap3A_1489 = arith.constant 0 : index
    %swap3A_1490 = vector.load %arg6[%swap3A_1486, %swap3A_1487, %swap3A_1488, %swap3A_1489] : memref<2x50x64x256xf32, #tpu.memory_space<vmem>>, vector<1x1x64x256xf32>
    %swap3A_1491 = vector.shape_cast %swap3A_1490 : vector<1x1x64x256xf32> to vector<64x256xf32>
    %swap3A_1492 = vector.shape_cast %add3A_1485 : vector<64x256xf32> to vector<1x1x64x256xf32>
    tpu.vector_store %arg6[%swap3A_1486, %swap3A_1487, %swap3A_1488, %swap3A_1489], %swap3A_1492 {strides = array<i32>} : memref<2x50x64x256xf32, #tpu.memory_space<vmem>>, vector<1x1x64x256xf32>,
    %get3A_1493 = arith.constant 2304 : index
    %get3A_1494 = arith.constant 0 : index
    %get3A_1495 = vector.load %arg3[%get3A_1493, %get3A_1494] : memref<6400x128xf32, #tpu.memory_space<vmem>>, vector<128x128xf32>
    %slice3A_1496 = vector.extract_strided_slice %get3A_1495 {offsets = [0, 0], sizes = [128, 64], strides = [1, 1]} : vector<128x128xf32> to vector<128x64xf32>
    %slice3A_1497 = vector.extract_strided_slice %get3A_1495 {offsets = [0, 64], sizes = [128, 64], strides = [1, 1]} : vector<128x128xf32> to vector<128x64xf32>
    %concatenate3A_1498 = tpu.concatenate %slice3A_1496, %slice3A_1497 in 0 : vector<128x64xf32>, vector<128x64xf32> -> vector<256x64xf32>
    %dot_general3A_1499 = arith.constant dense<0.000000e+00> : vector<64x256xf32>
    %dot_general3A_1500 = tpu.matmul %concatenate3A_1498, %get3A_1, %dot_general3A_1499 {dimension_numbers = #tpu.dot_dimension_numbers<[0], [0], [1], [1], [0, 1, 1, 1], [], []>, transpose_lhs_hint = false} : vector<256x64xf32>, vector<256x256xf32>, vector<64x256xf32> -> vector<64x256xf32>
    %get3A_1501 = arith.constant 18 : index
    %get3A_1502 = arith.constant 0 : index
    %get3A_1503 = arith.constant 0 : index
    %get3A_1504 = vector.load %arg4[%get3A_1501, %get3A_1502, %get3A_1503] : memref<50x64x8xf32, #tpu.memory_space<vmem>>, vector<1x64x1xf32>
    %get3A_1505 = vector.shape_cast %get3A_1504 : vector<1x64x1xf32> to vector<64x1xf32>
    %add3A_1506 = vector.broadcast %get3A_1505 : vector<64x1xf32> to vector<64x256xf32>
    %add3A_1507 = arith.addf %dot_general3A_1500, %add3A_1506 : vector<64x256xf32>
    %swap3A_1508 = arith.constant 1 : index
    %swap3A_1509 = arith.constant 18 : index
    %swap3A_1510 = arith.constant 0 : index
    %swap3A_1511 = arith.constant 0 : index
    %swap3A_1512 = vector.load %arg6[%swap3A_1508, %swap3A_1509, %swap3A_1510, %swap3A_1511] : memref<2x50x64x256xf32, #tpu.memory_space<vmem>>, vector<1x1x64x256xf32>
    %swap3A_1513 = vector.shape_cast %swap3A_1512 : vector<1x1x64x256xf32> to vector<64x256xf32>
    %swap3A_1514 = vector.shape_cast %add3A_1507 : vector<64x256xf32> to vector<1x1x64x256xf32>
    tpu.vector_store %arg6[%swap3A_1508, %swap3A_1509, %swap3A_1510, %swap3A_1511], %swap3A_1514 {strides = array<i32>} : memref<2x50x64x256xf32, #tpu.memory_space<vmem>>, vector<1x1x64x256xf32>,
    %get3A_1515 = arith.constant 2432 : index
    %get3A_1516 = arith.constant 0 : index
    %get3A_1517 = vector.load %arg3[%get3A_1515, %get3A_1516] : memref<6400x128xf32, #tpu.memory_space<vmem>>, vector<128x128xf32>
    %slice3A_1518 = vector.extract_strided_slice %get3A_1517 {offsets = [0, 0], sizes = [128, 64], strides = [1, 1]} : vector<128x128xf32> to vector<128x64xf32>
    %slice3A_1519 = vector.extract_strided_slice %get3A_1517 {offsets = [0, 64], sizes = [128, 64], strides = [1, 1]} : vector<128x128xf32> to vector<128x64xf32>
    %concatenate3A_1520 = tpu.concatenate %slice3A_1518, %slice3A_1519 in 0 : vector<128x64xf32>, vector<128x64xf32> -> vector<256x64xf32>
    %dot_general3A_1521 = arith.constant dense<0.000000e+00> : vector<64x256xf32>
    %dot_general3A_1522 = tpu.matmul %concatenate3A_1520, %get3A_1, %dot_general3A_1521 {dimension_numbers = #tpu.dot_dimension_numbers<[0], [0], [1], [1], [0, 1, 1, 1], [], []>, transpose_lhs_hint = false} : vector<256x64xf32>, vector<256x256xf32>, vector<64x256xf32> -> vector<64x256xf32>
    %get3A_1523 = arith.constant 19 : index
    %get3A_1524 = arith.constant 0 : index
    %get3A_1525 = arith.constant 0 : index
    %get3A_1526 = vector.load %arg4[%get3A_1523, %get3A_1524, %get3A_1525] : memref<50x64x8xf32, #tpu.memory_space<vmem>>, vector<1x64x1xf32>
    %get3A_1527 = vector.shape_cast %get3A_1526 : vector<1x64x1xf32> to vector<64x1xf32>
    %add3A_1528 = vector.broadcast %get3A_1527 : vector<64x1xf32> to vector<64x256xf32>
    %add3A_1529 = arith.addf %dot_general3A_1522, %add3A_1528 : vector<64x256xf32>
    %swap3A_1530 = arith.constant 1 : index
    %swap3A_1531 = arith.constant 19 : index
    %swap3A_1532 = arith.constant 0 : index
    %swap3A_1533 = arith.constant 0 : index
    %swap3A_1534 = vector.load %arg6[%swap3A_1530, %swap3A_1531, %swap3A_1532, %swap3A_1533] : memref<2x50x64x256xf32, #tpu.memory_space<vmem>>, vector<1x1x64x256xf32>
    %swap3A_1535 = vector.shape_cast %swap3A_1534 : vector<1x1x64x256xf32> to vector<64x256xf32>
    %swap3A_1536 = vector.shape_cast %add3A_1529 : vector<64x256xf32> to vector<1x1x64x256xf32>
    tpu.vector_store %arg6[%swap3A_1530, %swap3A_1531, %swap3A_1532, %swap3A_1533], %swap3A_1536 {strides = array<i32>} : memref<2x50x64x256xf32, #tpu.memory_space<vmem>>, vector<1x1x64x256xf32>,
    %get3A_1537 = arith.constant 2560 : index
    %get3A_1538 = arith.constant 0 : index
    %get3A_1539 = vector.load %arg3[%get3A_1537, %get3A_1538] : memref<6400x128xf32, #tpu.memory_space<vmem>>, vector<128x128xf32>
    %slice3A_1540 = vector.extract_strided_slice %get3A_1539 {offsets = [0, 0], sizes = [128, 64], strides = [1, 1]} : vector<128x128xf32> to vector<128x64xf32>
    %slice3A_1541 = vector.extract_strided_slice %get3A_1539 {offsets = [0, 64], sizes = [128, 64], strides = [1, 1]} : vector<128x128xf32> to vector<128x64xf32>
    %concatenate3A_1542 = tpu.concatenate %slice3A_1540, %slice3A_1541 in 0 : vector<128x64xf32>, vector<128x64xf32> -> vector<256x64xf32>
    %dot_general3A_1543 = arith.constant dense<0.000000e+00> : vector<64x256xf32>
    %dot_general3A_1544 = tpu.matmul %concatenate3A_1542, %get3A_1, %dot_general3A_1543 {dimension_numbers = #tpu.dot_dimension_numbers<[0], [0], [1], [1], [0, 1, 1, 1], [], []>, transpose_lhs_hint = false} : vector<256x64xf32>, vector<256x256xf32>, vector<64x256xf32> -> vector<64x256xf32>
    %get3A_1545 = arith.constant 20 : index
    %get3A_1546 = arith.constant 0 : index
    %get3A_1547 = arith.constant 0 : index
    %get3A_1548 = vector.load %arg4[%get3A_1545, %get3A_1546, %get3A_1547] : memref<50x64x8xf32, #tpu.memory_space<vmem>>, vector<1x64x1xf32>
    %get3A_1549 = vector.shape_cast %get3A_1548 : vector<1x64x1xf32> to vector<64x1xf32>
    %add3A_1550 = vector.broadcast %get3A_1549 : vector<64x1xf32> to vector<64x256xf32>
    %add3A_1551 = arith.addf %dot_general3A_1544, %add3A_1550 : vector<64x256xf32>
    %swap3A_1552 = arith.constant 1 : index
    %swap3A_1553 = arith.constant 20 : index
    %swap3A_1554 = arith.constant 0 : index
    %swap3A_1555 = arith.constant 0 : index
    %swap3A_1556 = vector.load %arg6[%swap3A_1552, %swap3A_1553, %swap3A_1554, %swap3A_1555] : memref<2x50x64x256xf32, #tpu.memory_space<vmem>>, vector<1x1x64x256xf32>
    %swap3A_1557 = vector.shape_cast %swap3A_1556 : vector<1x1x64x256xf32> to vector<64x256xf32>
    %swap3A_1558 = vector.shape_cast %add3A_1551 : vector<64x256xf32> to vector<1x1x64x256xf32>
    tpu.vector_store %arg6[%swap3A_1552, %swap3A_1553, %swap3A_1554, %swap3A_1555], %swap3A_1558 {strides = array<i32>} : memref<2x50x64x256xf32, #tpu.memory_space<vmem>>, vector<1x1x64x256xf32>,
    %get3A_1559 = arith.constant 2688 : index
    %get3A_1560 = arith.constant 0 : index
    %get3A_1561 = vector.load %arg3[%get3A_1559, %get3A_1560] : memref<6400x128xf32, #tpu.memory_space<vmem>>, vector<128x128xf32>
    %slice3A_1562 = vector.extract_strided_slice %get3A_1561 {offsets = [0, 0], sizes = [128, 64], strides = [1, 1]} : vector<128x128xf32> to vector<128x64xf32>
    %slice3A_1563 = vector.extract_strided_slice %get3A_1561 {offsets = [0, 64], sizes = [128, 64], strides = [1, 1]} : vector<128x128xf32> to vector<128x64xf32>
    %concatenate3A_1564 = tpu.concatenate %slice3A_1562, %slice3A_1563 in 0 : vector<128x64xf32>, vector<128x64xf32> -> vector<256x64xf32>
    %dot_general3A_1565 = arith.constant dense<0.000000e+00> : vector<64x256xf32>
    %dot_general3A_1566 = tpu.matmul %concatenate3A_1564, %get3A_1, %dot_general3A_1565 {dimension_numbers = #tpu.dot_dimension_numbers<[0], [0], [1], [1], [0, 1, 1, 1], [], []>, transpose_lhs_hint = false} : vector<256x64xf32>, vector<256x256xf32>, vector<64x256xf32> -> vector<64x256xf32>
    %get3A_1567 = arith.constant 21 : index
    %get3A_1568 = arith.constant 0 : index
    %get3A_1569 = arith.constant 0 : index
    %get3A_1570 = vector.load %arg4[%get3A_1567, %get3A_1568, %get3A_1569] : memref<50x64x8xf32, #tpu.memory_space<vmem>>, vector<1x64x1xf32>
    %get3A_1571 = vector.shape_cast %get3A_1570 : vector<1x64x1xf32> to vector<64x1xf32>
    %add3A_1572 = vector.broadcast %get3A_1571 : vector<64x1xf32> to vector<64x256xf32>
    %add3A_1573 = arith.addf %dot_general3A_1566, %add3A_1572 : vector<64x256xf32>
    %swap3A_1574 = arith.constant 1 : index
    %swap3A_1575 = arith.constant 21 : index
    %swap3A_1576 = arith.constant 0 : index
    %swap3A_1577 = arith.constant 0 : index
    %swap3A_1578 = vector.load %arg6[%swap3A_1574, %swap3A_1575, %swap3A_1576, %swap3A_1577] : memref<2x50x64x256xf32, #tpu.memory_space<vmem>>, vector<1x1x64x256xf32>
    %swap3A_1579 = vector.shape_cast %swap3A_1578 : vector<1x1x64x256xf32> to vector<64x256xf32>
    %swap3A_1580 = vector.shape_cast %add3A_1573 : vector<64x256xf32> to vector<1x1x64x256xf32>
    tpu.vector_store %arg6[%swap3A_1574, %swap3A_1575, %swap3A_1576, %swap3A_1577], %swap3A_1580 {strides = array<i32>} : memref<2x50x64x256xf32, #tpu.memory_space<vmem>>, vector<1x1x64x256xf32>,
    %get3A_1581 = arith.constant 2816 : index
    %get3A_1582 = arith.constant 0 : index
    %get3A_1583 = vector.load %arg3[%get3A_1581, %get3A_1582] : memref<6400x128xf32, #tpu.memory_space<vmem>>, vector<128x128xf32>
    %slice3A_1584 = vector.extract_strided_slice %get3A_1583 {offsets = [0, 0], sizes = [128, 64], strides = [1, 1]} : vector<128x128xf32> to vector<128x64xf32>
    %slice3A_1585 = vector.extract_strided_slice %get3A_1583 {offsets = [0, 64], sizes = [128, 64], strides = [1, 1]} : vector<128x128xf32> to vector<128x64xf32>
    %concatenate3A_1586 = tpu.concatenate %slice3A_1584, %slice3A_1585 in 0 : vector<128x64xf32>, vector<128x64xf32> -> vector<256x64xf32>
    %dot_general3A_1587 = arith.constant dense<0.000000e+00> : vector<64x256xf32>
    %dot_general3A_1588 = tpu.matmul %concatenate3A_1586, %get3A_1, %dot_general3A_1587 {dimension_numbers = #tpu.dot_dimension_numbers<[0], [0], [1], [1], [0, 1, 1, 1], [], []>, transpose_lhs_hint = false} : vector<256x64xf32>, vector<256x256xf32>, vector<64x256xf32> -> vector<64x256xf32>
    %get3A_1589 = arith.constant 22 : index
    %get3A_1590 = arith.constant 0 : index
    %get3A_1591 = arith.constant 0 : index
    %get3A_1592 = vector.load %arg4[%get3A_1589, %get3A_1590, %get3A_1591] : memref<50x64x8xf32, #tpu.memory_space<vmem>>, vector<1x64x1xf32>
    %get3A_1593 = vector.shape_cast %get3A_1592 : vector<1x64x1xf32> to vector<64x1xf32>
    %add3A_1594 = vector.broadcast %get3A_1593 : vector<64x1xf32> to vector<64x256xf32>
    %add3A_1595 = arith.addf %dot_general3A_1588, %add3A_1594 : vector<64x256xf32>
    %swap3A_1596 = arith.constant 1 : index
    %swap3A_1597 = arith.constant 22 : index
    %swap3A_1598 = arith.constant 0 : index
    %swap3A_1599 = arith.constant 0 : index
    %swap3A_1600 = vector.load %arg6[%swap3A_1596, %swap3A_1597, %swap3A_1598, %swap3A_1599] : memref<2x50x64x256xf32, #tpu.memory_space<vmem>>, vector<1x1x64x256xf32>
    %swap3A_1601 = vector.shape_cast %swap3A_1600 : vector<1x1x64x256xf32> to vector<64x256xf32>
    %swap3A_1602 = vector.shape_cast %add3A_1595 : vector<64x256xf32> to vector<1x1x64x256xf32>
    tpu.vector_store %arg6[%swap3A_1596, %swap3A_1597, %swap3A_1598, %swap3A_1599], %swap3A_1602 {strides = array<i32>} : memref<2x50x64x256xf32, #tpu.memory_space<vmem>>, vector<1x1x64x256xf32>,
    %get3A_1603 = arith.constant 2944 : index
    %get3A_1604 = arith.constant 0 : index
    %get3A_1605 = vector.load %arg3[%get3A_1603, %get3A_1604] : memref<6400x128xf32, #tpu.memory_space<vmem>>, vector<128x128xf32>
    %slice3A_1606 = vector.extract_strided_slice %get3A_1605 {offsets = [0, 0], sizes = [128, 64], strides = [1, 1]} : vector<128x128xf32> to vector<128x64xf32>
    %slice3A_1607 = vector.extract_strided_slice %get3A_1605 {offsets = [0, 64], sizes = [128, 64], strides = [1, 1]} : vector<128x128xf32> to vector<128x64xf32>
    %concatenate3A_1608 = tpu.concatenate %slice3A_1606, %slice3A_1607 in 0 : vector<128x64xf32>, vector<128x64xf32> -> vector<256x64xf32>
    %dot_general3A_1609 = arith.constant dense<0.000000e+00> : vector<64x256xf32>
    %dot_general3A_1610 = tpu.matmul %concatenate3A_1608, %get3A_1, %dot_general3A_1609 {dimension_numbers = #tpu.dot_dimension_numbers<[0], [0], [1], [1], [0, 1, 1, 1], [], []>, transpose_lhs_hint = false} : vector<256x64xf32>, vector<256x256xf32>, vector<64x256xf32> -> vector<64x256xf32>
    %get3A_1611 = arith.constant 23 : index
    %get3A_1612 = arith.constant 0 : index
    %get3A_1613 = arith.constant 0 : index
    %get3A_1614 = vector.load %arg4[%get3A_1611, %get3A_1612, %get3A_1613] : memref<50x64x8xf32, #tpu.memory_space<vmem>>, vector<1x64x1xf32>
    %get3A_1615 = vector.shape_cast %get3A_1614 : vector<1x64x1xf32> to vector<64x1xf32>
    %add3A_1616 = vector.broadcast %get3A_1615 : vector<64x1xf32> to vector<64x256xf32>
    %add3A_1617 = arith.addf %dot_general3A_1610, %add3A_1616 : vector<64x256xf32>
    %swap3A_1618 = arith.constant 1 : index
    %swap3A_1619 = arith.constant 23 : index
    %swap3A_1620 = arith.constant 0 : index
    %swap3A_1621 = arith.constant 0 : index
    %swap3A_1622 = vector.load %arg6[%swap3A_1618, %swap3A_1619, %swap3A_1620, %swap3A_1621] : memref<2x50x64x256xf32, #tpu.memory_space<vmem>>, vector<1x1x64x256xf32>
    %swap3A_1623 = vector.shape_cast %swap3A_1622 : vector<1x1x64x256xf32> to vector<64x256xf32>
    %swap3A_1624 = vector.shape_cast %add3A_1617 : vector<64x256xf32> to vector<1x1x64x256xf32>
    tpu.vector_store %arg6[%swap3A_1618, %swap3A_1619, %swap3A_1620, %swap3A_1621], %swap3A_1624 {strides = array<i32>} : memref<2x50x64x256xf32, #tpu.memory_space<vmem>>, vector<1x1x64x256xf32>,
    %get3A_1625 = arith.constant 3072 : index
    %get3A_1626 = arith.constant 0 : index
    %get3A_1627 = vector.load %arg3[%get3A_1625, %get3A_1626] : memref<6400x128xf32, #tpu.memory_space<vmem>>, vector<128x128xf32>
    %slice3A_1628 = vector.extract_strided_slice %get3A_1627 {offsets = [0, 0], sizes = [128, 64], strides = [1, 1]} : vector<128x128xf32> to vector<128x64xf32>
    %slice3A_1629 = vector.extract_strided_slice %get3A_1627 {offsets = [0, 64], sizes = [128, 64], strides = [1, 1]} : vector<128x128xf32> to vector<128x64xf32>
    %concatenate3A_1630 = tpu.concatenate %slice3A_1628, %slice3A_1629 in 0 : vector<128x64xf32>, vector<128x64xf32> -> vector<256x64xf32>
    %dot_general3A_1631 = arith.constant dense<0.000000e+00> : vector<64x256xf32>
    %dot_general3A_1632 = tpu.matmul %concatenate3A_1630, %get3A_1, %dot_general3A_1631 {dimension_numbers = #tpu.dot_dimension_numbers<[0], [0], [1], [1], [0, 1, 1, 1], [], []>, transpose_lhs_hint = false} : vector<256x64xf32>, vector<256x256xf32>, vector<64x256xf32> -> vector<64x256xf32>
    %get3A_1633 = arith.constant 24 : index
    %get3A_1634 = arith.constant 0 : index
    %get3A_1635 = arith.constant 0 : index
    %get3A_1636 = vector.load %arg4[%get3A_1633, %get3A_1634, %get3A_1635] : memref<50x64x8xf32, #tpu.memory_space<vmem>>, vector<1x64x1xf32>
    %get3A_1637 = vector.shape_cast %get3A_1636 : vector<1x64x1xf32> to vector<64x1xf32>
    %add3A_1638 = vector.broadcast %get3A_1637 : vector<64x1xf32> to vector<64x256xf32>
    %add3A_1639 = arith.addf %dot_general3A_1632, %add3A_1638 : vector<64x256xf32>
    %swap3A_1640 = arith.constant 1 : index
    %swap3A_1641 = arith.constant 24 : index
    %swap3A_1642 = arith.constant 0 : index
    %swap3A_1643 = arith.constant 0 : index
    %swap3A_1644 = vector.load %arg6[%swap3A_1640, %swap3A_1641, %swap3A_1642, %swap3A_1643] : memref<2x50x64x256xf32, #tpu.memory_space<vmem>>, vector<1x1x64x256xf32>
    %swap3A_1645 = vector.shape_cast %swap3A_1644 : vector<1x1x64x256xf32> to vector<64x256xf32>
    %swap3A_1646 = vector.shape_cast %add3A_1639 : vector<64x256xf32> to vector<1x1x64x256xf32>
    tpu.vector_store %arg6[%swap3A_1640, %swap3A_1641, %swap3A_1642, %swap3A_1643], %swap3A_1646 {strides = array<i32>} : memref<2x50x64x256xf32, #tpu.memory_space<vmem>>, vector<1x1x64x256xf32>,
    %get3A_1647 = arith.constant 3200 : index
    %get3A_1648 = arith.constant 0 : index
    %get3A_1649 = vector.load %arg3[%get3A_1647, %get3A_1648] : memref<6400x128xf32, #tpu.memory_space<vmem>>, vector<128x128xf32>
    %slice3A_1650 = vector.extract_strided_slice %get3A_1649 {offsets = [0, 0], sizes = [128, 64], strides = [1, 1]} : vector<128x128xf32> to vector<128x64xf32>
    %slice3A_1651 = vector.extract_strided_slice %get3A_1649 {offsets = [0, 64], sizes = [128, 64], strides = [1, 1]} : vector<128x128xf32> to vector<128x64xf32>
    %concatenate3A_1652 = tpu.concatenate %slice3A_1650, %slice3A_1651 in 0 : vector<128x64xf32>, vector<128x64xf32> -> vector<256x64xf32>
    %dot_general3A_1653 = arith.constant dense<0.000000e+00> : vector<64x256xf32>
    %dot_general3A_1654 = tpu.matmul %concatenate3A_1652, %get3A_1, %dot_general3A_1653 {dimension_numbers = #tpu.dot_dimension_numbers<[0], [0], [1], [1], [0, 1, 1, 1], [], []>, transpose_lhs_hint = false} : vector<256x64xf32>, vector<256x256xf32>, vector<64x256xf32> -> vector<64x256xf32>
    %get3A_1655 = arith.constant 25 : index
    %get3A_1656 = arith.constant 0 : index
    %get3A_1657 = arith.constant 0 : index
    %get3A_1658 = vector.load %arg4[%get3A_1655, %get3A_1656, %get3A_1657] : memref<50x64x8xf32, #tpu.memory_space<vmem>>, vector<1x64x1xf32>
    %get3A_1659 = vector.shape_cast %get3A_1658 : vector<1x64x1xf32> to vector<64x1xf32>
    %add3A_1660 = vector.broadcast %get3A_1659 : vector<64x1xf32> to vector<64x256xf32>
    %add3A_1661 = arith.addf %dot_general3A_1654, %add3A_1660 : vector<64x256xf32>
    %swap3A_1662 = arith.constant 1 : index
    %swap3A_1663 = arith.constant 25 : index
    %swap3A_1664 = arith.constant 0 : index
    %swap3A_1665 = arith.constant 0 : index
    %swap3A_1666 = vector.load %arg6[%swap3A_1662, %swap3A_1663, %swap3A_1664, %swap3A_1665] : memref<2x50x64x256xf32, #tpu.memory_space<vmem>>, vector<1x1x64x256xf32>
    %swap3A_1667 = vector.shape_cast %swap3A_1666 : vector<1x1x64x256xf32> to vector<64x256xf32>
    %swap3A_1668 = vector.shape_cast %add3A_1661 : vector<64x256xf32> to vector<1x1x64x256xf32>
    tpu.vector_store %arg6[%swap3A_1662, %swap3A_1663, %swap3A_1664, %swap3A_1665], %swap3A_1668 {strides = array<i32>} : memref<2x50x64x256xf32, #tpu.memory_space<vmem>>, vector<1x1x64x256xf32>,
    %get3A_1669 = arith.constant 3328 : index
    %get3A_1670 = arith.constant 0 : index
    %get3A_1671 = vector.load %arg3[%get3A_1669, %get3A_1670] : memref<6400x128xf32, #tpu.memory_space<vmem>>, vector<128x128xf32>
    %slice3A_1672 = vector.extract_strided_slice %get3A_1671 {offsets = [0, 0], sizes = [128, 64], strides = [1, 1]} : vector<128x128xf32> to vector<128x64xf32>
    %slice3A_1673 = vector.extract_strided_slice %get3A_1671 {offsets = [0, 64], sizes = [128, 64], strides = [1, 1]} : vector<128x128xf32> to vector<128x64xf32>
    %concatenate3A_1674 = tpu.concatenate %slice3A_1672, %slice3A_1673 in 0 : vector<128x64xf32>, vector<128x64xf32> -> vector<256x64xf32>
    %dot_general3A_1675 = arith.constant dense<0.000000e+00> : vector<64x256xf32>
    %dot_general3A_1676 = tpu.matmul %concatenate3A_1674, %get3A_1, %dot_general3A_1675 {dimension_numbers = #tpu.dot_dimension_numbers<[0], [0], [1], [1], [0, 1, 1, 1], [], []>, transpose_lhs_hint = false} : vector<256x64xf32>, vector<256x256xf32>, vector<64x256xf32> -> vector<64x256xf32>
    %get3A_1677 = arith.constant 26 : index
    %get3A_1678 = arith.constant 0 : index
    %get3A_1679 = arith.constant 0 : index
    %get3A_1680 = vector.load %arg4[%get3A_1677, %get3A_1678, %get3A_1679] : memref<50x64x8xf32, #tpu.memory_space<vmem>>, vector<1x64x1xf32>
    %get3A_1681 = vector.shape_cast %get3A_1680 : vector<1x64x1xf32> to vector<64x1xf32>
    %add3A_1682 = vector.broadcast %get3A_1681 : vector<64x1xf32> to vector<64x256xf32>
    %add3A_1683 = arith.addf %dot_general3A_1676, %add3A_1682 : vector<64x256xf32>
    %swap3A_1684 = arith.constant 1 : index
    %swap3A_1685 = arith.constant 26 : index
    %swap3A_1686 = arith.constant 0 : index
    %swap3A_1687 = arith.constant 0 : index
    %swap3A_1688 = vector.load %arg6[%swap3A_1684, %swap3A_1685, %swap3A_1686, %swap3A_1687] : memref<2x50x64x256xf32, #tpu.memory_space<vmem>>, vector<1x1x64x256xf32>
    %swap3A_1689 = vector.shape_cast %swap3A_1688 : vector<1x1x64x256xf32> to vector<64x256xf32>
    %swap3A_1690 = vector.shape_cast %add3A_1683 : vector<64x256xf32> to vector<1x1x64x256xf32>
    tpu.vector_store %arg6[%swap3A_1684, %swap3A_1685, %swap3A_1686, %swap3A_1687], %swap3A_1690 {strides = array<i32>} : memref<2x50x64x256xf32, #tpu.memory_space<vmem>>, vector<1x1x64x256xf32>,
    %get3A_1691 = arith.constant 3456 : index
    %get3A_1692 = arith.constant 0 : index
    %get3A_1693 = vector.load %arg3[%get3A_1691, %get3A_1692] : memref<6400x128xf32, #tpu.memory_space<vmem>>, vector<128x128xf32>
    %slice3A_1694 = vector.extract_strided_slice %get3A_1693 {offsets = [0, 0], sizes = [128, 64], strides = [1, 1]} : vector<128x128xf32> to vector<128x64xf32>
    %slice3A_1695 = vector.extract_strided_slice %get3A_1693 {offsets = [0, 64], sizes = [128, 64], strides = [1, 1]} : vector<128x128xf32> to vector<128x64xf32>
    %concatenate3A_1696 = tpu.concatenate %slice3A_1694, %slice3A_1695 in 0 : vector<128x64xf32>, vector<128x64xf32> -> vector<256x64xf32>
    %dot_general3A_1697 = arith.constant dense<0.000000e+00> : vector<64x256xf32>
    %dot_general3A_1698 = tpu.matmul %concatenate3A_1696, %get3A_1, %dot_general3A_1697 {dimension_numbers = #tpu.dot_dimension_numbers<[0], [0], [1], [1], [0, 1, 1, 1], [], []>, transpose_lhs_hint = false} : vector<256x64xf32>, vector<256x256xf32>, vector<64x256xf32> -> vector<64x256xf32>
    %get3A_1699 = arith.constant 27 : index
    %get3A_1700 = arith.constant 0 : index
    %get3A_1701 = arith.constant 0 : index
    %get3A_1702 = vector.load %arg4[%get3A_1699, %get3A_1700, %get3A_1701] : memref<50x64x8xf32, #tpu.memory_space<vmem>>, vector<1x64x1xf32>
    %get3A_1703 = vector.shape_cast %get3A_1702 : vector<1x64x1xf32> to vector<64x1xf32>
    %add3A_1704 = vector.broadcast %get3A_1703 : vector<64x1xf32> to vector<64x256xf32>
    %add3A_1705 = arith.addf %dot_general3A_1698, %add3A_1704 : vector<64x256xf32>
    %swap3A_1706 = arith.constant 1 : index
    %swap3A_1707 = arith.constant 27 : index
    %swap3A_1708 = arith.constant 0 : index
    %swap3A_1709 = arith.constant 0 : index
    %swap3A_1710 = vector.load %arg6[%swap3A_1706, %swap3A_1707, %swap3A_1708, %swap3A_1709] : memref<2x50x64x256xf32, #tpu.memory_space<vmem>>, vector<1x1x64x256xf32>
    %swap3A_1711 = vector.shape_cast %swap3A_1710 : vector<1x1x64x256xf32> to vector<64x256xf32>
    %swap3A_1712 = vector.shape_cast %add3A_1705 : vector<64x256xf32> to vector<1x1x64x256xf32>
    tpu.vector_store %arg6[%swap3A_1706, %swap3A_1707, %swap3A_1708, %swap3A_1709], %swap3A_1712 {strides = array<i32>} : memref<2x50x64x256xf32, #tpu.memory_space<vmem>>, vector<1x1x64x256xf32>,
    %get3A_1713 = arith.constant 3584 : index
    %get3A_1714 = arith.constant 0 : index
    %get3A_1715 = vector.load %arg3[%get3A_1713, %get3A_1714] : memref<6400x128xf32, #tpu.memory_space<vmem>>, vector<128x128xf32>
    %slice3A_1716 = vector.extract_strided_slice %get3A_1715 {offsets = [0, 0], sizes = [128, 64], strides = [1, 1]} : vector<128x128xf32> to vector<128x64xf32>
    %slice3A_1717 = vector.extract_strided_slice %get3A_1715 {offsets = [0, 64], sizes = [128, 64], strides = [1, 1]} : vector<128x128xf32> to vector<128x64xf32>
    %concatenate3A_1718 = tpu.concatenate %slice3A_1716, %slice3A_1717 in 0 : vector<128x64xf32>, vector<128x64xf32> -> vector<256x64xf32>
    %dot_general3A_1719 = arith.constant dense<0.000000e+00> : vector<64x256xf32>
    %dot_general3A_1720 = tpu.matmul %concatenate3A_1718, %get3A_1, %dot_general3A_1719 {dimension_numbers = #tpu.dot_dimension_numbers<[0], [0], [1], [1], [0, 1, 1, 1], [], []>, transpose_lhs_hint = false} : vector<256x64xf32>, vector<256x256xf32>, vector<64x256xf32> -> vector<64x256xf32>
    %get3A_1721 = arith.constant 28 : index
    %get3A_1722 = arith.constant 0 : index
    %get3A_1723 = arith.constant 0 : index
    %get3A_1724 = vector.load %arg4[%get3A_1721, %get3A_1722, %get3A_1723] : memref<50x64x8xf32, #tpu.memory_space<vmem>>, vector<1x64x1xf32>
    %get3A_1725 = vector.shape_cast %get3A_1724 : vector<1x64x1xf32> to vector<64x1xf32>
    %add3A_1726 = vector.broadcast %get3A_1725 : vector<64x1xf32> to vector<64x256xf32>
    %add3A_1727 = arith.addf %dot_general3A_1720, %add3A_1726 : vector<64x256xf32>
    %swap3A_1728 = arith.constant 1 : index
    %swap3A_1729 = arith.constant 28 : index
    %swap3A_1730 = arith.constant 0 : index
    %swap3A_1731 = arith.constant 0 : index
    %swap3A_1732 = vector.load %arg6[%swap3A_1728, %swap3A_1729, %swap3A_1730, %swap3A_1731] : memref<2x50x64x256xf32, #tpu.memory_space<vmem>>, vector<1x1x64x256xf32>
    %swap3A_1733 = vector.shape_cast %swap3A_1732 : vector<1x1x64x256xf32> to vector<64x256xf32>
    %swap3A_1734 = vector.shape_cast %add3A_1727 : vector<64x256xf32> to vector<1x1x64x256xf32>
    tpu.vector_store %arg6[%swap3A_1728, %swap3A_1729, %swap3A_1730, %swap3A_1731], %swap3A_1734 {strides = array<i32>} : memref<2x50x64x256xf32, #tpu.memory_space<vmem>>, vector<1x1x64x256xf32>,
    %get3A_1735 = arith.constant 3712 : index
    %get3A_1736 = arith.constant 0 : index
    %get3A_1737 = vector.load %arg3[%get3A_1735, %get3A_1736] : memref<6400x128xf32, #tpu.memory_space<vmem>>, vector<128x128xf32>
    %slice3A_1738 = vector.extract_strided_slice %get3A_1737 {offsets = [0, 0], sizes = [128, 64], strides = [1, 1]} : vector<128x128xf32> to vector<128x64xf32>
    %slice3A_1739 = vector.extract_strided_slice %get3A_1737 {offsets = [0, 64], sizes = [128, 64], strides = [1, 1]} : vector<128x128xf32> to vector<128x64xf32>
    %concatenate3A_1740 = tpu.concatenate %slice3A_1738, %slice3A_1739 in 0 : vector<128x64xf32>, vector<128x64xf32> -> vector<256x64xf32>
    %dot_general3A_1741 = arith.constant dense<0.000000e+00> : vector<64x256xf32>
    %dot_general3A_1742 = tpu.matmul %concatenate3A_1740, %get3A_1, %dot_general3A_1741 {dimension_numbers = #tpu.dot_dimension_numbers<[0], [0], [1], [1], [0, 1, 1, 1], [], []>, transpose_lhs_hint = false} : vector<256x64xf32>, vector<256x256xf32>, vector<64x256xf32> -> vector<64x256xf32>
    %get3A_1743 = arith.constant 29 : index
    %get3A_1744 = arith.constant 0 : index
    %get3A_1745 = arith.constant 0 : index
    %get3A_1746 = vector.load %arg4[%get3A_1743, %get3A_1744, %get3A_1745] : memref<50x64x8xf32, #tpu.memory_space<vmem>>, vector<1x64x1xf32>
    %get3A_1747 = vector.shape_cast %get3A_1746 : vector<1x64x1xf32> to vector<64x1xf32>
    %add3A_1748 = vector.broadcast %get3A_1747 : vector<64x1xf32> to vector<64x256xf32>
    %add3A_1749 = arith.addf %dot_general3A_1742, %add3A_1748 : vector<64x256xf32>
    %swap3A_1750 = arith.constant 1 : index
    %swap3A_1751 = arith.constant 29 : index
    %swap3A_1752 = arith.constant 0 : index
    %swap3A_1753 = arith.constant 0 : index
    %swap3A_1754 = vector.load %arg6[%swap3A_1750, %swap3A_1751, %swap3A_1752, %swap3A_1753] : memref<2x50x64x256xf32, #tpu.memory_space<vmem>>, vector<1x1x64x256xf32>
    %swap3A_1755 = vector.shape_cast %swap3A_1754 : vector<1x1x64x256xf32> to vector<64x256xf32>
    %swap3A_1756 = vector.shape_cast %add3A_1749 : vector<64x256xf32> to vector<1x1x64x256xf32>
    tpu.vector_store %arg6[%swap3A_1750, %swap3A_1751, %swap3A_1752, %swap3A_1753], %swap3A_1756 {strides = array<i32>} : memref<2x50x64x256xf32, #tpu.memory_space<vmem>>, vector<1x1x64x256xf32>,
    %get3A_1757 = arith.constant 3840 : index
    %get3A_1758 = arith.constant 0 : index
    %get3A_1759 = vector.load %arg3[%get3A_1757, %get3A_1758] : memref<6400x128xf32, #tpu.memory_space<vmem>>, vector<128x128xf32>
    %slice3A_1760 = vector.extract_strided_slice %get3A_1759 {offsets = [0, 0], sizes = [128, 64], strides = [1, 1]} : vector<128x128xf32> to vector<128x64xf32>
    %slice3A_1761 = vector.extract_strided_slice %get3A_1759 {offsets = [0, 64], sizes = [128, 64], strides = [1, 1]} : vector<128x128xf32> to vector<128x64xf32>
    %concatenate3A_1762 = tpu.concatenate %slice3A_1760, %slice3A_1761 in 0 : vector<128x64xf32>, vector<128x64xf32> -> vector<256x64xf32>
    %dot_general3A_1763 = arith.constant dense<0.000000e+00> : vector<64x256xf32>
    %dot_general3A_1764 = tpu.matmul %concatenate3A_1762, %get3A_1, %dot_general3A_1763 {dimension_numbers = #tpu.dot_dimension_numbers<[0], [0], [1], [1], [0, 1, 1, 1], [], []>, transpose_lhs_hint = false} : vector<256x64xf32>, vector<256x256xf32>, vector<64x256xf32> -> vector<64x256xf32>
    %get3A_1765 = arith.constant 30 : index
    %get3A_1766 = arith.constant 0 : index
    %get3A_1767 = arith.constant 0 : index
    %get3A_1768 = vector.load %arg4[%get3A_1765, %get3A_1766, %get3A_1767] : memref<50x64x8xf32, #tpu.memory_space<vmem>>, vector<1x64x1xf32>
    %get3A_1769 = vector.shape_cast %get3A_1768 : vector<1x64x1xf32> to vector<64x1xf32>
    %add3A_1770 = vector.broadcast %get3A_1769 : vector<64x1xf32> to vector<64x256xf32>
    %add3A_1771 = arith.addf %dot_general3A_1764, %add3A_1770 : vector<64x256xf32>
    %swap3A_1772 = arith.constant 1 : index
    %swap3A_1773 = arith.constant 30 : index
    %swap3A_1774 = arith.constant 0 : index
    %swap3A_1775 = arith.constant 0 : index
    %swap3A_1776 = vector.load %arg6[%swap3A_1772, %swap3A_1773, %swap3A_1774, %swap3A_1775] : memref<2x50x64x256xf32, #tpu.memory_space<vmem>>, vector<1x1x64x256xf32>
    %swap3A_1777 = vector.shape_cast %swap3A_1776 : vector<1x1x64x256xf32> to vector<64x256xf32>
    %swap3A_1778 = vector.shape_cast %add3A_1771 : vector<64x256xf32> to vector<1x1x64x256xf32>
    tpu.vector_store %arg6[%swap3A_1772, %swap3A_1773, %swap3A_1774, %swap3A_1775], %swap3A_1778 {strides = array<i32>} : memref<2x50x64x256xf32, #tpu.memory_space<vmem>>, vector<1x1x64x256xf32>,
    %get3A_1779 = arith.constant 3968 : index
    %get3A_1780 = arith.constant 0 : index
    %get3A_1781 = vector.load %arg3[%get3A_1779, %get3A_1780] : memref<6400x128xf32, #tpu.memory_space<vmem>>, vector<128x128xf32>
    %slice3A_1782 = vector.extract_strided_slice %get3A_1781 {offsets = [0, 0], sizes = [128, 64], strides = [1, 1]} : vector<128x128xf32> to vector<128x64xf32>
    %slice3A_1783 = vector.extract_strided_slice %get3A_1781 {offsets = [0, 64], sizes = [128, 64], strides = [1, 1]} : vector<128x128xf32> to vector<128x64xf32>
    %concatenate3A_1784 = tpu.concatenate %slice3A_1782, %slice3A_1783 in 0 : vector<128x64xf32>, vector<128x64xf32> -> vector<256x64xf32>
    %dot_general3A_1785 = arith.constant dense<0.000000e+00> : vector<64x256xf32>
    %dot_general3A_1786 = tpu.matmul %concatenate3A_1784, %get3A_1, %dot_general3A_1785 {dimension_numbers = #tpu.dot_dimension_numbers<[0], [0], [1], [1], [0, 1, 1, 1], [], []>, transpose_lhs_hint = false} : vector<256x64xf32>, vector<256x256xf32>, vector<64x256xf32> -> vector<64x256xf32>
    %get3A_1787 = arith.constant 31 : index
    %get3A_1788 = arith.constant 0 : index
    %get3A_1789 = arith.constant 0 : index
    %get3A_1790 = vector.load %arg4[%get3A_1787, %get3A_1788, %get3A_1789] : memref<50x64x8xf32, #tpu.memory_space<vmem>>, vector<1x64x1xf32>
    %get3A_1791 = vector.shape_cast %get3A_1790 : vector<1x64x1xf32> to vector<64x1xf32>
    %add3A_1792 = vector.broadcast %get3A_1791 : vector<64x1xf32> to vector<64x256xf32>
    %add3A_1793 = arith.addf %dot_general3A_1786, %add3A_1792 : vector<64x256xf32>
    %swap3A_1794 = arith.constant 1 : index
    %swap3A_1795 = arith.constant 31 : index
    %swap3A_1796 = arith.constant 0 : index
    %swap3A_1797 = arith.constant 0 : index
    %swap3A_1798 = vector.load %arg6[%swap3A_1794, %swap3A_1795, %swap3A_1796, %swap3A_1797] : memref<2x50x64x256xf32, #tpu.memory_space<vmem>>, vector<1x1x64x256xf32>
    %swap3A_1799 = vector.shape_cast %swap3A_1798 : vector<1x1x64x256xf32> to vector<64x256xf32>
    %swap3A_1800 = vector.shape_cast %add3A_1793 : vector<64x256xf32> to vector<1x1x64x256xf32>
    tpu.vector_store %arg6[%swap3A_1794, %swap3A_1795, %swap3A_1796, %swap3A_1797], %swap3A_1800 {strides = array<i32>} : memref<2x50x64x256xf32, #tpu.memory_space<vmem>>, vector<1x1x64x256xf32>,
    %get3A_1801 = arith.constant 4096 : index
    %get3A_1802 = arith.constant 0 : index
    %get3A_1803 = vector.load %arg3[%get3A_1801, %get3A_1802] : memref<6400x128xf32, #tpu.memory_space<vmem>>, vector<128x128xf32>
    %slice3A_1804 = vector.extract_strided_slice %get3A_1803 {offsets = [0, 0], sizes = [128, 64], strides = [1, 1]} : vector<128x128xf32> to vector<128x64xf32>
    %slice3A_1805 = vector.extract_strided_slice %get3A_1803 {offsets = [0, 64], sizes = [128, 64], strides = [1, 1]} : vector<128x128xf32> to vector<128x64xf32>
    %concatenate3A_1806 = tpu.concatenate %slice3A_1804, %slice3A_1805 in 0 : vector<128x64xf32>, vector<128x64xf32> -> vector<256x64xf32>
    %dot_general3A_1807 = arith.constant dense<0.000000e+00> : vector<64x256xf32>
    %dot_general3A_1808 = tpu.matmul %concatenate3A_1806, %get3A_1, %dot_general3A_1807 {dimension_numbers = #tpu.dot_dimension_numbers<[0], [0], [1], [1], [0, 1, 1, 1], [], []>, transpose_lhs_hint = false} : vector<256x64xf32>, vector<256x256xf32>, vector<64x256xf32> -> vector<64x256xf32>
    %get3A_1809 = arith.constant 32 : index
    %get3A_1810 = arith.constant 0 : index
    %get3A_1811 = arith.constant 0 : index
    %get3A_1812 = vector.load %arg4[%get3A_1809, %get3A_1810, %get3A_1811] : memref<50x64x8xf32, #tpu.memory_space<vmem>>, vector<1x64x1xf32>
    %get3A_1813 = vector.shape_cast %get3A_1812 : vector<1x64x1xf32> to vector<64x1xf32>
    %add3A_1814 = vector.broadcast %get3A_1813 : vector<64x1xf32> to vector<64x256xf32>
    %add3A_1815 = arith.addf %dot_general3A_1808, %add3A_1814 : vector<64x256xf32>
    %swap3A_1816 = arith.constant 1 : index
    %swap3A_1817 = arith.constant 32 : index
    %swap3A_1818 = arith.constant 0 : index
    %swap3A_1819 = arith.constant 0 : index
    %swap3A_1820 = vector.load %arg6[%swap3A_1816, %swap3A_1817, %swap3A_1818, %swap3A_1819] : memref<2x50x64x256xf32, #tpu.memory_space<vmem>>, vector<1x1x64x256xf32>
    %swap3A_1821 = vector.shape_cast %swap3A_1820 : vector<1x1x64x256xf32> to vector<64x256xf32>
    %swap3A_1822 = vector.shape_cast %add3A_1815 : vector<64x256xf32> to vector<1x1x64x256xf32>
    tpu.vector_store %arg6[%swap3A_1816, %swap3A_1817, %swap3A_1818, %swap3A_1819], %swap3A_1822 {strides = array<i32>} : memref<2x50x64x256xf32, #tpu.memory_space<vmem>>, vector<1x1x64x256xf32>,
    %get3A_1823 = arith.constant 4224 : index
    %get3A_1824 = arith.constant 0 : index
    %get3A_1825 = vector.load %arg3[%get3A_1823, %get3A_1824] : memref<6400x128xf32, #tpu.memory_space<vmem>>, vector<128x128xf32>
    %slice3A_1826 = vector.extract_strided_slice %get3A_1825 {offsets = [0, 0], sizes = [128, 64], strides = [1, 1]} : vector<128x128xf32> to vector<128x64xf32>
    %slice3A_1827 = vector.extract_strided_slice %get3A_1825 {offsets = [0, 64], sizes = [128, 64], strides = [1, 1]} : vector<128x128xf32> to vector<128x64xf32>
    %concatenate3A_1828 = tpu.concatenate %slice3A_1826, %slice3A_1827 in 0 : vector<128x64xf32>, vector<128x64xf32> -> vector<256x64xf32>
    %dot_general3A_1829 = arith.constant dense<0.000000e+00> : vector<64x256xf32>
    %dot_general3A_1830 = tpu.matmul %concatenate3A_1828, %get3A_1, %dot_general3A_1829 {dimension_numbers = #tpu.dot_dimension_numbers<[0], [0], [1], [1], [0, 1, 1, 1], [], []>, transpose_lhs_hint = false} : vector<256x64xf32>, vector<256x256xf32>, vector<64x256xf32> -> vector<64x256xf32>
    %get3A_1831 = arith.constant 33 : index
    %get3A_1832 = arith.constant 0 : index
    %get3A_1833 = arith.constant 0 : index
    %get3A_1834 = vector.load %arg4[%get3A_1831, %get3A_1832, %get3A_1833] : memref<50x64x8xf32, #tpu.memory_space<vmem>>, vector<1x64x1xf32>
    %get3A_1835 = vector.shape_cast %get3A_1834 : vector<1x64x1xf32> to vector<64x1xf32>
    %add3A_1836 = vector.broadcast %get3A_1835 : vector<64x1xf32> to vector<64x256xf32>
    %add3A_1837 = arith.addf %dot_general3A_1830, %add3A_1836 : vector<64x256xf32>
    %swap3A_1838 = arith.constant 1 : index
    %swap3A_1839 = arith.constant 33 : index
    %swap3A_1840 = arith.constant 0 : index
    %swap3A_1841 = arith.constant 0 : index
    %swap3A_1842 = vector.load %arg6[%swap3A_1838, %swap3A_1839, %swap3A_1840, %swap3A_1841] : memref<2x50x64x256xf32, #tpu.memory_space<vmem>>, vector<1x1x64x256xf32>
    %swap3A_1843 = vector.shape_cast %swap3A_1842 : vector<1x1x64x256xf32> to vector<64x256xf32>
    %swap3A_1844 = vector.shape_cast %add3A_1837 : vector<64x256xf32> to vector<1x1x64x256xf32>
    tpu.vector_store %arg6[%swap3A_1838, %swap3A_1839, %swap3A_1840, %swap3A_1841], %swap3A_1844 {strides = array<i32>} : memref<2x50x64x256xf32, #tpu.memory_space<vmem>>, vector<1x1x64x256xf32>,
    %get3A_1845 = arith.constant 4352 : index
    %get3A_1846 = arith.constant 0 : index
    %get3A_1847 = vector.load %arg3[%get3A_1845, %get3A_1846] : memref<6400x128xf32, #tpu.memory_space<vmem>>, vector<128x128xf32>
    %slice3A_1848 = vector.extract_strided_slice %get3A_1847 {offsets = [0, 0], sizes = [128, 64], strides = [1, 1]} : vector<128x128xf32> to vector<128x64xf32>
    %slice3A_1849 = vector.extract_strided_slice %get3A_1847 {offsets = [0, 64], sizes = [128, 64], strides = [1, 1]} : vector<128x128xf32> to vector<128x64xf32>
    %concatenate3A_1850 = tpu.concatenate %slice3A_1848, %slice3A_1849 in 0 : vector<128x64xf32>, vector<128x64xf32> -> vector<256x64xf32>
    %dot_general3A_1851 = arith.constant dense<0.000000e+00> : vector<64x256xf32>
    %dot_general3A_1852 = tpu.matmul %concatenate3A_1850, %get3A_1, %dot_general3A_1851 {dimension_numbers = #tpu.dot_dimension_numbers<[0], [0], [1], [1], [0, 1, 1, 1], [], []>, transpose_lhs_hint = false} : vector<256x64xf32>, vector<256x256xf32>, vector<64x256xf32> -> vector<64x256xf32>
    %get3A_1853 = arith.constant 34 : index
    %get3A_1854 = arith.constant 0 : index
    %get3A_1855 = arith.constant 0 : index
    %get3A_1856 = vector.load %arg4[%get3A_1853, %get3A_1854, %get3A_1855] : memref<50x64x8xf32, #tpu.memory_space<vmem>>, vector<1x64x1xf32>
    %get3A_1857 = vector.shape_cast %get3A_1856 : vector<1x64x1xf32> to vector<64x1xf32>
    %add3A_1858 = vector.broadcast %get3A_1857 : vector<64x1xf32> to vector<64x256xf32>
    %add3A_1859 = arith.addf %dot_general3A_1852, %add3A_1858 : vector<64x256xf32>
    %swap3A_1860 = arith.constant 1 : index
    %swap3A_1861 = arith.constant 34 : index
    %swap3A_1862 = arith.constant 0 : index
    %swap3A_1863 = arith.constant 0 : index
    %swap3A_1864 = vector.load %arg6[%swap3A_1860, %swap3A_1861, %swap3A_1862, %swap3A_1863] : memref<2x50x64x256xf32, #tpu.memory_space<vmem>>, vector<1x1x64x256xf32>
    %swap3A_1865 = vector.shape_cast %swap3A_1864 : vector<1x1x64x256xf32> to vector<64x256xf32>
    %swap3A_1866 = vector.shape_cast %add3A_1859 : vector<64x256xf32> to vector<1x1x64x256xf32>
    tpu.vector_store %arg6[%swap3A_1860, %swap3A_1861, %swap3A_1862, %swap3A_1863], %swap3A_1866 {strides = array<i32>} : memref<2x50x64x256xf32, #tpu.memory_space<vmem>>, vector<1x1x64x256xf32>,
    %get3A_1867 = arith.constant 4480 : index
    %get3A_1868 = arith.constant 0 : index
    %get3A_1869 = vector.load %arg3[%get3A_1867, %get3A_1868] : memref<6400x128xf32, #tpu.memory_space<vmem>>, vector<128x128xf32>
    %slice3A_1870 = vector.extract_strided_slice %get3A_1869 {offsets = [0, 0], sizes = [128, 64], strides = [1, 1]} : vector<128x128xf32> to vector<128x64xf32>
    %slice3A_1871 = vector.extract_strided_slice %get3A_1869 {offsets = [0, 64], sizes = [128, 64], strides = [1, 1]} : vector<128x128xf32> to vector<128x64xf32>
    %concatenate3A_1872 = tpu.concatenate %slice3A_1870, %slice3A_1871 in 0 : vector<128x64xf32>, vector<128x64xf32> -> vector<256x64xf32>
    %dot_general3A_1873 = arith.constant dense<0.000000e+00> : vector<64x256xf32>
    %dot_general3A_1874 = tpu.matmul %concatenate3A_1872, %get3A_1, %dot_general3A_1873 {dimension_numbers = #tpu.dot_dimension_numbers<[0], [0], [1], [1], [0, 1, 1, 1], [], []>, transpose_lhs_hint = false} : vector<256x64xf32>, vector<256x256xf32>, vector<64x256xf32> -> vector<64x256xf32>
    %get3A_1875 = arith.constant 35 : index
    %get3A_1876 = arith.constant 0 : index
    %get3A_1877 = arith.constant 0 : index
    %get3A_1878 = vector.load %arg4[%get3A_1875, %get3A_1876, %get3A_1877] : memref<50x64x8xf32, #tpu.memory_space<vmem>>, vector<1x64x1xf32>
    %get3A_1879 = vector.shape_cast %get3A_1878 : vector<1x64x1xf32> to vector<64x1xf32>
    %add3A_1880 = vector.broadcast %get3A_1879 : vector<64x1xf32> to vector<64x256xf32>
    %add3A_1881 = arith.addf %dot_general3A_1874, %add3A_1880 : vector<64x256xf32>
    %swap3A_1882 = arith.constant 1 : index
    %swap3A_1883 = arith.constant 35 : index
    %swap3A_1884 = arith.constant 0 : index
    %swap3A_1885 = arith.constant 0 : index
    %swap3A_1886 = vector.load %arg6[%swap3A_1882, %swap3A_1883, %swap3A_1884, %swap3A_1885] : memref<2x50x64x256xf32, #tpu.memory_space<vmem>>, vector<1x1x64x256xf32>
    %swap3A_1887 = vector.shape_cast %swap3A_1886 : vector<1x1x64x256xf32> to vector<64x256xf32>
    %swap3A_1888 = vector.shape_cast %add3A_1881 : vector<64x256xf32> to vector<1x1x64x256xf32>
    tpu.vector_store %arg6[%swap3A_1882, %swap3A_1883, %swap3A_1884, %swap3A_1885], %swap3A_1888 {strides = array<i32>} : memref<2x50x64x256xf32, #tpu.memory_space<vmem>>, vector<1x1x64x256xf32>,
    %get3A_1889 = arith.constant 4608 : index
    %get3A_1890 = arith.constant 0 : index
    %get3A_1891 = vector.load %arg3[%get3A_1889, %get3A_1890] : memref<6400x128xf32, #tpu.memory_space<vmem>>, vector<128x128xf32>
    %slice3A_1892 = vector.extract_strided_slice %get3A_1891 {offsets = [0, 0], sizes = [128, 64], strides = [1, 1]} : vector<128x128xf32> to vector<128x64xf32>
    %slice3A_1893 = vector.extract_strided_slice %get3A_1891 {offsets = [0, 64], sizes = [128, 64], strides = [1, 1]} : vector<128x128xf32> to vector<128x64xf32>
    %concatenate3A_1894 = tpu.concatenate %slice3A_1892, %slice3A_1893 in 0 : vector<128x64xf32>, vector<128x64xf32> -> vector<256x64xf32>
    %dot_general3A_1895 = arith.constant dense<0.000000e+00> : vector<64x256xf32>
    %dot_general3A_1896 = tpu.matmul %concatenate3A_1894, %get3A_1, %dot_general3A_1895 {dimension_numbers = #tpu.dot_dimension_numbers<[0], [0], [1], [1], [0, 1, 1, 1], [], []>, transpose_lhs_hint = false} : vector<256x64xf32>, vector<256x256xf32>, vector<64x256xf32> -> vector<64x256xf32>
    %get3A_1897 = arith.constant 36 : index
    %get3A_1898 = arith.constant 0 : index
    %get3A_1899 = arith.constant 0 : index
    %get3A_1900 = vector.load %arg4[%get3A_1897, %get3A_1898, %get3A_1899] : memref<50x64x8xf32, #tpu.memory_space<vmem>>, vector<1x64x1xf32>
    %get3A_1901 = vector.shape_cast %get3A_1900 : vector<1x64x1xf32> to vector<64x1xf32>
    %add3A_1902 = vector.broadcast %get3A_1901 : vector<64x1xf32> to vector<64x256xf32>
    %add3A_1903 = arith.addf %dot_general3A_1896, %add3A_1902 : vector<64x256xf32>
    %swap3A_1904 = arith.constant 1 : index
    %swap3A_1905 = arith.constant 36 : index
    %swap3A_1906 = arith.constant 0 : index
    %swap3A_1907 = arith.constant 0 : index
    %swap3A_1908 = vector.load %arg6[%swap3A_1904, %swap3A_1905, %swap3A_1906, %swap3A_1907] : memref<2x50x64x256xf32, #tpu.memory_space<vmem>>, vector<1x1x64x256xf32>
    %swap3A_1909 = vector.shape_cast %swap3A_1908 : vector<1x1x64x256xf32> to vector<64x256xf32>
    %swap3A_1910 = vector.shape_cast %add3A_1903 : vector<64x256xf32> to vector<1x1x64x256xf32>
    tpu.vector_store %arg6[%swap3A_1904, %swap3A_1905, %swap3A_1906, %swap3A_1907], %swap3A_1910 {strides = array<i32>} : memref<2x50x64x256xf32, #tpu.memory_space<vmem>>, vector<1x1x64x256xf32>,
    %get3A_1911 = arith.constant 4736 : index
    %get3A_1912 = arith.constant 0 : index
    %get3A_1913 = vector.load %arg3[%get3A_1911, %get3A_1912] : memref<6400x128xf32, #tpu.memory_space<vmem>>, vector<128x128xf32>
    %slice3A_1914 = vector.extract_strided_slice %get3A_1913 {offsets = [0, 0], sizes = [128, 64], strides = [1, 1]} : vector<128x128xf32> to vector<128x64xf32>
    %slice3A_1915 = vector.extract_strided_slice %get3A_1913 {offsets = [0, 64], sizes = [128, 64], strides = [1, 1]} : vector<128x128xf32> to vector<128x64xf32>
    %concatenate3A_1916 = tpu.concatenate %slice3A_1914, %slice3A_1915 in 0 : vector<128x64xf32>, vector<128x64xf32> -> vector<256x64xf32>
    %dot_general3A_1917 = arith.constant dense<0.000000e+00> : vector<64x256xf32>
    %dot_general3A_1918 = tpu.matmul %concatenate3A_1916, %get3A_1, %dot_general3A_1917 {dimension_numbers = #tpu.dot_dimension_numbers<[0], [0], [1], [1], [0, 1, 1, 1], [], []>, transpose_lhs_hint = false} : vector<256x64xf32>, vector<256x256xf32>, vector<64x256xf32> -> vector<64x256xf32>
    %get3A_1919 = arith.constant 37 : index
    %get3A_1920 = arith.constant 0 : index
    %get3A_1921 = arith.constant 0 : index
    %get3A_1922 = vector.load %arg4[%get3A_1919, %get3A_1920, %get3A_1921] : memref<50x64x8xf32, #tpu.memory_space<vmem>>, vector<1x64x1xf32>
    %get3A_1923 = vector.shape_cast %get3A_1922 : vector<1x64x1xf32> to vector<64x1xf32>
    %add3A_1924 = vector.broadcast %get3A_1923 : vector<64x1xf32> to vector<64x256xf32>
    %add3A_1925 = arith.addf %dot_general3A_1918, %add3A_1924 : vector<64x256xf32>
    %swap3A_1926 = arith.constant 1 : index
    %swap3A_1927 = arith.constant 37 : index
    %swap3A_1928 = arith.constant 0 : index
    %swap3A_1929 = arith.constant 0 : index
    %swap3A_1930 = vector.load %arg6[%swap3A_1926, %swap3A_1927, %swap3A_1928, %swap3A_1929] : memref<2x50x64x256xf32, #tpu.memory_space<vmem>>, vector<1x1x64x256xf32>
    %swap3A_1931 = vector.shape_cast %swap3A_1930 : vector<1x1x64x256xf32> to vector<64x256xf32>
    %swap3A_1932 = vector.shape_cast %add3A_1925 : vector<64x256xf32> to vector<1x1x64x256xf32>
    tpu.vector_store %arg6[%swap3A_1926, %swap3A_1927, %swap3A_1928, %swap3A_1929], %swap3A_1932 {strides = array<i32>} : memref<2x50x64x256xf32, #tpu.memory_space<vmem>>, vector<1x1x64x256xf32>,
    %get3A_1933 = arith.constant 4864 : index
    %get3A_1934 = arith.constant 0 : index
    %get3A_1935 = vector.load %arg3[%get3A_1933, %get3A_1934] : memref<6400x128xf32, #tpu.memory_space<vmem>>, vector<128x128xf32>
    %slice3A_1936 = vector.extract_strided_slice %get3A_1935 {offsets = [0, 0], sizes = [128, 64], strides = [1, 1]} : vector<128x128xf32> to vector<128x64xf32>
    %slice3A_1937 = vector.extract_strided_slice %get3A_1935 {offsets = [0, 64], sizes = [128, 64], strides = [1, 1]} : vector<128x128xf32> to vector<128x64xf32>
    %concatenate3A_1938 = tpu.concatenate %slice3A_1936, %slice3A_1937 in 0 : vector<128x64xf32>, vector<128x64xf32> -> vector<256x64xf32>
    %dot_general3A_1939 = arith.constant dense<0.000000e+00> : vector<64x256xf32>
    %dot_general3A_1940 = tpu.matmul %concatenate3A_1938, %get3A_1, %dot_general3A_1939 {dimension_numbers = #tpu.dot_dimension_numbers<[0], [0], [1], [1], [0, 1, 1, 1], [], []>, transpose_lhs_hint = false} : vector<256x64xf32>, vector<256x256xf32>, vector<64x256xf32> -> vector<64x256xf32>
    %get3A_1941 = arith.constant 38 : index
    %get3A_1942 = arith.constant 0 : index
    %get3A_1943 = arith.constant 0 : index
    %get3A_1944 = vector.load %arg4[%get3A_1941, %get3A_1942, %get3A_1943] : memref<50x64x8xf32, #tpu.memory_space<vmem>>, vector<1x64x1xf32>
    %get3A_1945 = vector.shape_cast %get3A_1944 : vector<1x64x1xf32> to vector<64x1xf32>
    %add3A_1946 = vector.broadcast %get3A_1945 : vector<64x1xf32> to vector<64x256xf32>
    %add3A_1947 = arith.addf %dot_general3A_1940, %add3A_1946 : vector<64x256xf32>
    %swap3A_1948 = arith.constant 1 : index
    %swap3A_1949 = arith.constant 38 : index
    %swap3A_1950 = arith.constant 0 : index
    %swap3A_1951 = arith.constant 0 : index
    %swap3A_1952 = vector.load %arg6[%swap3A_1948, %swap3A_1949, %swap3A_1950, %swap3A_1951] : memref<2x50x64x256xf32, #tpu.memory_space<vmem>>, vector<1x1x64x256xf32>
    %swap3A_1953 = vector.shape_cast %swap3A_1952 : vector<1x1x64x256xf32> to vector<64x256xf32>
    %swap3A_1954 = vector.shape_cast %add3A_1947 : vector<64x256xf32> to vector<1x1x64x256xf32>
    tpu.vector_store %arg6[%swap3A_1948, %swap3A_1949, %swap3A_1950, %swap3A_1951], %swap3A_1954 {strides = array<i32>} : memref<2x50x64x256xf32, #tpu.memory_space<vmem>>, vector<1x1x64x256xf32>,
    %get3A_1955 = arith.constant 4992 : index
    %get3A_1956 = arith.constant 0 : index
    %get3A_1957 = vector.load %arg3[%get3A_1955, %get3A_1956] : memref<6400x128xf32, #tpu.memory_space<vmem>>, vector<128x128xf32>
    %slice3A_1958 = vector.extract_strided_slice %get3A_1957 {offsets = [0, 0], sizes = [128, 64], strides = [1, 1]} : vector<128x128xf32> to vector<128x64xf32>
    %slice3A_1959 = vector.extract_strided_slice %get3A_1957 {offsets = [0, 64], sizes = [128, 64], strides = [1, 1]} : vector<128x128xf32> to vector<128x64xf32>
    %concatenate3A_1960 = tpu.concatenate %slice3A_1958, %slice3A_1959 in 0 : vector<128x64xf32>, vector<128x64xf32> -> vector<256x64xf32>
    %dot_general3A_1961 = arith.constant dense<0.000000e+00> : vector<64x256xf32>
    %dot_general3A_1962 = tpu.matmul %concatenate3A_1960, %get3A_1, %dot_general3A_1961 {dimension_numbers = #tpu.dot_dimension_numbers<[0], [0], [1], [1], [0, 1, 1, 1], [], []>, transpose_lhs_hint = false} : vector<256x64xf32>, vector<256x256xf32>, vector<64x256xf32> -> vector<64x256xf32>
    %get3A_1963 = arith.constant 39 : index
    %get3A_1964 = arith.constant 0 : index
    %get3A_1965 = arith.constant 0 : index
    %get3A_1966 = vector.load %arg4[%get3A_1963, %get3A_1964, %get3A_1965] : memref<50x64x8xf32, #tpu.memory_space<vmem>>, vector<1x64x1xf32>
    %get3A_1967 = vector.shape_cast %get3A_1966 : vector<1x64x1xf32> to vector<64x1xf32>
    %add3A_1968 = vector.broadcast %get3A_1967 : vector<64x1xf32> to vector<64x256xf32>
    %add3A_1969 = arith.addf %dot_general3A_1962, %add3A_1968 : vector<64x256xf32>
    %swap3A_1970 = arith.constant 1 : index
    %swap3A_1971 = arith.constant 39 : index
    %swap3A_1972 = arith.constant 0 : index
    %swap3A_1973 = arith.constant 0 : index
    %swap3A_1974 = vector.load %arg6[%swap3A_1970, %swap3A_1971, %swap3A_1972, %swap3A_1973] : memref<2x50x64x256xf32, #tpu.memory_space<vmem>>, vector<1x1x64x256xf32>
    %swap3A_1975 = vector.shape_cast %swap3A_1974 : vector<1x1x64x256xf32> to vector<64x256xf32>
    %swap3A_1976 = vector.shape_cast %add3A_1969 : vector<64x256xf32> to vector<1x1x64x256xf32>
    tpu.vector_store %arg6[%swap3A_1970, %swap3A_1971, %swap3A_1972, %swap3A_1973], %swap3A_1976 {strides = array<i32>} : memref<2x50x64x256xf32, #tpu.memory_space<vmem>>, vector<1x1x64x256xf32>,
    %get3A_1977 = arith.constant 5120 : index
    %get3A_1978 = arith.constant 0 : index
    %get3A_1979 = vector.load %arg3[%get3A_1977, %get3A_1978] : memref<6400x128xf32, #tpu.memory_space<vmem>>, vector<128x128xf32>
    %slice3A_1980 = vector.extract_strided_slice %get3A_1979 {offsets = [0, 0], sizes = [128, 64], strides = [1, 1]} : vector<128x128xf32> to vector<128x64xf32>
    %slice3A_1981 = vector.extract_strided_slice %get3A_1979 {offsets = [0, 64], sizes = [128, 64], strides = [1, 1]} : vector<128x128xf32> to vector<128x64xf32>
    %concatenate3A_1982 = tpu.concatenate %slice3A_1980, %slice3A_1981 in 0 : vector<128x64xf32>, vector<128x64xf32> -> vector<256x64xf32>
    %dot_general3A_1983 = arith.constant dense<0.000000e+00> : vector<64x256xf32>
    %dot_general3A_1984 = tpu.matmul %concatenate3A_1982, %get3A_1, %dot_general3A_1983 {dimension_numbers = #tpu.dot_dimension_numbers<[0], [0], [1], [1], [0, 1, 1, 1], [], []>, transpose_lhs_hint = false} : vector<256x64xf32>, vector<256x256xf32>, vector<64x256xf32> -> vector<64x256xf32>
    %get3A_1985 = arith.constant 40 : index
    %get3A_1986 = arith.constant 0 : index
    %get3A_1987 = arith.constant 0 : index
    %get3A_1988 = vector.load %arg4[%get3A_1985, %get3A_1986, %get3A_1987] : memref<50x64x8xf32, #tpu.memory_space<vmem>>, vector<1x64x1xf32>
    %get3A_1989 = vector.shape_cast %get3A_1988 : vector<1x64x1xf32> to vector<64x1xf32>
    %add3A_1990 = vector.broadcast %get3A_1989 : vector<64x1xf32> to vector<64x256xf32>
    %add3A_1991 = arith.addf %dot_general3A_1984, %add3A_1990 : vector<64x256xf32>
    %swap3A_1992 = arith.constant 1 : index
    %swap3A_1993 = arith.constant 40 : index
    %swap3A_1994 = arith.constant 0 : index
    %swap3A_1995 = arith.constant 0 : index
    %swap3A_1996 = vector.load %arg6[%swap3A_1992, %swap3A_1993, %swap3A_1994, %swap3A_1995] : memref<2x50x64x256xf32, #tpu.memory_space<vmem>>, vector<1x1x64x256xf32>
    %swap3A_1997 = vector.shape_cast %swap3A_1996 : vector<1x1x64x256xf32> to vector<64x256xf32>
    %swap3A_1998 = vector.shape_cast %add3A_1991 : vector<64x256xf32> to vector<1x1x64x256xf32>
    tpu.vector_store %arg6[%swap3A_1992, %swap3A_1993, %swap3A_1994, %swap3A_1995], %swap3A_1998 {strides = array<i32>} : memref<2x50x64x256xf32, #tpu.memory_space<vmem>>, vector<1x1x64x256xf32>,
    %get3A_1999 = arith.constant 5248 : index
    %get3A_2000 = arith.constant 0 : index
    %get3A_2001 = vector.load %arg3[%get3A_1999, %get3A_2000] : memref<6400x128xf32, #tpu.memory_space<vmem>>, vector<128x128xf32>
    %slice3A_2002 = vector.extract_strided_slice %get3A_2001 {offsets = [0, 0], sizes = [128, 64], strides = [1, 1]} : vector<128x128xf32> to vector<128x64xf32>
    %slice3A_2003 = vector.extract_strided_slice %get3A_2001 {offsets = [0, 64], sizes = [128, 64], strides = [1, 1]} : vector<128x128xf32> to vector<128x64xf32>
    %concatenate3A_2004 = tpu.concatenate %slice3A_2002, %slice3A_2003 in 0 : vector<128x64xf32>, vector<128x64xf32> -> vector<256x64xf32>
    %dot_general3A_2005 = arith.constant dense<0.000000e+00> : vector<64x256xf32>
    %dot_general3A_2006 = tpu.matmul %concatenate3A_2004, %get3A_1, %dot_general3A_2005 {dimension_numbers = #tpu.dot_dimension_numbers<[0], [0], [1], [1], [0, 1, 1, 1], [], []>, transpose_lhs_hint = false} : vector<256x64xf32>, vector<256x256xf32>, vector<64x256xf32> -> vector<64x256xf32>
    %get3A_2007 = arith.constant 41 : index
    %get3A_2008 = arith.constant 0 : index
    %get3A_2009 = arith.constant 0 : index
    %get3A_2010 = vector.load %arg4[%get3A_2007, %get3A_2008, %get3A_2009] : memref<50x64x8xf32, #tpu.memory_space<vmem>>, vector<1x64x1xf32>
    %get3A_2011 = vector.shape_cast %get3A_2010 : vector<1x64x1xf32> to vector<64x1xf32>
    %add3A_2012 = vector.broadcast %get3A_2011 : vector<64x1xf32> to vector<64x256xf32>
    %add3A_2013 = arith.addf %dot_general3A_2006, %add3A_2012 : vector<64x256xf32>
    %swap3A_2014 = arith.constant 1 : index
    %swap3A_2015 = arith.constant 41 : index
    %swap3A_2016 = arith.constant 0 : index
    %swap3A_2017 = arith.constant 0 : index
    %swap3A_2018 = vector.load %arg6[%swap3A_2014, %swap3A_2015, %swap3A_2016, %swap3A_2017] : memref<2x50x64x256xf32, #tpu.memory_space<vmem>>, vector<1x1x64x256xf32>
    %swap3A_2019 = vector.shape_cast %swap3A_2018 : vector<1x1x64x256xf32> to vector<64x256xf32>
    %swap3A_2020 = vector.shape_cast %add3A_2013 : vector<64x256xf32> to vector<1x1x64x256xf32>
    tpu.vector_store %arg6[%swap3A_2014, %swap3A_2015, %swap3A_2016, %swap3A_2017], %swap3A_2020 {strides = array<i32>} : memref<2x50x64x256xf32, #tpu.memory_space<vmem>>, vector<1x1x64x256xf32>,
    %get3A_2021 = arith.constant 5376 : index
    %get3A_2022 = arith.constant 0 : index
    %get3A_2023 = vector.load %arg3[%get3A_2021, %get3A_2022] : memref<6400x128xf32, #tpu.memory_space<vmem>>, vector<128x128xf32>
    %slice3A_2024 = vector.extract_strided_slice %get3A_2023 {offsets = [0, 0], sizes = [128, 64], strides = [1, 1]} : vector<128x128xf32> to vector<128x64xf32>
    %slice3A_2025 = vector.extract_strided_slice %get3A_2023 {offsets = [0, 64], sizes = [128, 64], strides = [1, 1]} : vector<128x128xf32> to vector<128x64xf32>
    %concatenate3A_2026 = tpu.concatenate %slice3A_2024, %slice3A_2025 in 0 : vector<128x64xf32>, vector<128x64xf32> -> vector<256x64xf32>
    %dot_general3A_2027 = arith.constant dense<0.000000e+00> : vector<64x256xf32>
    %dot_general3A_2028 = tpu.matmul %concatenate3A_2026, %get3A_1, %dot_general3A_2027 {dimension_numbers = #tpu.dot_dimension_numbers<[0], [0], [1], [1], [0, 1, 1, 1], [], []>, transpose_lhs_hint = false} : vector<256x64xf32>, vector<256x256xf32>, vector<64x256xf32> -> vector<64x256xf32>
    %get3A_2029 = arith.constant 42 : index
    %get3A_2030 = arith.constant 0 : index
    %get3A_2031 = arith.constant 0 : index
    %get3A_2032 = vector.load %arg4[%get3A_2029, %get3A_2030, %get3A_2031] : memref<50x64x8xf32, #tpu.memory_space<vmem>>, vector<1x64x1xf32>
    %get3A_2033 = vector.shape_cast %get3A_2032 : vector<1x64x1xf32> to vector<64x1xf32>
    %add3A_2034 = vector.broadcast %get3A_2033 : vector<64x1xf32> to vector<64x256xf32>
    %add3A_2035 = arith.addf %dot_general3A_2028, %add3A_2034 : vector<64x256xf32>
    %swap3A_2036 = arith.constant 1 : index
    %swap3A_2037 = arith.constant 42 : index
    %swap3A_2038 = arith.constant 0 : index
    %swap3A_2039 = arith.constant 0 : index
    %swap3A_2040 = vector.load %arg6[%swap3A_2036, %swap3A_2037, %swap3A_2038, %swap3A_2039] : memref<2x50x64x256xf32, #tpu.memory_space<vmem>>, vector<1x1x64x256xf32>
    %swap3A_2041 = vector.shape_cast %swap3A_2040 : vector<1x1x64x256xf32> to vector<64x256xf32>
    %swap3A_2042 = vector.shape_cast %add3A_2035 : vector<64x256xf32> to vector<1x1x64x256xf32>
    tpu.vector_store %arg6[%swap3A_2036, %swap3A_2037, %swap3A_2038, %swap3A_2039], %swap3A_2042 {strides = array<i32>} : memref<2x50x64x256xf32, #tpu.memory_space<vmem>>, vector<1x1x64x256xf32>,
    %get3A_2043 = arith.constant 5504 : index
    %get3A_2044 = arith.constant 0 : index
    %get3A_2045 = vector.load %arg3[%get3A_2043, %get3A_2044] : memref<6400x128xf32, #tpu.memory_space<vmem>>, vector<128x128xf32>
    %slice3A_2046 = vector.extract_strided_slice %get3A_2045 {offsets = [0, 0], sizes = [128, 64], strides = [1, 1]} : vector<128x128xf32> to vector<128x64xf32>
    %slice3A_2047 = vector.extract_strided_slice %get3A_2045 {offsets = [0, 64], sizes = [128, 64], strides = [1, 1]} : vector<128x128xf32> to vector<128x64xf32>
    %concatenate3A_2048 = tpu.concatenate %slice3A_2046, %slice3A_2047 in 0 : vector<128x64xf32>, vector<128x64xf32> -> vector<256x64xf32>
    %dot_general3A_2049 = arith.constant dense<0.000000e+00> : vector<64x256xf32>
    %dot_general3A_2050 = tpu.matmul %concatenate3A_2048, %get3A_1, %dot_general3A_2049 {dimension_numbers = #tpu.dot_dimension_numbers<[0], [0], [1], [1], [0, 1, 1, 1], [], []>, transpose_lhs_hint = false} : vector<256x64xf32>, vector<256x256xf32>, vector<64x256xf32> -> vector<64x256xf32>
    %get3A_2051 = arith.constant 43 : index
    %get3A_2052 = arith.constant 0 : index
    %get3A_2053 = arith.constant 0 : index
    %get3A_2054 = vector.load %arg4[%get3A_2051, %get3A_2052, %get3A_2053] : memref<50x64x8xf32, #tpu.memory_space<vmem>>, vector<1x64x1xf32>
    %get3A_2055 = vector.shape_cast %get3A_2054 : vector<1x64x1xf32> to vector<64x1xf32>
    %add3A_2056 = vector.broadcast %get3A_2055 : vector<64x1xf32> to vector<64x256xf32>
    %add3A_2057 = arith.addf %dot_general3A_2050, %add3A_2056 : vector<64x256xf32>
    %swap3A_2058 = arith.constant 1 : index
    %swap3A_2059 = arith.constant 43 : index
    %swap3A_2060 = arith.constant 0 : index
    %swap3A_2061 = arith.constant 0 : index
    %swap3A_2062 = vector.load %arg6[%swap3A_2058, %swap3A_2059, %swap3A_2060, %swap3A_2061] : memref<2x50x64x256xf32, #tpu.memory_space<vmem>>, vector<1x1x64x256xf32>
    %swap3A_2063 = vector.shape_cast %swap3A_2062 : vector<1x1x64x256xf32> to vector<64x256xf32>
    %swap3A_2064 = vector.shape_cast %add3A_2057 : vector<64x256xf32> to vector<1x1x64x256xf32>
    tpu.vector_store %arg6[%swap3A_2058, %swap3A_2059, %swap3A_2060, %swap3A_2061], %swap3A_2064 {strides = array<i32>} : memref<2x50x64x256xf32, #tpu.memory_space<vmem>>, vector<1x1x64x256xf32>,
    %get3A_2065 = arith.constant 5632 : index
    %get3A_2066 = arith.constant 0 : index
    %get3A_2067 = vector.load %arg3[%get3A_2065, %get3A_2066] : memref<6400x128xf32, #tpu.memory_space<vmem>>, vector<128x128xf32>
    %slice3A_2068 = vector.extract_strided_slice %get3A_2067 {offsets = [0, 0], sizes = [128, 64], strides = [1, 1]} : vector<128x128xf32> to vector<128x64xf32>
    %slice3A_2069 = vector.extract_strided_slice %get3A_2067 {offsets = [0, 64], sizes = [128, 64], strides = [1, 1]} : vector<128x128xf32> to vector<128x64xf32>
    %concatenate3A_2070 = tpu.concatenate %slice3A_2068, %slice3A_2069 in 0 : vector<128x64xf32>, vector<128x64xf32> -> vector<256x64xf32>
    %dot_general3A_2071 = arith.constant dense<0.000000e+00> : vector<64x256xf32>
    %dot_general3A_2072 = tpu.matmul %concatenate3A_2070, %get3A_1, %dot_general3A_2071 {dimension_numbers = #tpu.dot_dimension_numbers<[0], [0], [1], [1], [0, 1, 1, 1], [], []>, transpose_lhs_hint = false} : vector<256x64xf32>, vector<256x256xf32>, vector<64x256xf32> -> vector<64x256xf32>
    %get3A_2073 = arith.constant 44 : index
    %get3A_2074 = arith.constant 0 : index
    %get3A_2075 = arith.constant 0 : index
    %get3A_2076 = vector.load %arg4[%get3A_2073, %get3A_2074, %get3A_2075] : memref<50x64x8xf32, #tpu.memory_space<vmem>>, vector<1x64x1xf32>
    %get3A_2077 = vector.shape_cast %get3A_2076 : vector<1x64x1xf32> to vector<64x1xf32>
    %add3A_2078 = vector.broadcast %get3A_2077 : vector<64x1xf32> to vector<64x256xf32>
    %add3A_2079 = arith.addf %dot_general3A_2072, %add3A_2078 : vector<64x256xf32>
    %swap3A_2080 = arith.constant 1 : index
    %swap3A_2081 = arith.constant 44 : index
    %swap3A_2082 = arith.constant 0 : index
    %swap3A_2083 = arith.constant 0 : index
    %swap3A_2084 = vector.load %arg6[%swap3A_2080, %swap3A_2081, %swap3A_2082, %swap3A_2083] : memref<2x50x64x256xf32, #tpu.memory_space<vmem>>, vector<1x1x64x256xf32>
    %swap3A_2085 = vector.shape_cast %swap3A_2084 : vector<1x1x64x256xf32> to vector<64x256xf32>
    %swap3A_2086 = vector.shape_cast %add3A_2079 : vector<64x256xf32> to vector<1x1x64x256xf32>
    tpu.vector_store %arg6[%swap3A_2080, %swap3A_2081, %swap3A_2082, %swap3A_2083], %swap3A_2086 {strides = array<i32>} : memref<2x50x64x256xf32, #tpu.memory_space<vmem>>, vector<1x1x64x256xf32>,
    %get3A_2087 = arith.constant 5760 : index
    %get3A_2088 = arith.constant 0 : index
    %get3A_2089 = vector.load %arg3[%get3A_2087, %get3A_2088] : memref<6400x128xf32, #tpu.memory_space<vmem>>, vector<128x128xf32>
    %slice3A_2090 = vector.extract_strided_slice %get3A_2089 {offsets = [0, 0], sizes = [128, 64], strides = [1, 1]} : vector<128x128xf32> to vector<128x64xf32>
    %slice3A_2091 = vector.extract_strided_slice %get3A_2089 {offsets = [0, 64], sizes = [128, 64], strides = [1, 1]} : vector<128x128xf32> to vector<128x64xf32>
    %concatenate3A_2092 = tpu.concatenate %slice3A_2090, %slice3A_2091 in 0 : vector<128x64xf32>, vector<128x64xf32> -> vector<256x64xf32>
    %dot_general3A_2093 = arith.constant dense<0.000000e+00> : vector<64x256xf32>
    %dot_general3A_2094 = tpu.matmul %concatenate3A_2092, %get3A_1, %dot_general3A_2093 {dimension_numbers = #tpu.dot_dimension_numbers<[0], [0], [1], [1], [0, 1, 1, 1], [], []>, transpose_lhs_hint = false} : vector<256x64xf32>, vector<256x256xf32>, vector<64x256xf32> -> vector<64x256xf32>
    %get3A_2095 = arith.constant 45 : index
    %get3A_2096 = arith.constant 0 : index
    %get3A_2097 = arith.constant 0 : index
    %get3A_2098 = vector.load %arg4[%get3A_2095, %get3A_2096, %get3A_2097] : memref<50x64x8xf32, #tpu.memory_space<vmem>>, vector<1x64x1xf32>
    %get3A_2099 = vector.shape_cast %get3A_2098 : vector<1x64x1xf32> to vector<64x1xf32>
    %add3A_2100 = vector.broadcast %get3A_2099 : vector<64x1xf32> to vector<64x256xf32>
    %add3A_2101 = arith.addf %dot_general3A_2094, %add3A_2100 : vector<64x256xf32>
    %swap3A_2102 = arith.constant 1 : index
    %swap3A_2103 = arith.constant 45 : index
    %swap3A_2104 = arith.constant 0 : index
    %swap3A_2105 = arith.constant 0 : index
    %swap3A_2106 = vector.load %arg6[%swap3A_2102, %swap3A_2103, %swap3A_2104, %swap3A_2105] : memref<2x50x64x256xf32, #tpu.memory_space<vmem>>, vector<1x1x64x256xf32>
    %swap3A_2107 = vector.shape_cast %swap3A_2106 : vector<1x1x64x256xf32> to vector<64x256xf32>
    %swap3A_2108 = vector.shape_cast %add3A_2101 : vector<64x256xf32> to vector<1x1x64x256xf32>
    tpu.vector_store %arg6[%swap3A_2102, %swap3A_2103, %swap3A_2104, %swap3A_2105], %swap3A_2108 {strides = array<i32>} : memref<2x50x64x256xf32, #tpu.memory_space<vmem>>, vector<1x1x64x256xf32>,
    %get3A_2109 = arith.constant 5888 : index
    %get3A_2110 = arith.constant 0 : index
    %get3A_2111 = vector.load %arg3[%get3A_2109, %get3A_2110] : memref<6400x128xf32, #tpu.memory_space<vmem>>, vector<128x128xf32>
    %slice3A_2112 = vector.extract_strided_slice %get3A_2111 {offsets = [0, 0], sizes = [128, 64], strides = [1, 1]} : vector<128x128xf32> to vector<128x64xf32>
    %slice3A_2113 = vector.extract_strided_slice %get3A_2111 {offsets = [0, 64], sizes = [128, 64], strides = [1, 1]} : vector<128x128xf32> to vector<128x64xf32>
    %concatenate3A_2114 = tpu.concatenate %slice3A_2112, %slice3A_2113 in 0 : vector<128x64xf32>, vector<128x64xf32> -> vector<256x64xf32>
    %dot_general3A_2115 = arith.constant dense<0.000000e+00> : vector<64x256xf32>
    %dot_general3A_2116 = tpu.matmul %concatenate3A_2114, %get3A_1, %dot_general3A_2115 {dimension_numbers = #tpu.dot_dimension_numbers<[0], [0], [1], [1], [0, 1, 1, 1], [], []>, transpose_lhs_hint = false} : vector<256x64xf32>, vector<256x256xf32>, vector<64x256xf32> -> vector<64x256xf32>
    %get3A_2117 = arith.constant 46 : index
    %get3A_2118 = arith.constant 0 : index
    %get3A_2119 = arith.constant 0 : index
    %get3A_2120 = vector.load %arg4[%get3A_2117, %get3A_2118, %get3A_2119] : memref<50x64x8xf32, #tpu.memory_space<vmem>>, vector<1x64x1xf32>
    %get3A_2121 = vector.shape_cast %get3A_2120 : vector<1x64x1xf32> to vector<64x1xf32>
    %add3A_2122 = vector.broadcast %get3A_2121 : vector<64x1xf32> to vector<64x256xf32>
    %add3A_2123 = arith.addf %dot_general3A_2116, %add3A_2122 : vector<64x256xf32>
    %swap3A_2124 = arith.constant 1 : index
    %swap3A_2125 = arith.constant 46 : index
    %swap3A_2126 = arith.constant 0 : index
    %swap3A_2127 = arith.constant 0 : index
    %swap3A_2128 = vector.load %arg6[%swap3A_2124, %swap3A_2125, %swap3A_2126, %swap3A_2127] : memref<2x50x64x256xf32, #tpu.memory_space<vmem>>, vector<1x1x64x256xf32>
    %swap3A_2129 = vector.shape_cast %swap3A_2128 : vector<1x1x64x256xf32> to vector<64x256xf32>
    %swap3A_2130 = vector.shape_cast %add3A_2123 : vector<64x256xf32> to vector<1x1x64x256xf32>
    tpu.vector_store %arg6[%swap3A_2124, %swap3A_2125, %swap3A_2126, %swap3A_2127], %swap3A_2130 {strides = array<i32>} : memref<2x50x64x256xf32, #tpu.memory_space<vmem>>, vector<1x1x64x256xf32>,
    %get3A_2131 = arith.constant 6016 : index
    %get3A_2132 = arith.constant 0 : index
    %get3A_2133 = vector.load %arg3[%get3A_2131, %get3A_2132] : memref<6400x128xf32, #tpu.memory_space<vmem>>, vector<128x128xf32>
    %slice3A_2134 = vector.extract_strided_slice %get3A_2133 {offsets = [0, 0], sizes = [128, 64], strides = [1, 1]} : vector<128x128xf32> to vector<128x64xf32>
    %slice3A_2135 = vector.extract_strided_slice %get3A_2133 {offsets = [0, 64], sizes = [128, 64], strides = [1, 1]} : vector<128x128xf32> to vector<128x64xf32>
    %concatenate3A_2136 = tpu.concatenate %slice3A_2134, %slice3A_2135 in 0 : vector<128x64xf32>, vector<128x64xf32> -> vector<256x64xf32>
    %dot_general3A_2137 = arith.constant dense<0.000000e+00> : vector<64x256xf32>
    %dot_general3A_2138 = tpu.matmul %concatenate3A_2136, %get3A_1, %dot_general3A_2137 {dimension_numbers = #tpu.dot_dimension_numbers<[0], [0], [1], [1], [0, 1, 1, 1], [], []>, transpose_lhs_hint = false} : vector<256x64xf32>, vector<256x256xf32>, vector<64x256xf32> -> vector<64x256xf32>
    %get3A_2139 = arith.constant 47 : index
    %get3A_2140 = arith.constant 0 : index
    %get3A_2141 = arith.constant 0 : index
    %get3A_2142 = vector.load %arg4[%get3A_2139, %get3A_2140, %get3A_2141] : memref<50x64x8xf32, #tpu.memory_space<vmem>>, vector<1x64x1xf32>
    %get3A_2143 = vector.shape_cast %get3A_2142 : vector<1x64x1xf32> to vector<64x1xf32>
    %add3A_2144 = vector.broadcast %get3A_2143 : vector<64x1xf32> to vector<64x256xf32>
    %add3A_2145 = arith.addf %dot_general3A_2138, %add3A_2144 : vector<64x256xf32>
    %swap3A_2146 = arith.constant 1 : index
    %swap3A_2147 = arith.constant 47 : index
    %swap3A_2148 = arith.constant 0 : index
    %swap3A_2149 = arith.constant 0 : index
    %swap3A_2150 = vector.load %arg6[%swap3A_2146, %swap3A_2147, %swap3A_2148, %swap3A_2149] : memref<2x50x64x256xf32, #tpu.memory_space<vmem>>, vector<1x1x64x256xf32>
    %swap3A_2151 = vector.shape_cast %swap3A_2150 : vector<1x1x64x256xf32> to vector<64x256xf32>
    %swap3A_2152 = vector.shape_cast %add3A_2145 : vector<64x256xf32> to vector<1x1x64x256xf32>
    tpu.vector_store %arg6[%swap3A_2146, %swap3A_2147, %swap3A_2148, %swap3A_2149], %swap3A_2152 {strides = array<i32>} : memref<2x50x64x256xf32, #tpu.memory_space<vmem>>, vector<1x1x64x256xf32>,
    %get3A_2153 = arith.constant 6144 : index
    %get3A_2154 = arith.constant 0 : index
    %get3A_2155 = vector.load %arg3[%get3A_2153, %get3A_2154] : memref<6400x128xf32, #tpu.memory_space<vmem>>, vector<128x128xf32>
    %slice3A_2156 = vector.extract_strided_slice %get3A_2155 {offsets = [0, 0], sizes = [128, 64], strides = [1, 1]} : vector<128x128xf32> to vector<128x64xf32>
    %slice3A_2157 = vector.extract_strided_slice %get3A_2155 {offsets = [0, 64], sizes = [128, 64], strides = [1, 1]} : vector<128x128xf32> to vector<128x64xf32>
    %concatenate3A_2158 = tpu.concatenate %slice3A_2156, %slice3A_2157 in 0 : vector<128x64xf32>, vector<128x64xf32> -> vector<256x64xf32>
    %dot_general3A_2159 = arith.constant dense<0.000000e+00> : vector<64x256xf32>
    %dot_general3A_2160 = tpu.matmul %concatenate3A_2158, %get3A_1, %dot_general3A_2159 {dimension_numbers = #tpu.dot_dimension_numbers<[0], [0], [1], [1], [0, 1, 1, 1], [], []>, transpose_lhs_hint = false} : vector<256x64xf32>, vector<256x256xf32>, vector<64x256xf32> -> vector<64x256xf32>
    %get3A_2161 = arith.constant 48 : index
    %get3A_2162 = arith.constant 0 : index
    %get3A_2163 = arith.constant 0 : index
    %get3A_2164 = vector.load %arg4[%get3A_2161, %get3A_2162, %get3A_2163] : memref<50x64x8xf32, #tpu.memory_space<vmem>>, vector<1x64x1xf32>
    %get3A_2165 = vector.shape_cast %get3A_2164 : vector<1x64x1xf32> to vector<64x1xf32>
    %add3A_2166 = vector.broadcast %get3A_2165 : vector<64x1xf32> to vector<64x256xf32>
    %add3A_2167 = arith.addf %dot_general3A_2160, %add3A_2166 : vector<64x256xf32>
    %swap3A_2168 = arith.constant 1 : index
    %swap3A_2169 = arith.constant 48 : index
    %swap3A_2170 = arith.constant 0 : index
    %swap3A_2171 = arith.constant 0 : index
    %swap3A_2172 = vector.load %arg6[%swap3A_2168, %swap3A_2169, %swap3A_2170, %swap3A_2171] : memref<2x50x64x256xf32, #tpu.memory_space<vmem>>, vector<1x1x64x256xf32>
    %swap3A_2173 = vector.shape_cast %swap3A_2172 : vector<1x1x64x256xf32> to vector<64x256xf32>
    %swap3A_2174 = vector.shape_cast %add3A_2167 : vector<64x256xf32> to vector<1x1x64x256xf32>
    tpu.vector_store %arg6[%swap3A_2168, %swap3A_2169, %swap3A_2170, %swap3A_2171], %swap3A_2174 {strides = array<i32>} : memref<2x50x64x256xf32, #tpu.memory_space<vmem>>, vector<1x1x64x256xf32>,
    %get3A_2175 = arith.constant 6272 : index
    %get3A_2176 = arith.constant 0 : index
    %get3A_2177 = vector.load %arg3[%get3A_2175, %get3A_2176] : memref<6400x128xf32, #tpu.memory_space<vmem>>, vector<128x128xf32>
    %slice3A_2178 = vector.extract_strided_slice %get3A_2177 {offsets = [0, 0], sizes = [128, 64], strides = [1, 1]} : vector<128x128xf32> to vector<128x64xf32>
    %slice3A_2179 = vector.extract_strided_slice %get3A_2177 {offsets = [0, 64], sizes = [128, 64], strides = [1, 1]} : vector<128x128xf32> to vector<128x64xf32>
    %concatenate3A_2180 = tpu.concatenate %slice3A_2178, %slice3A_2179 in 0 : vector<128x64xf32>, vector<128x64xf32> -> vector<256x64xf32>
    %dot_general3A_2181 = arith.constant dense<0.000000e+00> : vector<64x256xf32>
    %dot_general3A_2182 = tpu.matmul %concatenate3A_2180, %get3A_1, %dot_general3A_2181 {dimension_numbers = #tpu.dot_dimension_numbers<[0], [0], [1], [1], [0, 1, 1, 1], [], []>, transpose_lhs_hint = false} : vector<256x64xf32>, vector<256x256xf32>, vector<64x256xf32> -> vector<64x256xf32>
    %get3A_2183 = arith.constant 49 : index
    %get3A_2184 = arith.constant 0 : index
    %get3A_2185 = arith.constant 0 : index
    %get3A_2186 = vector.load %arg4[%get3A_2183, %get3A_2184, %get3A_2185] : memref<50x64x8xf32, #tpu.memory_space<vmem>>, vector<1x64x1xf32>
    %get3A_2187 = vector.shape_cast %get3A_2186 : vector<1x64x1xf32> to vector<64x1xf32>
    %add3A_2188 = vector.broadcast %get3A_2187 : vector<64x1xf32> to vector<64x256xf32>
    %add3A_2189 = arith.addf %dot_general3A_2182, %add3A_2188 : vector<64x256xf32>
    %swap3A_2190 = arith.constant 1 : index
    %swap3A_2191 = arith.constant 49 : index
    %swap3A_2192 = arith.constant 0 : index
    %swap3A_2193 = arith.constant 0 : index
    %swap3A_2194 = vector.load %arg6[%swap3A_2190, %swap3A_2191, %swap3A_2192, %swap3A_2193] : memref<2x50x64x256xf32, #tpu.memory_space<vmem>>, vector<1x1x64x256xf32>
    %swap3A_2195 = vector.shape_cast %swap3A_2194 : vector<1x1x64x256xf32> to vector<64x256xf32>
    %swap3A_2196 = vector.shape_cast %add3A_2189 : vector<64x256xf32> to vector<1x1x64x256xf32>
    tpu.vector_store %arg6[%swap3A_2190, %swap3A_2191, %swap3A_2192, %swap3A_2193], %swap3A_2196 {strides = array<i32>} : memref<2x50x64x256xf32, #tpu.memory_space<vmem>>, vector<1x1x64x256xf32>,
    return
  }
  func.func @transform_1(%arg0: i32) -> (i32, i32) {
    %c0_i32 = arith.constant 0 : i32
    %c0_i32_0 = arith.constant 0 : i32
    return %arg0, %c0_i32 : i32, i32
  }
  func.func @transform_2(%arg0: i32) -> (i32, i32) {
    %c0_i32 = arith.constant 0 : i32
    %c0_i32_0 = arith.constant 0 : i32
    return %arg0, %c0_i32 : i32, i32
  }
  func.func @transform_3(%arg0: i32) -> (i32, i32, i32) {
    %c0_i32 = arith.constant 0 : i32
    %c0_i32_0 = arith.constant 0 : i32
    %c0_i32_1 = arith.constant 0 : i32
    return %arg0, %c0_i32, %c0_i32_0 : i32, i32, i32
  }
  func.func @transform_4(%arg0: i32) -> (i32, i32) {
    %c0_i32 = arith.constant 0 : i32
    %c0_i32_0 = arith.constant 0 : i32
    %c0_i32_1 = arith.constant 0 : i32
    return %c0_i32, %c0_i32_0 : i32, i32
  }
  func.func @transform_5(%arg0: i32) -> (i32, i32, i32, i32) {
    %c0_i32 = arith.constant 0 : i32
    %c0_i32_0 = arith.constant 0 : i32
    %c0_i32_1 = arith.constant 0 : i32
    %c0_i32_2 = arith.constant 0 : i32
    return %c0_i32, %arg0, %c0_i32_0, %c0_i32_1 : i32, i32, i32, i32
  }
}

</mosaic_0001>

<sc_bundles>
// kernel: kernel.7.cloned.1.call-start
scs
__scs_entry_jumppad:
0x0: {  	(pc) =	sbr.rel $0x88, $3  }
0x1: {  	(tag) =	ssettag $0x0;
	lr =	simm.s32 $0x1  }
0x2: {  	[smem:$0x3F9B] =	sst lr;
	_ =	strace $0xD0000000  }
0x3: {  	_ = 	snop  }
0x4: {  	_ = 	snop  }
0x5: {  	_ = 	snop  }
0x6: {  	_ = 	snop  }
0x7: {  	_ = 	snop  }
__scs_overlays_trampoline_lowered:
0x8: {  	[smem:$0x3FAA] =	sst s0  }
0x9: {  	[smem:$0x3FAB] =	sst s1  }
0xa: {  	[smem:$0x3FAC] =	sst s2  }
0xb: {  	[smem:$0x3FAD] =	sst s3  }
0xc: {  	[smem:$0x3FAE] =	sst s4  }
0xd: {  	[smem:$0x3FAF] =	sst s5  }
0xe: {  	[smem:$0x3FB0] =	sst s6  }
0xf: {  	[smem:$0x3FB1] =	sst s7  }
0x10: {  	[smem:$0x3FB2] =	sst s8  }
0x11: {  	[smem:$0x3FB3] =	sst s9;
	s0 =	simm.s32 @!p0 $0x0  }
0x12: {  	s1 =	sld [smem:$0x3F99];
	s0 =	simm.s32 @p0 $0x1  }
0x13: {  	[smem:$0x3FB4] =	sst s0;
	s0 =	simm.s32 @!p1 $0x0  }
0x14: {  	s2 =	sld [smem:$0x3F98];
	s0 =	simm.s32 @p1 $0x1  }
0x15: {  	[smem:$0x3FB5] =	sst s0;
	s0 =	simm.s32 @!p2 $0x0  }
0x16: {  	s3 =	sld [smem:$0x3FDB];
	s0 =	simm.s32 @p2 $0x1  }
0x17: {  	s4 =	simm.s32 $0x1BF5;
	[smem:$0x3FB7] =	sst s0  }
0x18: {  	s0 =	sld [smem:$0x3F9A];
	_ =	swait.ge [sflag:s4], $0x0  }
0x19: {  	s7 =	sld [smem:$0x3F9B]  }
0x1a: {  	s8 =	sadd.s32 $0xFFFFE003, lr  }
0x1b: {  	s9 =	sadd.s32 $0xFFFFFEF7, lr;
	s5 =	simm.s32 $0xFFFFFFFF;
	p2 =	slt.u32 s8, $0xFFFFF086  }
0x1c: {  	p1 =	slt.u32 s9, $0xF7A;
	s5 =	simm.s32 @!p2 $0x0  }
0x1d: {  	s5 =	simm.s32 @p1 $0x1;
	p0 =	seq.s32 s7, s2  }
0x1e: {  	s7 =	smul.u32 @!p0 $0xF7A, s2;
	p2 =	seq.s32 @!p0 s5, $0x0  }
0x1f: {  	s9 =	smul.u32 $0xF7A, s1;
	s8 =	simm.s32 @!p0 $0x1BF5;
	p2 =	por !p2, p0  }
0x20: {  	[sflag:s8] =	ssyncset.s32 @!p0 $0xFFFFF086;
	s6 =	sadd.s32 @!p0 s3, s7;
	s7 =	simm.s32 @!p0 $0x108  }
0x21: {  	s3 =	sadd.s32 s3, s9;
	s6 =	sadd.s32 @!p0 $0x88, s6;
	s7 =	simm.s32 @p2 $0x1082  }
0x22: {  	[simem:s7], [sflag:s8] =	dma.local @!p0 [hbm:s6], $0xF7A  }
0x23: {  	s9 =	sor.u32 $0xD0000000, s2;
	s6 =	simm.s32 $0x108;
	_ =	swait.ge @!p0 [sflag:s8], $0x0  }
0x24: {  	s3 =	sadd.s32 $0x88, s3;
	s6 =	simm.s32 @!p1 $0x1082;
	[sflag:s4] =	ssyncset.s32 $0xFFFFF086  }
0x25: {  	[simem:s6], [sflag:s4] =	dma.local [hbm:s3], $0xF7A  }
0x26: {  	[smem:$0x3F9B] =	sst s1;
	(tag) =	ssettag s2;
	_ =	strace s9  }
0x27: {  	s1 =	sld [smem:$0x3FAB]  }
0x28: {  	s2 =	sld [smem:$0x3FAC]  }
0x29: {  	s4 =	sld [smem:$0x3FAE]  }
0x2a: {  	p0 =	seq.s32 s5, $0x0;
	s5 =	sld [smem:$0x3FAF]  }
0x2b: {  	s6 =	sld [smem:$0x3FB0]  }
0x2c: {  	s7 =	sld [smem:$0x3FB1]  }
0x2d: {  	s3 =	simm.s32 $0x108;
	s8 =	sld [smem:$0x3FB2]  }
0x2e: {  	s3 =	simm.s32 @!p0 $0x1082;
	s9 =	sld [smem:$0x3FB3]  }
0x2f: {  	lr =	sadd.s32 s0, s3;
	s0 =	sld [smem:$0x3FAA]  }
0x30: {  	s3 =	sld [smem:$0x3FAD]  }
0x31: {  	[smem:$0x3FB6] =	sst s10  }
0x32: {  	s10 =	sld [smem:$0x3FB4];
	_ =	sdelay $0x3  }
0x33: {  	p0 =	seq.s32 s10, $0x1;
	s10 =	sld [smem:$0x3FB6];
	_ =	sdelay $0x3  }
0x34: {  	[smem:$0x3FB6] =	sst s10  }
0x35: {  	s10 =	sld [smem:$0x3FB5];
	_ =	sdelay $0x3  }
0x36: {  	p1 =	seq.s32 s10, $0x1;
	s10 =	sld [smem:$0x3FB6];
	_ =	sdelay $0x3  }
0x37: {  	[smem:$0x3FB6] =	sst s10  }
0x38: {  	s10 =	sld [smem:$0x3FB7]  }
0x39: {  	_ = 	snop;
	(pc) =	sbr.ind lr, $3  }
0x3a: {  	_ = 	snop  }
0x3b: {  	_ = 	snop  }
0x3c: {  	p2 =	seq.s32 s10, $0x1;
	s10 =	sld [smem:$0x3FB6]  }
0x3d: {  	_ =	shalt  }
0x3e: {  	_ =	shalt  }
0x3f: {  	_ =	shalt  }
0x40: {  	_ =	shalt  }
0x41: {  	_ =	shalt  }
0x42: {  	_ =	shalt  }
0x43: {  	_ =	shalt  }
0x44: {  	_ =	shalt  }
0x45: {  	_ =	shalt  }
0x46: {  	_ =	shalt  }
0x47: {  	_ =	shalt  }
0x48: {  	_ =	shalt  }
0x49: {  	_ =	shalt  }
0x4a: {  	_ =	shalt  }
0x4b: {  	_ =	shalt  }
0x4c: {  	_ =	shalt  }
0x4d: {  	_ =	shalt  }
0x4e: {  	_ =	shalt  }
0x4f: {  	_ =	shalt  }
0x50: {  	_ =	shalt  }
0x51: {  	_ =	shalt  }
0x52: {  	_ =	shalt  }
0x53: {  	_ =	shalt  }
0x54: {  	_ =	shalt  }
0x55: {  	_ =	shalt  }
0x56: {  	_ =	shalt  }
0x57: {  	_ =	shalt  }
0x58: {  	_ =	shalt  }
0x59: {  	_ =	shalt  }
0x5a: {  	_ =	shalt  }
0x5b: {  	_ =	shalt  }
0x5c: {  	_ =	shalt  }
0x5d: {  	_ =	shalt  }
0x5e: {  	_ =	shalt  }
0x5f: {  	_ =	shalt  }
0x60: {  	_ =	shalt  }
0x61: {  	_ =	shalt  }
0x62: {  	_ =	shalt  }
0x63: {  	_ =	shalt  }
0x64: {  	_ =	shalt  }
0x65: {  	_ =	shalt  }
0x66: {  	_ =	shalt  }
0x67: {  	_ =	shalt  }
0x68: {  	_ =	shalt  }
0x69: {  	_ =	shalt  }
0x6a: {  	_ =	shalt  }
0x6b: {  	_ =	shalt  }
0x6c: {  	_ =	shalt  }
0x6d: {  	_ =	shalt  }
0x6e: {  	_ =	shalt  }
0x6f: {  	_ =	shalt  }
0x70: {  	_ =	shalt  }
0x71: {  	_ =	shalt  }
0x72: {  	_ =	shalt  }
0x73: {  	_ =	shalt  }
0x74: {  	_ =	shalt  }
0x75: {  	_ =	shalt  }
0x76: {  	_ =	shalt  }
0x77: {  	_ =	shalt  }
0x78: {  	_ =	shalt  }
0x79: {  	_ =	shalt  }
0x7a: {  	_ =	shalt  }
0x7b: {  	_ =	shalt  }
0x7c: {  	_ =	shalt  }
0x7d: {  	_ =	shalt  }
0x7e: {  	_ =	shalt  }
0x7f: {  	_ =	shalt  }
0x80: {  	_ =	shalt  }
0x81: {  	_ =	shalt  }
0x82: {  	_ =	shalt  }
0x83: {  	_ =	shalt  }
0x84: {  	_ =	shalt  }
0x85: {  	_ =	shalt  }
0x86: {  	_ =	shalt  }
0x87: {  	_ =	shalt  }
.Lfunc_end0:
.L_simem_size_0:
called_computation_lowered:
.L_overlay_start_0:
0x88: {  	s2 =	sld [smem:$0x3FD9]  }
0x89: {  	s3 =	sld [smem:$0x3FFE];
	_ =	sdelay $0x1  }
0x8a: {  	s1 =	srdreg.scid  }
0x8b: {  	s0 =	sand.u32 $0x1, s1  }
0x8c: {  	s16 =	sshll.u32 s0, $0xA;
	s2 =	sadd.s32 s3, s2  }
0x8d: {  	s2 =	sadd.s32 s2, s16  }
0x8e: {  	[smem:$0x3FC2] =	sst s2  }
0x8f: {  	_ = 	snop  }
0x90: {  	(tm) =	ssettm $0x1  }
0x91: {  	s17 =	sld [smem:$0x3FFB];
	_ =	sdelay $0x3  }
0x92: {  	_ =	strace s17  }
0x93: {  	s2 =	sld [smem:$0x3FFC];
	_ =	sdelay $0x3  }
0x94: {  	_ =	strace s2  }
0x95: {  	s2 =	sld [smem:$0x3FFD];
	_ =	sdelay $0x3  }
0x96: {  	_ =	strace s2  }
0x97: {  	_ =	strace $0x8FFFFFFF  }
0x98: {  	s18 =	sld [smem:$0x3FDB];
	_ =	sdelay $0x1  }
0x99: {  	s19 =	simm.s32 $_scs_section_size  }
0x9a: {  	s4 =	simm.s32 $_size__tile_overlayer_lowered;
	s5 =	simm.s32 $_tile_overlayer_lowered  }
0x9b: {  	s22 =	simm.s32 $0x1BFF;
	s21 =	sshll.u32 s5, $0x1;
	s2 =	sadd.s32 s19, s18  }
0x9c: {  	s6 =	simm.s32 $0x0;
	s20 =	sshll.u32 s4, $0x1;
	s4 =	sadd.s32 s21, s2  }
0x9d: {  	[timem:s6], [sflag:s22] =	dma.local [hbm:s4], s20  }
0x9e: {  	_ =	swait.ge [sflag:s22], s20  }
0x9f: {  	s3 =	ssub.s32 $0x0, s20;
	[sflag:s22] =	ssyncset.done $0x0  }
0xa0: {  	[sflag:s22] =	ssyncadd.s32 s3;
	_ =	sdelay $0x1  }
0xa1: {  	s23 =	simm.s32 $0x1B8B  }
0xa2: {  	_ =	swait.ge [sflag:s23], $0x1  }
0xa3: {  	[sflag:s23] =	ssyncset.done $0x0  }
0xa4: {  	s25 =	simm.s32 $0x1B8E;
	s24 =	sld [smem:$0x3FFE];
	[sflag:s23] =	ssyncadd.s32 $0xFFFFFFFF  }
0xa5: {  	s26 =	simm.s32 $execute0_lowered;
	[smem:$0x3FD2] =	sst s25  }
0xa6: {  	s4 =	sshll.u32 s26, $0x1;
	_ =	strace $0x80000046;
	[dreg:$0x1] =	wrdreg $0xFFFFFFFF  }
0xa7: {  	s28 =	simm.s32 $_size_execute0_lowered;
	s2 =	sadd.s32 s2, s4;
	[dreg:$0x0] =	wrdreg $0x0  }
0xa8: {  	s4 =	sshll.u32 s28, $0x1;
	[dreg:$0x2] =	wrdreg s2  }
0xa9: {  	[dreg:$0x3] =	wrdreg s4  }
0xaa: {  	[dreg:$0x4] =	wrdreg $0xC0  }
0xab: {  	_ =	task [dreg:s6], $0x5FFFF  }
0xac: {  	[dreg:$0x1] =	wrdreg $0xFFFFFFFF  }
0xad: {  	[dreg:$0x0] =	wrdreg $0x60  }
0xae: {  	[dreg:$0x2] =	wrdreg s24  }
0xaf: {  	[dreg:$0x3] =	wrdreg $0x196400  }
0xb0: {  	[dreg:$0x4] =	wrdreg $0x9  }
0xb1: {  	_ =	task.clear_ibuf [dreg:s6], $0x5FFFF;
	_ =	strace $0x90000046  }
0xb2: {  	s29 =	simm.s32 $0x9;
	_ =	strace $0x80000048  }
0xb3: {  	_ =	swait.ge [sflag:s29], $0x1  }
0xb4: {  	[sflag:s29] =	ssyncadd.s32 $0xFFFFFFFF  }
0xb5: {  	_ =	strace $0x90000048  }
0xb6: {  	_ =	sfence  }
0xb7: {  	s30 =	sld [smem:$0x0];
	_ =	sdelay $0x2  }
0xb8: {  	s31 =	sshll.u32 s1, $0xD;
	s1 =	sshrl.u32 s1, $0x2  }
0xb9: {  	s3 =	sand.u32 $0x4000, s31;
	s1 =	sadd.s32 s1, s30  }
0xba: {  	s0 =	sor.u32 s3, s0;
	s1 =	sshll.u32 s1, $0x11  }
0xbb: {  	s0 =	sor.u32 s1, s0  }
0xbc: {  	s0 =	sadd.s32 $0x8F2B, s0  }
0xbd: {  	[sflag:s0] =	ssyncadd.remote.s32 $0x1  }
0xbe: {  	_ =	sfence.sel $0xFFFF  }
0xbf: {  	[dreg:$0x0] =	wrdreg $0xFFFFFFFF;
	(pc) =	sbr.abs _section_cstart, $3  }
0xc0: {  	[dreg:$0x1] =	wrdreg $0xFFFFFFFF  }
0xc1: {  	_ =	task.clear_ibuf [dreg:s6], $0x2FFFF;
	_ =	strace $0x9FFFFFFF  }
0xc2: {  	(tm) =	ssettm $0x7FFFFFFF  }
0xc3: {  	_ =	shalt  }
tec
execute0_lowered:
.L_overlay_start_1:
0x0: {  	(tag) =	ssettag $0x1  }
0x1: {  	s0 =	srdreg.scid  }
0x2: {  	s4 =	stileid.u32;
	s5 =	rddreg [dreg:$0x0]  }
0x3: {  	s1 =	rddreg [dreg:$0x1];
	s13 =	simm.s32 $0x2;
	s14 =	simm.s32 $0x80  }
0x4: {  	s15 =	simm.s32 $0x4640;
	s17 =	simm.s32 $0x8640;
	s19 =	simm.s32 $0xC640  }
0x5: {  	s21 =	simm.s32 $0x10640;
	s22 =	simm.s32 $0x280;
	s23 =	simm.s32 $0x14640  }
0x6: {  	s28 =	simm.s32 $0x1;
	s29 =	simm.s32 $0x320;
	s30 =	simm.s32 $0x3A0  }
0x7: {  	s31 =	simm.s32 $0x420;
	s0 =	sand.u32 $0x1, s0;
	s2 =	sshll.u32 s4, $0x1  }
0x8: {  	s7 =	sadd.s32 $0x188800, s5;
	s9 =	sadd.s32 $0x18FC00, s5;
	s6 =	sor.u32 s0, s2  }
0x9: {  	p0 =	sne.s32 s4, $0x0;
	s4 =	simm.s32 $0x520;
	s3 =	smul.u32 $0xC8, s6  }
0xa: {  	s2 =	simm.s32 $0x0;
	s0 =	ssub.s32 $0x2, s0;
	s24 =	smul.u32 $0x19000, s6  }
0xb: {  	[smem:$0x7FF] =	sst s2;
	s10 =	sshrl.u32 s0, $0x1;
	s11 =	smul.u32 $0x3200, s6  }
0xc: {  	_ =	strace $0x80000047;
	[dreg:$0x3] =	wrdreg s7;
	s0 =	ssub.s32 s0, s10  }
0xd: {  	s8 =	sadd.s32 s3, s5;
	s3 =	sadd.s32 $0x1E00, s5;
	s5 =	sadd.s32 $0x1F3C00, s5  }
0xe: {  	s7 =	sshrl.u32 s24, $0x3;
	s6 =	sadd.s32 s9, s11;
	s0 =	smax.u32 s0, $0x1  }
0xf: {  	s24 =	simm.s32 $0x20;
	s25 =	sadd.s32 $0x18E200, s8;
	[dreg:$0x6] =	wrdreg s0  }
0x10: {  	s26 =	sadd.s32 $0x1900, s7;
	s8 =	sadd.s32 $0x18C800, s8;
	[dreg:$0x4] =	wrdreg s25  }
0x11: {  	s0 =	sshrl.u32 @!p0 s1, $0x3;
	s7 =	sadd.s32 s9, s26;
	[dreg:$0x5] =	wrdreg s8  }
0x12: {  	s9 =	sadd.s32 s5, s11;
	s10 =	sadd.s32 s5, s26;
	[dreg:$0x7] =	wrdreg s0  }
0x13: {  	s25 =	simm.s32 $0x300;
	s26 =	simm.s32 $0x18640;
	s0 =	simm.s32 $0x4A0  }
0x14: {  	s5 =	simm.s32 $0x5A0;
	s8 =	simm.s32 $0x620;
	s11 =	simm.s32 $0x0  }
.LBB2_1:
0x15: {  	s16 =	rddreg [dreg:$0x3]  }
0x16: {  	s12 =	simm.s32 @!p0 $0x1C02;
	s18 =	rddreg [dreg:$0x7]  }
0x17: {  	[spmem:s18], [sflag:s12] =	dma.local @!p0 [hbm:s16], $0x3E80  }
0x18: {  	s12 =	simm.s32 @!p0 $0x2  }
0x19: {  	_ =	swait.ge @!p0 [sflag:s12], $0x3E80  }
0x1a: {  	[sflag:s12] =	ssyncset.done @!p0 $0x0  }
0x1b: {  	s18 =	rddreg [dreg:$0x4];
	[sflag:s12] =	ssyncadd.s32 @!p0 $0xFFFFC180  }
0x1c: {  	[tilespmem:s2], [sflag:$0x2] =	stream.linear.gather [hbm4b:s18+s2], $0x640, $0x38;
	[tilespmem:$0x1B580] =	vst v63  }
0x1d: {  	_ =	swait.ge [sflag:s13], $0x640  }
0x1e: {  	[sflag:s13] =	ssyncset.done $0x0  }
0x1f: {  	s16 =	simm.s32 $0x640;
	[sflag:s13] =	ssyncadd.s32 $0xFFFFF9C0  }
0x20: {  	[tilespmem:s16], [sflag:$0x1] =	stream.indirect.gather [hbm4b:s3+s14], $0x80, s2, s14, $0xb8;
	[tilespmem:$0x1B580] =	vst v63  }
0x21: {  	_ = 	snop  }
0x22: {  	[tilespmem:s15], [sflag:$0x1] =	stream.indirect.gather [hbm4b:s3+s14], $0x80, s14, s14, $0xb8;
	[tilespmem:$0x1B580] =	vst v63  }
0x23: {  	s20 =	simm.s32 $0x100  }
0x24: {  	[tilespmem:s17], [sflag:$0x1] =	stream.indirect.gather [hbm4b:s3+s14], $0x80, s20, s14, $0xb8;
	[tilespmem:$0x1B580] =	vst v63  }
0x25: {  	s18 =	simm.s32 $0x180  }
0x26: {  	[tilespmem:s19], [sflag:$0x1] =	stream.indirect.gather [hbm4b:s3+s14], $0x80, s18, s14, $0xb8;
	[tilespmem:$0x1B580] =	vst v63  }
0x27: {  	s20 =	simm.s32 $0x200  }
0x28: {  	[tilespmem:s21], [sflag:$0x1] =	stream.indirect.gather [hbm4b:s3+s14], $0x80, s20, s14, $0xb8;
	[tilespmem:$0x1B580] =	vst v63  }
0x29: {  	_ = 	snop  }
0x2a: {  	[tilespmem:s23], [sflag:$0x1] =	stream.indirect.gather [hbm4b:s3+s14], $0x80, s22, s14, $0xb8;
	[tilespmem:$0x1B580] =	vst v63  }
0x2b: {  	_ = 	snop  }
0x2c: {  	[tilespmem:s26], [sflag:$0x1] =	stream.indirect.gather [hbm4b:s3+s24], $0x80, s25, s24, $0xb8;
	[tilespmem:$0x1B580] =	vst v63  }
0x2d: {  	_ =	swait.ge [sflag:s28], $0x4000  }
0x2e: {  	[sflag:s28] =	ssyncset.done $0x0  }
0x2f: {  	[sflag:s28] =	ssyncadd.s32 $0xFFFFC000  }
0x30: {  	_ =	swait.ge [sflag:s28], $0x4000  }
0x31: {  	[sflag:s28] =	ssyncset.done $0x0  }
0x32: {  	[sflag:s28] =	ssyncadd.s32 $0xFFFFC000  }
0x33: {  	_ =	swait.ge [sflag:s28], $0x4000  }
0x34: {  	[sflag:s28] =	ssyncset.done $0x0  }
0x35: {  	[sflag:s28] =	ssyncadd.s32 $0xFFFFC000  }
0x36: {  	_ =	swait.ge [sflag:s28], $0x4000  }
0x37: {  	[sflag:s28] =	ssyncset.done $0x0  }
0x38: {  	[sflag:s28] =	ssyncadd.s32 $0xFFFFC000  }
0x39: {  	_ =	swait.ge [sflag:s28], $0x4000  }
0x3a: {  	[sflag:s28] =	ssyncset.done $0x0  }
0x3b: {  	[sflag:s28] =	ssyncadd.s32 $0xFFFFC000  }
0x3c: {  	_ =	swait.ge [sflag:s28], $0x4000  }
0x3d: {  	[sflag:s28] =	ssyncset.done $0x0  }
0x3e: {  	[sflag:s28] =	ssyncadd.s32 $0xFFFFC000  }
0x3f: {  	_ =	swait.ge [sflag:s28], $0x1000  }
0x40: {  	s12 =	simm.s32 $0x8;
	[sflag:s28] =	ssyncset.done $0x0  }
0x41: {  	s18 =	simm.s32 $0x6C0;
	s20 =	sadd.s32 $0x0, s6;
	[sflag:s28] =	ssyncadd.s32 $0xFFFFF000  }
.LBB2_2:
0x42: {  	[hbm4b:s20+s2] =	stream.linear.scatter [tilespmem:s16], [sflag:$0x2], $0x40, $0x38;
	[tilespmem:$0x1B580] =	vst v63  }
0x43: {  	s20 =	smov.u32 s12;
	s16 =	smov.u32 s18;
	p1 =	sne.s32 s12, $0x18F8  }
.Ltmp0:
0x44: {  	s12 =	sadd.s32 $0x8, s12;
	(pc) =	sbr.rel @p1 .LBB2_2-.Ltmp0, $2  }
0x45: {  	_ =	sdelay $0x2  }
0x46: {  	s18 =	sadd.s32 $0x80, s18;
	s20 =	sadd.s32 s20, s6  }
0x47: {  	[hbm4b:s20+s2] =	stream.linear.scatter [tilespmem:s16], [sflag:$0x2], $0x40, $0x38;
	[tilespmem:$0x1B580] =	vst v63  }
0x48: {  	_ =	swait.ge [sflag:s13], $0xC800  }
0x49: {  	[sflag:s13] =	ssyncset.done $0x0  }
0x4a: {  	s16 =	simm.s32 $0x640;
	[sflag:s13] =	ssyncadd.s32 $0xFFFF3800  }
0x4b: {  	[tilespmem:s16], [sflag:$0x1] =	stream.indirect.gather [hbm4b:s3+s14], $0x80, s29, s14, $0xb8;
	[tilespmem:$0x1B580] =	vst v63  }
0x4c: {  	_ = 	snop  }
0x4d: {  	[tilespmem:s15], [sflag:$0x1] =	stream.indirect.gather [hbm4b:s3+s14], $0x80, s30, s14, $0xb8;
	[tilespmem:$0x1B580] =	vst v63  }
0x4e: {  	_ = 	snop  }
0x4f: {  	[tilespmem:s17], [sflag:$0x1] =	stream.indirect.gather [hbm4b:s3+s14], $0x80, s31, s14, $0xb8;
	[tilespmem:$0x1B580] =	vst v63  }
0x50: {  	_ = 	snop  }
0x51: {  	[tilespmem:s19], [sflag:$0x1] =	stream.indirect.gather [hbm4b:s3+s14], $0x80, s0, s14, $0xb8;
	[tilespmem:$0x1B580] =	vst v63  }
0x52: {  	_ = 	snop  }
0x53: {  	[tilespmem:s21], [sflag:$0x1] =	stream.indirect.gather [hbm4b:s3+s14], $0x80, s4, s14, $0xb8;
	[tilespmem:$0x1B580] =	vst v63  }
0x54: {  	_ = 	snop  }
0x55: {  	[tilespmem:s23], [sflag:$0x1] =	stream.indirect.gather [hbm4b:s3+s14], $0x80, s5, s14, $0xb8;
	[tilespmem:$0x1B580] =	vst v63  }
0x56: {  	_ = 	snop  }
0x57: {  	[tilespmem:s26], [sflag:$0x1] =	stream.indirect.gather [hbm4b:s3+s24], $0x80, s8, s24, $0xb8;
	[tilespmem:$0x1B580] =	vst v63  }
0x58: {  	_ =	swait.ge [sflag:s28], $0x4000  }
0x59: {  	[sflag:s28] =	ssyncset.done $0x0  }
0x5a: {  	[sflag:s28] =	ssyncadd.s32 $0xFFFFC000  }
0x5b: {  	_ =	swait.ge [sflag:s28], $0x4000  }
0x5c: {  	[sflag:s28] =	ssyncset.done $0x0  }
0x5d: {  	[sflag:s28] =	ssyncadd.s32 $0xFFFFC000  }
0x5e: {  	_ =	swait.ge [sflag:s28], $0x4000  }
0x5f: {  	[sflag:s28] =	ssyncset.done $0x0  }
0x60: {  	[sflag:s28] =	ssyncadd.s32 $0xFFFFC000  }
0x61: {  	_ =	swait.ge [sflag:s28], $0x4000  }
0x62: {  	[sflag:s28] =	ssyncset.done $0x0  }
0x63: {  	[sflag:s28] =	ssyncadd.s32 $0xFFFFC000  }
0x64: {  	_ =	swait.ge [sflag:s28], $0x4000  }
0x65: {  	[sflag:s28] =	ssyncset.done $0x0  }
0x66: {  	[sflag:s28] =	ssyncadd.s32 $0xFFFFC000  }
0x67: {  	_ =	swait.ge [sflag:s28], $0x4000  }
0x68: {  	[sflag:s28] =	ssyncset.done $0x0  }
0x69: {  	[sflag:s28] =	ssyncadd.s32 $0xFFFFC000  }
0x6a: {  	_ =	swait.ge [sflag:s28], $0x1000  }
0x6b: {  	s12 =	simm.s32 $0x8;
	[sflag:s28] =	ssyncset.done $0x0  }
0x6c: {  	s20 =	sadd.s32 $0x0, s7;
	s18 =	simm.s32 $0x6C0;
	[sflag:s28] =	ssyncadd.s32 $0xFFFFF000  }
.LBB2_4:
0x6d: {  	[hbm4b:s20+s2] =	stream.linear.scatter [tilespmem:s16], [sflag:$0x2], $0x40, $0x38;
	[tilespmem:$0x1B580] =	vst v63  }
0x6e: {  	s20 =	smov.u32 s12;
	s16 =	smov.u32 s18;
	p1 =	sne.s32 s12, $0x18F8  }
.Ltmp1:
0x6f: {  	s12 =	sadd.s32 $0x8, s12;
	(pc) =	sbr.rel @p1 .LBB2_4-.Ltmp1, $2  }
0x70: {  	_ =	sdelay $0x2  }
0x71: {  	s18 =	sadd.s32 $0x80, s18;
	s20 =	sadd.s32 s20, s7  }
0x72: {  	[hbm4b:s20+s2] =	stream.linear.scatter [tilespmem:s16], [sflag:$0x2], $0x40, $0x38;
	[tilespmem:$0x1B580] =	vst v63  }
0x73: {  	_ =	swait.ge [sflag:s13], $0xC800  }
0x74: {  	[sflag:s13] =	ssyncset.done $0x0  }
0x75: {  	[sflag:s13] =	ssyncadd.s32 $0xFFFF3800  }
0x76: {  	[bflag:$0x0] =	sbarrier.arrive $0xFFFF  }
0x77: {  	s12 =	simm.s32 $0x0;
	s18 =	rddreg [dreg:$0x5]  }
0x78: {  	[tilespmem:s12], [sflag:$0x2] =	stream.linear.gather [hbm4b:s18+s12], $0x640, $0x38;
	[tilespmem:$0x1B580] =	vst v63  }
0x79: {  	_ =	swait.ge [sflag:s13], $0x640  }
0x7a: {  	[sflag:s13] =	ssyncset.done $0x0  }
0x7b: {  	s16 =	simm.s32 $0x640;
	[sflag:s13] =	ssyncadd.s32 $0xFFFFF9C0  }
0x7c: {  	[tilespmem:s16], [sflag:$0x1] =	stream.indirect.gather [spmem:s1], $0x80, s12, s14, $0xb8;
	[tilespmem:$0x1B580] =	vst v63  }
0x7d: {  	_ = 	snop  }
0x7e: {  	[tilespmem:s15], [sflag:$0x1] =	stream.indirect.gather [spmem:s1], $0x80, s14, s14, $0xb8;
	[tilespmem:$0x1B580] =	vst v63  }
0x7f: {  	s20 =	simm.s32 $0x100  }
0x80: {  	[tilespmem:s17], [sflag:$0x1] =	stream.indirect.gather [spmem:s1], $0x80, s20, s14, $0xb8;
	[tilespmem:$0x1B580] =	vst v63  }
0x81: {  	s18 =	simm.s32 $0x180  }
0x82: {  	[tilespmem:s19], [sflag:$0x1] =	stream.indirect.gather [spmem:s1], $0x80, s18, s14, $0xb8;
	[tilespmem:$0x1B580] =	vst v63  }
0x83: {  	s20 =	simm.s32 $0x200  }
0x84: {  	[tilespmem:s21], [sflag:$0x1] =	stream.indirect.gather [spmem:s1], $0x80, s20, s14, $0xb8;
	[tilespmem:$0x1B580] =	vst v63  }
0x85: {  	_ = 	snop  }
0x86: {  	[tilespmem:s23], [sflag:$0x1] =	stream.indirect.gather [spmem:s1], $0x80, s22, s14, $0xb8;
	[tilespmem:$0x1B580] =	vst v63  }
0x87: {  	_ = 	snop  }
0x88: {  	[tilespmem:s26], [sflag:$0x1] =	stream.indirect.gather [spmem:s1], $0x80, s25, s24, $0xb8;
	[tilespmem:$0x1B580] =	vst v63  }
0x89: {  	_ =	swait.ge [sflag:s28], $0x4000  }
0x8a: {  	[sflag:s28] =	ssyncset.done $0x0  }
0x8b: {  	[sflag:s28] =	ssyncadd.s32 $0xFFFFC000  }
0x8c: {  	_ =	swait.ge [sflag:s28], $0x4000  }
0x8d: {  	[sflag:s28] =	ssyncset.done $0x0  }
0x8e: {  	[sflag:s28] =	ssyncadd.s32 $0xFFFFC000  }
0x8f: {  	_ =	swait.ge [sflag:s28], $0x4000  }
0x90: {  	[sflag:s28] =	ssyncset.done $0x0  }
0x91: {  	[sflag:s28] =	ssyncadd.s32 $0xFFFFC000  }
0x92: {  	_ =	swait.ge [sflag:s28], $0x4000  }
0x93: {  	[sflag:s28] =	ssyncset.done $0x0  }
0x94: {  	[sflag:s28] =	ssyncadd.s32 $0xFFFFC000  }
0x95: {  	_ =	swait.ge [sflag:s28], $0x4000  }
0x96: {  	[sflag:s28] =	ssyncset.done $0x0  }
0x97: {  	[sflag:s28] =	ssyncadd.s32 $0xFFFFC000  }
0x98: {  	_ =	swait.ge [sflag:s28], $0x4000  }
0x99: {  	[sflag:s28] =	ssyncset.done $0x0  }
0x9a: {  	[sflag:s28] =	ssyncadd.s32 $0xFFFFC000  }
0x9b: {  	_ =	swait.ge [sflag:s28], $0x1000  }
0x9c: {  	s12 =	simm.s32 $0x8;
	[sflag:s28] =	ssyncset.done $0x0  }
0x9d: {  	s18 =	simm.s32 $0x6C0;
	s20 =	sadd.s32 $0x0, s9;
	[sflag:s28] =	ssyncadd.s32 $0xFFFFF000  }
.LBB2_6:
0x9e: {  	[hbm4b:s20+s2] =	stream.linear.scatter [tilespmem:s16], [sflag:$0x2], $0x40, $0x38;
	[tilespmem:$0x1B580] =	vst v63  }
0x9f: {  	s20 =	smov.u32 s12;
	s16 =	smov.u32 s18;
	p1 =	sne.s32 s12, $0x18F8  }
.Ltmp2:
0xa0: {  	s12 =	sadd.s32 $0x8, s12;
	(pc) =	sbr.rel @p1 .LBB2_6-.Ltmp2, $2  }
0xa1: {  	_ =	sdelay $0x2  }
0xa2: {  	s18 =	sadd.s32 $0x80, s18;
	s20 =	sadd.s32 s20, s9  }
0xa3: {  	[hbm4b:s20+s2] =	stream.linear.scatter [tilespmem:s16], [sflag:$0x2], $0x40, $0x38;
	[tilespmem:$0x1B580] =	vst v63  }
0xa4: {  	_ =	swait.ge [sflag:s13], $0xC800  }
0xa5: {  	[sflag:s13] =	ssyncset.done $0x0  }
0xa6: {  	s16 =	simm.s32 $0x640;
	[sflag:s13] =	ssyncadd.s32 $0xFFFF3800  }
0xa7: {  	[tilespmem:s16], [sflag:$0x1] =	stream.indirect.gather [spmem:s1], $0x80, s29, s14, $0xb8;
	[tilespmem:$0x1B580] =	vst v63  }
0xa8: {  	_ = 	snop  }
0xa9: {  	[tilespmem:s15], [sflag:$0x1] =	stream.indirect.gather [spmem:s1], $0x80, s30, s14, $0xb8;
	[tilespmem:$0x1B580] =	vst v63  }
0xaa: {  	_ = 	snop  }
0xab: {  	[tilespmem:s17], [sflag:$0x1] =	stream.indirect.gather [spmem:s1], $0x80, s31, s14, $0xb8;
	[tilespmem:$0x1B580] =	vst v63  }
0xac: {  	_ = 	snop  }
0xad: {  	[tilespmem:s19], [sflag:$0x1] =	stream.indirect.gather [spmem:s1], $0x80, s0, s14, $0xb8;
	[tilespmem:$0x1B580] =	vst v63  }
0xae: {  	_ = 	snop  }
0xaf: {  	[tilespmem:s21], [sflag:$0x1] =	stream.indirect.gather [spmem:s1], $0x80, s4, s14, $0xb8;
	[tilespmem:$0x1B580] =	vst v63  }
0xb0: {  	_ = 	snop  }
0xb1: {  	[tilespmem:s23], [sflag:$0x1] =	stream.indirect.gather [spmem:s1], $0x80, s5, s14, $0xb8;
	[tilespmem:$0x1B580] =	vst v63  }
0xb2: {  	_ = 	snop  }
0xb3: {  	[tilespmem:s26], [sflag:$0x1] =	stream.indirect.gather [spmem:s1], $0x80, s8, s24, $0xb8;
	[tilespmem:$0x1B580] =	vst v63  }
0xb4: {  	_ =	swait.ge [sflag:s28], $0x4000  }
0xb5: {  	[sflag:s28] =	ssyncset.done $0x0  }
0xb6: {  	[sflag:s28] =	ssyncadd.s32 $0xFFFFC000  }
0xb7: {  	_ =	swait.ge [sflag:s28], $0x4000  }
0xb8: {  	[sflag:s28] =	ssyncset.done $0x0  }
0xb9: {  	[sflag:s28] =	ssyncadd.s32 $0xFFFFC000  }
0xba: {  	_ =	swait.ge [sflag:s28], $0x4000  }
0xbb: {  	[sflag:s28] =	ssyncset.done $0x0  }
0xbc: {  	[sflag:s28] =	ssyncadd.s32 $0xFFFFC000  }
0xbd: {  	_ =	swait.ge [sflag:s28], $0x4000  }
0xbe: {  	[sflag:s28] =	ssyncset.done $0x0  }
0xbf: {  	[sflag:s28] =	ssyncadd.s32 $0xFFFFC000  }
0xc0: {  	_ =	swait.ge [sflag:s28], $0x4000  }
0xc1: {  	[sflag:s28] =	ssyncset.done $0x0  }
0xc2: {  	[sflag:s28] =	ssyncadd.s32 $0xFFFFC000  }
0xc3: {  	_ =	swait.ge [sflag:s28], $0x4000  }
0xc4: {  	[sflag:s28] =	ssyncset.done $0x0  }
0xc5: {  	[sflag:s28] =	ssyncadd.s32 $0xFFFFC000  }
0xc6: {  	_ =	swait.ge [sflag:s28], $0x1000  }
0xc7: {  	s12 =	simm.s32 $0x8;
	[sflag:s28] =	ssyncset.done $0x0  }
0xc8: {  	s20 =	sadd.s32 $0x0, s10;
	s18 =	simm.s32 $0x6C0;
	[sflag:s28] =	ssyncadd.s32 $0xFFFFF000  }
.LBB2_8:
0xc9: {  	[hbm4b:s20+s2] =	stream.linear.scatter [tilespmem:s16], [sflag:$0x2], $0x40, $0x38;
	[tilespmem:$0x1B580] =	vst v63  }
0xca: {  	s20 =	smov.u32 s12;
	s16 =	smov.u32 s18;
	p1 =	sne.s32 s12, $0x18F8  }
.Ltmp3:
0xcb: {  	s12 =	sadd.s32 $0x8, s12;
	(pc) =	sbr.rel @p1 .LBB2_8-.Ltmp3, $2  }
0xcc: {  	_ =	sdelay $0x2  }
0xcd: {  	s18 =	sadd.s32 $0x80, s18;
	s20 =	sadd.s32 s20, s10  }
0xce: {  	[hbm4b:s20+s2] =	stream.linear.scatter [tilespmem:s16], [sflag:$0x2], $0x40, $0x38;
	[tilespmem:$0x1B580] =	vst v63  }
0xcf: {  	_ =	swait.ge [sflag:s13], $0xC800  }
0xd0: {  	s11 =	sadd.s32 $0x1, s11;
	s12 =	rddreg [dreg:$0x6]  }
0xd1: {  	p1 =	sne.s32 s11, s12  }
.Ltmp4:
0xd2: {  	_ = 	snop;
	(pc) =	sbr.rel @p1 .LBB2_1-.Ltmp4, $3  }
0xd3: {  	_ =	sdelay $0x1  }
0xd4: {  	[sflag:s13] =	ssyncset.done $0x0  }
0xd5: {  	[sflag:s13] =	ssyncadd.s32 $0xFFFF3800  }
0xd6: {  	_ =	sfence.sel $0x180000  }
0xd7: {  	[bflag:$0x0] =	sbarrier.arrive $0xFFFF  }
0xd8: {  	_ =	strace $0x90000047  }
0xd9: {  	[bflag:$0x2] =	sbarrier.arrive $0xFFFF  }
0xda: {  	s0 =	rddreg [dreg:$0x2]  }
0xdb: {  	s0 =	sadd.s32 @!p0 $0x100000, s0  }
0xdc: {  	[sflag:s0] =	ssyncadd.tile.s32 @!p0 $0x1;
	_ =	shalt  }
.Lfunc_end2:
_tile_overlayer_lowered:
.L_overlay_start_2:
0xdd: {  	(tag) =	ssettag $0x2  }
0xde: {  	s0 =	rddreg [dreg:$0x0];
	s2 =	stileid.u32  }
0xdf: {  	s1 =	rddreg [dreg:$0x1];
	p0 =	sne.s32 s2, $0x0  }
0xe0: {  	s3 =	rddreg [dreg:$0x2];
	[bflag:$0x3] =	sbarrier.arrive $0xFFFF;
	s2 =	simm.s32 @!p0 $0x1C02  }
0xe1: {  	[timem:s3], [sflag:s2] =	dma.local @!p0 [hbm:s0], s1  }
0xe2: {  	s0 =	simm.s32 @!p0 $0x2  }
0xe3: {  	_ =	swait.ge @!p0 [sflag:s0], s1  }
0xe4: {  	s1 =	ssub.s32 @!p0 $0x0, s1;
	[sflag:s0] =	ssyncset.done @!p0 $0x0  }
0xe5: {  	[sflag:s0] =	ssyncadd.s32 @!p0 s1  }
0xe6: {  	[bflag:$0x3] =	sbarrier.arrive $0xFFFF  }
0xe7: {  	_ =	shalt  }

</sc_bundles>
